<compile_context>
chip_gen: v7x
topology: tpu7x:2x2x1
jax: 0.10.2.dev20260603
libtpu: 0.0.44.dev20260713+nightly
codegen_flags: <defaults>
</compile_context>

<pallas_src>
import functools

import jax
import jax.numpy as jnp
from jax import lax
from jax.experimental import pallas as pl
from jax.experimental.pallas import tpu as pltpu
from jax.experimental.pallas import tpu_sc as plsc

D = 128
CHUNK = 64
NW = 32
NBUF = 10
K_AHEAD = 8
RB = 128


def _gather_kernel(table_hbm, idx_hbm, out_hbm, idx_v, rows_v, gsem, wsem, *,
                   b_per_w, n_chunks):
    wid = lax.axis_index("s") * 2 + lax.axis_index("c")
    base = wid * b_per_w
    pltpu.sync_copy(idx_hbm.at[pl.ds(base, b_per_w)], idx_v)

    def gather_copy(g, b):
        return pltpu.make_async_copy(
            table_hbm.at[idx_v.at[pl.ds(g * CHUNK, CHUNK)]],
            rows_v.at[b], gsem.at[b])

    def write_copy(g, b):
        return pltpu.make_async_copy(
            rows_v.at[b], out_hbm.at[pl.ds(base + g * CHUNK, CHUNK)],
            wsem.at[b])

    n_outer = n_chunks // NBUF

    for g in range(K_AHEAD):
        gather_copy(g, g % NBUF).start()

    def step(go, bi, issue_gather, wait_write):
        g = go * NBUF + bi
        j = g + K_AHEAD
        bj = (bi + K_AHEAD) % NBUF
        if issue_gather:
            if wait_write:
                write_copy(j - NBUF, bj).wait()
            gather_copy(j, bj).start()
        gather_copy(g, bi).wait()
        write_copy(g, bi).start()

    for bi in range(NBUF):
        step(0, bi, True, bi >= NBUF - K_AHEAD)

    def body(go, carry):
        for bi in range(NBUF):
            step(go, bi, True, True)
        return carry

    lax.fori_loop(1, n_outer - 1, body, 0)

    for bi in range(NBUF):
        g = (n_outer - 1) * NBUF + bi
        if g + K_AHEAD < n_chunks:
            write_copy(g + K_AHEAD - NBUF, (bi + K_AHEAD) % NBUF).wait()
            gather_copy(g + K_AHEAD, (bi + K_AHEAD) % NBUF).start()
        gather_copy(g, bi).wait()
        write_copy(g, bi).start()

    for bi in range(NBUF):
        write_copy((n_outer - 1) * NBUF + bi, bi).wait()


def _relayout_body(in_ref, out_ref):
    for s in range(RB):
        out_ref[s] = in_ref[pl.ds(s * 50, 50), :]


def kernel(params, indices):
    nb, k = indices.shape
    b = nb * k
    idx = indices.reshape(b).astype(jnp.int32)
    b_per_w = b // NW
    n_chunks = b_per_w // CHUNK

    mesh = plsc.VectorSubcoreMesh(core_axis_name="c", subcore_axis_name="s")
    gather = functools.partial(
        pl.kernel,
        mesh=mesh,
        out_type=jax.ShapeDtypeStruct((b, D), jnp.float32),
        scratch_types=[
            pltpu.VMEM((b_per_w,), jnp.int32),
            pltpu.VMEM((NBUF, CHUNK, D), jnp.float32),
            pltpu.SemaphoreType.DMA((NBUF,)),
            pltpu.SemaphoreType.DMA((NBUF,)),
        ],
    )(functools.partial(_gather_kernel, b_per_w=b_per_w, n_chunks=n_chunks))

    flat = gather(params, idx)

    relayout = pl.pallas_call(
        _relayout_body,
        grid=(nb // RB,),
        in_specs=[pl.BlockSpec((RB * k, D), lambda g: (g, 0))],
        out_specs=pl.BlockSpec((RB, k, D), lambda g: (g, 0, 0)),
        out_shape=jax.ShapeDtypeStruct((nb, k, D), jnp.float32),
    )
    return relayout(flat)

# --- scband reference (transcript-rebuilt; emitter-appended) ---
"""Pipeline reference for scband-gather-3178275799588 (READ-ONLY COPY).

The authoritative reference and input builder live on the scoring server;
editing this copy changes nothing except your own understanding.
"""

import jax, jax.numpy as jnp
import numpy as np

def setup_inputs(seed: int = 0) -> dict:
    key = jax.random.key(seed)
    k1, k2 = jax.random.split(key)
    params = jax.random.normal(k1, (100000, 128), dtype=jnp.float32)
    indices = jax.random.randint(k2, (4096, 50), 0, 100000, dtype=jnp.int64)
    return {"params": params, "indices": indices}

def reference(params, indices):
    # tf.gather(params, indices, axis=0)
    return jnp.take(params, indices, axis=0)

if __name__ == "__main__":
    import jax
    _d = setup_inputs()
    print(jax.jit(kernel)(*tuple(_d.values())))

</pallas_src>

<mosaic_0001>
#map = affine_map<(d0, d1) -> (0, 0)>
#map1 = affine_map<(d0, d1) -> (0)>
module attributes {stable_mosaic.version = 14 : i64} {
  func.func @_gather_kernel(%arg0: i32, %arg1: i32, %arg2: memref<100000x128xf32, #tpu.memory_space<hbm>>, %arg3: memref<204800xi32, #tpu.memory_space<hbm>>, %arg4: memref<204800x128xf32, #tpu.memory_space<hbm>>, %arg5: memref<6400xi32, #tpu.memory_space<vmem>>, %arg6: memref<10x64x128xf32, #tpu.memory_space<vmem>>, %arg7: memref<10x!tpu.dma_semaphore, #tpu.memory_space<semaphore_mem>>, %arg8: memref<10x!tpu.dma_semaphore, #tpu.memory_space<semaphore_mem>>) attributes {dimension_semantics = [#tpu.dimension_semantics<core_parallel>, #tpu.dimension_semantics<subcore_parallel>], iteration_bounds = array<i64: 2, 16>, scalar_prefetch = 0 : i64, scratch_operands = 4 : i64, tpu.core_type = #tpu.core_type<sc_vector_subcore>, window_params = [{transform_indices = #map}, {transform_indices = #map1}, {transform_indices = #map}]} {
    %mul3A = arith.constant 2 : i32
    %mul3A_0 = arith.muli %arg1, %mul3A : i32
    %add3A = arith.addi %mul3A_0, %arg0 : i32
    %mul3A_1 = arith.constant 6400 : i32
    %mul3A_2 = arith.muli %add3A, %mul3A_1 : i32
    "tpu.region"() ({
      %run_scoped3A = tpu.sem_alloc : memref<!tpu.dma_semaphore, #tpu.memory_space<semaphore_mem>>
      %dma_start3A_1246 = tpu.memref_slice %arg3[%mul3A_2] : memref<204800xi32, #tpu.memory_space<hbm>> -> memref<6400xi32, #tpu.memory_space<hbm>>
      %dma_start3A_1247 = tpu.memref_slice %arg3[%mul3A_2] : memref<204800xi32, #tpu.memory_space<hbm>> -> memref<6400xi32, #tpu.memory_space<hbm>>
      tpu.enqueue_dma source(%dma_start3A_1247 : memref<6400xi32, #tpu.memory_space<hbm>>) target(%arg5 : memref<6400xi32, #tpu.memory_space<vmem>>) target_semaphore(%run_scoped3A : memref<!tpu.dma_semaphore, #tpu.memory_space<semaphore_mem>>)
      %dma_wait3A_1248 = tpu.memref_slice %arg3[%mul3A_2] : memref<204800xi32, #tpu.memory_space<hbm>> -> memref<6400xi32, #tpu.memory_space<hbm>>
      %dma_wait3A_1249 = tpu.memref_slice %arg3[%mul3A_2] : memref<204800xi32, #tpu.memory_space<hbm>> -> memref<6400xi32, #tpu.memory_space<hbm>>
      tpu.wait_dma2 semaphore(%run_scoped3A : memref<!tpu.dma_semaphore, #tpu.memory_space<semaphore_mem>>) src(%dma_wait3A_1249 : memref<6400xi32, #tpu.memory_space<hbm>>) dst(%arg5 : memref<6400xi32, #tpu.memory_space<vmem>>)
      tpu.yield
    }) : () -> ()
    %dma_start3A = arith.constant 0 : i32
    %dma_start3A_3 = arith.constant 0 : i32
    %dma_start3A_4 = arith.constant 0 : i32
    %dma_start3A_5 = arith.constant 0 : i32
    %dma_start3A_6 = tpu.memref_slice %arg6[%dma_start3A, %dma_start3A_4, %dma_start3A_5] : memref<10x64x128xf32, #tpu.memory_space<vmem>> -> memref<1x64x128xf32, #tpu.memory_space<vmem>>
    %dma_start3A_7 = tpu.memref_squeeze %dma_start3A_6 : memref<1x64x128xf32, #tpu.memory_space<vmem>> -> memref<64x128xf32, #tpu.memory_space<vmem>>
    %dma_start3A_8 = arith.constant 0 : i32
    %dma_start3A_9 = tpu.memref_slice %arg5[%dma_start3A_8] : memref<6400xi32, #tpu.memory_space<vmem>> -> memref<64xi32, #tpu.memory_space<vmem>>
    %dma_start3A_10 = arith.constant 0 : i32
    %dma_start3A_11 = arith.constant 0 : i32
    %dma_start3A_12 = tpu.memref_slice %arg2[%dma_start3A_10, %dma_start3A_11] : memref<100000x128xf32, #tpu.memory_space<hbm>> -> memref<100000x128xf32, #tpu.memory_space<hbm>>
    %dma_start3A_13 = tpu.memref_slice %arg7[%dma_start3A_3] : memref<10x!tpu.dma_semaphore, #tpu.memory_space<semaphore_mem>> -> memref<1x!tpu.dma_semaphore, #tpu.memory_space<semaphore_mem>>
    %dma_start3A_14 = tpu.memref_squeeze %dma_start3A_13 : memref<1x!tpu.dma_semaphore, #tpu.memory_space<semaphore_mem>> -> memref<!tpu.dma_semaphore, #tpu.memory_space<semaphore_mem>>
    tpu.enqueue_indirect_dma source(%dma_start3A_12 : memref<100000x128xf32, #tpu.memory_space<hbm>>) target(%dma_start3A_7 : memref<64x128xf32, #tpu.memory_space<vmem>>) offsets(%dma_start3A_9 : memref<64xi32, #tpu.memory_space<vmem>>) semaphore(%dma_start3A_14 : memref<!tpu.dma_semaphore, #tpu.memory_space<semaphore_mem>>)
    %dma_start3A_15 = arith.constant 1 : i32
    %dma_start3A_16 = arith.constant 1 : i32
    %dma_start3A_17 = arith.constant 0 : i32
    %dma_start3A_18 = arith.constant 0 : i32
    %dma_start3A_19 = tpu.memref_slice %arg6[%dma_start3A_15, %dma_start3A_17, %dma_start3A_18] : memref<10x64x128xf32, #tpu.memory_space<vmem>> -> memref<1x64x128xf32, #tpu.memory_space<vmem>>
    %dma_start3A_20 = tpu.memref_squeeze %dma_start3A_19 : memref<1x64x128xf32, #tpu.memory_space<vmem>> -> memref<64x128xf32, #tpu.memory_space<vmem>>
    %dma_start3A_21 = arith.constant 64 : i32
    %dma_start3A_22 = tpu.memref_slice %arg5[%dma_start3A_21] : memref<6400xi32, #tpu.memory_space<vmem>> -> memref<64xi32, #tpu.memory_space<vmem>>
    %dma_start3A_23 = arith.constant 0 : i32
    %dma_start3A_24 = arith.constant 0 : i32
    %dma_start3A_25 = tpu.memref_slice %arg2[%dma_start3A_23, %dma_start3A_24] : memref<100000x128xf32, #tpu.memory_space<hbm>> -> memref<100000x128xf32, #tpu.memory_space<hbm>>
    %dma_start3A_26 = tpu.memref_slice %arg7[%dma_start3A_16] : memref<10x!tpu.dma_semaphore, #tpu.memory_space<semaphore_mem>> -> memref<1x!tpu.dma_semaphore, #tpu.memory_space<semaphore_mem>>
    %dma_start3A_27 = tpu.memref_squeeze %dma_start3A_26 : memref<1x!tpu.dma_semaphore, #tpu.memory_space<semaphore_mem>> -> memref<!tpu.dma_semaphore, #tpu.memory_space<semaphore_mem>>
    tpu.enqueue_indirect_dma source(%dma_start3A_25 : memref<100000x128xf32, #tpu.memory_space<hbm>>) target(%dma_start3A_20 : memref<64x128xf32, #tpu.memory_space<vmem>>) offsets(%dma_start3A_22 : memref<64xi32, #tpu.memory_space<vmem>>) semaphore(%dma_start3A_27 : memref<!tpu.dma_semaphore, #tpu.memory_space<semaphore_mem>>)
    %dma_start3A_28 = arith.constant 2 : i32
    %dma_start3A_29 = arith.constant 2 : i32
    %dma_start3A_30 = arith.constant 0 : i32
    %dma_start3A_31 = arith.constant 0 : i32
    %dma_start3A_32 = tpu.memref_slice %arg6[%dma_start3A_28, %dma_start3A_30, %dma_start3A_31] : memref<10x64x128xf32, #tpu.memory_space<vmem>> -> memref<1x64x128xf32, #tpu.memory_space<vmem>>
    %dma_start3A_33 = tpu.memref_squeeze %dma_start3A_32 : memref<1x64x128xf32, #tpu.memory_space<vmem>> -> memref<64x128xf32, #tpu.memory_space<vmem>>
    %dma_start3A_34 = arith.constant 128 : i32
    %dma_start3A_35 = tpu.memref_slice %arg5[%dma_start3A_34] : memref<6400xi32, #tpu.memory_space<vmem>> -> memref<64xi32, #tpu.memory_space<vmem>>
    %dma_start3A_36 = arith.constant 0 : i32
    %dma_start3A_37 = arith.constant 0 : i32
    %dma_start3A_38 = tpu.memref_slice %arg2[%dma_start3A_36, %dma_start3A_37] : memref<100000x128xf32, #tpu.memory_space<hbm>> -> memref<100000x128xf32, #tpu.memory_space<hbm>>
    %dma_start3A_39 = tpu.memref_slice %arg7[%dma_start3A_29] : memref<10x!tpu.dma_semaphore, #tpu.memory_space<semaphore_mem>> -> memref<1x!tpu.dma_semaphore, #tpu.memory_space<semaphore_mem>>
    %dma_start3A_40 = tpu.memref_squeeze %dma_start3A_39 : memref<1x!tpu.dma_semaphore, #tpu.memory_space<semaphore_mem>> -> memref<!tpu.dma_semaphore, #tpu.memory_space<semaphore_mem>>
    tpu.enqueue_indirect_dma source(%dma_start3A_38 : memref<100000x128xf32, #tpu.memory_space<hbm>>) target(%dma_start3A_33 : memref<64x128xf32, #tpu.memory_space<vmem>>) offsets(%dma_start3A_35 : memref<64xi32, #tpu.memory_space<vmem>>) semaphore(%dma_start3A_40 : memref<!tpu.dma_semaphore, #tpu.memory_space<semaphore_mem>>)
    %dma_start3A_41 = arith.constant 3 : i32
    %dma_start3A_42 = arith.constant 3 : i32
    %dma_start3A_43 = arith.constant 0 : i32
    %dma_start3A_44 = arith.constant 0 : i32
    %dma_start3A_45 = tpu.memref_slice %arg6[%dma_start3A_41, %dma_start3A_43, %dma_start3A_44] : memref<10x64x128xf32, #tpu.memory_space<vmem>> -> memref<1x64x128xf32, #tpu.memory_space<vmem>>
    %dma_start3A_46 = tpu.memref_squeeze %dma_start3A_45 : memref<1x64x128xf32, #tpu.memory_space<vmem>> -> memref<64x128xf32, #tpu.memory_space<vmem>>
    %dma_start3A_47 = arith.constant 192 : i32
    %dma_start3A_48 = tpu.memref_slice %arg5[%dma_start3A_47] : memref<6400xi32, #tpu.memory_space<vmem>> -> memref<64xi32, #tpu.memory_space<vmem>>
    %dma_start3A_49 = arith.constant 0 : i32
    %dma_start3A_50 = arith.constant 0 : i32
    %dma_start3A_51 = tpu.memref_slice %arg2[%dma_start3A_49, %dma_start3A_50] : memref<100000x128xf32, #tpu.memory_space<hbm>> -> memref<100000x128xf32, #tpu.memory_space<hbm>>
    %dma_start3A_52 = tpu.memref_slice %arg7[%dma_start3A_42] : memref<10x!tpu.dma_semaphore, #tpu.memory_space<semaphore_mem>> -> memref<1x!tpu.dma_semaphore, #tpu.memory_space<semaphore_mem>>
    %dma_start3A_53 = tpu.memref_squeeze %dma_start3A_52 : memref<1x!tpu.dma_semaphore, #tpu.memory_space<semaphore_mem>> -> memref<!tpu.dma_semaphore, #tpu.memory_space<semaphore_mem>>
    tpu.enqueue_indirect_dma source(%dma_start3A_51 : memref<100000x128xf32, #tpu.memory_space<hbm>>) target(%dma_start3A_46 : memref<64x128xf32, #tpu.memory_space<vmem>>) offsets(%dma_start3A_48 : memref<64xi32, #tpu.memory_space<vmem>>) semaphore(%dma_start3A_53 : memref<!tpu.dma_semaphore, #tpu.memory_space<semaphore_mem>>)
    %dma_start3A_54 = arith.constant 4 : i32
    %dma_start3A_55 = arith.constant 4 : i32
    %dma_start3A_56 = arith.constant 0 : i32
    %dma_start3A_57 = arith.constant 0 : i32
    %dma_start3A_58 = tpu.memref_slice %arg6[%dma_start3A_54, %dma_start3A_56, %dma_start3A_57] : memref<10x64x128xf32, #tpu.memory_space<vmem>> -> memref<1x64x128xf32, #tpu.memory_space<vmem>>
    %dma_start3A_59 = tpu.memref_squeeze %dma_start3A_58 : memref<1x64x128xf32, #tpu.memory_space<vmem>> -> memref<64x128xf32, #tpu.memory_space<vmem>>
    %dma_start3A_60 = arith.constant 256 : i32
    %dma_start3A_61 = tpu.memref_slice %arg5[%dma_start3A_60] : memref<6400xi32, #tpu.memory_space<vmem>> -> memref<64xi32, #tpu.memory_space<vmem>>
    %dma_start3A_62 = arith.constant 0 : i32
    %dma_start3A_63 = arith.constant 0 : i32
    %dma_start3A_64 = tpu.memref_slice %arg2[%dma_start3A_62, %dma_start3A_63] : memref<100000x128xf32, #tpu.memory_space<hbm>> -> memref<100000x128xf32, #tpu.memory_space<hbm>>
    %dma_start3A_65 = tpu.memref_slice %arg7[%dma_start3A_55] : memref<10x!tpu.dma_semaphore, #tpu.memory_space<semaphore_mem>> -> memref<1x!tpu.dma_semaphore, #tpu.memory_space<semaphore_mem>>
    %dma_start3A_66 = tpu.memref_squeeze %dma_start3A_65 : memref<1x!tpu.dma_semaphore, #tpu.memory_space<semaphore_mem>> -> memref<!tpu.dma_semaphore, #tpu.memory_space<semaphore_mem>>
    tpu.enqueue_indirect_dma source(%dma_start3A_64 : memref<100000x128xf32, #tpu.memory_space<hbm>>) target(%dma_start3A_59 : memref<64x128xf32, #tpu.memory_space<vmem>>) offsets(%dma_start3A_61 : memref<64xi32, #tpu.memory_space<vmem>>) semaphore(%dma_start3A_66 : memref<!tpu.dma_semaphore, #tpu.memory_space<semaphore_mem>>)
    %dma_start3A_67 = arith.constant 5 : i32
    %dma_start3A_68 = arith.constant 5 : i32
    %dma_start3A_69 = arith.constant 0 : i32
    %dma_start3A_70 = arith.constant 0 : i32
    %dma_start3A_71 = tpu.memref_slice %arg6[%dma_start3A_67, %dma_start3A_69, %dma_start3A_70] : memref<10x64x128xf32, #tpu.memory_space<vmem>> -> memref<1x64x128xf32, #tpu.memory_space<vmem>>
    %dma_start3A_72 = tpu.memref_squeeze %dma_start3A_71 : memref<1x64x128xf32, #tpu.memory_space<vmem>> -> memref<64x128xf32, #tpu.memory_space<vmem>>
    %dma_start3A_73 = arith.constant 320 : i32
    %dma_start3A_74 = tpu.memref_slice %arg5[%dma_start3A_73] : memref<6400xi32, #tpu.memory_space<vmem>> -> memref<64xi32, #tpu.memory_space<vmem>>
    %dma_start3A_75 = arith.constant 0 : i32
    %dma_start3A_76 = arith.constant 0 : i32
    %dma_start3A_77 = tpu.memref_slice %arg2[%dma_start3A_75, %dma_start3A_76] : memref<100000x128xf32, #tpu.memory_space<hbm>> -> memref<100000x128xf32, #tpu.memory_space<hbm>>
    %dma_start3A_78 = tpu.memref_slice %arg7[%dma_start3A_68] : memref<10x!tpu.dma_semaphore, #tpu.memory_space<semaphore_mem>> -> memref<1x!tpu.dma_semaphore, #tpu.memory_space<semaphore_mem>>
    %dma_start3A_79 = tpu.memref_squeeze %dma_start3A_78 : memref<1x!tpu.dma_semaphore, #tpu.memory_space<semaphore_mem>> -> memref<!tpu.dma_semaphore, #tpu.memory_space<semaphore_mem>>
    tpu.enqueue_indirect_dma source(%dma_start3A_77 : memref<100000x128xf32, #tpu.memory_space<hbm>>) target(%dma_start3A_72 : memref<64x128xf32, #tpu.memory_space<vmem>>) offsets(%dma_start3A_74 : memref<64xi32, #tpu.memory_space<vmem>>) semaphore(%dma_start3A_79 : memref<!tpu.dma_semaphore, #tpu.memory_space<semaphore_mem>>)
    %dma_start3A_80 = arith.constant 6 : i32
    %dma_start3A_81 = arith.constant 6 : i32
    %dma_start3A_82 = arith.constant 0 : i32
    %dma_start3A_83 = arith.constant 0 : i32
    %dma_start3A_84 = tpu.memref_slice %arg6[%dma_start3A_80, %dma_start3A_82, %dma_start3A_83] : memref<10x64x128xf32, #tpu.memory_space<vmem>> -> memref<1x64x128xf32, #tpu.memory_space<vmem>>
    %dma_start3A_85 = tpu.memref_squeeze %dma_start3A_84 : memref<1x64x128xf32, #tpu.memory_space<vmem>> -> memref<64x128xf32, #tpu.memory_space<vmem>>
    %dma_start3A_86 = arith.constant 384 : i32
    %dma_start3A_87 = tpu.memref_slice %arg5[%dma_start3A_86] : memref<6400xi32, #tpu.memory_space<vmem>> -> memref<64xi32, #tpu.memory_space<vmem>>
    %dma_start3A_88 = arith.constant 0 : i32
    %dma_start3A_89 = arith.constant 0 : i32
    %dma_start3A_90 = tpu.memref_slice %arg2[%dma_start3A_88, %dma_start3A_89] : memref<100000x128xf32, #tpu.memory_space<hbm>> -> memref<100000x128xf32, #tpu.memory_space<hbm>>
    %dma_start3A_91 = tpu.memref_slice %arg7[%dma_start3A_81] : memref<10x!tpu.dma_semaphore, #tpu.memory_space<semaphore_mem>> -> memref<1x!tpu.dma_semaphore, #tpu.memory_space<semaphore_mem>>
    %dma_start3A_92 = tpu.memref_squeeze %dma_start3A_91 : memref<1x!tpu.dma_semaphore, #tpu.memory_space<semaphore_mem>> -> memref<!tpu.dma_semaphore, #tpu.memory_space<semaphore_mem>>
    tpu.enqueue_indirect_dma source(%dma_start3A_90 : memref<100000x128xf32, #tpu.memory_space<hbm>>) target(%dma_start3A_85 : memref<64x128xf32, #tpu.memory_space<vmem>>) offsets(%dma_start3A_87 : memref<64xi32, #tpu.memory_space<vmem>>) semaphore(%dma_start3A_92 : memref<!tpu.dma_semaphore, #tpu.memory_space<semaphore_mem>>)
    %dma_start3A_93 = arith.constant 7 : i32
    %dma_start3A_94 = arith.constant 7 : i32
    %dma_start3A_95 = arith.constant 0 : i32
    %dma_start3A_96 = arith.constant 0 : i32
    %dma_start3A_97 = tpu.memref_slice %arg6[%dma_start3A_93, %dma_start3A_95, %dma_start3A_96] : memref<10x64x128xf32, #tpu.memory_space<vmem>> -> memref<1x64x128xf32, #tpu.memory_space<vmem>>
    %dma_start3A_98 = tpu.memref_squeeze %dma_start3A_97 : memref<1x64x128xf32, #tpu.memory_space<vmem>> -> memref<64x128xf32, #tpu.memory_space<vmem>>
    %dma_start3A_99 = arith.constant 448 : i32
    %dma_start3A_100 = tpu.memref_slice %arg5[%dma_start3A_99] : memref<6400xi32, #tpu.memory_space<vmem>> -> memref<64xi32, #tpu.memory_space<vmem>>
    %dma_start3A_101 = arith.constant 0 : i32
    %dma_start3A_102 = arith.constant 0 : i32
    %dma_start3A_103 = tpu.memref_slice %arg2[%dma_start3A_101, %dma_start3A_102] : memref<100000x128xf32, #tpu.memory_space<hbm>> -> memref<100000x128xf32, #tpu.memory_space<hbm>>
    %dma_start3A_104 = tpu.memref_slice %arg7[%dma_start3A_94] : memref<10x!tpu.dma_semaphore, #tpu.memory_space<semaphore_mem>> -> memref<1x!tpu.dma_semaphore, #tpu.memory_space<semaphore_mem>>
    %dma_start3A_105 = tpu.memref_squeeze %dma_start3A_104 : memref<1x!tpu.dma_semaphore, #tpu.memory_space<semaphore_mem>> -> memref<!tpu.dma_semaphore, #tpu.memory_space<semaphore_mem>>
    tpu.enqueue_indirect_dma source(%dma_start3A_103 : memref<100000x128xf32, #tpu.memory_space<hbm>>) target(%dma_start3A_98 : memref<64x128xf32, #tpu.memory_space<vmem>>) offsets(%dma_start3A_100 : memref<64xi32, #tpu.memory_space<vmem>>) semaphore(%dma_start3A_105 : memref<!tpu.dma_semaphore, #tpu.memory_space<semaphore_mem>>)
    %dma_start3A_106 = arith.constant 8 : i32
    %dma_start3A_107 = arith.constant 8 : i32
    %dma_start3A_108 = arith.constant 0 : i32
    %dma_start3A_109 = arith.constant 0 : i32
    %dma_start3A_110 = tpu.memref_slice %arg6[%dma_start3A_106, %dma_start3A_108, %dma_start3A_109] : memref<10x64x128xf32, #tpu.memory_space<vmem>> -> memref<1x64x128xf32, #tpu.memory_space<vmem>>
    %dma_start3A_111 = tpu.memref_squeeze %dma_start3A_110 : memref<1x64x128xf32, #tpu.memory_space<vmem>> -> memref<64x128xf32, #tpu.memory_space<vmem>>
    %dma_start3A_112 = arith.constant 512 : i32
    %dma_start3A_113 = tpu.memref_slice %arg5[%dma_start3A_112] : memref<6400xi32, #tpu.memory_space<vmem>> -> memref<64xi32, #tpu.memory_space<vmem>>
    %dma_start3A_114 = arith.constant 0 : i32
    %dma_start3A_115 = arith.constant 0 : i32
    %dma_start3A_116 = tpu.memref_slice %arg2[%dma_start3A_114, %dma_start3A_115] : memref<100000x128xf32, #tpu.memory_space<hbm>> -> memref<100000x128xf32, #tpu.memory_space<hbm>>
    %dma_start3A_117 = tpu.memref_slice %arg7[%dma_start3A_107] : memref<10x!tpu.dma_semaphore, #tpu.memory_space<semaphore_mem>> -> memref<1x!tpu.dma_semaphore, #tpu.memory_space<semaphore_mem>>
    %dma_start3A_118 = tpu.memref_squeeze %dma_start3A_117 : memref<1x!tpu.dma_semaphore, #tpu.memory_space<semaphore_mem>> -> memref<!tpu.dma_semaphore, #tpu.memory_space<semaphore_mem>>
    tpu.enqueue_indirect_dma source(%dma_start3A_116 : memref<100000x128xf32, #tpu.memory_space<hbm>>) target(%dma_start3A_111 : memref<64x128xf32, #tpu.memory_space<vmem>>) offsets(%dma_start3A_113 : memref<64xi32, #tpu.memory_space<vmem>>) semaphore(%dma_start3A_118 : memref<!tpu.dma_semaphore, #tpu.memory_space<semaphore_mem>>)
    %dma_wait3A = arith.constant 0 : i32
    %dma_wait3A_119 = arith.constant 0 : i32
    %dma_wait3A_120 = arith.constant 0 : i32
    %dma_wait3A_121 = arith.constant 0 : i32
    %dma_wait3A_122 = tpu.memref_slice %arg6[%dma_wait3A, %dma_wait3A_120, %dma_wait3A_121] : memref<10x64x128xf32, #tpu.memory_space<vmem>> -> memref<1x64x128xf32, #tpu.memory_space<vmem>>
    %dma_wait3A_123 = tpu.memref_squeeze %dma_wait3A_122 : memref<1x64x128xf32, #tpu.memory_space<vmem>> -> memref<64x128xf32, #tpu.memory_space<vmem>>
    %dma_wait3A_124 = arith.constant 0 : i32
    %dma_wait3A_125 = tpu.memref_slice %arg5[%dma_wait3A_124] : memref<6400xi32, #tpu.memory_space<vmem>> -> memref<64xi32, #tpu.memory_space<vmem>>
    %dma_wait3A_126 = arith.constant 0 : i32
    %dma_wait3A_127 = arith.constant 0 : i32
    %dma_wait3A_128 = tpu.memref_slice %arg2[%dma_wait3A_126, %dma_wait3A_127] : memref<100000x128xf32, #tpu.memory_space<hbm>> -> memref<100000x128xf32, #tpu.memory_space<hbm>>
    %dma_wait3A_129 = tpu.memref_slice %arg7[%dma_wait3A_119] : memref<10x!tpu.dma_semaphore, #tpu.memory_space<semaphore_mem>> -> memref<1x!tpu.dma_semaphore, #tpu.memory_space<semaphore_mem>>
    %dma_wait3A_130 = tpu.memref_squeeze %dma_wait3A_129 : memref<1x!tpu.dma_semaphore, #tpu.memory_space<semaphore_mem>> -> memref<!tpu.dma_semaphore, #tpu.memory_space<semaphore_mem>>
    tpu.wait_indirect_dma semaphore(%dma_wait3A_130 : memref<!tpu.dma_semaphore, #tpu.memory_space<semaphore_mem>>) src(%dma_wait3A_128 : memref<100000x128xf32, #tpu.memory_space<hbm>>) dst(%dma_wait3A_123 : memref<64x128xf32, #tpu.memory_space<vmem>>)
    %add3A_131 = arith.constant 0 : i32
    %add3A_132 = arith.addi %mul3A_2, %add3A_131 : i32
    %dma_start3A_133 = arith.constant 0 : i32
    %dma_start3A_134 = arith.constant 0 : i32
    %dma_start3A_135 = arith.constant 0 : i32
    %dma_start3A_136 = arith.constant 0 : i32
    %dma_start3A_137 = tpu.memref_slice %arg6[%dma_start3A_133, %dma_start3A_135, %dma_start3A_136] : memref<10x64x128xf32, #tpu.memory_space<vmem>> -> memref<1x64x128xf32, #tpu.memory_space<vmem>>
    %dma_start3A_138 = tpu.memref_squeeze %dma_start3A_137 : memref<1x64x128xf32, #tpu.memory_space<vmem>> -> memref<64x128xf32, #tpu.memory_space<vmem>>
    %dma_start3A_139 = arith.constant 0 : i32
    %dma_start3A_140 = tpu.memref_slice %arg4[%add3A_132, %dma_start3A_139] : memref<204800x128xf32, #tpu.memory_space<hbm>> -> memref<64x128xf32, #tpu.memory_space<hbm>>
    %dma_start3A_141 = tpu.memref_slice %arg8[%dma_start3A_134] : memref<10x!tpu.dma_semaphore, #tpu.memory_space<semaphore_mem>> -> memref<1x!tpu.dma_semaphore, #tpu.memory_space<semaphore_mem>>
    %dma_start3A_142 = tpu.memref_squeeze %dma_start3A_141 : memref<1x!tpu.dma_semaphore, #tpu.memory_space<semaphore_mem>> -> memref<!tpu.dma_semaphore, #tpu.memory_space<semaphore_mem>>
    %dma_start3A_143 = arith.constant 0 : i32
    %dma_start3A_144 = tpu.memref_slice %arg4[%add3A_132, %dma_start3A_143] : memref<204800x128xf32, #tpu.memory_space<hbm>> -> memref<64x128xf32, #tpu.memory_space<hbm>>
    %dma_start3A_145 = arith.constant 0 : i32
    %dma_start3A_146 = arith.constant 0 : i32
    %dma_start3A_147 = tpu.memref_slice %arg6[%dma_start3A_133, %dma_start3A_145, %dma_start3A_146] : memref<10x64x128xf32, #tpu.memory_space<vmem>> -> memref<1x64x128xf32, #tpu.memory_space<vmem>>
    %dma_start3A_148 = tpu.memref_squeeze %dma_start3A_147 : memref<1x64x128xf32, #tpu.memory_space<vmem>> -> memref<64x128xf32, #tpu.memory_space<vmem>>
    tpu.enqueue_dma source(%dma_start3A_148 : memref<64x128xf32, #tpu.memory_space<vmem>>) target(%dma_start3A_144 : memref<64x128xf32, #tpu.memory_space<hbm>>) target_semaphore(%dma_start3A_142 : memref<!tpu.dma_semaphore, #tpu.memory_space<semaphore_mem>>)
    %dma_start3A_149 = arith.constant 9 : i32
    %dma_start3A_150 = arith.constant 9 : i32
    %dma_start3A_151 = arith.constant 0 : i32
    %dma_start3A_152 = arith.constant 0 : i32
    %dma_start3A_153 = tpu.memref_slice %arg6[%dma_start3A_149, %dma_start3A_151, %dma_start3A_152] : memref<10x64x128xf32, #tpu.memory_space<vmem>> -> memref<1x64x128xf32, #tpu.memory_space<vmem>>
    %dma_start3A_154 = tpu.memref_squeeze %dma_start3A_153 : memref<1x64x128xf32, #tpu.memory_space<vmem>> -> memref<64x128xf32, #tpu.memory_space<vmem>>
    %dma_start3A_155 = arith.constant 576 : i32
    %dma_start3A_156 = tpu.memref_slice %arg5[%dma_start3A_155] : memref<6400xi32, #tpu.memory_space<vmem>> -> memref<64xi32, #tpu.memory_space<vmem>>
    %dma_start3A_157 = arith.constant 0 : i32
    %dma_start3A_158 = arith.constant 0 : i32
    %dma_start3A_159 = tpu.memref_slice %arg2[%dma_start3A_157, %dma_start3A_158] : memref<100000x128xf32, #tpu.memory_space<hbm>> -> memref<100000x128xf32, #tpu.memory_space<hbm>>
    %dma_start3A_160 = tpu.memref_slice %arg7[%dma_start3A_150] : memref<10x!tpu.dma_semaphore, #tpu.memory_space<semaphore_mem>> -> memref<1x!tpu.dma_semaphore, #tpu.memory_space<semaphore_mem>>
    %dma_start3A_161 = tpu.memref_squeeze %dma_start3A_160 : memref<1x!tpu.dma_semaphore, #tpu.memory_space<semaphore_mem>> -> memref<!tpu.dma_semaphore, #tpu.memory_space<semaphore_mem>>
    tpu.enqueue_indirect_dma source(%dma_start3A_159 : memref<100000x128xf32, #tpu.memory_space<hbm>>) target(%dma_start3A_154 : memref<64x128xf32, #tpu.memory_space<vmem>>) offsets(%dma_start3A_156 : memref<64xi32, #tpu.memory_space<vmem>>) semaphore(%dma_start3A_161 : memref<!tpu.dma_semaphore, #tpu.memory_space<semaphore_mem>>)
    %dma_wait3A_162 = arith.constant 1 : i32
    %dma_wait3A_163 = arith.constant 1 : i32
    %dma_wait3A_164 = arith.constant 0 : i32
    %dma_wait3A_165 = arith.constant 0 : i32
    %dma_wait3A_166 = tpu.memref_slice %arg6[%dma_wait3A_162, %dma_wait3A_164, %dma_wait3A_165] : memref<10x64x128xf32, #tpu.memory_space<vmem>> -> memref<1x64x128xf32, #tpu.memory_space<vmem>>
    %dma_wait3A_167 = tpu.memref_squeeze %dma_wait3A_166 : memref<1x64x128xf32, #tpu.memory_space<vmem>> -> memref<64x128xf32, #tpu.memory_space<vmem>>
    %dma_wait3A_168 = arith.constant 64 : i32
    %dma_wait3A_169 = tpu.memref_slice %arg5[%dma_wait3A_168] : memref<6400xi32, #tpu.memory_space<vmem>> -> memref<64xi32, #tpu.memory_space<vmem>>
    %dma_wait3A_170 = arith.constant 0 : i32
    %dma_wait3A_171 = arith.constant 0 : i32
    %dma_wait3A_172 = tpu.memref_slice %arg2[%dma_wait3A_170, %dma_wait3A_171] : memref<100000x128xf32, #tpu.memory_space<hbm>> -> memref<100000x128xf32, #tpu.memory_space<hbm>>
    %dma_wait3A_173 = tpu.memref_slice %arg7[%dma_wait3A_163] : memref<10x!tpu.dma_semaphore, #tpu.memory_space<semaphore_mem>> -> memref<1x!tpu.dma_semaphore, #tpu.memory_space<semaphore_mem>>
    %dma_wait3A_174 = tpu.memref_squeeze %dma_wait3A_173 : memref<1x!tpu.dma_semaphore, #tpu.memory_space<semaphore_mem>> -> memref<!tpu.dma_semaphore, #tpu.memory_space<semaphore_mem>>
    tpu.wait_indirect_dma semaphore(%dma_wait3A_174 : memref<!tpu.dma_semaphore, #tpu.memory_space<semaphore_mem>>) src(%dma_wait3A_172 : memref<100000x128xf32, #tpu.memory_space<hbm>>) dst(%dma_wait3A_167 : memref<64x128xf32, #tpu.memory_space<vmem>>)
    %add3A_175 = arith.constant 64 : i32
    %add3A_176 = arith.addi %mul3A_2, %add3A_175 : i32
    %dma_start3A_177 = arith.constant 1 : i32
    %dma_start3A_178 = arith.constant 1 : i32
    %dma_start3A_179 = arith.constant 0 : i32
    %dma_start3A_180 = arith.constant 0 : i32
    %dma_start3A_181 = tpu.memref_slice %arg6[%dma_start3A_177, %dma_start3A_179, %dma_start3A_180] : memref<10x64x128xf32, #tpu.memory_space<vmem>> -> memref<1x64x128xf32, #tpu.memory_space<vmem>>
    %dma_start3A_182 = tpu.memref_squeeze %dma_start3A_181 : memref<1x64x128xf32, #tpu.memory_space<vmem>> -> memref<64x128xf32, #tpu.memory_space<vmem>>
    %dma_start3A_183 = arith.constant 0 : i32
    %dma_start3A_184 = tpu.memref_slice %arg4[%add3A_176, %dma_start3A_183] : memref<204800x128xf32, #tpu.memory_space<hbm>> -> memref<64x128xf32, #tpu.memory_space<hbm>>
    %dma_start3A_185 = tpu.memref_slice %arg8[%dma_start3A_178] : memref<10x!tpu.dma_semaphore, #tpu.memory_space<semaphore_mem>> -> memref<1x!tpu.dma_semaphore, #tpu.memory_space<semaphore_mem>>
    %dma_start3A_186 = tpu.memref_squeeze %dma_start3A_185 : memref<1x!tpu.dma_semaphore, #tpu.memory_space<semaphore_mem>> -> memref<!tpu.dma_semaphore, #tpu.memory_space<semaphore_mem>>
    %dma_start3A_187 = arith.constant 0 : i32
    %dma_start3A_188 = tpu.memref_slice %arg4[%add3A_176, %dma_start3A_187] : memref<204800x128xf32, #tpu.memory_space<hbm>> -> memref<64x128xf32, #tpu.memory_space<hbm>>
    %dma_start3A_189 = arith.constant 0 : i32
    %dma_start3A_190 = arith.constant 0 : i32
    %dma_start3A_191 = tpu.memref_slice %arg6[%dma_start3A_177, %dma_start3A_189, %dma_start3A_190] : memref<10x64x128xf32, #tpu.memory_space<vmem>> -> memref<1x64x128xf32, #tpu.memory_space<vmem>>
    %dma_start3A_192 = tpu.memref_squeeze %dma_start3A_191 : memref<1x64x128xf32, #tpu.memory_space<vmem>> -> memref<64x128xf32, #tpu.memory_space<vmem>>
    tpu.enqueue_dma source(%dma_start3A_192 : memref<64x128xf32, #tpu.memory_space<vmem>>) target(%dma_start3A_188 : memref<64x128xf32, #tpu.memory_space<hbm>>) target_semaphore(%dma_start3A_186 : memref<!tpu.dma_semaphore, #tpu.memory_space<semaphore_mem>>)
    %add3A_193 = arith.constant 0 : i32
    %add3A_194 = arith.addi %mul3A_2, %add3A_193 : i32
    %dma_wait3A_195 = arith.constant 0 : i32
    %dma_wait3A_196 = arith.constant 0 : i32
    %dma_wait3A_197 = arith.constant 0 : i32
    %dma_wait3A_198 = arith.constant 0 : i32
    %dma_wait3A_199 = tpu.memref_slice %arg6[%dma_wait3A_195, %dma_wait3A_197, %dma_wait3A_198] : memref<10x64x128xf32, #tpu.memory_space<vmem>> -> memref<1x64x128xf32, #tpu.memory_space<vmem>>
    %dma_wait3A_200 = tpu.memref_squeeze %dma_wait3A_199 : memref<1x64x128xf32, #tpu.memory_space<vmem>> -> memref<64x128xf32, #tpu.memory_space<vmem>>
    %dma_wait3A_201 = arith.constant 0 : i32
    %dma_wait3A_202 = tpu.memref_slice %arg4[%add3A_194, %dma_wait3A_201] : memref<204800x128xf32, #tpu.memory_space<hbm>> -> memref<64x128xf32, #tpu.memory_space<hbm>>
    %dma_wait3A_203 = tpu.memref_slice %arg8[%dma_wait3A_196] : memref<10x!tpu.dma_semaphore, #tpu.memory_space<semaphore_mem>> -> memref<1x!tpu.dma_semaphore, #tpu.memory_space<semaphore_mem>>
    %dma_wait3A_204 = tpu.memref_squeeze %dma_wait3A_203 : memref<1x!tpu.dma_semaphore, #tpu.memory_space<semaphore_mem>> -> memref<!tpu.dma_semaphore, #tpu.memory_space<semaphore_mem>>
    %dma_wait3A_205 = arith.constant 0 : i32
    %dma_wait3A_206 = tpu.memref_slice %arg4[%add3A_194, %dma_wait3A_205] : memref<204800x128xf32, #tpu.memory_space<hbm>> -> memref<64x128xf32, #tpu.memory_space<hbm>>
    %dma_wait3A_207 = arith.constant 0 : i32
    %dma_wait3A_208 = arith.constant 0 : i32
    %dma_wait3A_209 = tpu.memref_slice %arg6[%dma_wait3A_195, %dma_wait3A_207, %dma_wait3A_208] : memref<10x64x128xf32, #tpu.memory_space<vmem>> -> memref<1x64x128xf32, #tpu.memory_space<vmem>>
    %dma_wait3A_210 = tpu.memref_squeeze %dma_wait3A_209 : memref<1x64x128xf32, #tpu.memory_space<vmem>> -> memref<64x128xf32, #tpu.memory_space<vmem>>
    tpu.wait_dma2 semaphore(%dma_wait3A_204 : memref<!tpu.dma_semaphore, #tpu.memory_space<semaphore_mem>>) src(%dma_wait3A_210 : memref<64x128xf32, #tpu.memory_space<vmem>>) dst(%dma_wait3A_206 : memref<64x128xf32, #tpu.memory_space<hbm>>)
    %dma_start3A_211 = arith.constant 0 : i32
    %dma_start3A_212 = arith.constant 0 : i32
    %dma_start3A_213 = arith.constant 0 : i32
    %dma_start3A_214 = arith.constant 0 : i32
    %dma_start3A_215 = tpu.memref_slice %arg6[%dma_start3A_211, %dma_start3A_213, %dma_start3A_214] : memref<10x64x128xf32, #tpu.memory_space<vmem>> -> memref<1x64x128xf32, #tpu.memory_space<vmem>>
    %dma_start3A_216 = tpu.memref_squeeze %dma_start3A_215 : memref<1x64x128xf32, #tpu.memory_space<vmem>> -> memref<64x128xf32, #tpu.memory_space<vmem>>
    %dma_start3A_217 = arith.constant 640 : i32
    %dma_start3A_218 = tpu.memref_slice %arg5[%dma_start3A_217] : memref<6400xi32, #tpu.memory_space<vmem>> -> memref<64xi32, #tpu.memory_space<vmem>>
    %dma_start3A_219 = arith.constant 0 : i32
    %dma_start3A_220 = arith.constant 0 : i32
    %dma_start3A_221 = tpu.memref_slice %arg2[%dma_start3A_219, %dma_start3A_220] : memref<100000x128xf32, #tpu.memory_space<hbm>> -> memref<100000x128xf32, #tpu.memory_space<hbm>>
    %dma_start3A_222 = tpu.memref_slice %arg7[%dma_start3A_212] : memref<10x!tpu.dma_semaphore, #tpu.memory_space<semaphore_mem>> -> memref<1x!tpu.dma_semaphore, #tpu.memory_space<semaphore_mem>>
    %dma_start3A_223 = tpu.memref_squeeze %dma_start3A_222 : memref<1x!tpu.dma_semaphore, #tpu.memory_space<semaphore_mem>> -> memref<!tpu.dma_semaphore, #tpu.memory_space<semaphore_mem>>
    tpu.enqueue_indirect_dma source(%dma_start3A_221 : memref<100000x128xf32, #tpu.memory_space<hbm>>) target(%dma_start3A_216 : memref<64x128xf32, #tpu.memory_space<vmem>>) offsets(%dma_start3A_218 : memref<64xi32, #tpu.memory_space<vmem>>) semaphore(%dma_start3A_223 : memref<!tpu.dma_semaphore, #tpu.memory_space<semaphore_mem>>)
    %dma_wait3A_224 = arith.constant 2 : i32
    %dma_wait3A_225 = arith.constant 2 : i32
    %dma_wait3A_226 = arith.constant 0 : i32
    %dma_wait3A_227 = arith.constant 0 : i32
    %dma_wait3A_228 = tpu.memref_slice %arg6[%dma_wait3A_224, %dma_wait3A_226, %dma_wait3A_227] : memref<10x64x128xf32, #tpu.memory_space<vmem>> -> memref<1x64x128xf32, #tpu.memory_space<vmem>>
    %dma_wait3A_229 = tpu.memref_squeeze %dma_wait3A_228 : memref<1x64x128xf32, #tpu.memory_space<vmem>> -> memref<64x128xf32, #tpu.memory_space<vmem>>
    %dma_wait3A_230 = arith.constant 128 : i32
    %dma_wait3A_231 = tpu.memref_slice %arg5[%dma_wait3A_230] : memref<6400xi32, #tpu.memory_space<vmem>> -> memref<64xi32, #tpu.memory_space<vmem>>
    %dma_wait3A_232 = arith.constant 0 : i32
    %dma_wait3A_233 = arith.constant 0 : i32
    %dma_wait3A_234 = tpu.memref_slice %arg2[%dma_wait3A_232, %dma_wait3A_233] : memref<100000x128xf32, #tpu.memory_space<hbm>> -> memref<100000x128xf32, #tpu.memory_space<hbm>>
    %dma_wait3A_235 = tpu.memref_slice %arg7[%dma_wait3A_225] : memref<10x!tpu.dma_semaphore, #tpu.memory_space<semaphore_mem>> -> memref<1x!tpu.dma_semaphore, #tpu.memory_space<semaphore_mem>>
    %dma_wait3A_236 = tpu.memref_squeeze %dma_wait3A_235 : memref<1x!tpu.dma_semaphore, #tpu.memory_space<semaphore_mem>> -> memref<!tpu.dma_semaphore, #tpu.memory_space<semaphore_mem>>
    tpu.wait_indirect_dma semaphore(%dma_wait3A_236 : memref<!tpu.dma_semaphore, #tpu.memory_space<semaphore_mem>>) src(%dma_wait3A_234 : memref<100000x128xf32, #tpu.memory_space<hbm>>) dst(%dma_wait3A_229 : memref<64x128xf32, #tpu.memory_space<vmem>>)
    %add3A_237 = arith.constant 128 : i32
    %add3A_238 = arith.addi %mul3A_2, %add3A_237 : i32
    %dma_start3A_239 = arith.constant 2 : i32
    %dma_start3A_240 = arith.constant 2 : i32
    %dma_start3A_241 = arith.constant 0 : i32
    %dma_start3A_242 = arith.constant 0 : i32
    %dma_start3A_243 = tpu.memref_slice %arg6[%dma_start3A_239, %dma_start3A_241, %dma_start3A_242] : memref<10x64x128xf32, #tpu.memory_space<vmem>> -> memref<1x64x128xf32, #tpu.memory_space<vmem>>
    %dma_start3A_244 = tpu.memref_squeeze %dma_start3A_243 : memref<1x64x128xf32, #tpu.memory_space<vmem>> -> memref<64x128xf32, #tpu.memory_space<vmem>>
    %dma_start3A_245 = arith.constant 0 : i32
    %dma_start3A_246 = tpu.memref_slice %arg4[%add3A_238, %dma_start3A_245] : memref<204800x128xf32, #tpu.memory_space<hbm>> -> memref<64x128xf32, #tpu.memory_space<hbm>>
    %dma_start3A_247 = tpu.memref_slice %arg8[%dma_start3A_240] : memref<10x!tpu.dma_semaphore, #tpu.memory_space<semaphore_mem>> -> memref<1x!tpu.dma_semaphore, #tpu.memory_space<semaphore_mem>>
    %dma_start3A_248 = tpu.memref_squeeze %dma_start3A_247 : memref<1x!tpu.dma_semaphore, #tpu.memory_space<semaphore_mem>> -> memref<!tpu.dma_semaphore, #tpu.memory_space<semaphore_mem>>
    %dma_start3A_249 = arith.constant 0 : i32
    %dma_start3A_250 = tpu.memref_slice %arg4[%add3A_238, %dma_start3A_249] : memref<204800x128xf32, #tpu.memory_space<hbm>> -> memref<64x128xf32, #tpu.memory_space<hbm>>
    %dma_start3A_251 = arith.constant 0 : i32
    %dma_start3A_252 = arith.constant 0 : i32
    %dma_start3A_253 = tpu.memref_slice %arg6[%dma_start3A_239, %dma_start3A_251, %dma_start3A_252] : memref<10x64x128xf32, #tpu.memory_space<vmem>> -> memref<1x64x128xf32, #tpu.memory_space<vmem>>
    %dma_start3A_254 = tpu.memref_squeeze %dma_start3A_253 : memref<1x64x128xf32, #tpu.memory_space<vmem>> -> memref<64x128xf32, #tpu.memory_space<vmem>>
    tpu.enqueue_dma source(%dma_start3A_254 : memref<64x128xf32, #tpu.memory_space<vmem>>) target(%dma_start3A_250 : memref<64x128xf32, #tpu.memory_space<hbm>>) target_semaphore(%dma_start3A_248 : memref<!tpu.dma_semaphore, #tpu.memory_space<semaphore_mem>>)
    %add3A_255 = arith.constant 64 : i32
    %add3A_256 = arith.addi %mul3A_2, %add3A_255 : i32
    %dma_wait3A_257 = arith.constant 1 : i32
    %dma_wait3A_258 = arith.constant 1 : i32
    %dma_wait3A_259 = arith.constant 0 : i32
    %dma_wait3A_260 = arith.constant 0 : i32
    %dma_wait3A_261 = tpu.memref_slice %arg6[%dma_wait3A_257, %dma_wait3A_259, %dma_wait3A_260] : memref<10x64x128xf32, #tpu.memory_space<vmem>> -> memref<1x64x128xf32, #tpu.memory_space<vmem>>
    %dma_wait3A_262 = tpu.memref_squeeze %dma_wait3A_261 : memref<1x64x128xf32, #tpu.memory_space<vmem>> -> memref<64x128xf32, #tpu.memory_space<vmem>>
    %dma_wait3A_263 = arith.constant 0 : i32
    %dma_wait3A_264 = tpu.memref_slice %arg4[%add3A_256, %dma_wait3A_263] : memref<204800x128xf32, #tpu.memory_space<hbm>> -> memref<64x128xf32, #tpu.memory_space<hbm>>
    %dma_wait3A_265 = tpu.memref_slice %arg8[%dma_wait3A_258] : memref<10x!tpu.dma_semaphore, #tpu.memory_space<semaphore_mem>> -> memref<1x!tpu.dma_semaphore, #tpu.memory_space<semaphore_mem>>
    %dma_wait3A_266 = tpu.memref_squeeze %dma_wait3A_265 : memref<1x!tpu.dma_semaphore, #tpu.memory_space<semaphore_mem>> -> memref<!tpu.dma_semaphore, #tpu.memory_space<semaphore_mem>>
    %dma_wait3A_267 = arith.constant 0 : i32
    %dma_wait3A_268 = tpu.memref_slice %arg4[%add3A_256, %dma_wait3A_267] : memref<204800x128xf32, #tpu.memory_space<hbm>> -> memref<64x128xf32, #tpu.memory_space<hbm>>
    %dma_wait3A_269 = arith.constant 0 : i32
    %dma_wait3A_270 = arith.constant 0 : i32
    %dma_wait3A_271 = tpu.memref_slice %arg6[%dma_wait3A_257, %dma_wait3A_269, %dma_wait3A_270] : memref<10x64x128xf32, #tpu.memory_space<vmem>> -> memref<1x64x128xf32, #tpu.memory_space<vmem>>
    %dma_wait3A_272 = tpu.memref_squeeze %dma_wait3A_271 : memref<1x64x128xf32, #tpu.memory_space<vmem>> -> memref<64x128xf32, #tpu.memory_space<vmem>>
    tpu.wait_dma2 semaphore(%dma_wait3A_266 : memref<!tpu.dma_semaphore, #tpu.memory_space<semaphore_mem>>) src(%dma_wait3A_272 : memref<64x128xf32, #tpu.memory_space<vmem>>) dst(%dma_wait3A_268 : memref<64x128xf32, #tpu.memory_space<hbm>>)
    %dma_start3A_273 = arith.constant 1 : i32
    %dma_start3A_274 = arith.constant 1 : i32
    %dma_start3A_275 = arith.constant 0 : i32
    %dma_start3A_276 = arith.constant 0 : i32
    %dma_start3A_277 = tpu.memref_slice %arg6[%dma_start3A_273, %dma_start3A_275, %dma_start3A_276] : memref<10x64x128xf32, #tpu.memory_space<vmem>> -> memref<1x64x128xf32, #tpu.memory_space<vmem>>
    %dma_start3A_278 = tpu.memref_squeeze %dma_start3A_277 : memref<1x64x128xf32, #tpu.memory_space<vmem>> -> memref<64x128xf32, #tpu.memory_space<vmem>>
    %dma_start3A_279 = arith.constant 704 : i32
    %dma_start3A_280 = tpu.memref_slice %arg5[%dma_start3A_279] : memref<6400xi32, #tpu.memory_space<vmem>> -> memref<64xi32, #tpu.memory_space<vmem>>
    %dma_start3A_281 = arith.constant 0 : i32
    %dma_start3A_282 = arith.constant 0 : i32
    %dma_start3A_283 = tpu.memref_slice %arg2[%dma_start3A_281, %dma_start3A_282] : memref<100000x128xf32, #tpu.memory_space<hbm>> -> memref<100000x128xf32, #tpu.memory_space<hbm>>
    %dma_start3A_284 = tpu.memref_slice %arg7[%dma_start3A_274] : memref<10x!tpu.dma_semaphore, #tpu.memory_space<semaphore_mem>> -> memref<1x!tpu.dma_semaphore, #tpu.memory_space<semaphore_mem>>
    %dma_start3A_285 = tpu.memref_squeeze %dma_start3A_284 : memref<1x!tpu.dma_semaphore, #tpu.memory_space<semaphore_mem>> -> memref<!tpu.dma_semaphore, #tpu.memory_space<semaphore_mem>>
    tpu.enqueue_indirect_dma source(%dma_start3A_283 : memref<100000x128xf32, #tpu.memory_space<hbm>>) target(%dma_start3A_278 : memref<64x128xf32, #tpu.memory_space<vmem>>) offsets(%dma_start3A_280 : memref<64xi32, #tpu.memory_space<vmem>>) semaphore(%dma_start3A_285 : memref<!tpu.dma_semaphore, #tpu.memory_space<semaphore_mem>>)
    %dma_wait3A_286 = arith.constant 3 : i32
    %dma_wait3A_287 = arith.constant 3 : i32
    %dma_wait3A_288 = arith.constant 0 : i32
    %dma_wait3A_289 = arith.constant 0 : i32
    %dma_wait3A_290 = tpu.memref_slice %arg6[%dma_wait3A_286, %dma_wait3A_288, %dma_wait3A_289] : memref<10x64x128xf32, #tpu.memory_space<vmem>> -> memref<1x64x128xf32, #tpu.memory_space<vmem>>
    %dma_wait3A_291 = tpu.memref_squeeze %dma_wait3A_290 : memref<1x64x128xf32, #tpu.memory_space<vmem>> -> memref<64x128xf32, #tpu.memory_space<vmem>>
    %dma_wait3A_292 = arith.constant 192 : i32
    %dma_wait3A_293 = tpu.memref_slice %arg5[%dma_wait3A_292] : memref<6400xi32, #tpu.memory_space<vmem>> -> memref<64xi32, #tpu.memory_space<vmem>>
    %dma_wait3A_294 = arith.constant 0 : i32
    %dma_wait3A_295 = arith.constant 0 : i32
    %dma_wait3A_296 = tpu.memref_slice %arg2[%dma_wait3A_294, %dma_wait3A_295] : memref<100000x128xf32, #tpu.memory_space<hbm>> -> memref<100000x128xf32, #tpu.memory_space<hbm>>
    %dma_wait3A_297 = tpu.memref_slice %arg7[%dma_wait3A_287] : memref<10x!tpu.dma_semaphore, #tpu.memory_space<semaphore_mem>> -> memref<1x!tpu.dma_semaphore, #tpu.memory_space<semaphore_mem>>
    %dma_wait3A_298 = tpu.memref_squeeze %dma_wait3A_297 : memref<1x!tpu.dma_semaphore, #tpu.memory_space<semaphore_mem>> -> memref<!tpu.dma_semaphore, #tpu.memory_space<semaphore_mem>>
    tpu.wait_indirect_dma semaphore(%dma_wait3A_298 : memref<!tpu.dma_semaphore, #tpu.memory_space<semaphore_mem>>) src(%dma_wait3A_296 : memref<100000x128xf32, #tpu.memory_space<hbm>>) dst(%dma_wait3A_291 : memref<64x128xf32, #tpu.memory_space<vmem>>)
    %add3A_299 = arith.constant 192 : i32
    %add3A_300 = arith.addi %mul3A_2, %add3A_299 : i32
    %dma_start3A_301 = arith.constant 3 : i32
    %dma_start3A_302 = arith.constant 3 : i32
    %dma_start3A_303 = arith.constant 0 : i32
    %dma_start3A_304 = arith.constant 0 : i32
    %dma_start3A_305 = tpu.memref_slice %arg6[%dma_start3A_301, %dma_start3A_303, %dma_start3A_304] : memref<10x64x128xf32, #tpu.memory_space<vmem>> -> memref<1x64x128xf32, #tpu.memory_space<vmem>>
    %dma_start3A_306 = tpu.memref_squeeze %dma_start3A_305 : memref<1x64x128xf32, #tpu.memory_space<vmem>> -> memref<64x128xf32, #tpu.memory_space<vmem>>
    %dma_start3A_307 = arith.constant 0 : i32
    %dma_start3A_308 = tpu.memref_slice %arg4[%add3A_300, %dma_start3A_307] : memref<204800x128xf32, #tpu.memory_space<hbm>> -> memref<64x128xf32, #tpu.memory_space<hbm>>
    %dma_start3A_309 = tpu.memref_slice %arg8[%dma_start3A_302] : memref<10x!tpu.dma_semaphore, #tpu.memory_space<semaphore_mem>> -> memref<1x!tpu.dma_semaphore, #tpu.memory_space<semaphore_mem>>
    %dma_start3A_310 = tpu.memref_squeeze %dma_start3A_309 : memref<1x!tpu.dma_semaphore, #tpu.memory_space<semaphore_mem>> -> memref<!tpu.dma_semaphore, #tpu.memory_space<semaphore_mem>>
    %dma_start3A_311 = arith.constant 0 : i32
    %dma_start3A_312 = tpu.memref_slice %arg4[%add3A_300, %dma_start3A_311] : memref<204800x128xf32, #tpu.memory_space<hbm>> -> memref<64x128xf32, #tpu.memory_space<hbm>>
    %dma_start3A_313 = arith.constant 0 : i32
    %dma_start3A_314 = arith.constant 0 : i32
    %dma_start3A_315 = tpu.memref_slice %arg6[%dma_start3A_301, %dma_start3A_313, %dma_start3A_314] : memref<10x64x128xf32, #tpu.memory_space<vmem>> -> memref<1x64x128xf32, #tpu.memory_space<vmem>>
    %dma_start3A_316 = tpu.memref_squeeze %dma_start3A_315 : memref<1x64x128xf32, #tpu.memory_space<vmem>> -> memref<64x128xf32, #tpu.memory_space<vmem>>
    tpu.enqueue_dma source(%dma_start3A_316 : memref<64x128xf32, #tpu.memory_space<vmem>>) target(%dma_start3A_312 : memref<64x128xf32, #tpu.memory_space<hbm>>) target_semaphore(%dma_start3A_310 : memref<!tpu.dma_semaphore, #tpu.memory_space<semaphore_mem>>)
    %add3A_317 = arith.constant 128 : i32
    %add3A_318 = arith.addi %mul3A_2, %add3A_317 : i32
    %dma_wait3A_319 = arith.constant 2 : i32
    %dma_wait3A_320 = arith.constant 2 : i32
    %dma_wait3A_321 = arith.constant 0 : i32
    %dma_wait3A_322 = arith.constant 0 : i32
    %dma_wait3A_323 = tpu.memref_slice %arg6[%dma_wait3A_319, %dma_wait3A_321, %dma_wait3A_322] : memref<10x64x128xf32, #tpu.memory_space<vmem>> -> memref<1x64x128xf32, #tpu.memory_space<vmem>>
    %dma_wait3A_324 = tpu.memref_squeeze %dma_wait3A_323 : memref<1x64x128xf32, #tpu.memory_space<vmem>> -> memref<64x128xf32, #tpu.memory_space<vmem>>
    %dma_wait3A_325 = arith.constant 0 : i32
    %dma_wait3A_326 = tpu.memref_slice %arg4[%add3A_318, %dma_wait3A_325] : memref<204800x128xf32, #tpu.memory_space<hbm>> -> memref<64x128xf32, #tpu.memory_space<hbm>>
    %dma_wait3A_327 = tpu.memref_slice %arg8[%dma_wait3A_320] : memref<10x!tpu.dma_semaphore, #tpu.memory_space<semaphore_mem>> -> memref<1x!tpu.dma_semaphore, #tpu.memory_space<semaphore_mem>>
    %dma_wait3A_328 = tpu.memref_squeeze %dma_wait3A_327 : memref<1x!tpu.dma_semaphore, #tpu.memory_space<semaphore_mem>> -> memref<!tpu.dma_semaphore, #tpu.memory_space<semaphore_mem>>
    %dma_wait3A_329 = arith.constant 0 : i32
    %dma_wait3A_330 = tpu.memref_slice %arg4[%add3A_318, %dma_wait3A_329] : memref<204800x128xf32, #tpu.memory_space<hbm>> -> memref<64x128xf32, #tpu.memory_space<hbm>>
    %dma_wait3A_331 = arith.constant 0 : i32
    %dma_wait3A_332 = arith.constant 0 : i32
    %dma_wait3A_333 = tpu.memref_slice %arg6[%dma_wait3A_319, %dma_wait3A_331, %dma_wait3A_332] : memref<10x64x128xf32, #tpu.memory_space<vmem>> -> memref<1x64x128xf32, #tpu.memory_space<vmem>>
    %dma_wait3A_334 = tpu.memref_squeeze %dma_wait3A_333 : memref<1x64x128xf32, #tpu.memory_space<vmem>> -> memref<64x128xf32, #tpu.memory_space<vmem>>
    tpu.wait_dma2 semaphore(%dma_wait3A_328 : memref<!tpu.dma_semaphore, #tpu.memory_space<semaphore_mem>>) src(%dma_wait3A_334 : memref<64x128xf32, #tpu.memory_space<vmem>>) dst(%dma_wait3A_330 : memref<64x128xf32, #tpu.memory_space<hbm>>)
    %dma_start3A_335 = arith.constant 2 : i32
    %dma_start3A_336 = arith.constant 2 : i32
    %dma_start3A_337 = arith.constant 0 : i32
    %dma_start3A_338 = arith.constant 0 : i32
    %dma_start3A_339 = tpu.memref_slice %arg6[%dma_start3A_335, %dma_start3A_337, %dma_start3A_338] : memref<10x64x128xf32, #tpu.memory_space<vmem>> -> memref<1x64x128xf32, #tpu.memory_space<vmem>>
    %dma_start3A_340 = tpu.memref_squeeze %dma_start3A_339 : memref<1x64x128xf32, #tpu.memory_space<vmem>> -> memref<64x128xf32, #tpu.memory_space<vmem>>
    %dma_start3A_341 = arith.constant 768 : i32
    %dma_start3A_342 = tpu.memref_slice %arg5[%dma_start3A_341] : memref<6400xi32, #tpu.memory_space<vmem>> -> memref<64xi32, #tpu.memory_space<vmem>>
    %dma_start3A_343 = arith.constant 0 : i32
    %dma_start3A_344 = arith.constant 0 : i32
    %dma_start3A_345 = tpu.memref_slice %arg2[%dma_start3A_343, %dma_start3A_344] : memref<100000x128xf32, #tpu.memory_space<hbm>> -> memref<100000x128xf32, #tpu.memory_space<hbm>>
    %dma_start3A_346 = tpu.memref_slice %arg7[%dma_start3A_336] : memref<10x!tpu.dma_semaphore, #tpu.memory_space<semaphore_mem>> -> memref<1x!tpu.dma_semaphore, #tpu.memory_space<semaphore_mem>>
    %dma_start3A_347 = tpu.memref_squeeze %dma_start3A_346 : memref<1x!tpu.dma_semaphore, #tpu.memory_space<semaphore_mem>> -> memref<!tpu.dma_semaphore, #tpu.memory_space<semaphore_mem>>
    tpu.enqueue_indirect_dma source(%dma_start3A_345 : memref<100000x128xf32, #tpu.memory_space<hbm>>) target(%dma_start3A_340 : memref<64x128xf32, #tpu.memory_space<vmem>>) offsets(%dma_start3A_342 : memref<64xi32, #tpu.memory_space<vmem>>) semaphore(%dma_start3A_347 : memref<!tpu.dma_semaphore, #tpu.memory_space<semaphore_mem>>)
    %dma_wait3A_348 = arith.constant 4 : i32
    %dma_wait3A_349 = arith.constant 4 : i32
    %dma_wait3A_350 = arith.constant 0 : i32
    %dma_wait3A_351 = arith.constant 0 : i32
    %dma_wait3A_352 = tpu.memref_slice %arg6[%dma_wait3A_348, %dma_wait3A_350, %dma_wait3A_351] : memref<10x64x128xf32, #tpu.memory_space<vmem>> -> memref<1x64x128xf32, #tpu.memory_space<vmem>>
    %dma_wait3A_353 = tpu.memref_squeeze %dma_wait3A_352 : memref<1x64x128xf32, #tpu.memory_space<vmem>> -> memref<64x128xf32, #tpu.memory_space<vmem>>
    %dma_wait3A_354 = arith.constant 256 : i32
    %dma_wait3A_355 = tpu.memref_slice %arg5[%dma_wait3A_354] : memref<6400xi32, #tpu.memory_space<vmem>> -> memref<64xi32, #tpu.memory_space<vmem>>
    %dma_wait3A_356 = arith.constant 0 : i32
    %dma_wait3A_357 = arith.constant 0 : i32
    %dma_wait3A_358 = tpu.memref_slice %arg2[%dma_wait3A_356, %dma_wait3A_357] : memref<100000x128xf32, #tpu.memory_space<hbm>> -> memref<100000x128xf32, #tpu.memory_space<hbm>>
    %dma_wait3A_359 = tpu.memref_slice %arg7[%dma_wait3A_349] : memref<10x!tpu.dma_semaphore, #tpu.memory_space<semaphore_mem>> -> memref<1x!tpu.dma_semaphore, #tpu.memory_space<semaphore_mem>>
    %dma_wait3A_360 = tpu.memref_squeeze %dma_wait3A_359 : memref<1x!tpu.dma_semaphore, #tpu.memory_space<semaphore_mem>> -> memref<!tpu.dma_semaphore, #tpu.memory_space<semaphore_mem>>
    tpu.wait_indirect_dma semaphore(%dma_wait3A_360 : memref<!tpu.dma_semaphore, #tpu.memory_space<semaphore_mem>>) src(%dma_wait3A_358 : memref<100000x128xf32, #tpu.memory_space<hbm>>) dst(%dma_wait3A_353 : memref<64x128xf32, #tpu.memory_space<vmem>>)
    %add3A_361 = arith.constant 256 : i32
    %add3A_362 = arith.addi %mul3A_2, %add3A_361 : i32
    %dma_start3A_363 = arith.constant 4 : i32
    %dma_start3A_364 = arith.constant 4 : i32
    %dma_start3A_365 = arith.constant 0 : i32
    %dma_start3A_366 = arith.constant 0 : i32
    %dma_start3A_367 = tpu.memref_slice %arg6[%dma_start3A_363, %dma_start3A_365, %dma_start3A_366] : memref<10x64x128xf32, #tpu.memory_space<vmem>> -> memref<1x64x128xf32, #tpu.memory_space<vmem>>
    %dma_start3A_368 = tpu.memref_squeeze %dma_start3A_367 : memref<1x64x128xf32, #tpu.memory_space<vmem>> -> memref<64x128xf32, #tpu.memory_space<vmem>>
    %dma_start3A_369 = arith.constant 0 : i32
    %dma_start3A_370 = tpu.memref_slice %arg4[%add3A_362, %dma_start3A_369] : memref<204800x128xf32, #tpu.memory_space<hbm>> -> memref<64x128xf32, #tpu.memory_space<hbm>>
    %dma_start3A_371 = tpu.memref_slice %arg8[%dma_start3A_364] : memref<10x!tpu.dma_semaphore, #tpu.memory_space<semaphore_mem>> -> memref<1x!tpu.dma_semaphore, #tpu.memory_space<semaphore_mem>>
    %dma_start3A_372 = tpu.memref_squeeze %dma_start3A_371 : memref<1x!tpu.dma_semaphore, #tpu.memory_space<semaphore_mem>> -> memref<!tpu.dma_semaphore, #tpu.memory_space<semaphore_mem>>
    %dma_start3A_373 = arith.constant 0 : i32
    %dma_start3A_374 = tpu.memref_slice %arg4[%add3A_362, %dma_start3A_373] : memref<204800x128xf32, #tpu.memory_space<hbm>> -> memref<64x128xf32, #tpu.memory_space<hbm>>
    %dma_start3A_375 = arith.constant 0 : i32
    %dma_start3A_376 = arith.constant 0 : i32
    %dma_start3A_377 = tpu.memref_slice %arg6[%dma_start3A_363, %dma_start3A_375, %dma_start3A_376] : memref<10x64x128xf32, #tpu.memory_space<vmem>> -> memref<1x64x128xf32, #tpu.memory_space<vmem>>
    %dma_start3A_378 = tpu.memref_squeeze %dma_start3A_377 : memref<1x64x128xf32, #tpu.memory_space<vmem>> -> memref<64x128xf32, #tpu.memory_space<vmem>>
    tpu.enqueue_dma source(%dma_start3A_378 : memref<64x128xf32, #tpu.memory_space<vmem>>) target(%dma_start3A_374 : memref<64x128xf32, #tpu.memory_space<hbm>>) target_semaphore(%dma_start3A_372 : memref<!tpu.dma_semaphore, #tpu.memory_space<semaphore_mem>>)
    %add3A_379 = arith.constant 192 : i32
    %add3A_380 = arith.addi %mul3A_2, %add3A_379 : i32
    %dma_wait3A_381 = arith.constant 3 : i32
    %dma_wait3A_382 = arith.constant 3 : i32
    %dma_wait3A_383 = arith.constant 0 : i32
    %dma_wait3A_384 = arith.constant 0 : i32
    %dma_wait3A_385 = tpu.memref_slice %arg6[%dma_wait3A_381, %dma_wait3A_383, %dma_wait3A_384] : memref<10x64x128xf32, #tpu.memory_space<vmem>> -> memref<1x64x128xf32, #tpu.memory_space<vmem>>
    %dma_wait3A_386 = tpu.memref_squeeze %dma_wait3A_385 : memref<1x64x128xf32, #tpu.memory_space<vmem>> -> memref<64x128xf32, #tpu.memory_space<vmem>>
    %dma_wait3A_387 = arith.constant 0 : i32
    %dma_wait3A_388 = tpu.memref_slice %arg4[%add3A_380, %dma_wait3A_387] : memref<204800x128xf32, #tpu.memory_space<hbm>> -> memref<64x128xf32, #tpu.memory_space<hbm>>
    %dma_wait3A_389 = tpu.memref_slice %arg8[%dma_wait3A_382] : memref<10x!tpu.dma_semaphore, #tpu.memory_space<semaphore_mem>> -> memref<1x!tpu.dma_semaphore, #tpu.memory_space<semaphore_mem>>
    %dma_wait3A_390 = tpu.memref_squeeze %dma_wait3A_389 : memref<1x!tpu.dma_semaphore, #tpu.memory_space<semaphore_mem>> -> memref<!tpu.dma_semaphore, #tpu.memory_space<semaphore_mem>>
    %dma_wait3A_391 = arith.constant 0 : i32
    %dma_wait3A_392 = tpu.memref_slice %arg4[%add3A_380, %dma_wait3A_391] : memref<204800x128xf32, #tpu.memory_space<hbm>> -> memref<64x128xf32, #tpu.memory_space<hbm>>
    %dma_wait3A_393 = arith.constant 0 : i32
    %dma_wait3A_394 = arith.constant 0 : i32
    %dma_wait3A_395 = tpu.memref_slice %arg6[%dma_wait3A_381, %dma_wait3A_393, %dma_wait3A_394] : memref<10x64x128xf32, #tpu.memory_space<vmem>> -> memref<1x64x128xf32, #tpu.memory_space<vmem>>
    %dma_wait3A_396 = tpu.memref_squeeze %dma_wait3A_395 : memref<1x64x128xf32, #tpu.memory_space<vmem>> -> memref<64x128xf32, #tpu.memory_space<vmem>>
    tpu.wait_dma2 semaphore(%dma_wait3A_390 : memref<!tpu.dma_semaphore, #tpu.memory_space<semaphore_mem>>) src(%dma_wait3A_396 : memref<64x128xf32, #tpu.memory_space<vmem>>) dst(%dma_wait3A_392 : memref<64x128xf32, #tpu.memory_space<hbm>>)
    %dma_start3A_397 = arith.constant 3 : i32
    %dma_start3A_398 = arith.constant 3 : i32
    %dma_start3A_399 = arith.constant 0 : i32
    %dma_start3A_400 = arith.constant 0 : i32
    %dma_start3A_401 = tpu.memref_slice %arg6[%dma_start3A_397, %dma_start3A_399, %dma_start3A_400] : memref<10x64x128xf32, #tpu.memory_space<vmem>> -> memref<1x64x128xf32, #tpu.memory_space<vmem>>
    %dma_start3A_402 = tpu.memref_squeeze %dma_start3A_401 : memref<1x64x128xf32, #tpu.memory_space<vmem>> -> memref<64x128xf32, #tpu.memory_space<vmem>>
    %dma_start3A_403 = arith.constant 832 : i32
    %dma_start3A_404 = tpu.memref_slice %arg5[%dma_start3A_403] : memref<6400xi32, #tpu.memory_space<vmem>> -> memref<64xi32, #tpu.memory_space<vmem>>
    %dma_start3A_405 = arith.constant 0 : i32
    %dma_start3A_406 = arith.constant 0 : i32
    %dma_start3A_407 = tpu.memref_slice %arg2[%dma_start3A_405, %dma_start3A_406] : memref<100000x128xf32, #tpu.memory_space<hbm>> -> memref<100000x128xf32, #tpu.memory_space<hbm>>
    %dma_start3A_408 = tpu.memref_slice %arg7[%dma_start3A_398] : memref<10x!tpu.dma_semaphore, #tpu.memory_space<semaphore_mem>> -> memref<1x!tpu.dma_semaphore, #tpu.memory_space<semaphore_mem>>
    %dma_start3A_409 = tpu.memref_squeeze %dma_start3A_408 : memref<1x!tpu.dma_semaphore, #tpu.memory_space<semaphore_mem>> -> memref<!tpu.dma_semaphore, #tpu.memory_space<semaphore_mem>>
    tpu.enqueue_indirect_dma source(%dma_start3A_407 : memref<100000x128xf32, #tpu.memory_space<hbm>>) target(%dma_start3A_402 : memref<64x128xf32, #tpu.memory_space<vmem>>) offsets(%dma_start3A_404 : memref<64xi32, #tpu.memory_space<vmem>>) semaphore(%dma_start3A_409 : memref<!tpu.dma_semaphore, #tpu.memory_space<semaphore_mem>>)
    %dma_wait3A_410 = arith.constant 5 : i32
    %dma_wait3A_411 = arith.constant 5 : i32
    %dma_wait3A_412 = arith.constant 0 : i32
    %dma_wait3A_413 = arith.constant 0 : i32
    %dma_wait3A_414 = tpu.memref_slice %arg6[%dma_wait3A_410, %dma_wait3A_412, %dma_wait3A_413] : memref<10x64x128xf32, #tpu.memory_space<vmem>> -> memref<1x64x128xf32, #tpu.memory_space<vmem>>
    %dma_wait3A_415 = tpu.memref_squeeze %dma_wait3A_414 : memref<1x64x128xf32, #tpu.memory_space<vmem>> -> memref<64x128xf32, #tpu.memory_space<vmem>>
    %dma_wait3A_416 = arith.constant 320 : i32
    %dma_wait3A_417 = tpu.memref_slice %arg5[%dma_wait3A_416] : memref<6400xi32, #tpu.memory_space<vmem>> -> memref<64xi32, #tpu.memory_space<vmem>>
    %dma_wait3A_418 = arith.constant 0 : i32
    %dma_wait3A_419 = arith.constant 0 : i32
    %dma_wait3A_420 = tpu.memref_slice %arg2[%dma_wait3A_418, %dma_wait3A_419] : memref<100000x128xf32, #tpu.memory_space<hbm>> -> memref<100000x128xf32, #tpu.memory_space<hbm>>
    %dma_wait3A_421 = tpu.memref_slice %arg7[%dma_wait3A_411] : memref<10x!tpu.dma_semaphore, #tpu.memory_space<semaphore_mem>> -> memref<1x!tpu.dma_semaphore, #tpu.memory_space<semaphore_mem>>
    %dma_wait3A_422 = tpu.memref_squeeze %dma_wait3A_421 : memref<1x!tpu.dma_semaphore, #tpu.memory_space<semaphore_mem>> -> memref<!tpu.dma_semaphore, #tpu.memory_space<semaphore_mem>>
    tpu.wait_indirect_dma semaphore(%dma_wait3A_422 : memref<!tpu.dma_semaphore, #tpu.memory_space<semaphore_mem>>) src(%dma_wait3A_420 : memref<100000x128xf32, #tpu.memory_space<hbm>>) dst(%dma_wait3A_415 : memref<64x128xf32, #tpu.memory_space<vmem>>)
    %add3A_423 = arith.constant 320 : i32
    %add3A_424 = arith.addi %mul3A_2, %add3A_423 : i32
    %dma_start3A_425 = arith.constant 5 : i32
    %dma_start3A_426 = arith.constant 5 : i32
    %dma_start3A_427 = arith.constant 0 : i32
    %dma_start3A_428 = arith.constant 0 : i32
    %dma_start3A_429 = tpu.memref_slice %arg6[%dma_start3A_425, %dma_start3A_427, %dma_start3A_428] : memref<10x64x128xf32, #tpu.memory_space<vmem>> -> memref<1x64x128xf32, #tpu.memory_space<vmem>>
    %dma_start3A_430 = tpu.memref_squeeze %dma_start3A_429 : memref<1x64x128xf32, #tpu.memory_space<vmem>> -> memref<64x128xf32, #tpu.memory_space<vmem>>
    %dma_start3A_431 = arith.constant 0 : i32
    %dma_start3A_432 = tpu.memref_slice %arg4[%add3A_424, %dma_start3A_431] : memref<204800x128xf32, #tpu.memory_space<hbm>> -> memref<64x128xf32, #tpu.memory_space<hbm>>
    %dma_start3A_433 = tpu.memref_slice %arg8[%dma_start3A_426] : memref<10x!tpu.dma_semaphore, #tpu.memory_space<semaphore_mem>> -> memref<1x!tpu.dma_semaphore, #tpu.memory_space<semaphore_mem>>
    %dma_start3A_434 = tpu.memref_squeeze %dma_start3A_433 : memref<1x!tpu.dma_semaphore, #tpu.memory_space<semaphore_mem>> -> memref<!tpu.dma_semaphore, #tpu.memory_space<semaphore_mem>>
    %dma_start3A_435 = arith.constant 0 : i32
    %dma_start3A_436 = tpu.memref_slice %arg4[%add3A_424, %dma_start3A_435] : memref<204800x128xf32, #tpu.memory_space<hbm>> -> memref<64x128xf32, #tpu.memory_space<hbm>>
    %dma_start3A_437 = arith.constant 0 : i32
    %dma_start3A_438 = arith.constant 0 : i32
    %dma_start3A_439 = tpu.memref_slice %arg6[%dma_start3A_425, %dma_start3A_437, %dma_start3A_438] : memref<10x64x128xf32, #tpu.memory_space<vmem>> -> memref<1x64x128xf32, #tpu.memory_space<vmem>>
    %dma_start3A_440 = tpu.memref_squeeze %dma_start3A_439 : memref<1x64x128xf32, #tpu.memory_space<vmem>> -> memref<64x128xf32, #tpu.memory_space<vmem>>
    tpu.enqueue_dma source(%dma_start3A_440 : memref<64x128xf32, #tpu.memory_space<vmem>>) target(%dma_start3A_436 : memref<64x128xf32, #tpu.memory_space<hbm>>) target_semaphore(%dma_start3A_434 : memref<!tpu.dma_semaphore, #tpu.memory_space<semaphore_mem>>)
    %add3A_441 = arith.constant 256 : i32
    %add3A_442 = arith.addi %mul3A_2, %add3A_441 : i32
    %dma_wait3A_443 = arith.constant 4 : i32
    %dma_wait3A_444 = arith.constant 4 : i32
    %dma_wait3A_445 = arith.constant 0 : i32
    %dma_wait3A_446 = arith.constant 0 : i32
    %dma_wait3A_447 = tpu.memref_slice %arg6[%dma_wait3A_443, %dma_wait3A_445, %dma_wait3A_446] : memref<10x64x128xf32, #tpu.memory_space<vmem>> -> memref<1x64x128xf32, #tpu.memory_space<vmem>>
    %dma_wait3A_448 = tpu.memref_squeeze %dma_wait3A_447 : memref<1x64x128xf32, #tpu.memory_space<vmem>> -> memref<64x128xf32, #tpu.memory_space<vmem>>
    %dma_wait3A_449 = arith.constant 0 : i32
    %dma_wait3A_450 = tpu.memref_slice %arg4[%add3A_442, %dma_wait3A_449] : memref<204800x128xf32, #tpu.memory_space<hbm>> -> memref<64x128xf32, #tpu.memory_space<hbm>>
    %dma_wait3A_451 = tpu.memref_slice %arg8[%dma_wait3A_444] : memref<10x!tpu.dma_semaphore, #tpu.memory_space<semaphore_mem>> -> memref<1x!tpu.dma_semaphore, #tpu.memory_space<semaphore_mem>>
    %dma_wait3A_452 = tpu.memref_squeeze %dma_wait3A_451 : memref<1x!tpu.dma_semaphore, #tpu.memory_space<semaphore_mem>> -> memref<!tpu.dma_semaphore, #tpu.memory_space<semaphore_mem>>
    %dma_wait3A_453 = arith.constant 0 : i32
    %dma_wait3A_454 = tpu.memref_slice %arg4[%add3A_442, %dma_wait3A_453] : memref<204800x128xf32, #tpu.memory_space<hbm>> -> memref<64x128xf32, #tpu.memory_space<hbm>>
    %dma_wait3A_455 = arith.constant 0 : i32
    %dma_wait3A_456 = arith.constant 0 : i32
    %dma_wait3A_457 = tpu.memref_slice %arg6[%dma_wait3A_443, %dma_wait3A_455, %dma_wait3A_456] : memref<10x64x128xf32, #tpu.memory_space<vmem>> -> memref<1x64x128xf32, #tpu.memory_space<vmem>>
    %dma_wait3A_458 = tpu.memref_squeeze %dma_wait3A_457 : memref<1x64x128xf32, #tpu.memory_space<vmem>> -> memref<64x128xf32, #tpu.memory_space<vmem>>
    tpu.wait_dma2 semaphore(%dma_wait3A_452 : memref<!tpu.dma_semaphore, #tpu.memory_space<semaphore_mem>>) src(%dma_wait3A_458 : memref<64x128xf32, #tpu.memory_space<vmem>>) dst(%dma_wait3A_454 : memref<64x128xf32, #tpu.memory_space<hbm>>)
    %dma_start3A_459 = arith.constant 4 : i32
    %dma_start3A_460 = arith.constant 4 : i32
    %dma_start3A_461 = arith.constant 0 : i32
    %dma_start3A_462 = arith.constant 0 : i32
    %dma_start3A_463 = tpu.memref_slice %arg6[%dma_start3A_459, %dma_start3A_461, %dma_start3A_462] : memref<10x64x128xf32, #tpu.memory_space<vmem>> -> memref<1x64x128xf32, #tpu.memory_space<vmem>>
    %dma_start3A_464 = tpu.memref_squeeze %dma_start3A_463 : memref<1x64x128xf32, #tpu.memory_space<vmem>> -> memref<64x128xf32, #tpu.memory_space<vmem>>
    %dma_start3A_465 = arith.constant 896 : i32
    %dma_start3A_466 = tpu.memref_slice %arg5[%dma_start3A_465] : memref<6400xi32, #tpu.memory_space<vmem>> -> memref<64xi32, #tpu.memory_space<vmem>>
    %dma_start3A_467 = arith.constant 0 : i32
    %dma_start3A_468 = arith.constant 0 : i32
    %dma_start3A_469 = tpu.memref_slice %arg2[%dma_start3A_467, %dma_start3A_468] : memref<100000x128xf32, #tpu.memory_space<hbm>> -> memref<100000x128xf32, #tpu.memory_space<hbm>>
    %dma_start3A_470 = tpu.memref_slice %arg7[%dma_start3A_460] : memref<10x!tpu.dma_semaphore, #tpu.memory_space<semaphore_mem>> -> memref<1x!tpu.dma_semaphore, #tpu.memory_space<semaphore_mem>>
    %dma_start3A_471 = tpu.memref_squeeze %dma_start3A_470 : memref<1x!tpu.dma_semaphore, #tpu.memory_space<semaphore_mem>> -> memref<!tpu.dma_semaphore, #tpu.memory_space<semaphore_mem>>
    tpu.enqueue_indirect_dma source(%dma_start3A_469 : memref<100000x128xf32, #tpu.memory_space<hbm>>) target(%dma_start3A_464 : memref<64x128xf32, #tpu.memory_space<vmem>>) offsets(%dma_start3A_466 : memref<64xi32, #tpu.memory_space<vmem>>) semaphore(%dma_start3A_471 : memref<!tpu.dma_semaphore, #tpu.memory_space<semaphore_mem>>)
    %dma_wait3A_472 = arith.constant 6 : i32
    %dma_wait3A_473 = arith.constant 6 : i32
    %dma_wait3A_474 = arith.constant 0 : i32
    %dma_wait3A_475 = arith.constant 0 : i32
    %dma_wait3A_476 = tpu.memref_slice %arg6[%dma_wait3A_472, %dma_wait3A_474, %dma_wait3A_475] : memref<10x64x128xf32, #tpu.memory_space<vmem>> -> memref<1x64x128xf32, #tpu.memory_space<vmem>>
    %dma_wait3A_477 = tpu.memref_squeeze %dma_wait3A_476 : memref<1x64x128xf32, #tpu.memory_space<vmem>> -> memref<64x128xf32, #tpu.memory_space<vmem>>
    %dma_wait3A_478 = arith.constant 384 : i32
    %dma_wait3A_479 = tpu.memref_slice %arg5[%dma_wait3A_478] : memref<6400xi32, #tpu.memory_space<vmem>> -> memref<64xi32, #tpu.memory_space<vmem>>
    %dma_wait3A_480 = arith.constant 0 : i32
    %dma_wait3A_481 = arith.constant 0 : i32
    %dma_wait3A_482 = tpu.memref_slice %arg2[%dma_wait3A_480, %dma_wait3A_481] : memref<100000x128xf32, #tpu.memory_space<hbm>> -> memref<100000x128xf32, #tpu.memory_space<hbm>>
    %dma_wait3A_483 = tpu.memref_slice %arg7[%dma_wait3A_473] : memref<10x!tpu.dma_semaphore, #tpu.memory_space<semaphore_mem>> -> memref<1x!tpu.dma_semaphore, #tpu.memory_space<semaphore_mem>>
    %dma_wait3A_484 = tpu.memref_squeeze %dma_wait3A_483 : memref<1x!tpu.dma_semaphore, #tpu.memory_space<semaphore_mem>> -> memref<!tpu.dma_semaphore, #tpu.memory_space<semaphore_mem>>
    tpu.wait_indirect_dma semaphore(%dma_wait3A_484 : memref<!tpu.dma_semaphore, #tpu.memory_space<semaphore_mem>>) src(%dma_wait3A_482 : memref<100000x128xf32, #tpu.memory_space<hbm>>) dst(%dma_wait3A_477 : memref<64x128xf32, #tpu.memory_space<vmem>>)
    %add3A_485 = arith.constant 384 : i32
    %add3A_486 = arith.addi %mul3A_2, %add3A_485 : i32
    %dma_start3A_487 = arith.constant 6 : i32
    %dma_start3A_488 = arith.constant 6 : i32
    %dma_start3A_489 = arith.constant 0 : i32
    %dma_start3A_490 = arith.constant 0 : i32
    %dma_start3A_491 = tpu.memref_slice %arg6[%dma_start3A_487, %dma_start3A_489, %dma_start3A_490] : memref<10x64x128xf32, #tpu.memory_space<vmem>> -> memref<1x64x128xf32, #tpu.memory_space<vmem>>
    %dma_start3A_492 = tpu.memref_squeeze %dma_start3A_491 : memref<1x64x128xf32, #tpu.memory_space<vmem>> -> memref<64x128xf32, #tpu.memory_space<vmem>>
    %dma_start3A_493 = arith.constant 0 : i32
    %dma_start3A_494 = tpu.memref_slice %arg4[%add3A_486, %dma_start3A_493] : memref<204800x128xf32, #tpu.memory_space<hbm>> -> memref<64x128xf32, #tpu.memory_space<hbm>>
    %dma_start3A_495 = tpu.memref_slice %arg8[%dma_start3A_488] : memref<10x!tpu.dma_semaphore, #tpu.memory_space<semaphore_mem>> -> memref<1x!tpu.dma_semaphore, #tpu.memory_space<semaphore_mem>>
    %dma_start3A_496 = tpu.memref_squeeze %dma_start3A_495 : memref<1x!tpu.dma_semaphore, #tpu.memory_space<semaphore_mem>> -> memref<!tpu.dma_semaphore, #tpu.memory_space<semaphore_mem>>
    %dma_start3A_497 = arith.constant 0 : i32
    %dma_start3A_498 = tpu.memref_slice %arg4[%add3A_486, %dma_start3A_497] : memref<204800x128xf32, #tpu.memory_space<hbm>> -> memref<64x128xf32, #tpu.memory_space<hbm>>
    %dma_start3A_499 = arith.constant 0 : i32
    %dma_start3A_500 = arith.constant 0 : i32
    %dma_start3A_501 = tpu.memref_slice %arg6[%dma_start3A_487, %dma_start3A_499, %dma_start3A_500] : memref<10x64x128xf32, #tpu.memory_space<vmem>> -> memref<1x64x128xf32, #tpu.memory_space<vmem>>
    %dma_start3A_502 = tpu.memref_squeeze %dma_start3A_501 : memref<1x64x128xf32, #tpu.memory_space<vmem>> -> memref<64x128xf32, #tpu.memory_space<vmem>>
    tpu.enqueue_dma source(%dma_start3A_502 : memref<64x128xf32, #tpu.memory_space<vmem>>) target(%dma_start3A_498 : memref<64x128xf32, #tpu.memory_space<hbm>>) target_semaphore(%dma_start3A_496 : memref<!tpu.dma_semaphore, #tpu.memory_space<semaphore_mem>>)
    %add3A_503 = arith.constant 320 : i32
    %add3A_504 = arith.addi %mul3A_2, %add3A_503 : i32
    %dma_wait3A_505 = arith.constant 5 : i32
    %dma_wait3A_506 = arith.constant 5 : i32
    %dma_wait3A_507 = arith.constant 0 : i32
    %dma_wait3A_508 = arith.constant 0 : i32
    %dma_wait3A_509 = tpu.memref_slice %arg6[%dma_wait3A_505, %dma_wait3A_507, %dma_wait3A_508] : memref<10x64x128xf32, #tpu.memory_space<vmem>> -> memref<1x64x128xf32, #tpu.memory_space<vmem>>
    %dma_wait3A_510 = tpu.memref_squeeze %dma_wait3A_509 : memref<1x64x128xf32, #tpu.memory_space<vmem>> -> memref<64x128xf32, #tpu.memory_space<vmem>>
    %dma_wait3A_511 = arith.constant 0 : i32
    %dma_wait3A_512 = tpu.memref_slice %arg4[%add3A_504, %dma_wait3A_511] : memref<204800x128xf32, #tpu.memory_space<hbm>> -> memref<64x128xf32, #tpu.memory_space<hbm>>
    %dma_wait3A_513 = tpu.memref_slice %arg8[%dma_wait3A_506] : memref<10x!tpu.dma_semaphore, #tpu.memory_space<semaphore_mem>> -> memref<1x!tpu.dma_semaphore, #tpu.memory_space<semaphore_mem>>
    %dma_wait3A_514 = tpu.memref_squeeze %dma_wait3A_513 : memref<1x!tpu.dma_semaphore, #tpu.memory_space<semaphore_mem>> -> memref<!tpu.dma_semaphore, #tpu.memory_space<semaphore_mem>>
    %dma_wait3A_515 = arith.constant 0 : i32
    %dma_wait3A_516 = tpu.memref_slice %arg4[%add3A_504, %dma_wait3A_515] : memref<204800x128xf32, #tpu.memory_space<hbm>> -> memref<64x128xf32, #tpu.memory_space<hbm>>
    %dma_wait3A_517 = arith.constant 0 : i32
    %dma_wait3A_518 = arith.constant 0 : i32
    %dma_wait3A_519 = tpu.memref_slice %arg6[%dma_wait3A_505, %dma_wait3A_517, %dma_wait3A_518] : memref<10x64x128xf32, #tpu.memory_space<vmem>> -> memref<1x64x128xf32, #tpu.memory_space<vmem>>
    %dma_wait3A_520 = tpu.memref_squeeze %dma_wait3A_519 : memref<1x64x128xf32, #tpu.memory_space<vmem>> -> memref<64x128xf32, #tpu.memory_space<vmem>>
    tpu.wait_dma2 semaphore(%dma_wait3A_514 : memref<!tpu.dma_semaphore, #tpu.memory_space<semaphore_mem>>) src(%dma_wait3A_520 : memref<64x128xf32, #tpu.memory_space<vmem>>) dst(%dma_wait3A_516 : memref<64x128xf32, #tpu.memory_space<hbm>>)
    %dma_start3A_521 = arith.constant 5 : i32
    %dma_start3A_522 = arith.constant 5 : i32
    %dma_start3A_523 = arith.constant 0 : i32
    %dma_start3A_524 = arith.constant 0 : i32
    %dma_start3A_525 = tpu.memref_slice %arg6[%dma_start3A_521, %dma_start3A_523, %dma_start3A_524] : memref<10x64x128xf32, #tpu.memory_space<vmem>> -> memref<1x64x128xf32, #tpu.memory_space<vmem>>
    %dma_start3A_526 = tpu.memref_squeeze %dma_start3A_525 : memref<1x64x128xf32, #tpu.memory_space<vmem>> -> memref<64x128xf32, #tpu.memory_space<vmem>>
    %dma_start3A_527 = arith.constant 960 : i32
    %dma_start3A_528 = tpu.memref_slice %arg5[%dma_start3A_527] : memref<6400xi32, #tpu.memory_space<vmem>> -> memref<64xi32, #tpu.memory_space<vmem>>
    %dma_start3A_529 = arith.constant 0 : i32
    %dma_start3A_530 = arith.constant 0 : i32
    %dma_start3A_531 = tpu.memref_slice %arg2[%dma_start3A_529, %dma_start3A_530] : memref<100000x128xf32, #tpu.memory_space<hbm>> -> memref<100000x128xf32, #tpu.memory_space<hbm>>
    %dma_start3A_532 = tpu.memref_slice %arg7[%dma_start3A_522] : memref<10x!tpu.dma_semaphore, #tpu.memory_space<semaphore_mem>> -> memref<1x!tpu.dma_semaphore, #tpu.memory_space<semaphore_mem>>
    %dma_start3A_533 = tpu.memref_squeeze %dma_start3A_532 : memref<1x!tpu.dma_semaphore, #tpu.memory_space<semaphore_mem>> -> memref<!tpu.dma_semaphore, #tpu.memory_space<semaphore_mem>>
    tpu.enqueue_indirect_dma source(%dma_start3A_531 : memref<100000x128xf32, #tpu.memory_space<hbm>>) target(%dma_start3A_526 : memref<64x128xf32, #tpu.memory_space<vmem>>) offsets(%dma_start3A_528 : memref<64xi32, #tpu.memory_space<vmem>>) semaphore(%dma_start3A_533 : memref<!tpu.dma_semaphore, #tpu.memory_space<semaphore_mem>>)
    %dma_wait3A_534 = arith.constant 7 : i32
    %dma_wait3A_535 = arith.constant 7 : i32
    %dma_wait3A_536 = arith.constant 0 : i32
    %dma_wait3A_537 = arith.constant 0 : i32
    %dma_wait3A_538 = tpu.memref_slice %arg6[%dma_wait3A_534, %dma_wait3A_536, %dma_wait3A_537] : memref<10x64x128xf32, #tpu.memory_space<vmem>> -> memref<1x64x128xf32, #tpu.memory_space<vmem>>
    %dma_wait3A_539 = tpu.memref_squeeze %dma_wait3A_538 : memref<1x64x128xf32, #tpu.memory_space<vmem>> -> memref<64x128xf32, #tpu.memory_space<vmem>>
    %dma_wait3A_540 = arith.constant 448 : i32
    %dma_wait3A_541 = tpu.memref_slice %arg5[%dma_wait3A_540] : memref<6400xi32, #tpu.memory_space<vmem>> -> memref<64xi32, #tpu.memory_space<vmem>>
    %dma_wait3A_542 = arith.constant 0 : i32
    %dma_wait3A_543 = arith.constant 0 : i32
    %dma_wait3A_544 = tpu.memref_slice %arg2[%dma_wait3A_542, %dma_wait3A_543] : memref<100000x128xf32, #tpu.memory_space<hbm>> -> memref<100000x128xf32, #tpu.memory_space<hbm>>
    %dma_wait3A_545 = tpu.memref_slice %arg7[%dma_wait3A_535] : memref<10x!tpu.dma_semaphore, #tpu.memory_space<semaphore_mem>> -> memref<1x!tpu.dma_semaphore, #tpu.memory_space<semaphore_mem>>
    %dma_wait3A_546 = tpu.memref_squeeze %dma_wait3A_545 : memref<1x!tpu.dma_semaphore, #tpu.memory_space<semaphore_mem>> -> memref<!tpu.dma_semaphore, #tpu.memory_space<semaphore_mem>>
    tpu.wait_indirect_dma semaphore(%dma_wait3A_546 : memref<!tpu.dma_semaphore, #tpu.memory_space<semaphore_mem>>) src(%dma_wait3A_544 : memref<100000x128xf32, #tpu.memory_space<hbm>>) dst(%dma_wait3A_539 : memref<64x128xf32, #tpu.memory_space<vmem>>)
    %add3A_547 = arith.constant 448 : i32
    %add3A_548 = arith.addi %mul3A_2, %add3A_547 : i32
    %dma_start3A_549 = arith.constant 7 : i32
    %dma_start3A_550 = arith.constant 7 : i32
    %dma_start3A_551 = arith.constant 0 : i32
    %dma_start3A_552 = arith.constant 0 : i32
    %dma_start3A_553 = tpu.memref_slice %arg6[%dma_start3A_549, %dma_start3A_551, %dma_start3A_552] : memref<10x64x128xf32, #tpu.memory_space<vmem>> -> memref<1x64x128xf32, #tpu.memory_space<vmem>>
    %dma_start3A_554 = tpu.memref_squeeze %dma_start3A_553 : memref<1x64x128xf32, #tpu.memory_space<vmem>> -> memref<64x128xf32, #tpu.memory_space<vmem>>
    %dma_start3A_555 = arith.constant 0 : i32
    %dma_start3A_556 = tpu.memref_slice %arg4[%add3A_548, %dma_start3A_555] : memref<204800x128xf32, #tpu.memory_space<hbm>> -> memref<64x128xf32, #tpu.memory_space<hbm>>
    %dma_start3A_557 = tpu.memref_slice %arg8[%dma_start3A_550] : memref<10x!tpu.dma_semaphore, #tpu.memory_space<semaphore_mem>> -> memref<1x!tpu.dma_semaphore, #tpu.memory_space<semaphore_mem>>
    %dma_start3A_558 = tpu.memref_squeeze %dma_start3A_557 : memref<1x!tpu.dma_semaphore, #tpu.memory_space<semaphore_mem>> -> memref<!tpu.dma_semaphore, #tpu.memory_space<semaphore_mem>>
    %dma_start3A_559 = arith.constant 0 : i32
    %dma_start3A_560 = tpu.memref_slice %arg4[%add3A_548, %dma_start3A_559] : memref<204800x128xf32, #tpu.memory_space<hbm>> -> memref<64x128xf32, #tpu.memory_space<hbm>>
    %dma_start3A_561 = arith.constant 0 : i32
    %dma_start3A_562 = arith.constant 0 : i32
    %dma_start3A_563 = tpu.memref_slice %arg6[%dma_start3A_549, %dma_start3A_561, %dma_start3A_562] : memref<10x64x128xf32, #tpu.memory_space<vmem>> -> memref<1x64x128xf32, #tpu.memory_space<vmem>>
    %dma_start3A_564 = tpu.memref_squeeze %dma_start3A_563 : memref<1x64x128xf32, #tpu.memory_space<vmem>> -> memref<64x128xf32, #tpu.memory_space<vmem>>
    tpu.enqueue_dma source(%dma_start3A_564 : memref<64x128xf32, #tpu.memory_space<vmem>>) target(%dma_start3A_560 : memref<64x128xf32, #tpu.memory_space<hbm>>) target_semaphore(%dma_start3A_558 : memref<!tpu.dma_semaphore, #tpu.memory_space<semaphore_mem>>)
    %add3A_565 = arith.constant 384 : i32
    %add3A_566 = arith.addi %mul3A_2, %add3A_565 : i32
    %dma_wait3A_567 = arith.constant 6 : i32
    %dma_wait3A_568 = arith.constant 6 : i32
    %dma_wait3A_569 = arith.constant 0 : i32
    %dma_wait3A_570 = arith.constant 0 : i32
    %dma_wait3A_571 = tpu.memref_slice %arg6[%dma_wait3A_567, %dma_wait3A_569, %dma_wait3A_570] : memref<10x64x128xf32, #tpu.memory_space<vmem>> -> memref<1x64x128xf32, #tpu.memory_space<vmem>>
    %dma_wait3A_572 = tpu.memref_squeeze %dma_wait3A_571 : memref<1x64x128xf32, #tpu.memory_space<vmem>> -> memref<64x128xf32, #tpu.memory_space<vmem>>
    %dma_wait3A_573 = arith.constant 0 : i32
    %dma_wait3A_574 = tpu.memref_slice %arg4[%add3A_566, %dma_wait3A_573] : memref<204800x128xf32, #tpu.memory_space<hbm>> -> memref<64x128xf32, #tpu.memory_space<hbm>>
    %dma_wait3A_575 = tpu.memref_slice %arg8[%dma_wait3A_568] : memref<10x!tpu.dma_semaphore, #tpu.memory_space<semaphore_mem>> -> memref<1x!tpu.dma_semaphore, #tpu.memory_space<semaphore_mem>>
    %dma_wait3A_576 = tpu.memref_squeeze %dma_wait3A_575 : memref<1x!tpu.dma_semaphore, #tpu.memory_space<semaphore_mem>> -> memref<!tpu.dma_semaphore, #tpu.memory_space<semaphore_mem>>
    %dma_wait3A_577 = arith.constant 0 : i32
    %dma_wait3A_578 = tpu.memref_slice %arg4[%add3A_566, %dma_wait3A_577] : memref<204800x128xf32, #tpu.memory_space<hbm>> -> memref<64x128xf32, #tpu.memory_space<hbm>>
    %dma_wait3A_579 = arith.constant 0 : i32
    %dma_wait3A_580 = arith.constant 0 : i32
    %dma_wait3A_581 = tpu.memref_slice %arg6[%dma_wait3A_567, %dma_wait3A_579, %dma_wait3A_580] : memref<10x64x128xf32, #tpu.memory_space<vmem>> -> memref<1x64x128xf32, #tpu.memory_space<vmem>>
    %dma_wait3A_582 = tpu.memref_squeeze %dma_wait3A_581 : memref<1x64x128xf32, #tpu.memory_space<vmem>> -> memref<64x128xf32, #tpu.memory_space<vmem>>
    tpu.wait_dma2 semaphore(%dma_wait3A_576 : memref<!tpu.dma_semaphore, #tpu.memory_space<semaphore_mem>>) src(%dma_wait3A_582 : memref<64x128xf32, #tpu.memory_space<vmem>>) dst(%dma_wait3A_578 : memref<64x128xf32, #tpu.memory_space<hbm>>)
    %dma_start3A_583 = arith.constant 6 : i32
    %dma_start3A_584 = arith.constant 6 : i32
    %dma_start3A_585 = arith.constant 0 : i32
    %dma_start3A_586 = arith.constant 0 : i32
    %dma_start3A_587 = tpu.memref_slice %arg6[%dma_start3A_583, %dma_start3A_585, %dma_start3A_586] : memref<10x64x128xf32, #tpu.memory_space<vmem>> -> memref<1x64x128xf32, #tpu.memory_space<vmem>>
    %dma_start3A_588 = tpu.memref_squeeze %dma_start3A_587 : memref<1x64x128xf32, #tpu.memory_space<vmem>> -> memref<64x128xf32, #tpu.memory_space<vmem>>
    %dma_start3A_589 = arith.constant 1024 : i32
    %dma_start3A_590 = tpu.memref_slice %arg5[%dma_start3A_589] : memref<6400xi32, #tpu.memory_space<vmem>> -> memref<64xi32, #tpu.memory_space<vmem>>
    %dma_start3A_591 = arith.constant 0 : i32
    %dma_start3A_592 = arith.constant 0 : i32
    %dma_start3A_593 = tpu.memref_slice %arg2[%dma_start3A_591, %dma_start3A_592] : memref<100000x128xf32, #tpu.memory_space<hbm>> -> memref<100000x128xf32, #tpu.memory_space<hbm>>
    %dma_start3A_594 = tpu.memref_slice %arg7[%dma_start3A_584] : memref<10x!tpu.dma_semaphore, #tpu.memory_space<semaphore_mem>> -> memref<1x!tpu.dma_semaphore, #tpu.memory_space<semaphore_mem>>
    %dma_start3A_595 = tpu.memref_squeeze %dma_start3A_594 : memref<1x!tpu.dma_semaphore, #tpu.memory_space<semaphore_mem>> -> memref<!tpu.dma_semaphore, #tpu.memory_space<semaphore_mem>>
    tpu.enqueue_indirect_dma source(%dma_start3A_593 : memref<100000x128xf32, #tpu.memory_space<hbm>>) target(%dma_start3A_588 : memref<64x128xf32, #tpu.memory_space<vmem>>) offsets(%dma_start3A_590 : memref<64xi32, #tpu.memory_space<vmem>>) semaphore(%dma_start3A_595 : memref<!tpu.dma_semaphore, #tpu.memory_space<semaphore_mem>>)
    %dma_wait3A_596 = arith.constant 8 : i32
    %dma_wait3A_597 = arith.constant 8 : i32
    %dma_wait3A_598 = arith.constant 0 : i32
    %dma_wait3A_599 = arith.constant 0 : i32
    %dma_wait3A_600 = tpu.memref_slice %arg6[%dma_wait3A_596, %dma_wait3A_598, %dma_wait3A_599] : memref<10x64x128xf32, #tpu.memory_space<vmem>> -> memref<1x64x128xf32, #tpu.memory_space<vmem>>
    %dma_wait3A_601 = tpu.memref_squeeze %dma_wait3A_600 : memref<1x64x128xf32, #tpu.memory_space<vmem>> -> memref<64x128xf32, #tpu.memory_space<vmem>>
    %dma_wait3A_602 = arith.constant 512 : i32
    %dma_wait3A_603 = tpu.memref_slice %arg5[%dma_wait3A_602] : memref<6400xi32, #tpu.memory_space<vmem>> -> memref<64xi32, #tpu.memory_space<vmem>>
    %dma_wait3A_604 = arith.constant 0 : i32
    %dma_wait3A_605 = arith.constant 0 : i32
    %dma_wait3A_606 = tpu.memref_slice %arg2[%dma_wait3A_604, %dma_wait3A_605] : memref<100000x128xf32, #tpu.memory_space<hbm>> -> memref<100000x128xf32, #tpu.memory_space<hbm>>
    %dma_wait3A_607 = tpu.memref_slice %arg7[%dma_wait3A_597] : memref<10x!tpu.dma_semaphore, #tpu.memory_space<semaphore_mem>> -> memref<1x!tpu.dma_semaphore, #tpu.memory_space<semaphore_mem>>
    %dma_wait3A_608 = tpu.memref_squeeze %dma_wait3A_607 : memref<1x!tpu.dma_semaphore, #tpu.memory_space<semaphore_mem>> -> memref<!tpu.dma_semaphore, #tpu.memory_space<semaphore_mem>>
    tpu.wait_indirect_dma semaphore(%dma_wait3A_608 : memref<!tpu.dma_semaphore, #tpu.memory_space<semaphore_mem>>) src(%dma_wait3A_606 : memref<100000x128xf32, #tpu.memory_space<hbm>>) dst(%dma_wait3A_601 : memref<64x128xf32, #tpu.memory_space<vmem>>)
    %add3A_609 = arith.constant 512 : i32
    %add3A_610 = arith.addi %mul3A_2, %add3A_609 : i32
    %dma_start3A_611 = arith.constant 8 : i32
    %dma_start3A_612 = arith.constant 8 : i32
    %dma_start3A_613 = arith.constant 0 : i32
    %dma_start3A_614 = arith.constant 0 : i32
    %dma_start3A_615 = tpu.memref_slice %arg6[%dma_start3A_611, %dma_start3A_613, %dma_start3A_614] : memref<10x64x128xf32, #tpu.memory_space<vmem>> -> memref<1x64x128xf32, #tpu.memory_space<vmem>>
    %dma_start3A_616 = tpu.memref_squeeze %dma_start3A_615 : memref<1x64x128xf32, #tpu.memory_space<vmem>> -> memref<64x128xf32, #tpu.memory_space<vmem>>
    %dma_start3A_617 = arith.constant 0 : i32
    %dma_start3A_618 = tpu.memref_slice %arg4[%add3A_610, %dma_start3A_617] : memref<204800x128xf32, #tpu.memory_space<hbm>> -> memref<64x128xf32, #tpu.memory_space<hbm>>
    %dma_start3A_619 = tpu.memref_slice %arg8[%dma_start3A_612] : memref<10x!tpu.dma_semaphore, #tpu.memory_space<semaphore_mem>> -> memref<1x!tpu.dma_semaphore, #tpu.memory_space<semaphore_mem>>
    %dma_start3A_620 = tpu.memref_squeeze %dma_start3A_619 : memref<1x!tpu.dma_semaphore, #tpu.memory_space<semaphore_mem>> -> memref<!tpu.dma_semaphore, #tpu.memory_space<semaphore_mem>>
    %dma_start3A_621 = arith.constant 0 : i32
    %dma_start3A_622 = tpu.memref_slice %arg4[%add3A_610, %dma_start3A_621] : memref<204800x128xf32, #tpu.memory_space<hbm>> -> memref<64x128xf32, #tpu.memory_space<hbm>>
    %dma_start3A_623 = arith.constant 0 : i32
    %dma_start3A_624 = arith.constant 0 : i32
    %dma_start3A_625 = tpu.memref_slice %arg6[%dma_start3A_611, %dma_start3A_623, %dma_start3A_624] : memref<10x64x128xf32, #tpu.memory_space<vmem>> -> memref<1x64x128xf32, #tpu.memory_space<vmem>>
    %dma_start3A_626 = tpu.memref_squeeze %dma_start3A_625 : memref<1x64x128xf32, #tpu.memory_space<vmem>> -> memref<64x128xf32, #tpu.memory_space<vmem>>
    tpu.enqueue_dma source(%dma_start3A_626 : memref<64x128xf32, #tpu.memory_space<vmem>>) target(%dma_start3A_622 : memref<64x128xf32, #tpu.memory_space<hbm>>) target_semaphore(%dma_start3A_620 : memref<!tpu.dma_semaphore, #tpu.memory_space<semaphore_mem>>)
    %add3A_627 = arith.constant 448 : i32
    %add3A_628 = arith.addi %mul3A_2, %add3A_627 : i32
    %dma_wait3A_629 = arith.constant 7 : i32
    %dma_wait3A_630 = arith.constant 7 : i32
    %dma_wait3A_631 = arith.constant 0 : i32
    %dma_wait3A_632 = arith.constant 0 : i32
    %dma_wait3A_633 = tpu.memref_slice %arg6[%dma_wait3A_629, %dma_wait3A_631, %dma_wait3A_632] : memref<10x64x128xf32, #tpu.memory_space<vmem>> -> memref<1x64x128xf32, #tpu.memory_space<vmem>>
    %dma_wait3A_634 = tpu.memref_squeeze %dma_wait3A_633 : memref<1x64x128xf32, #tpu.memory_space<vmem>> -> memref<64x128xf32, #tpu.memory_space<vmem>>
    %dma_wait3A_635 = arith.constant 0 : i32
    %dma_wait3A_636 = tpu.memref_slice %arg4[%add3A_628, %dma_wait3A_635] : memref<204800x128xf32, #tpu.memory_space<hbm>> -> memref<64x128xf32, #tpu.memory_space<hbm>>
    %dma_wait3A_637 = tpu.memref_slice %arg8[%dma_wait3A_630] : memref<10x!tpu.dma_semaphore, #tpu.memory_space<semaphore_mem>> -> memref<1x!tpu.dma_semaphore, #tpu.memory_space<semaphore_mem>>
    %dma_wait3A_638 = tpu.memref_squeeze %dma_wait3A_637 : memref<1x!tpu.dma_semaphore, #tpu.memory_space<semaphore_mem>> -> memref<!tpu.dma_semaphore, #tpu.memory_space<semaphore_mem>>
    %dma_wait3A_639 = arith.constant 0 : i32
    %dma_wait3A_640 = tpu.memref_slice %arg4[%add3A_628, %dma_wait3A_639] : memref<204800x128xf32, #tpu.memory_space<hbm>> -> memref<64x128xf32, #tpu.memory_space<hbm>>
    %dma_wait3A_641 = arith.constant 0 : i32
    %dma_wait3A_642 = arith.constant 0 : i32
    %dma_wait3A_643 = tpu.memref_slice %arg6[%dma_wait3A_629, %dma_wait3A_641, %dma_wait3A_642] : memref<10x64x128xf32, #tpu.memory_space<vmem>> -> memref<1x64x128xf32, #tpu.memory_space<vmem>>
    %dma_wait3A_644 = tpu.memref_squeeze %dma_wait3A_643 : memref<1x64x128xf32, #tpu.memory_space<vmem>> -> memref<64x128xf32, #tpu.memory_space<vmem>>
    tpu.wait_dma2 semaphore(%dma_wait3A_638 : memref<!tpu.dma_semaphore, #tpu.memory_space<semaphore_mem>>) src(%dma_wait3A_644 : memref<64x128xf32, #tpu.memory_space<vmem>>) dst(%dma_wait3A_640 : memref<64x128xf32, #tpu.memory_space<hbm>>)
    %dma_start3A_645 = arith.constant 7 : i32
    %dma_start3A_646 = arith.constant 7 : i32
    %dma_start3A_647 = arith.constant 0 : i32
    %dma_start3A_648 = arith.constant 0 : i32
    %dma_start3A_649 = tpu.memref_slice %arg6[%dma_start3A_645, %dma_start3A_647, %dma_start3A_648] : memref<10x64x128xf32, #tpu.memory_space<vmem>> -> memref<1x64x128xf32, #tpu.memory_space<vmem>>
    %dma_start3A_650 = tpu.memref_squeeze %dma_start3A_649 : memref<1x64x128xf32, #tpu.memory_space<vmem>> -> memref<64x128xf32, #tpu.memory_space<vmem>>
    %dma_start3A_651 = arith.constant 1088 : i32
    %dma_start3A_652 = tpu.memref_slice %arg5[%dma_start3A_651] : memref<6400xi32, #tpu.memory_space<vmem>> -> memref<64xi32, #tpu.memory_space<vmem>>
    %dma_start3A_653 = arith.constant 0 : i32
    %dma_start3A_654 = arith.constant 0 : i32
    %dma_start3A_655 = tpu.memref_slice %arg2[%dma_start3A_653, %dma_start3A_654] : memref<100000x128xf32, #tpu.memory_space<hbm>> -> memref<100000x128xf32, #tpu.memory_space<hbm>>
    %dma_start3A_656 = tpu.memref_slice %arg7[%dma_start3A_646] : memref<10x!tpu.dma_semaphore, #tpu.memory_space<semaphore_mem>> -> memref<1x!tpu.dma_semaphore, #tpu.memory_space<semaphore_mem>>
    %dma_start3A_657 = tpu.memref_squeeze %dma_start3A_656 : memref<1x!tpu.dma_semaphore, #tpu.memory_space<semaphore_mem>> -> memref<!tpu.dma_semaphore, #tpu.memory_space<semaphore_mem>>
    tpu.enqueue_indirect_dma source(%dma_start3A_655 : memref<100000x128xf32, #tpu.memory_space<hbm>>) target(%dma_start3A_650 : memref<64x128xf32, #tpu.memory_space<vmem>>) offsets(%dma_start3A_652 : memref<64xi32, #tpu.memory_space<vmem>>) semaphore(%dma_start3A_657 : memref<!tpu.dma_semaphore, #tpu.memory_space<semaphore_mem>>)
    %dma_wait3A_658 = arith.constant 9 : i32
    %dma_wait3A_659 = arith.constant 9 : i32
    %dma_wait3A_660 = arith.constant 0 : i32
    %dma_wait3A_661 = arith.constant 0 : i32
    %dma_wait3A_662 = tpu.memref_slice %arg6[%dma_wait3A_658, %dma_wait3A_660, %dma_wait3A_661] : memref<10x64x128xf32, #tpu.memory_space<vmem>> -> memref<1x64x128xf32, #tpu.memory_space<vmem>>
    %dma_wait3A_663 = tpu.memref_squeeze %dma_wait3A_662 : memref<1x64x128xf32, #tpu.memory_space<vmem>> -> memref<64x128xf32, #tpu.memory_space<vmem>>
    %dma_wait3A_664 = arith.constant 576 : i32
    %dma_wait3A_665 = tpu.memref_slice %arg5[%dma_wait3A_664] : memref<6400xi32, #tpu.memory_space<vmem>> -> memref<64xi32, #tpu.memory_space<vmem>>
    %dma_wait3A_666 = arith.constant 0 : i32
    %dma_wait3A_667 = arith.constant 0 : i32
    %dma_wait3A_668 = tpu.memref_slice %arg2[%dma_wait3A_666, %dma_wait3A_667] : memref<100000x128xf32, #tpu.memory_space<hbm>> -> memref<100000x128xf32, #tpu.memory_space<hbm>>
    %dma_wait3A_669 = tpu.memref_slice %arg7[%dma_wait3A_659] : memref<10x!tpu.dma_semaphore, #tpu.memory_space<semaphore_mem>> -> memref<1x!tpu.dma_semaphore, #tpu.memory_space<semaphore_mem>>
    %dma_wait3A_670 = tpu.memref_squeeze %dma_wait3A_669 : memref<1x!tpu.dma_semaphore, #tpu.memory_space<semaphore_mem>> -> memref<!tpu.dma_semaphore, #tpu.memory_space<semaphore_mem>>
    tpu.wait_indirect_dma semaphore(%dma_wait3A_670 : memref<!tpu.dma_semaphore, #tpu.memory_space<semaphore_mem>>) src(%dma_wait3A_668 : memref<100000x128xf32, #tpu.memory_space<hbm>>) dst(%dma_wait3A_663 : memref<64x128xf32, #tpu.memory_space<vmem>>)
    %add3A_671 = arith.constant 576 : i32
    %add3A_672 = arith.addi %mul3A_2, %add3A_671 : i32
    %dma_start3A_673 = arith.constant 9 : i32
    %dma_start3A_674 = arith.constant 9 : i32
    %dma_start3A_675 = arith.constant 0 : i32
    %dma_start3A_676 = arith.constant 0 : i32
    %dma_start3A_677 = tpu.memref_slice %arg6[%dma_start3A_673, %dma_start3A_675, %dma_start3A_676] : memref<10x64x128xf32, #tpu.memory_space<vmem>> -> memref<1x64x128xf32, #tpu.memory_space<vmem>>
    %dma_start3A_678 = tpu.memref_squeeze %dma_start3A_677 : memref<1x64x128xf32, #tpu.memory_space<vmem>> -> memref<64x128xf32, #tpu.memory_space<vmem>>
    %dma_start3A_679 = arith.constant 0 : i32
    %dma_start3A_680 = tpu.memref_slice %arg4[%add3A_672, %dma_start3A_679] : memref<204800x128xf32, #tpu.memory_space<hbm>> -> memref<64x128xf32, #tpu.memory_space<hbm>>
    %dma_start3A_681 = tpu.memref_slice %arg8[%dma_start3A_674] : memref<10x!tpu.dma_semaphore, #tpu.memory_space<semaphore_mem>> -> memref<1x!tpu.dma_semaphore, #tpu.memory_space<semaphore_mem>>
    %dma_start3A_682 = tpu.memref_squeeze %dma_start3A_681 : memref<1x!tpu.dma_semaphore, #tpu.memory_space<semaphore_mem>> -> memref<!tpu.dma_semaphore, #tpu.memory_space<semaphore_mem>>
    %dma_start3A_683 = arith.constant 0 : i32
    %dma_start3A_684 = tpu.memref_slice %arg4[%add3A_672, %dma_start3A_683] : memref<204800x128xf32, #tpu.memory_space<hbm>> -> memref<64x128xf32, #tpu.memory_space<hbm>>
    %dma_start3A_685 = arith.constant 0 : i32
    %dma_start3A_686 = arith.constant 0 : i32
    %dma_start3A_687 = tpu.memref_slice %arg6[%dma_start3A_673, %dma_start3A_685, %dma_start3A_686] : memref<10x64x128xf32, #tpu.memory_space<vmem>> -> memref<1x64x128xf32, #tpu.memory_space<vmem>>
    %dma_start3A_688 = tpu.memref_squeeze %dma_start3A_687 : memref<1x64x128xf32, #tpu.memory_space<vmem>> -> memref<64x128xf32, #tpu.memory_space<vmem>>
    tpu.enqueue_dma source(%dma_start3A_688 : memref<64x128xf32, #tpu.memory_space<vmem>>) target(%dma_start3A_684 : memref<64x128xf32, #tpu.memory_space<hbm>>) target_semaphore(%dma_start3A_682 : memref<!tpu.dma_semaphore, #tpu.memory_space<semaphore_mem>>)
    %scan3A = arith.constant 0 : i32
    %scan3A_689 = arith.constant 1 : i32
    %scan3A_690 = arith.constant 8 : i32
    %scan3A_691 = arith.addi %scan3A_689, %scan3A_690 : i32
    %scan3A_692 = arith.constant 1 : i32
    scf.for %scan3A_1246 = %scan3A_689 to %scan3A_691 step %scan3A_692  : i32 {
      %mul3A_1247 = arith.constant 10 : i32
      %mul3A_1248 = arith.muli %scan3A_1246, %mul3A_1247 : i32
      %add3A_1249 = arith.constant 0 : i32
      %add3A_1250 = arith.addi %mul3A_1248, %add3A_1249 : i32
      %add3A_1251 = arith.constant 8 : i32
      %add3A_1252 = arith.addi %add3A_1250, %add3A_1251 : i32
      %sub3A = arith.constant 10 : i32
      %sub3A_1253 = arith.subi %add3A_1252, %sub3A : i32
      %mul3A_1254 = arith.constant 64 : i32
      %mul3A_1255 = arith.muli %sub3A_1253, %mul3A_1254 : i32
      %add3A_1256 = arith.addi %mul3A_2, %mul3A_1255 : i32
      %dma_wait3A_1257 = arith.constant 8 : i32
      %dma_wait3A_1258 = arith.constant 8 : i32
      %dma_wait3A_1259 = arith.constant 0 : i32
      %dma_wait3A_1260 = arith.constant 0 : i32
      %dma_wait3A_1261 = tpu.memref_slice %arg6[%dma_wait3A_1257, %dma_wait3A_1259, %dma_wait3A_1260] : memref<10x64x128xf32, #tpu.memory_space<vmem>> -> memref<1x64x128xf32, #tpu.memory_space<vmem>>
      %dma_wait3A_1262 = tpu.memref_squeeze %dma_wait3A_1261 : memref<1x64x128xf32, #tpu.memory_space<vmem>> -> memref<64x128xf32, #tpu.memory_space<vmem>>
      %dma_wait3A_1263 = arith.constant 0 : i32
      %dma_wait3A_1264 = tpu.memref_slice %arg4[%add3A_1256, %dma_wait3A_1263] : memref<204800x128xf32, #tpu.memory_space<hbm>> -> memref<64x128xf32, #tpu.memory_space<hbm>>
      %dma_wait3A_1265 = tpu.memref_slice %arg8[%dma_wait3A_1258] : memref<10x!tpu.dma_semaphore, #tpu.memory_space<semaphore_mem>> -> memref<1x!tpu.dma_semaphore, #tpu.memory_space<semaphore_mem>>
      %dma_wait3A_1266 = tpu.memref_squeeze %dma_wait3A_1265 : memref<1x!tpu.dma_semaphore, #tpu.memory_space<semaphore_mem>> -> memref<!tpu.dma_semaphore, #tpu.memory_space<semaphore_mem>>
      %dma_wait3A_1267 = arith.constant 0 : i32
      %dma_wait3A_1268 = tpu.memref_slice %arg4[%add3A_1256, %dma_wait3A_1267] : memref<204800x128xf32, #tpu.memory_space<hbm>> -> memref<64x128xf32, #tpu.memory_space<hbm>>
      %dma_wait3A_1269 = arith.constant 0 : i32
      %dma_wait3A_1270 = arith.constant 0 : i32
      %dma_wait3A_1271 = tpu.memref_slice %arg6[%dma_wait3A_1257, %dma_wait3A_1269, %dma_wait3A_1270] : memref<10x64x128xf32, #tpu.memory_space<vmem>> -> memref<1x64x128xf32, #tpu.memory_space<vmem>>
      %dma_wait3A_1272 = tpu.memref_squeeze %dma_wait3A_1271 : memref<1x64x128xf32, #tpu.memory_space<vmem>> -> memref<64x128xf32, #tpu.memory_space<vmem>>
      tpu.wait_dma2 semaphore(%dma_wait3A_1266 : memref<!tpu.dma_semaphore, #tpu.memory_space<semaphore_mem>>) src(%dma_wait3A_1272 : memref<64x128xf32, #tpu.memory_space<vmem>>) dst(%dma_wait3A_1268 : memref<64x128xf32, #tpu.memory_space<hbm>>)
      %mul3A_1273 = arith.constant 64 : i32
      %mul3A_1274 = arith.muli %add3A_1252, %mul3A_1273 : i32
      %dma_start3A_1275 = arith.constant 8 : i32
      %dma_start3A_1276 = arith.constant 8 : i32
      %dma_start3A_1277 = arith.constant 0 : i32
      %dma_start3A_1278 = arith.constant 0 : i32
      %dma_start3A_1279 = tpu.memref_slice %arg6[%dma_start3A_1275, %dma_start3A_1277, %dma_start3A_1278] : memref<10x64x128xf32, #tpu.memory_space<vmem>> -> memref<1x64x128xf32, #tpu.memory_space<vmem>>
      %dma_start3A_1280 = tpu.memref_squeeze %dma_start3A_1279 : memref<1x64x128xf32, #tpu.memory_space<vmem>> -> memref<64x128xf32, #tpu.memory_space<vmem>>
      %dma_start3A_1281 = tpu.memref_slice %arg5[%mul3A_1274] : memref<6400xi32, #tpu.memory_space<vmem>> -> memref<64xi32, #tpu.memory_space<vmem>>
      %dma_start3A_1282 = arith.constant 0 : i32
      %dma_start3A_1283 = arith.constant 0 : i32
      %dma_start3A_1284 = tpu.memref_slice %arg2[%dma_start3A_1282, %dma_start3A_1283] : memref<100000x128xf32, #tpu.memory_space<hbm>> -> memref<100000x128xf32, #tpu.memory_space<hbm>>
      %dma_start3A_1285 = tpu.memref_slice %arg7[%dma_start3A_1276] : memref<10x!tpu.dma_semaphore, #tpu.memory_space<semaphore_mem>> -> memref<1x!tpu.dma_semaphore, #tpu.memory_space<semaphore_mem>>
      %dma_start3A_1286 = tpu.memref_squeeze %dma_start3A_1285 : memref<1x!tpu.dma_semaphore, #tpu.memory_space<semaphore_mem>> -> memref<!tpu.dma_semaphore, #tpu.memory_space<semaphore_mem>>
      tpu.enqueue_indirect_dma source(%dma_start3A_1284 : memref<100000x128xf32, #tpu.memory_space<hbm>>) target(%dma_start3A_1280 : memref<64x128xf32, #tpu.memory_space<vmem>>) offsets(%dma_start3A_1281 : memref<64xi32, #tpu.memory_space<vmem>>) semaphore(%dma_start3A_1286 : memref<!tpu.dma_semaphore, #tpu.memory_space<semaphore_mem>>)
      %mul3A_1287 = arith.constant 64 : i32
      %mul3A_1288 = arith.muli %add3A_1250, %mul3A_1287 : i32
      %dma_wait3A_1289 = arith.constant 0 : i32
      %dma_wait3A_1290 = arith.constant 0 : i32
      %dma_wait3A_1291 = arith.constant 0 : i32
      %dma_wait3A_1292 = arith.constant 0 : i32
      %dma_wait3A_1293 = tpu.memref_slice %arg6[%dma_wait3A_1289, %dma_wait3A_1291, %dma_wait3A_1292] : memref<10x64x128xf32, #tpu.memory_space<vmem>> -> memref<1x64x128xf32, #tpu.memory_space<vmem>>
      %dma_wait3A_1294 = tpu.memref_squeeze %dma_wait3A_1293 : memref<1x64x128xf32, #tpu.memory_space<vmem>> -> memref<64x128xf32, #tpu.memory_space<vmem>>
      %dma_wait3A_1295 = tpu.memref_slice %arg5[%mul3A_1288] : memref<6400xi32, #tpu.memory_space<vmem>> -> memref<64xi32, #tpu.memory_space<vmem>>
      %dma_wait3A_1296 = arith.constant 0 : i32
      %dma_wait3A_1297 = arith.constant 0 : i32
      %dma_wait3A_1298 = tpu.memref_slice %arg2[%dma_wait3A_1296, %dma_wait3A_1297] : memref<100000x128xf32, #tpu.memory_space<hbm>> -> memref<100000x128xf32, #tpu.memory_space<hbm>>
      %dma_wait3A_1299 = tpu.memref_slice %arg7[%dma_wait3A_1290] : memref<10x!tpu.dma_semaphore, #tpu.memory_space<semaphore_mem>> -> memref<1x!tpu.dma_semaphore, #tpu.memory_space<semaphore_mem>>
      %dma_wait3A_1300 = tpu.memref_squeeze %dma_wait3A_1299 : memref<1x!tpu.dma_semaphore, #tpu.memory_space<semaphore_mem>> -> memref<!tpu.dma_semaphore, #tpu.memory_space<semaphore_mem>>
      tpu.wait_indirect_dma semaphore(%dma_wait3A_1300 : memref<!tpu.dma_semaphore, #tpu.memory_space<semaphore_mem>>) src(%dma_wait3A_1298 : memref<100000x128xf32, #tpu.memory_space<hbm>>) dst(%dma_wait3A_1294 : memref<64x128xf32, #tpu.memory_space<vmem>>)
      %mul3A_1301 = arith.constant 64 : i32
      %mul3A_1302 = arith.muli %add3A_1250, %mul3A_1301 : i32
      %add3A_1303 = arith.addi %mul3A_2, %mul3A_1302 : i32
      %dma_start3A_1304 = arith.constant 0 : i32
      %dma_start3A_1305 = arith.constant 0 : i32
      %dma_start3A_1306 = arith.constant 0 : i32
      %dma_start3A_1307 = arith.constant 0 : i32
      %dma_start3A_1308 = tpu.memref_slice %arg6[%dma_start3A_1304, %dma_start3A_1306, %dma_start3A_1307] : memref<10x64x128xf32, #tpu.memory_space<vmem>> -> memref<1x64x128xf32, #tpu.memory_space<vmem>>
      %dma_start3A_1309 = tpu.memref_squeeze %dma_start3A_1308 : memref<1x64x128xf32, #tpu.memory_space<vmem>> -> memref<64x128xf32, #tpu.memory_space<vmem>>
      %dma_start3A_1310 = arith.constant 0 : i32
      %dma_start3A_1311 = tpu.memref_slice %arg4[%add3A_1303, %dma_start3A_1310] : memref<204800x128xf32, #tpu.memory_space<hbm>> -> memref<64x128xf32, #tpu.memory_space<hbm>>
      %dma_start3A_1312 = tpu.memref_slice %arg8[%dma_start3A_1305] : memref<10x!tpu.dma_semaphore, #tpu.memory_space<semaphore_mem>> -> memref<1x!tpu.dma_semaphore, #tpu.memory_space<semaphore_mem>>
      %dma_start3A_1313 = tpu.memref_squeeze %dma_start3A_1312 : memref<1x!tpu.dma_semaphore, #tpu.memory_space<semaphore_mem>> -> memref<!tpu.dma_semaphore, #tpu.memory_space<semaphore_mem>>
      %dma_start3A_1314 = arith.constant 0 : i32
      %dma_start3A_1315 = tpu.memref_slice %arg4[%add3A_1303, %dma_start3A_1314] : memref<204800x128xf32, #tpu.memory_space<hbm>> -> memref<64x128xf32, #tpu.memory_space<hbm>>
      %dma_start3A_1316 = arith.constant 0 : i32
      %dma_start3A_1317 = arith.constant 0 : i32
      %dma_start3A_1318 = tpu.memref_slice %arg6[%dma_start3A_1304, %dma_start3A_1316, %dma_start3A_1317] : memref<10x64x128xf32, #tpu.memory_space<vmem>> -> memref<1x64x128xf32, #tpu.memory_space<vmem>>
      %dma_start3A_1319 = tpu.memref_squeeze %dma_start3A_1318 : memref<1x64x128xf32, #tpu.memory_space<vmem>> -> memref<64x128xf32, #tpu.memory_space<vmem>>
      tpu.enqueue_dma source(%dma_start3A_1319 : memref<64x128xf32, #tpu.memory_space<vmem>>) target(%dma_start3A_1315 : memref<64x128xf32, #tpu.memory_space<hbm>>) target_semaphore(%dma_start3A_1313 : memref<!tpu.dma_semaphore, #tpu.memory_space<semaphore_mem>>)
      %mul3A_1320 = arith.constant 10 : i32
      %mul3A_1321 = arith.muli %scan3A_1246, %mul3A_1320 : i32
      %add3A_1322 = arith.constant 1 : i32
      %add3A_1323 = arith.addi %mul3A_1321, %add3A_1322 : i32
      %add3A_1324 = arith.constant 8 : i32
      %add3A_1325 = arith.addi %add3A_1323, %add3A_1324 : i32
      %sub3A_1326 = arith.constant 10 : i32
      %sub3A_1327 = arith.subi %add3A_1325, %sub3A_1326 : i32
      %mul3A_1328 = arith.constant 64 : i32
      %mul3A_1329 = arith.muli %sub3A_1327, %mul3A_1328 : i32
      %add3A_1330 = arith.addi %mul3A_2, %mul3A_1329 : i32
      %dma_wait3A_1331 = arith.constant 9 : i32
      %dma_wait3A_1332 = arith.constant 9 : i32
      %dma_wait3A_1333 = arith.constant 0 : i32
      %dma_wait3A_1334 = arith.constant 0 : i32
      %dma_wait3A_1335 = tpu.memref_slice %arg6[%dma_wait3A_1331, %dma_wait3A_1333, %dma_wait3A_1334] : memref<10x64x128xf32, #tpu.memory_space<vmem>> -> memref<1x64x128xf32, #tpu.memory_space<vmem>>
      %dma_wait3A_1336 = tpu.memref_squeeze %dma_wait3A_1335 : memref<1x64x128xf32, #tpu.memory_space<vmem>> -> memref<64x128xf32, #tpu.memory_space<vmem>>
      %dma_wait3A_1337 = arith.constant 0 : i32
      %dma_wait3A_1338 = tpu.memref_slice %arg4[%add3A_1330, %dma_wait3A_1337] : memref<204800x128xf32, #tpu.memory_space<hbm>> -> memref<64x128xf32, #tpu.memory_space<hbm>>
      %dma_wait3A_1339 = tpu.memref_slice %arg8[%dma_wait3A_1332] : memref<10x!tpu.dma_semaphore, #tpu.memory_space<semaphore_mem>> -> memref<1x!tpu.dma_semaphore, #tpu.memory_space<semaphore_mem>>
      %dma_wait3A_1340 = tpu.memref_squeeze %dma_wait3A_1339 : memref<1x!tpu.dma_semaphore, #tpu.memory_space<semaphore_mem>> -> memref<!tpu.dma_semaphore, #tpu.memory_space<semaphore_mem>>
      %dma_wait3A_1341 = arith.constant 0 : i32
      %dma_wait3A_1342 = tpu.memref_slice %arg4[%add3A_1330, %dma_wait3A_1341] : memref<204800x128xf32, #tpu.memory_space<hbm>> -> memref<64x128xf32, #tpu.memory_space<hbm>>
      %dma_wait3A_1343 = arith.constant 0 : i32
      %dma_wait3A_1344 = arith.constant 0 : i32
      %dma_wait3A_1345 = tpu.memref_slice %arg6[%dma_wait3A_1331, %dma_wait3A_1343, %dma_wait3A_1344] : memref<10x64x128xf32, #tpu.memory_space<vmem>> -> memref<1x64x128xf32, #tpu.memory_space<vmem>>
      %dma_wait3A_1346 = tpu.memref_squeeze %dma_wait3A_1345 : memref<1x64x128xf32, #tpu.memory_space<vmem>> -> memref<64x128xf32, #tpu.memory_space<vmem>>
      tpu.wait_dma2 semaphore(%dma_wait3A_1340 : memref<!tpu.dma_semaphore, #tpu.memory_space<semaphore_mem>>) src(%dma_wait3A_1346 : memref<64x128xf32, #tpu.memory_space<vmem>>) dst(%dma_wait3A_1342 : memref<64x128xf32, #tpu.memory_space<hbm>>)
      %mul3A_1347 = arith.constant 64 : i32
      %mul3A_1348 = arith.muli %add3A_1325, %mul3A_1347 : i32
      %dma_start3A_1349 = arith.constant 9 : i32
      %dma_start3A_1350 = arith.constant 9 : i32
      %dma_start3A_1351 = arith.constant 0 : i32
      %dma_start3A_1352 = arith.constant 0 : i32
      %dma_start3A_1353 = tpu.memref_slice %arg6[%dma_start3A_1349, %dma_start3A_1351, %dma_start3A_1352] : memref<10x64x128xf32, #tpu.memory_space<vmem>> -> memref<1x64x128xf32, #tpu.memory_space<vmem>>
      %dma_start3A_1354 = tpu.memref_squeeze %dma_start3A_1353 : memref<1x64x128xf32, #tpu.memory_space<vmem>> -> memref<64x128xf32, #tpu.memory_space<vmem>>
      %dma_start3A_1355 = tpu.memref_slice %arg5[%mul3A_1348] : memref<6400xi32, #tpu.memory_space<vmem>> -> memref<64xi32, #tpu.memory_space<vmem>>
      %dma_start3A_1356 = arith.constant 0 : i32
      %dma_start3A_1357 = arith.constant 0 : i32
      %dma_start3A_1358 = tpu.memref_slice %arg2[%dma_start3A_1356, %dma_start3A_1357] : memref<100000x128xf32, #tpu.memory_space<hbm>> -> memref<100000x128xf32, #tpu.memory_space<hbm>>
      %dma_start3A_1359 = tpu.memref_slice %arg7[%dma_start3A_1350] : memref<10x!tpu.dma_semaphore, #tpu.memory_space<semaphore_mem>> -> memref<1x!tpu.dma_semaphore, #tpu.memory_space<semaphore_mem>>
      %dma_start3A_1360 = tpu.memref_squeeze %dma_start3A_1359 : memref<1x!tpu.dma_semaphore, #tpu.memory_space<semaphore_mem>> -> memref<!tpu.dma_semaphore, #tpu.memory_space<semaphore_mem>>
      tpu.enqueue_indirect_dma source(%dma_start3A_1358 : memref<100000x128xf32, #tpu.memory_space<hbm>>) target(%dma_start3A_1354 : memref<64x128xf32, #tpu.memory_space<vmem>>) offsets(%dma_start3A_1355 : memref<64xi32, #tpu.memory_space<vmem>>) semaphore(%dma_start3A_1360 : memref<!tpu.dma_semaphore, #tpu.memory_space<semaphore_mem>>)
      %mul3A_1361 = arith.constant 64 : i32
      %mul3A_1362 = arith.muli %add3A_1323, %mul3A_1361 : i32
      %dma_wait3A_1363 = arith.constant 1 : i32
      %dma_wait3A_1364 = arith.constant 1 : i32
      %dma_wait3A_1365 = arith.constant 0 : i32
      %dma_wait3A_1366 = arith.constant 0 : i32
      %dma_wait3A_1367 = tpu.memref_slice %arg6[%dma_wait3A_1363, %dma_wait3A_1365, %dma_wait3A_1366] : memref<10x64x128xf32, #tpu.memory_space<vmem>> -> memref<1x64x128xf32, #tpu.memory_space<vmem>>
      %dma_wait3A_1368 = tpu.memref_squeeze %dma_wait3A_1367 : memref<1x64x128xf32, #tpu.memory_space<vmem>> -> memref<64x128xf32, #tpu.memory_space<vmem>>
      %dma_wait3A_1369 = tpu.memref_slice %arg5[%mul3A_1362] : memref<6400xi32, #tpu.memory_space<vmem>> -> memref<64xi32, #tpu.memory_space<vmem>>
      %dma_wait3A_1370 = arith.constant 0 : i32
      %dma_wait3A_1371 = arith.constant 0 : i32
      %dma_wait3A_1372 = tpu.memref_slice %arg2[%dma_wait3A_1370, %dma_wait3A_1371] : memref<100000x128xf32, #tpu.memory_space<hbm>> -> memref<100000x128xf32, #tpu.memory_space<hbm>>
      %dma_wait3A_1373 = tpu.memref_slice %arg7[%dma_wait3A_1364] : memref<10x!tpu.dma_semaphore, #tpu.memory_space<semaphore_mem>> -> memref<1x!tpu.dma_semaphore, #tpu.memory_space<semaphore_mem>>
      %dma_wait3A_1374 = tpu.memref_squeeze %dma_wait3A_1373 : memref<1x!tpu.dma_semaphore, #tpu.memory_space<semaphore_mem>> -> memref<!tpu.dma_semaphore, #tpu.memory_space<semaphore_mem>>
      tpu.wait_indirect_dma semaphore(%dma_wait3A_1374 : memref<!tpu.dma_semaphore, #tpu.memory_space<semaphore_mem>>) src(%dma_wait3A_1372 : memref<100000x128xf32, #tpu.memory_space<hbm>>) dst(%dma_wait3A_1368 : memref<64x128xf32, #tpu.memory_space<vmem>>)
      %mul3A_1375 = arith.constant 64 : i32
      %mul3A_1376 = arith.muli %add3A_1323, %mul3A_1375 : i32
      %add3A_1377 = arith.addi %mul3A_2, %mul3A_1376 : i32
      %dma_start3A_1378 = arith.constant 1 : i32
      %dma_start3A_1379 = arith.constant 1 : i32
      %dma_start3A_1380 = arith.constant 0 : i32
      %dma_start3A_1381 = arith.constant 0 : i32
      %dma_start3A_1382 = tpu.memref_slice %arg6[%dma_start3A_1378, %dma_start3A_1380, %dma_start3A_1381] : memref<10x64x128xf32, #tpu.memory_space<vmem>> -> memref<1x64x128xf32, #tpu.memory_space<vmem>>
      %dma_start3A_1383 = tpu.memref_squeeze %dma_start3A_1382 : memref<1x64x128xf32, #tpu.memory_space<vmem>> -> memref<64x128xf32, #tpu.memory_space<vmem>>
      %dma_start3A_1384 = arith.constant 0 : i32
      %dma_start3A_1385 = tpu.memref_slice %arg4[%add3A_1377, %dma_start3A_1384] : memref<204800x128xf32, #tpu.memory_space<hbm>> -> memref<64x128xf32, #tpu.memory_space<hbm>>
      %dma_start3A_1386 = tpu.memref_slice %arg8[%dma_start3A_1379] : memref<10x!tpu.dma_semaphore, #tpu.memory_space<semaphore_mem>> -> memref<1x!tpu.dma_semaphore, #tpu.memory_space<semaphore_mem>>
      %dma_start3A_1387 = tpu.memref_squeeze %dma_start3A_1386 : memref<1x!tpu.dma_semaphore, #tpu.memory_space<semaphore_mem>> -> memref<!tpu.dma_semaphore, #tpu.memory_space<semaphore_mem>>
      %dma_start3A_1388 = arith.constant 0 : i32
      %dma_start3A_1389 = tpu.memref_slice %arg4[%add3A_1377, %dma_start3A_1388] : memref<204800x128xf32, #tpu.memory_space<hbm>> -> memref<64x128xf32, #tpu.memory_space<hbm>>
      %dma_start3A_1390 = arith.constant 0 : i32
      %dma_start3A_1391 = arith.constant 0 : i32
      %dma_start3A_1392 = tpu.memref_slice %arg6[%dma_start3A_1378, %dma_start3A_1390, %dma_start3A_1391] : memref<10x64x128xf32, #tpu.memory_space<vmem>> -> memref<1x64x128xf32, #tpu.memory_space<vmem>>
      %dma_start3A_1393 = tpu.memref_squeeze %dma_start3A_1392 : memref<1x64x128xf32, #tpu.memory_space<vmem>> -> memref<64x128xf32, #tpu.memory_space<vmem>>
      tpu.enqueue_dma source(%dma_start3A_1393 : memref<64x128xf32, #tpu.memory_space<vmem>>) target(%dma_start3A_1389 : memref<64x128xf32, #tpu.memory_space<hbm>>) target_semaphore(%dma_start3A_1387 : memref<!tpu.dma_semaphore, #tpu.memory_space<semaphore_mem>>)
      %mul3A_1394 = arith.constant 10 : i32
      %mul3A_1395 = arith.muli %scan3A_1246, %mul3A_1394 : i32
      %add3A_1396 = arith.constant 2 : i32
      %add3A_1397 = arith.addi %mul3A_1395, %add3A_1396 : i32
      %add3A_1398 = arith.constant 8 : i32
      %add3A_1399 = arith.addi %add3A_1397, %add3A_1398 : i32
      %sub3A_1400 = arith.constant 10 : i32
      %sub3A_1401 = arith.subi %add3A_1399, %sub3A_1400 : i32
      %mul3A_1402 = arith.constant 64 : i32
      %mul3A_1403 = arith.muli %sub3A_1401, %mul3A_1402 : i32
      %add3A_1404 = arith.addi %mul3A_2, %mul3A_1403 : i32
      %dma_wait3A_1405 = arith.constant 0 : i32
      %dma_wait3A_1406 = arith.constant 0 : i32
      %dma_wait3A_1407 = arith.constant 0 : i32
      %dma_wait3A_1408 = arith.constant 0 : i32
      %dma_wait3A_1409 = tpu.memref_slice %arg6[%dma_wait3A_1405, %dma_wait3A_1407, %dma_wait3A_1408] : memref<10x64x128xf32, #tpu.memory_space<vmem>> -> memref<1x64x128xf32, #tpu.memory_space<vmem>>
      %dma_wait3A_1410 = tpu.memref_squeeze %dma_wait3A_1409 : memref<1x64x128xf32, #tpu.memory_space<vmem>> -> memref<64x128xf32, #tpu.memory_space<vmem>>
      %dma_wait3A_1411 = arith.constant 0 : i32
      %dma_wait3A_1412 = tpu.memref_slice %arg4[%add3A_1404, %dma_wait3A_1411] : memref<204800x128xf32, #tpu.memory_space<hbm>> -> memref<64x128xf32, #tpu.memory_space<hbm>>
      %dma_wait3A_1413 = tpu.memref_slice %arg8[%dma_wait3A_1406] : memref<10x!tpu.dma_semaphore, #tpu.memory_space<semaphore_mem>> -> memref<1x!tpu.dma_semaphore, #tpu.memory_space<semaphore_mem>>
      %dma_wait3A_1414 = tpu.memref_squeeze %dma_wait3A_1413 : memref<1x!tpu.dma_semaphore, #tpu.memory_space<semaphore_mem>> -> memref<!tpu.dma_semaphore, #tpu.memory_space<semaphore_mem>>
      %dma_wait3A_1415 = arith.constant 0 : i32
      %dma_wait3A_1416 = tpu.memref_slice %arg4[%add3A_1404, %dma_wait3A_1415] : memref<204800x128xf32, #tpu.memory_space<hbm>> -> memref<64x128xf32, #tpu.memory_space<hbm>>
      %dma_wait3A_1417 = arith.constant 0 : i32
      %dma_wait3A_1418 = arith.constant 0 : i32
      %dma_wait3A_1419 = tpu.memref_slice %arg6[%dma_wait3A_1405, %dma_wait3A_1417, %dma_wait3A_1418] : memref<10x64x128xf32, #tpu.memory_space<vmem>> -> memref<1x64x128xf32, #tpu.memory_space<vmem>>
      %dma_wait3A_1420 = tpu.memref_squeeze %dma_wait3A_1419 : memref<1x64x128xf32, #tpu.memory_space<vmem>> -> memref<64x128xf32, #tpu.memory_space<vmem>>
      tpu.wait_dma2 semaphore(%dma_wait3A_1414 : memref<!tpu.dma_semaphore, #tpu.memory_space<semaphore_mem>>) src(%dma_wait3A_1420 : memref<64x128xf32, #tpu.memory_space<vmem>>) dst(%dma_wait3A_1416 : memref<64x128xf32, #tpu.memory_space<hbm>>)
      %mul3A_1421 = arith.constant 64 : i32
      %mul3A_1422 = arith.muli %add3A_1399, %mul3A_1421 : i32
      %dma_start3A_1423 = arith.constant 0 : i32
      %dma_start3A_1424 = arith.constant 0 : i32
      %dma_start3A_1425 = arith.constant 0 : i32
      %dma_start3A_1426 = arith.constant 0 : i32
      %dma_start3A_1427 = tpu.memref_slice %arg6[%dma_start3A_1423, %dma_start3A_1425, %dma_start3A_1426] : memref<10x64x128xf32, #tpu.memory_space<vmem>> -> memref<1x64x128xf32, #tpu.memory_space<vmem>>
      %dma_start3A_1428 = tpu.memref_squeeze %dma_start3A_1427 : memref<1x64x128xf32, #tpu.memory_space<vmem>> -> memref<64x128xf32, #tpu.memory_space<vmem>>
      %dma_start3A_1429 = tpu.memref_slice %arg5[%mul3A_1422] : memref<6400xi32, #tpu.memory_space<vmem>> -> memref<64xi32, #tpu.memory_space<vmem>>
      %dma_start3A_1430 = arith.constant 0 : i32
      %dma_start3A_1431 = arith.constant 0 : i32
      %dma_start3A_1432 = tpu.memref_slice %arg2[%dma_start3A_1430, %dma_start3A_1431] : memref<100000x128xf32, #tpu.memory_space<hbm>> -> memref<100000x128xf32, #tpu.memory_space<hbm>>
      %dma_start3A_1433 = tpu.memref_slice %arg7[%dma_start3A_1424] : memref<10x!tpu.dma_semaphore, #tpu.memory_space<semaphore_mem>> -> memref<1x!tpu.dma_semaphore, #tpu.memory_space<semaphore_mem>>
      %dma_start3A_1434 = tpu.memref_squeeze %dma_start3A_1433 : memref<1x!tpu.dma_semaphore, #tpu.memory_space<semaphore_mem>> -> memref<!tpu.dma_semaphore, #tpu.memory_space<semaphore_mem>>
      tpu.enqueue_indirect_dma source(%dma_start3A_1432 : memref<100000x128xf32, #tpu.memory_space<hbm>>) target(%dma_start3A_1428 : memref<64x128xf32, #tpu.memory_space<vmem>>) offsets(%dma_start3A_1429 : memref<64xi32, #tpu.memory_space<vmem>>) semaphore(%dma_start3A_1434 : memref<!tpu.dma_semaphore, #tpu.memory_space<semaphore_mem>>)
      %mul3A_1435 = arith.constant 64 : i32
      %mul3A_1436 = arith.muli %add3A_1397, %mul3A_1435 : i32
      %dma_wait3A_1437 = arith.constant 2 : i32
      %dma_wait3A_1438 = arith.constant 2 : i32
      %dma_wait3A_1439 = arith.constant 0 : i32
      %dma_wait3A_1440 = arith.constant 0 : i32
      %dma_wait3A_1441 = tpu.memref_slice %arg6[%dma_wait3A_1437, %dma_wait3A_1439, %dma_wait3A_1440] : memref<10x64x128xf32, #tpu.memory_space<vmem>> -> memref<1x64x128xf32, #tpu.memory_space<vmem>>
      %dma_wait3A_1442 = tpu.memref_squeeze %dma_wait3A_1441 : memref<1x64x128xf32, #tpu.memory_space<vmem>> -> memref<64x128xf32, #tpu.memory_space<vmem>>
      %dma_wait3A_1443 = tpu.memref_slice %arg5[%mul3A_1436] : memref<6400xi32, #tpu.memory_space<vmem>> -> memref<64xi32, #tpu.memory_space<vmem>>
      %dma_wait3A_1444 = arith.constant 0 : i32
      %dma_wait3A_1445 = arith.constant 0 : i32
      %dma_wait3A_1446 = tpu.memref_slice %arg2[%dma_wait3A_1444, %dma_wait3A_1445] : memref<100000x128xf32, #tpu.memory_space<hbm>> -> memref<100000x128xf32, #tpu.memory_space<hbm>>
      %dma_wait3A_1447 = tpu.memref_slice %arg7[%dma_wait3A_1438] : memref<10x!tpu.dma_semaphore, #tpu.memory_space<semaphore_mem>> -> memref<1x!tpu.dma_semaphore, #tpu.memory_space<semaphore_mem>>
      %dma_wait3A_1448 = tpu.memref_squeeze %dma_wait3A_1447 : memref<1x!tpu.dma_semaphore, #tpu.memory_space<semaphore_mem>> -> memref<!tpu.dma_semaphore, #tpu.memory_space<semaphore_mem>>
      tpu.wait_indirect_dma semaphore(%dma_wait3A_1448 : memref<!tpu.dma_semaphore, #tpu.memory_space<semaphore_mem>>) src(%dma_wait3A_1446 : memref<100000x128xf32, #tpu.memory_space<hbm>>) dst(%dma_wait3A_1442 : memref<64x128xf32, #tpu.memory_space<vmem>>)
      %mul3A_1449 = arith.constant 64 : i32
      %mul3A_1450 = arith.muli %add3A_1397, %mul3A_1449 : i32
      %add3A_1451 = arith.addi %mul3A_2, %mul3A_1450 : i32
      %dma_start3A_1452 = arith.constant 2 : i32
      %dma_start3A_1453 = arith.constant 2 : i32
      %dma_start3A_1454 = arith.constant 0 : i32
      %dma_start3A_1455 = arith.constant 0 : i32
      %dma_start3A_1456 = tpu.memref_slice %arg6[%dma_start3A_1452, %dma_start3A_1454, %dma_start3A_1455] : memref<10x64x128xf32, #tpu.memory_space<vmem>> -> memref<1x64x128xf32, #tpu.memory_space<vmem>>
      %dma_start3A_1457 = tpu.memref_squeeze %dma_start3A_1456 : memref<1x64x128xf32, #tpu.memory_space<vmem>> -> memref<64x128xf32, #tpu.memory_space<vmem>>
      %dma_start3A_1458 = arith.constant 0 : i32
      %dma_start3A_1459 = tpu.memref_slice %arg4[%add3A_1451, %dma_start3A_1458] : memref<204800x128xf32, #tpu.memory_space<hbm>> -> memref<64x128xf32, #tpu.memory_space<hbm>>
      %dma_start3A_1460 = tpu.memref_slice %arg8[%dma_start3A_1453] : memref<10x!tpu.dma_semaphore, #tpu.memory_space<semaphore_mem>> -> memref<1x!tpu.dma_semaphore, #tpu.memory_space<semaphore_mem>>
      %dma_start3A_1461 = tpu.memref_squeeze %dma_start3A_1460 : memref<1x!tpu.dma_semaphore, #tpu.memory_space<semaphore_mem>> -> memref<!tpu.dma_semaphore, #tpu.memory_space<semaphore_mem>>
      %dma_start3A_1462 = arith.constant 0 : i32
      %dma_start3A_1463 = tpu.memref_slice %arg4[%add3A_1451, %dma_start3A_1462] : memref<204800x128xf32, #tpu.memory_space<hbm>> -> memref<64x128xf32, #tpu.memory_space<hbm>>
      %dma_start3A_1464 = arith.constant 0 : i32
      %dma_start3A_1465 = arith.constant 0 : i32
      %dma_start3A_1466 = tpu.memref_slice %arg6[%dma_start3A_1452, %dma_start3A_1464, %dma_start3A_1465] : memref<10x64x128xf32, #tpu.memory_space<vmem>> -> memref<1x64x128xf32, #tpu.memory_space<vmem>>
      %dma_start3A_1467 = tpu.memref_squeeze %dma_start3A_1466 : memref<1x64x128xf32, #tpu.memory_space<vmem>> -> memref<64x128xf32, #tpu.memory_space<vmem>>
      tpu.enqueue_dma source(%dma_start3A_1467 : memref<64x128xf32, #tpu.memory_space<vmem>>) target(%dma_start3A_1463 : memref<64x128xf32, #tpu.memory_space<hbm>>) target_semaphore(%dma_start3A_1461 : memref<!tpu.dma_semaphore, #tpu.memory_space<semaphore_mem>>)
      %mul3A_1468 = arith.constant 10 : i32
      %mul3A_1469 = arith.muli %scan3A_1246, %mul3A_1468 : i32
      %add3A_1470 = arith.constant 3 : i32
      %add3A_1471 = arith.addi %mul3A_1469, %add3A_1470 : i32
      %add3A_1472 = arith.constant 8 : i32
      %add3A_1473 = arith.addi %add3A_1471, %add3A_1472 : i32
      %sub3A_1474 = arith.constant 10 : i32
      %sub3A_1475 = arith.subi %add3A_1473, %sub3A_1474 : i32
      %mul3A_1476 = arith.constant 64 : i32
      %mul3A_1477 = arith.muli %sub3A_1475, %mul3A_1476 : i32
      %add3A_1478 = arith.addi %mul3A_2, %mul3A_1477 : i32
      %dma_wait3A_1479 = arith.constant 1 : i32
      %dma_wait3A_1480 = arith.constant 1 : i32
      %dma_wait3A_1481 = arith.constant 0 : i32
      %dma_wait3A_1482 = arith.constant 0 : i32
      %dma_wait3A_1483 = tpu.memref_slice %arg6[%dma_wait3A_1479, %dma_wait3A_1481, %dma_wait3A_1482] : memref<10x64x128xf32, #tpu.memory_space<vmem>> -> memref<1x64x128xf32, #tpu.memory_space<vmem>>
      %dma_wait3A_1484 = tpu.memref_squeeze %dma_wait3A_1483 : memref<1x64x128xf32, #tpu.memory_space<vmem>> -> memref<64x128xf32, #tpu.memory_space<vmem>>
      %dma_wait3A_1485 = arith.constant 0 : i32
      %dma_wait3A_1486 = tpu.memref_slice %arg4[%add3A_1478, %dma_wait3A_1485] : memref<204800x128xf32, #tpu.memory_space<hbm>> -> memref<64x128xf32, #tpu.memory_space<hbm>>
      %dma_wait3A_1487 = tpu.memref_slice %arg8[%dma_wait3A_1480] : memref<10x!tpu.dma_semaphore, #tpu.memory_space<semaphore_mem>> -> memref<1x!tpu.dma_semaphore, #tpu.memory_space<semaphore_mem>>
      %dma_wait3A_1488 = tpu.memref_squeeze %dma_wait3A_1487 : memref<1x!tpu.dma_semaphore, #tpu.memory_space<semaphore_mem>> -> memref<!tpu.dma_semaphore, #tpu.memory_space<semaphore_mem>>
      %dma_wait3A_1489 = arith.constant 0 : i32
      %dma_wait3A_1490 = tpu.memref_slice %arg4[%add3A_1478, %dma_wait3A_1489] : memref<204800x128xf32, #tpu.memory_space<hbm>> -> memref<64x128xf32, #tpu.memory_space<hbm>>
      %dma_wait3A_1491 = arith.constant 0 : i32
      %dma_wait3A_1492 = arith.constant 0 : i32
      %dma_wait3A_1493 = tpu.memref_slice %arg6[%dma_wait3A_1479, %dma_wait3A_1491, %dma_wait3A_1492] : memref<10x64x128xf32, #tpu.memory_space<vmem>> -> memref<1x64x128xf32, #tpu.memory_space<vmem>>
      %dma_wait3A_1494 = tpu.memref_squeeze %dma_wait3A_1493 : memref<1x64x128xf32, #tpu.memory_space<vmem>> -> memref<64x128xf32, #tpu.memory_space<vmem>>
      tpu.wait_dma2 semaphore(%dma_wait3A_1488 : memref<!tpu.dma_semaphore, #tpu.memory_space<semaphore_mem>>) src(%dma_wait3A_1494 : memref<64x128xf32, #tpu.memory_space<vmem>>) dst(%dma_wait3A_1490 : memref<64x128xf32, #tpu.memory_space<hbm>>)
      %mul3A_1495 = arith.constant 64 : i32
      %mul3A_1496 = arith.muli %add3A_1473, %mul3A_1495 : i32
      %dma_start3A_1497 = arith.constant 1 : i32
      %dma_start3A_1498 = arith.constant 1 : i32
      %dma_start3A_1499 = arith.constant 0 : i32
      %dma_start3A_1500 = arith.constant 0 : i32
      %dma_start3A_1501 = tpu.memref_slice %arg6[%dma_start3A_1497, %dma_start3A_1499, %dma_start3A_1500] : memref<10x64x128xf32, #tpu.memory_space<vmem>> -> memref<1x64x128xf32, #tpu.memory_space<vmem>>
      %dma_start3A_1502 = tpu.memref_squeeze %dma_start3A_1501 : memref<1x64x128xf32, #tpu.memory_space<vmem>> -> memref<64x128xf32, #tpu.memory_space<vmem>>
      %dma_start3A_1503 = tpu.memref_slice %arg5[%mul3A_1496] : memref<6400xi32, #tpu.memory_space<vmem>> -> memref<64xi32, #tpu.memory_space<vmem>>
      %dma_start3A_1504 = arith.constant 0 : i32
      %dma_start3A_1505 = arith.constant 0 : i32
      %dma_start3A_1506 = tpu.memref_slice %arg2[%dma_start3A_1504, %dma_start3A_1505] : memref<100000x128xf32, #tpu.memory_space<hbm>> -> memref<100000x128xf32, #tpu.memory_space<hbm>>
      %dma_start3A_1507 = tpu.memref_slice %arg7[%dma_start3A_1498] : memref<10x!tpu.dma_semaphore, #tpu.memory_space<semaphore_mem>> -> memref<1x!tpu.dma_semaphore, #tpu.memory_space<semaphore_mem>>
      %dma_start3A_1508 = tpu.memref_squeeze %dma_start3A_1507 : memref<1x!tpu.dma_semaphore, #tpu.memory_space<semaphore_mem>> -> memref<!tpu.dma_semaphore, #tpu.memory_space<semaphore_mem>>
      tpu.enqueue_indirect_dma source(%dma_start3A_1506 : memref<100000x128xf32, #tpu.memory_space<hbm>>) target(%dma_start3A_1502 : memref<64x128xf32, #tpu.memory_space<vmem>>) offsets(%dma_start3A_1503 : memref<64xi32, #tpu.memory_space<vmem>>) semaphore(%dma_start3A_1508 : memref<!tpu.dma_semaphore, #tpu.memory_space<semaphore_mem>>)
      %mul3A_1509 = arith.constant 64 : i32
      %mul3A_1510 = arith.muli %add3A_1471, %mul3A_1509 : i32
      %dma_wait3A_1511 = arith.constant 3 : i32
      %dma_wait3A_1512 = arith.constant 3 : i32
      %dma_wait3A_1513 = arith.constant 0 : i32
      %dma_wait3A_1514 = arith.constant 0 : i32
      %dma_wait3A_1515 = tpu.memref_slice %arg6[%dma_wait3A_1511, %dma_wait3A_1513, %dma_wait3A_1514] : memref<10x64x128xf32, #tpu.memory_space<vmem>> -> memref<1x64x128xf32, #tpu.memory_space<vmem>>
      %dma_wait3A_1516 = tpu.memref_squeeze %dma_wait3A_1515 : memref<1x64x128xf32, #tpu.memory_space<vmem>> -> memref<64x128xf32, #tpu.memory_space<vmem>>
      %dma_wait3A_1517 = tpu.memref_slice %arg5[%mul3A_1510] : memref<6400xi32, #tpu.memory_space<vmem>> -> memref<64xi32, #tpu.memory_space<vmem>>
      %dma_wait3A_1518 = arith.constant 0 : i32
      %dma_wait3A_1519 = arith.constant 0 : i32
      %dma_wait3A_1520 = tpu.memref_slice %arg2[%dma_wait3A_1518, %dma_wait3A_1519] : memref<100000x128xf32, #tpu.memory_space<hbm>> -> memref<100000x128xf32, #tpu.memory_space<hbm>>
      %dma_wait3A_1521 = tpu.memref_slice %arg7[%dma_wait3A_1512] : memref<10x!tpu.dma_semaphore, #tpu.memory_space<semaphore_mem>> -> memref<1x!tpu.dma_semaphore, #tpu.memory_space<semaphore_mem>>
      %dma_wait3A_1522 = tpu.memref_squeeze %dma_wait3A_1521 : memref<1x!tpu.dma_semaphore, #tpu.memory_space<semaphore_mem>> -> memref<!tpu.dma_semaphore, #tpu.memory_space<semaphore_mem>>
      tpu.wait_indirect_dma semaphore(%dma_wait3A_1522 : memref<!tpu.dma_semaphore, #tpu.memory_space<semaphore_mem>>) src(%dma_wait3A_1520 : memref<100000x128xf32, #tpu.memory_space<hbm>>) dst(%dma_wait3A_1516 : memref<64x128xf32, #tpu.memory_space<vmem>>)
      %mul3A_1523 = arith.constant 64 : i32
      %mul3A_1524 = arith.muli %add3A_1471, %mul3A_1523 : i32
      %add3A_1525 = arith.addi %mul3A_2, %mul3A_1524 : i32
      %dma_start3A_1526 = arith.constant 3 : i32
      %dma_start3A_1527 = arith.constant 3 : i32
      %dma_start3A_1528 = arith.constant 0 : i32
      %dma_start3A_1529 = arith.constant 0 : i32
      %dma_start3A_1530 = tpu.memref_slice %arg6[%dma_start3A_1526, %dma_start3A_1528, %dma_start3A_1529] : memref<10x64x128xf32, #tpu.memory_space<vmem>> -> memref<1x64x128xf32, #tpu.memory_space<vmem>>
      %dma_start3A_1531 = tpu.memref_squeeze %dma_start3A_1530 : memref<1x64x128xf32, #tpu.memory_space<vmem>> -> memref<64x128xf32, #tpu.memory_space<vmem>>
      %dma_start3A_1532 = arith.constant 0 : i32
      %dma_start3A_1533 = tpu.memref_slice %arg4[%add3A_1525, %dma_start3A_1532] : memref<204800x128xf32, #tpu.memory_space<hbm>> -> memref<64x128xf32, #tpu.memory_space<hbm>>
      %dma_start3A_1534 = tpu.memref_slice %arg8[%dma_start3A_1527] : memref<10x!tpu.dma_semaphore, #tpu.memory_space<semaphore_mem>> -> memref<1x!tpu.dma_semaphore, #tpu.memory_space<semaphore_mem>>
      %dma_start3A_1535 = tpu.memref_squeeze %dma_start3A_1534 : memref<1x!tpu.dma_semaphore, #tpu.memory_space<semaphore_mem>> -> memref<!tpu.dma_semaphore, #tpu.memory_space<semaphore_mem>>
      %dma_start3A_1536 = arith.constant 0 : i32
      %dma_start3A_1537 = tpu.memref_slice %arg4[%add3A_1525, %dma_start3A_1536] : memref<204800x128xf32, #tpu.memory_space<hbm>> -> memref<64x128xf32, #tpu.memory_space<hbm>>
      %dma_start3A_1538 = arith.constant 0 : i32
      %dma_start3A_1539 = arith.constant 0 : i32
      %dma_start3A_1540 = tpu.memref_slice %arg6[%dma_start3A_1526, %dma_start3A_1538, %dma_start3A_1539] : memref<10x64x128xf32, #tpu.memory_space<vmem>> -> memref<1x64x128xf32, #tpu.memory_space<vmem>>
      %dma_start3A_1541 = tpu.memref_squeeze %dma_start3A_1540 : memref<1x64x128xf32, #tpu.memory_space<vmem>> -> memref<64x128xf32, #tpu.memory_space<vmem>>
      tpu.enqueue_dma source(%dma_start3A_1541 : memref<64x128xf32, #tpu.memory_space<vmem>>) target(%dma_start3A_1537 : memref<64x128xf32, #tpu.memory_space<hbm>>) target_semaphore(%dma_start3A_1535 : memref<!tpu.dma_semaphore, #tpu.memory_space<semaphore_mem>>)
      %mul3A_1542 = arith.constant 10 : i32
      %mul3A_1543 = arith.muli %scan3A_1246, %mul3A_1542 : i32
      %add3A_1544 = arith.constant 4 : i32
      %add3A_1545 = arith.addi %mul3A_1543, %add3A_1544 : i32
      %add3A_1546 = arith.constant 8 : i32
      %add3A_1547 = arith.addi %add3A_1545, %add3A_1546 : i32
      %sub3A_1548 = arith.constant 10 : i32
      %sub3A_1549 = arith.subi %add3A_1547, %sub3A_1548 : i32
      %mul3A_1550 = arith.constant 64 : i32
      %mul3A_1551 = arith.muli %sub3A_1549, %mul3A_1550 : i32
      %add3A_1552 = arith.addi %mul3A_2, %mul3A_1551 : i32
      %dma_wait3A_1553 = arith.constant 2 : i32
      %dma_wait3A_1554 = arith.constant 2 : i32
      %dma_wait3A_1555 = arith.constant 0 : i32
      %dma_wait3A_1556 = arith.constant 0 : i32
      %dma_wait3A_1557 = tpu.memref_slice %arg6[%dma_wait3A_1553, %dma_wait3A_1555, %dma_wait3A_1556] : memref<10x64x128xf32, #tpu.memory_space<vmem>> -> memref<1x64x128xf32, #tpu.memory_space<vmem>>
      %dma_wait3A_1558 = tpu.memref_squeeze %dma_wait3A_1557 : memref<1x64x128xf32, #tpu.memory_space<vmem>> -> memref<64x128xf32, #tpu.memory_space<vmem>>
      %dma_wait3A_1559 = arith.constant 0 : i32
      %dma_wait3A_1560 = tpu.memref_slice %arg4[%add3A_1552, %dma_wait3A_1559] : memref<204800x128xf32, #tpu.memory_space<hbm>> -> memref<64x128xf32, #tpu.memory_space<hbm>>
      %dma_wait3A_1561 = tpu.memref_slice %arg8[%dma_wait3A_1554] : memref<10x!tpu.dma_semaphore, #tpu.memory_space<semaphore_mem>> -> memref<1x!tpu.dma_semaphore, #tpu.memory_space<semaphore_mem>>
      %dma_wait3A_1562 = tpu.memref_squeeze %dma_wait3A_1561 : memref<1x!tpu.dma_semaphore, #tpu.memory_space<semaphore_mem>> -> memref<!tpu.dma_semaphore, #tpu.memory_space<semaphore_mem>>
      %dma_wait3A_1563 = arith.constant 0 : i32
      %dma_wait3A_1564 = tpu.memref_slice %arg4[%add3A_1552, %dma_wait3A_1563] : memref<204800x128xf32, #tpu.memory_space<hbm>> -> memref<64x128xf32, #tpu.memory_space<hbm>>
      %dma_wait3A_1565 = arith.constant 0 : i32
      %dma_wait3A_1566 = arith.constant 0 : i32
      %dma_wait3A_1567 = tpu.memref_slice %arg6[%dma_wait3A_1553, %dma_wait3A_1565, %dma_wait3A_1566] : memref<10x64x128xf32, #tpu.memory_space<vmem>> -> memref<1x64x128xf32, #tpu.memory_space<vmem>>
      %dma_wait3A_1568 = tpu.memref_squeeze %dma_wait3A_1567 : memref<1x64x128xf32, #tpu.memory_space<vmem>> -> memref<64x128xf32, #tpu.memory_space<vmem>>
      tpu.wait_dma2 semaphore(%dma_wait3A_1562 : memref<!tpu.dma_semaphore, #tpu.memory_space<semaphore_mem>>) src(%dma_wait3A_1568 : memref<64x128xf32, #tpu.memory_space<vmem>>) dst(%dma_wait3A_1564 : memref<64x128xf32, #tpu.memory_space<hbm>>)
      %mul3A_1569 = arith.constant 64 : i32
      %mul3A_1570 = arith.muli %add3A_1547, %mul3A_1569 : i32
      %dma_start3A_1571 = arith.constant 2 : i32
      %dma_start3A_1572 = arith.constant 2 : i32
      %dma_start3A_1573 = arith.constant 0 : i32
      %dma_start3A_1574 = arith.constant 0 : i32
      %dma_start3A_1575 = tpu.memref_slice %arg6[%dma_start3A_1571, %dma_start3A_1573, %dma_start3A_1574] : memref<10x64x128xf32, #tpu.memory_space<vmem>> -> memref<1x64x128xf32, #tpu.memory_space<vmem>>
      %dma_start3A_1576 = tpu.memref_squeeze %dma_start3A_1575 : memref<1x64x128xf32, #tpu.memory_space<vmem>> -> memref<64x128xf32, #tpu.memory_space<vmem>>
      %dma_start3A_1577 = tpu.memref_slice %arg5[%mul3A_1570] : memref<6400xi32, #tpu.memory_space<vmem>> -> memref<64xi32, #tpu.memory_space<vmem>>
      %dma_start3A_1578 = arith.constant 0 : i32
      %dma_start3A_1579 = arith.constant 0 : i32
      %dma_start3A_1580 = tpu.memref_slice %arg2[%dma_start3A_1578, %dma_start3A_1579] : memref<100000x128xf32, #tpu.memory_space<hbm>> -> memref<100000x128xf32, #tpu.memory_space<hbm>>
      %dma_start3A_1581 = tpu.memref_slice %arg7[%dma_start3A_1572] : memref<10x!tpu.dma_semaphore, #tpu.memory_space<semaphore_mem>> -> memref<1x!tpu.dma_semaphore, #tpu.memory_space<semaphore_mem>>
      %dma_start3A_1582 = tpu.memref_squeeze %dma_start3A_1581 : memref<1x!tpu.dma_semaphore, #tpu.memory_space<semaphore_mem>> -> memref<!tpu.dma_semaphore, #tpu.memory_space<semaphore_mem>>
      tpu.enqueue_indirect_dma source(%dma_start3A_1580 : memref<100000x128xf32, #tpu.memory_space<hbm>>) target(%dma_start3A_1576 : memref<64x128xf32, #tpu.memory_space<vmem>>) offsets(%dma_start3A_1577 : memref<64xi32, #tpu.memory_space<vmem>>) semaphore(%dma_start3A_1582 : memref<!tpu.dma_semaphore, #tpu.memory_space<semaphore_mem>>)
      %mul3A_1583 = arith.constant 64 : i32
      %mul3A_1584 = arith.muli %add3A_1545, %mul3A_1583 : i32
      %dma_wait3A_1585 = arith.constant 4 : i32
      %dma_wait3A_1586 = arith.constant 4 : i32
      %dma_wait3A_1587 = arith.constant 0 : i32
      %dma_wait3A_1588 = arith.constant 0 : i32
      %dma_wait3A_1589 = tpu.memref_slice %arg6[%dma_wait3A_1585, %dma_wait3A_1587, %dma_wait3A_1588] : memref<10x64x128xf32, #tpu.memory_space<vmem>> -> memref<1x64x128xf32, #tpu.memory_space<vmem>>
      %dma_wait3A_1590 = tpu.memref_squeeze %dma_wait3A_1589 : memref<1x64x128xf32, #tpu.memory_space<vmem>> -> memref<64x128xf32, #tpu.memory_space<vmem>>
      %dma_wait3A_1591 = tpu.memref_slice %arg5[%mul3A_1584] : memref<6400xi32, #tpu.memory_space<vmem>> -> memref<64xi32, #tpu.memory_space<vmem>>
      %dma_wait3A_1592 = arith.constant 0 : i32
      %dma_wait3A_1593 = arith.constant 0 : i32
      %dma_wait3A_1594 = tpu.memref_slice %arg2[%dma_wait3A_1592, %dma_wait3A_1593] : memref<100000x128xf32, #tpu.memory_space<hbm>> -> memref<100000x128xf32, #tpu.memory_space<hbm>>
      %dma_wait3A_1595 = tpu.memref_slice %arg7[%dma_wait3A_1586] : memref<10x!tpu.dma_semaphore, #tpu.memory_space<semaphore_mem>> -> memref<1x!tpu.dma_semaphore, #tpu.memory_space<semaphore_mem>>
      %dma_wait3A_1596 = tpu.memref_squeeze %dma_wait3A_1595 : memref<1x!tpu.dma_semaphore, #tpu.memory_space<semaphore_mem>> -> memref<!tpu.dma_semaphore, #tpu.memory_space<semaphore_mem>>
      tpu.wait_indirect_dma semaphore(%dma_wait3A_1596 : memref<!tpu.dma_semaphore, #tpu.memory_space<semaphore_mem>>) src(%dma_wait3A_1594 : memref<100000x128xf32, #tpu.memory_space<hbm>>) dst(%dma_wait3A_1590 : memref<64x128xf32, #tpu.memory_space<vmem>>)
      %mul3A_1597 = arith.constant 64 : i32
      %mul3A_1598 = arith.muli %add3A_1545, %mul3A_1597 : i32
      %add3A_1599 = arith.addi %mul3A_2, %mul3A_1598 : i32
      %dma_start3A_1600 = arith.constant 4 : i32
      %dma_start3A_1601 = arith.constant 4 : i32
      %dma_start3A_1602 = arith.constant 0 : i32
      %dma_start3A_1603 = arith.constant 0 : i32
      %dma_start3A_1604 = tpu.memref_slice %arg6[%dma_start3A_1600, %dma_start3A_1602, %dma_start3A_1603] : memref<10x64x128xf32, #tpu.memory_space<vmem>> -> memref<1x64x128xf32, #tpu.memory_space<vmem>>
      %dma_start3A_1605 = tpu.memref_squeeze %dma_start3A_1604 : memref<1x64x128xf32, #tpu.memory_space<vmem>> -> memref<64x128xf32, #tpu.memory_space<vmem>>
      %dma_start3A_1606 = arith.constant 0 : i32
      %dma_start3A_1607 = tpu.memref_slice %arg4[%add3A_1599, %dma_start3A_1606] : memref<204800x128xf32, #tpu.memory_space<hbm>> -> memref<64x128xf32, #tpu.memory_space<hbm>>
      %dma_start3A_1608 = tpu.memref_slice %arg8[%dma_start3A_1601] : memref<10x!tpu.dma_semaphore, #tpu.memory_space<semaphore_mem>> -> memref<1x!tpu.dma_semaphore, #tpu.memory_space<semaphore_mem>>
      %dma_start3A_1609 = tpu.memref_squeeze %dma_start3A_1608 : memref<1x!tpu.dma_semaphore, #tpu.memory_space<semaphore_mem>> -> memref<!tpu.dma_semaphore, #tpu.memory_space<semaphore_mem>>
      %dma_start3A_1610 = arith.constant 0 : i32
      %dma_start3A_1611 = tpu.memref_slice %arg4[%add3A_1599, %dma_start3A_1610] : memref<204800x128xf32, #tpu.memory_space<hbm>> -> memref<64x128xf32, #tpu.memory_space<hbm>>
      %dma_start3A_1612 = arith.constant 0 : i32
      %dma_start3A_1613 = arith.constant 0 : i32
      %dma_start3A_1614 = tpu.memref_slice %arg6[%dma_start3A_1600, %dma_start3A_1612, %dma_start3A_1613] : memref<10x64x128xf32, #tpu.memory_space<vmem>> -> memref<1x64x128xf32, #tpu.memory_space<vmem>>
      %dma_start3A_1615 = tpu.memref_squeeze %dma_start3A_1614 : memref<1x64x128xf32, #tpu.memory_space<vmem>> -> memref<64x128xf32, #tpu.memory_space<vmem>>
      tpu.enqueue_dma source(%dma_start3A_1615 : memref<64x128xf32, #tpu.memory_space<vmem>>) target(%dma_start3A_1611 : memref<64x128xf32, #tpu.memory_space<hbm>>) target_semaphore(%dma_start3A_1609 : memref<!tpu.dma_semaphore, #tpu.memory_space<semaphore_mem>>)
      %mul3A_1616 = arith.constant 10 : i32
      %mul3A_1617 = arith.muli %scan3A_1246, %mul3A_1616 : i32
      %add3A_1618 = arith.constant 5 : i32
      %add3A_1619 = arith.addi %mul3A_1617, %add3A_1618 : i32
      %add3A_1620 = arith.constant 8 : i32
      %add3A_1621 = arith.addi %add3A_1619, %add3A_1620 : i32
      %sub3A_1622 = arith.constant 10 : i32
      %sub3A_1623 = arith.subi %add3A_1621, %sub3A_1622 : i32
      %mul3A_1624 = arith.constant 64 : i32
      %mul3A_1625 = arith.muli %sub3A_1623, %mul3A_1624 : i32
      %add3A_1626 = arith.addi %mul3A_2, %mul3A_1625 : i32
      %dma_wait3A_1627 = arith.constant 3 : i32
      %dma_wait3A_1628 = arith.constant 3 : i32
      %dma_wait3A_1629 = arith.constant 0 : i32
      %dma_wait3A_1630 = arith.constant 0 : i32
      %dma_wait3A_1631 = tpu.memref_slice %arg6[%dma_wait3A_1627, %dma_wait3A_1629, %dma_wait3A_1630] : memref<10x64x128xf32, #tpu.memory_space<vmem>> -> memref<1x64x128xf32, #tpu.memory_space<vmem>>
      %dma_wait3A_1632 = tpu.memref_squeeze %dma_wait3A_1631 : memref<1x64x128xf32, #tpu.memory_space<vmem>> -> memref<64x128xf32, #tpu.memory_space<vmem>>
      %dma_wait3A_1633 = arith.constant 0 : i32
      %dma_wait3A_1634 = tpu.memref_slice %arg4[%add3A_1626, %dma_wait3A_1633] : memref<204800x128xf32, #tpu.memory_space<hbm>> -> memref<64x128xf32, #tpu.memory_space<hbm>>
      %dma_wait3A_1635 = tpu.memref_slice %arg8[%dma_wait3A_1628] : memref<10x!tpu.dma_semaphore, #tpu.memory_space<semaphore_mem>> -> memref<1x!tpu.dma_semaphore, #tpu.memory_space<semaphore_mem>>
      %dma_wait3A_1636 = tpu.memref_squeeze %dma_wait3A_1635 : memref<1x!tpu.dma_semaphore, #tpu.memory_space<semaphore_mem>> -> memref<!tpu.dma_semaphore, #tpu.memory_space<semaphore_mem>>
      %dma_wait3A_1637 = arith.constant 0 : i32
      %dma_wait3A_1638 = tpu.memref_slice %arg4[%add3A_1626, %dma_wait3A_1637] : memref<204800x128xf32, #tpu.memory_space<hbm>> -> memref<64x128xf32, #tpu.memory_space<hbm>>
      %dma_wait3A_1639 = arith.constant 0 : i32
      %dma_wait3A_1640 = arith.constant 0 : i32
      %dma_wait3A_1641 = tpu.memref_slice %arg6[%dma_wait3A_1627, %dma_wait3A_1639, %dma_wait3A_1640] : memref<10x64x128xf32, #tpu.memory_space<vmem>> -> memref<1x64x128xf32, #tpu.memory_space<vmem>>
      %dma_wait3A_1642 = tpu.memref_squeeze %dma_wait3A_1641 : memref<1x64x128xf32, #tpu.memory_space<vmem>> -> memref<64x128xf32, #tpu.memory_space<vmem>>
      tpu.wait_dma2 semaphore(%dma_wait3A_1636 : memref<!tpu.dma_semaphore, #tpu.memory_space<semaphore_mem>>) src(%dma_wait3A_1642 : memref<64x128xf32, #tpu.memory_space<vmem>>) dst(%dma_wait3A_1638 : memref<64x128xf32, #tpu.memory_space<hbm>>)
      %mul3A_1643 = arith.constant 64 : i32
      %mul3A_1644 = arith.muli %add3A_1621, %mul3A_1643 : i32
      %dma_start3A_1645 = arith.constant 3 : i32
      %dma_start3A_1646 = arith.constant 3 : i32
      %dma_start3A_1647 = arith.constant 0 : i32
      %dma_start3A_1648 = arith.constant 0 : i32
      %dma_start3A_1649 = tpu.memref_slice %arg6[%dma_start3A_1645, %dma_start3A_1647, %dma_start3A_1648] : memref<10x64x128xf32, #tpu.memory_space<vmem>> -> memref<1x64x128xf32, #tpu.memory_space<vmem>>
      %dma_start3A_1650 = tpu.memref_squeeze %dma_start3A_1649 : memref<1x64x128xf32, #tpu.memory_space<vmem>> -> memref<64x128xf32, #tpu.memory_space<vmem>>
      %dma_start3A_1651 = tpu.memref_slice %arg5[%mul3A_1644] : memref<6400xi32, #tpu.memory_space<vmem>> -> memref<64xi32, #tpu.memory_space<vmem>>
      %dma_start3A_1652 = arith.constant 0 : i32
      %dma_start3A_1653 = arith.constant 0 : i32
      %dma_start3A_1654 = tpu.memref_slice %arg2[%dma_start3A_1652, %dma_start3A_1653] : memref<100000x128xf32, #tpu.memory_space<hbm>> -> memref<100000x128xf32, #tpu.memory_space<hbm>>
      %dma_start3A_1655 = tpu.memref_slice %arg7[%dma_start3A_1646] : memref<10x!tpu.dma_semaphore, #tpu.memory_space<semaphore_mem>> -> memref<1x!tpu.dma_semaphore, #tpu.memory_space<semaphore_mem>>
      %dma_start3A_1656 = tpu.memref_squeeze %dma_start3A_1655 : memref<1x!tpu.dma_semaphore, #tpu.memory_space<semaphore_mem>> -> memref<!tpu.dma_semaphore, #tpu.memory_space<semaphore_mem>>
      tpu.enqueue_indirect_dma source(%dma_start3A_1654 : memref<100000x128xf32, #tpu.memory_space<hbm>>) target(%dma_start3A_1650 : memref<64x128xf32, #tpu.memory_space<vmem>>) offsets(%dma_start3A_1651 : memref<64xi32, #tpu.memory_space<vmem>>) semaphore(%dma_start3A_1656 : memref<!tpu.dma_semaphore, #tpu.memory_space<semaphore_mem>>)
      %mul3A_1657 = arith.constant 64 : i32
      %mul3A_1658 = arith.muli %add3A_1619, %mul3A_1657 : i32
      %dma_wait3A_1659 = arith.constant 5 : i32
      %dma_wait3A_1660 = arith.constant 5 : i32
      %dma_wait3A_1661 = arith.constant 0 : i32
      %dma_wait3A_1662 = arith.constant 0 : i32
      %dma_wait3A_1663 = tpu.memref_slice %arg6[%dma_wait3A_1659, %dma_wait3A_1661, %dma_wait3A_1662] : memref<10x64x128xf32, #tpu.memory_space<vmem>> -> memref<1x64x128xf32, #tpu.memory_space<vmem>>
      %dma_wait3A_1664 = tpu.memref_squeeze %dma_wait3A_1663 : memref<1x64x128xf32, #tpu.memory_space<vmem>> -> memref<64x128xf32, #tpu.memory_space<vmem>>
      %dma_wait3A_1665 = tpu.memref_slice %arg5[%mul3A_1658] : memref<6400xi32, #tpu.memory_space<vmem>> -> memref<64xi32, #tpu.memory_space<vmem>>
      %dma_wait3A_1666 = arith.constant 0 : i32
      %dma_wait3A_1667 = arith.constant 0 : i32
      %dma_wait3A_1668 = tpu.memref_slice %arg2[%dma_wait3A_1666, %dma_wait3A_1667] : memref<100000x128xf32, #tpu.memory_space<hbm>> -> memref<100000x128xf32, #tpu.memory_space<hbm>>
      %dma_wait3A_1669 = tpu.memref_slice %arg7[%dma_wait3A_1660] : memref<10x!tpu.dma_semaphore, #tpu.memory_space<semaphore_mem>> -> memref<1x!tpu.dma_semaphore, #tpu.memory_space<semaphore_mem>>
      %dma_wait3A_1670 = tpu.memref_squeeze %dma_wait3A_1669 : memref<1x!tpu.dma_semaphore, #tpu.memory_space<semaphore_mem>> -> memref<!tpu.dma_semaphore, #tpu.memory_space<semaphore_mem>>
      tpu.wait_indirect_dma semaphore(%dma_wait3A_1670 : memref<!tpu.dma_semaphore, #tpu.memory_space<semaphore_mem>>) src(%dma_wait3A_1668 : memref<100000x128xf32, #tpu.memory_space<hbm>>) dst(%dma_wait3A_1664 : memref<64x128xf32, #tpu.memory_space<vmem>>)
      %mul3A_1671 = arith.constant 64 : i32
      %mul3A_1672 = arith.muli %add3A_1619, %mul3A_1671 : i32
      %add3A_1673 = arith.addi %mul3A_2, %mul3A_1672 : i32
      %dma_start3A_1674 = arith.constant 5 : i32
      %dma_start3A_1675 = arith.constant 5 : i32
      %dma_start3A_1676 = arith.constant 0 : i32
      %dma_start3A_1677 = arith.constant 0 : i32
      %dma_start3A_1678 = tpu.memref_slice %arg6[%dma_start3A_1674, %dma_start3A_1676, %dma_start3A_1677] : memref<10x64x128xf32, #tpu.memory_space<vmem>> -> memref<1x64x128xf32, #tpu.memory_space<vmem>>
      %dma_start3A_1679 = tpu.memref_squeeze %dma_start3A_1678 : memref<1x64x128xf32, #tpu.memory_space<vmem>> -> memref<64x128xf32, #tpu.memory_space<vmem>>
      %dma_start3A_1680 = arith.constant 0 : i32
      %dma_start3A_1681 = tpu.memref_slice %arg4[%add3A_1673, %dma_start3A_1680] : memref<204800x128xf32, #tpu.memory_space<hbm>> -> memref<64x128xf32, #tpu.memory_space<hbm>>
      %dma_start3A_1682 = tpu.memref_slice %arg8[%dma_start3A_1675] : memref<10x!tpu.dma_semaphore, #tpu.memory_space<semaphore_mem>> -> memref<1x!tpu.dma_semaphore, #tpu.memory_space<semaphore_mem>>
      %dma_start3A_1683 = tpu.memref_squeeze %dma_start3A_1682 : memref<1x!tpu.dma_semaphore, #tpu.memory_space<semaphore_mem>> -> memref<!tpu.dma_semaphore, #tpu.memory_space<semaphore_mem>>
      %dma_start3A_1684 = arith.constant 0 : i32
      %dma_start3A_1685 = tpu.memref_slice %arg4[%add3A_1673, %dma_start3A_1684] : memref<204800x128xf32, #tpu.memory_space<hbm>> -> memref<64x128xf32, #tpu.memory_space<hbm>>
      %dma_start3A_1686 = arith.constant 0 : i32
      %dma_start3A_1687 = arith.constant 0 : i32
      %dma_start3A_1688 = tpu.memref_slice %arg6[%dma_start3A_1674, %dma_start3A_1686, %dma_start3A_1687] : memref<10x64x128xf32, #tpu.memory_space<vmem>> -> memref<1x64x128xf32, #tpu.memory_space<vmem>>
      %dma_start3A_1689 = tpu.memref_squeeze %dma_start3A_1688 : memref<1x64x128xf32, #tpu.memory_space<vmem>> -> memref<64x128xf32, #tpu.memory_space<vmem>>
      tpu.enqueue_dma source(%dma_start3A_1689 : memref<64x128xf32, #tpu.memory_space<vmem>>) target(%dma_start3A_1685 : memref<64x128xf32, #tpu.memory_space<hbm>>) target_semaphore(%dma_start3A_1683 : memref<!tpu.dma_semaphore, #tpu.memory_space<semaphore_mem>>)
      %mul3A_1690 = arith.constant 10 : i32
      %mul3A_1691 = arith.muli %scan3A_1246, %mul3A_1690 : i32
      %add3A_1692 = arith.constant 6 : i32
      %add3A_1693 = arith.addi %mul3A_1691, %add3A_1692 : i32
      %add3A_1694 = arith.constant 8 : i32
      %add3A_1695 = arith.addi %add3A_1693, %add3A_1694 : i32
      %sub3A_1696 = arith.constant 10 : i32
      %sub3A_1697 = arith.subi %add3A_1695, %sub3A_1696 : i32
      %mul3A_1698 = arith.constant 64 : i32
      %mul3A_1699 = arith.muli %sub3A_1697, %mul3A_1698 : i32
      %add3A_1700 = arith.addi %mul3A_2, %mul3A_1699 : i32
      %dma_wait3A_1701 = arith.constant 4 : i32
      %dma_wait3A_1702 = arith.constant 4 : i32
      %dma_wait3A_1703 = arith.constant 0 : i32
      %dma_wait3A_1704 = arith.constant 0 : i32
      %dma_wait3A_1705 = tpu.memref_slice %arg6[%dma_wait3A_1701, %dma_wait3A_1703, %dma_wait3A_1704] : memref<10x64x128xf32, #tpu.memory_space<vmem>> -> memref<1x64x128xf32, #tpu.memory_space<vmem>>
      %dma_wait3A_1706 = tpu.memref_squeeze %dma_wait3A_1705 : memref<1x64x128xf32, #tpu.memory_space<vmem>> -> memref<64x128xf32, #tpu.memory_space<vmem>>
      %dma_wait3A_1707 = arith.constant 0 : i32
      %dma_wait3A_1708 = tpu.memref_slice %arg4[%add3A_1700, %dma_wait3A_1707] : memref<204800x128xf32, #tpu.memory_space<hbm>> -> memref<64x128xf32, #tpu.memory_space<hbm>>
      %dma_wait3A_1709 = tpu.memref_slice %arg8[%dma_wait3A_1702] : memref<10x!tpu.dma_semaphore, #tpu.memory_space<semaphore_mem>> -> memref<1x!tpu.dma_semaphore, #tpu.memory_space<semaphore_mem>>
      %dma_wait3A_1710 = tpu.memref_squeeze %dma_wait3A_1709 : memref<1x!tpu.dma_semaphore, #tpu.memory_space<semaphore_mem>> -> memref<!tpu.dma_semaphore, #tpu.memory_space<semaphore_mem>>
      %dma_wait3A_1711 = arith.constant 0 : i32
      %dma_wait3A_1712 = tpu.memref_slice %arg4[%add3A_1700, %dma_wait3A_1711] : memref<204800x128xf32, #tpu.memory_space<hbm>> -> memref<64x128xf32, #tpu.memory_space<hbm>>
      %dma_wait3A_1713 = arith.constant 0 : i32
      %dma_wait3A_1714 = arith.constant 0 : i32
      %dma_wait3A_1715 = tpu.memref_slice %arg6[%dma_wait3A_1701, %dma_wait3A_1713, %dma_wait3A_1714] : memref<10x64x128xf32, #tpu.memory_space<vmem>> -> memref<1x64x128xf32, #tpu.memory_space<vmem>>
      %dma_wait3A_1716 = tpu.memref_squeeze %dma_wait3A_1715 : memref<1x64x128xf32, #tpu.memory_space<vmem>> -> memref<64x128xf32, #tpu.memory_space<vmem>>
      tpu.wait_dma2 semaphore(%dma_wait3A_1710 : memref<!tpu.dma_semaphore, #tpu.memory_space<semaphore_mem>>) src(%dma_wait3A_1716 : memref<64x128xf32, #tpu.memory_space<vmem>>) dst(%dma_wait3A_1712 : memref<64x128xf32, #tpu.memory_space<hbm>>)
      %mul3A_1717 = arith.constant 64 : i32
      %mul3A_1718 = arith.muli %add3A_1695, %mul3A_1717 : i32
      %dma_start3A_1719 = arith.constant 4 : i32
      %dma_start3A_1720 = arith.constant 4 : i32
      %dma_start3A_1721 = arith.constant 0 : i32
      %dma_start3A_1722 = arith.constant 0 : i32
      %dma_start3A_1723 = tpu.memref_slice %arg6[%dma_start3A_1719, %dma_start3A_1721, %dma_start3A_1722] : memref<10x64x128xf32, #tpu.memory_space<vmem>> -> memref<1x64x128xf32, #tpu.memory_space<vmem>>
      %dma_start3A_1724 = tpu.memref_squeeze %dma_start3A_1723 : memref<1x64x128xf32, #tpu.memory_space<vmem>> -> memref<64x128xf32, #tpu.memory_space<vmem>>
      %dma_start3A_1725 = tpu.memref_slice %arg5[%mul3A_1718] : memref<6400xi32, #tpu.memory_space<vmem>> -> memref<64xi32, #tpu.memory_space<vmem>>
      %dma_start3A_1726 = arith.constant 0 : i32
      %dma_start3A_1727 = arith.constant 0 : i32
      %dma_start3A_1728 = tpu.memref_slice %arg2[%dma_start3A_1726, %dma_start3A_1727] : memref<100000x128xf32, #tpu.memory_space<hbm>> -> memref<100000x128xf32, #tpu.memory_space<hbm>>
      %dma_start3A_1729 = tpu.memref_slice %arg7[%dma_start3A_1720] : memref<10x!tpu.dma_semaphore, #tpu.memory_space<semaphore_mem>> -> memref<1x!tpu.dma_semaphore, #tpu.memory_space<semaphore_mem>>
      %dma_start3A_1730 = tpu.memref_squeeze %dma_start3A_1729 : memref<1x!tpu.dma_semaphore, #tpu.memory_space<semaphore_mem>> -> memref<!tpu.dma_semaphore, #tpu.memory_space<semaphore_mem>>
      tpu.enqueue_indirect_dma source(%dma_start3A_1728 : memref<100000x128xf32, #tpu.memory_space<hbm>>) target(%dma_start3A_1724 : memref<64x128xf32, #tpu.memory_space<vmem>>) offsets(%dma_start3A_1725 : memref<64xi32, #tpu.memory_space<vmem>>) semaphore(%dma_start3A_1730 : memref<!tpu.dma_semaphore, #tpu.memory_space<semaphore_mem>>)
      %mul3A_1731 = arith.constant 64 : i32
      %mul3A_1732 = arith.muli %add3A_1693, %mul3A_1731 : i32
      %dma_wait3A_1733 = arith.constant 6 : i32
      %dma_wait3A_1734 = arith.constant 6 : i32
      %dma_wait3A_1735 = arith.constant 0 : i32
      %dma_wait3A_1736 = arith.constant 0 : i32
      %dma_wait3A_1737 = tpu.memref_slice %arg6[%dma_wait3A_1733, %dma_wait3A_1735, %dma_wait3A_1736] : memref<10x64x128xf32, #tpu.memory_space<vmem>> -> memref<1x64x128xf32, #tpu.memory_space<vmem>>
      %dma_wait3A_1738 = tpu.memref_squeeze %dma_wait3A_1737 : memref<1x64x128xf32, #tpu.memory_space<vmem>> -> memref<64x128xf32, #tpu.memory_space<vmem>>
      %dma_wait3A_1739 = tpu.memref_slice %arg5[%mul3A_1732] : memref<6400xi32, #tpu.memory_space<vmem>> -> memref<64xi32, #tpu.memory_space<vmem>>
      %dma_wait3A_1740 = arith.constant 0 : i32
      %dma_wait3A_1741 = arith.constant 0 : i32
      %dma_wait3A_1742 = tpu.memref_slice %arg2[%dma_wait3A_1740, %dma_wait3A_1741] : memref<100000x128xf32, #tpu.memory_space<hbm>> -> memref<100000x128xf32, #tpu.memory_space<hbm>>
      %dma_wait3A_1743 = tpu.memref_slice %arg7[%dma_wait3A_1734] : memref<10x!tpu.dma_semaphore, #tpu.memory_space<semaphore_mem>> -> memref<1x!tpu.dma_semaphore, #tpu.memory_space<semaphore_mem>>
      %dma_wait3A_1744 = tpu.memref_squeeze %dma_wait3A_1743 : memref<1x!tpu.dma_semaphore, #tpu.memory_space<semaphore_mem>> -> memref<!tpu.dma_semaphore, #tpu.memory_space<semaphore_mem>>
      tpu.wait_indirect_dma semaphore(%dma_wait3A_1744 : memref<!tpu.dma_semaphore, #tpu.memory_space<semaphore_mem>>) src(%dma_wait3A_1742 : memref<100000x128xf32, #tpu.memory_space<hbm>>) dst(%dma_wait3A_1738 : memref<64x128xf32, #tpu.memory_space<vmem>>)
      %mul3A_1745 = arith.constant 64 : i32
      %mul3A_1746 = arith.muli %add3A_1693, %mul3A_1745 : i32
      %add3A_1747 = arith.addi %mul3A_2, %mul3A_1746 : i32
      %dma_start3A_1748 = arith.constant 6 : i32
      %dma_start3A_1749 = arith.constant 6 : i32
      %dma_start3A_1750 = arith.constant 0 : i32
      %dma_start3A_1751 = arith.constant 0 : i32
      %dma_start3A_1752 = tpu.memref_slice %arg6[%dma_start3A_1748, %dma_start3A_1750, %dma_start3A_1751] : memref<10x64x128xf32, #tpu.memory_space<vmem>> -> memref<1x64x128xf32, #tpu.memory_space<vmem>>
      %dma_start3A_1753 = tpu.memref_squeeze %dma_start3A_1752 : memref<1x64x128xf32, #tpu.memory_space<vmem>> -> memref<64x128xf32, #tpu.memory_space<vmem>>
      %dma_start3A_1754 = arith.constant 0 : i32
      %dma_start3A_1755 = tpu.memref_slice %arg4[%add3A_1747, %dma_start3A_1754] : memref<204800x128xf32, #tpu.memory_space<hbm>> -> memref<64x128xf32, #tpu.memory_space<hbm>>
      %dma_start3A_1756 = tpu.memref_slice %arg8[%dma_start3A_1749] : memref<10x!tpu.dma_semaphore, #tpu.memory_space<semaphore_mem>> -> memref<1x!tpu.dma_semaphore, #tpu.memory_space<semaphore_mem>>
      %dma_start3A_1757 = tpu.memref_squeeze %dma_start3A_1756 : memref<1x!tpu.dma_semaphore, #tpu.memory_space<semaphore_mem>> -> memref<!tpu.dma_semaphore, #tpu.memory_space<semaphore_mem>>
      %dma_start3A_1758 = arith.constant 0 : i32
      %dma_start3A_1759 = tpu.memref_slice %arg4[%add3A_1747, %dma_start3A_1758] : memref<204800x128xf32, #tpu.memory_space<hbm>> -> memref<64x128xf32, #tpu.memory_space<hbm>>
      %dma_start3A_1760 = arith.constant 0 : i32
      %dma_start3A_1761 = arith.constant 0 : i32
      %dma_start3A_1762 = tpu.memref_slice %arg6[%dma_start3A_1748, %dma_start3A_1760, %dma_start3A_1761] : memref<10x64x128xf32, #tpu.memory_space<vmem>> -> memref<1x64x128xf32, #tpu.memory_space<vmem>>
      %dma_start3A_1763 = tpu.memref_squeeze %dma_start3A_1762 : memref<1x64x128xf32, #tpu.memory_space<vmem>> -> memref<64x128xf32, #tpu.memory_space<vmem>>
      tpu.enqueue_dma source(%dma_start3A_1763 : memref<64x128xf32, #tpu.memory_space<vmem>>) target(%dma_start3A_1759 : memref<64x128xf32, #tpu.memory_space<hbm>>) target_semaphore(%dma_start3A_1757 : memref<!tpu.dma_semaphore, #tpu.memory_space<semaphore_mem>>)
      %mul3A_1764 = arith.constant 10 : i32
      %mul3A_1765 = arith.muli %scan3A_1246, %mul3A_1764 : i32
      %add3A_1766 = arith.constant 7 : i32
      %add3A_1767 = arith.addi %mul3A_1765, %add3A_1766 : i32
      %add3A_1768 = arith.constant 8 : i32
      %add3A_1769 = arith.addi %add3A_1767, %add3A_1768 : i32
      %sub3A_1770 = arith.constant 10 : i32
      %sub3A_1771 = arith.subi %add3A_1769, %sub3A_1770 : i32
      %mul3A_1772 = arith.constant 64 : i32
      %mul3A_1773 = arith.muli %sub3A_1771, %mul3A_1772 : i32
      %add3A_1774 = arith.addi %mul3A_2, %mul3A_1773 : i32
      %dma_wait3A_1775 = arith.constant 5 : i32
      %dma_wait3A_1776 = arith.constant 5 : i32
      %dma_wait3A_1777 = arith.constant 0 : i32
      %dma_wait3A_1778 = arith.constant 0 : i32
      %dma_wait3A_1779 = tpu.memref_slice %arg6[%dma_wait3A_1775, %dma_wait3A_1777, %dma_wait3A_1778] : memref<10x64x128xf32, #tpu.memory_space<vmem>> -> memref<1x64x128xf32, #tpu.memory_space<vmem>>
      %dma_wait3A_1780 = tpu.memref_squeeze %dma_wait3A_1779 : memref<1x64x128xf32, #tpu.memory_space<vmem>> -> memref<64x128xf32, #tpu.memory_space<vmem>>
      %dma_wait3A_1781 = arith.constant 0 : i32
      %dma_wait3A_1782 = tpu.memref_slice %arg4[%add3A_1774, %dma_wait3A_1781] : memref<204800x128xf32, #tpu.memory_space<hbm>> -> memref<64x128xf32, #tpu.memory_space<hbm>>
      %dma_wait3A_1783 = tpu.memref_slice %arg8[%dma_wait3A_1776] : memref<10x!tpu.dma_semaphore, #tpu.memory_space<semaphore_mem>> -> memref<1x!tpu.dma_semaphore, #tpu.memory_space<semaphore_mem>>
      %dma_wait3A_1784 = tpu.memref_squeeze %dma_wait3A_1783 : memref<1x!tpu.dma_semaphore, #tpu.memory_space<semaphore_mem>> -> memref<!tpu.dma_semaphore, #tpu.memory_space<semaphore_mem>>
      %dma_wait3A_1785 = arith.constant 0 : i32
      %dma_wait3A_1786 = tpu.memref_slice %arg4[%add3A_1774, %dma_wait3A_1785] : memref<204800x128xf32, #tpu.memory_space<hbm>> -> memref<64x128xf32, #tpu.memory_space<hbm>>
      %dma_wait3A_1787 = arith.constant 0 : i32
      %dma_wait3A_1788 = arith.constant 0 : i32
      %dma_wait3A_1789 = tpu.memref_slice %arg6[%dma_wait3A_1775, %dma_wait3A_1787, %dma_wait3A_1788] : memref<10x64x128xf32, #tpu.memory_space<vmem>> -> memref<1x64x128xf32, #tpu.memory_space<vmem>>
      %dma_wait3A_1790 = tpu.memref_squeeze %dma_wait3A_1789 : memref<1x64x128xf32, #tpu.memory_space<vmem>> -> memref<64x128xf32, #tpu.memory_space<vmem>>
      tpu.wait_dma2 semaphore(%dma_wait3A_1784 : memref<!tpu.dma_semaphore, #tpu.memory_space<semaphore_mem>>) src(%dma_wait3A_1790 : memref<64x128xf32, #tpu.memory_space<vmem>>) dst(%dma_wait3A_1786 : memref<64x128xf32, #tpu.memory_space<hbm>>)
      %mul3A_1791 = arith.constant 64 : i32
      %mul3A_1792 = arith.muli %add3A_1769, %mul3A_1791 : i32
      %dma_start3A_1793 = arith.constant 5 : i32
      %dma_start3A_1794 = arith.constant 5 : i32
      %dma_start3A_1795 = arith.constant 0 : i32
      %dma_start3A_1796 = arith.constant 0 : i32
      %dma_start3A_1797 = tpu.memref_slice %arg6[%dma_start3A_1793, %dma_start3A_1795, %dma_start3A_1796] : memref<10x64x128xf32, #tpu.memory_space<vmem>> -> memref<1x64x128xf32, #tpu.memory_space<vmem>>
      %dma_start3A_1798 = tpu.memref_squeeze %dma_start3A_1797 : memref<1x64x128xf32, #tpu.memory_space<vmem>> -> memref<64x128xf32, #tpu.memory_space<vmem>>
      %dma_start3A_1799 = tpu.memref_slice %arg5[%mul3A_1792] : memref<6400xi32, #tpu.memory_space<vmem>> -> memref<64xi32, #tpu.memory_space<vmem>>
      %dma_start3A_1800 = arith.constant 0 : i32
      %dma_start3A_1801 = arith.constant 0 : i32
      %dma_start3A_1802 = tpu.memref_slice %arg2[%dma_start3A_1800, %dma_start3A_1801] : memref<100000x128xf32, #tpu.memory_space<hbm>> -> memref<100000x128xf32, #tpu.memory_space<hbm>>
      %dma_start3A_1803 = tpu.memref_slice %arg7[%dma_start3A_1794] : memref<10x!tpu.dma_semaphore, #tpu.memory_space<semaphore_mem>> -> memref<1x!tpu.dma_semaphore, #tpu.memory_space<semaphore_mem>>
      %dma_start3A_1804 = tpu.memref_squeeze %dma_start3A_1803 : memref<1x!tpu.dma_semaphore, #tpu.memory_space<semaphore_mem>> -> memref<!tpu.dma_semaphore, #tpu.memory_space<semaphore_mem>>
      tpu.enqueue_indirect_dma source(%dma_start3A_1802 : memref<100000x128xf32, #tpu.memory_space<hbm>>) target(%dma_start3A_1798 : memref<64x128xf32, #tpu.memory_space<vmem>>) offsets(%dma_start3A_1799 : memref<64xi32, #tpu.memory_space<vmem>>) semaphore(%dma_start3A_1804 : memref<!tpu.dma_semaphore, #tpu.memory_space<semaphore_mem>>)
      %mul3A_1805 = arith.constant 64 : i32
      %mul3A_1806 = arith.muli %add3A_1767, %mul3A_1805 : i32
      %dma_wait3A_1807 = arith.constant 7 : i32
      %dma_wait3A_1808 = arith.constant 7 : i32
      %dma_wait3A_1809 = arith.constant 0 : i32
      %dma_wait3A_1810 = arith.constant 0 : i32
      %dma_wait3A_1811 = tpu.memref_slice %arg6[%dma_wait3A_1807, %dma_wait3A_1809, %dma_wait3A_1810] : memref<10x64x128xf32, #tpu.memory_space<vmem>> -> memref<1x64x128xf32, #tpu.memory_space<vmem>>
      %dma_wait3A_1812 = tpu.memref_squeeze %dma_wait3A_1811 : memref<1x64x128xf32, #tpu.memory_space<vmem>> -> memref<64x128xf32, #tpu.memory_space<vmem>>
      %dma_wait3A_1813 = tpu.memref_slice %arg5[%mul3A_1806] : memref<6400xi32, #tpu.memory_space<vmem>> -> memref<64xi32, #tpu.memory_space<vmem>>
      %dma_wait3A_1814 = arith.constant 0 : i32
      %dma_wait3A_1815 = arith.constant 0 : i32
      %dma_wait3A_1816 = tpu.memref_slice %arg2[%dma_wait3A_1814, %dma_wait3A_1815] : memref<100000x128xf32, #tpu.memory_space<hbm>> -> memref<100000x128xf32, #tpu.memory_space<hbm>>
      %dma_wait3A_1817 = tpu.memref_slice %arg7[%dma_wait3A_1808] : memref<10x!tpu.dma_semaphore, #tpu.memory_space<semaphore_mem>> -> memref<1x!tpu.dma_semaphore, #tpu.memory_space<semaphore_mem>>
      %dma_wait3A_1818 = tpu.memref_squeeze %dma_wait3A_1817 : memref<1x!tpu.dma_semaphore, #tpu.memory_space<semaphore_mem>> -> memref<!tpu.dma_semaphore, #tpu.memory_space<semaphore_mem>>
      tpu.wait_indirect_dma semaphore(%dma_wait3A_1818 : memref<!tpu.dma_semaphore, #tpu.memory_space<semaphore_mem>>) src(%dma_wait3A_1816 : memref<100000x128xf32, #tpu.memory_space<hbm>>) dst(%dma_wait3A_1812 : memref<64x128xf32, #tpu.memory_space<vmem>>)
      %mul3A_1819 = arith.constant 64 : i32
      %mul3A_1820 = arith.muli %add3A_1767, %mul3A_1819 : i32
      %add3A_1821 = arith.addi %mul3A_2, %mul3A_1820 : i32
      %dma_start3A_1822 = arith.constant 7 : i32
      %dma_start3A_1823 = arith.constant 7 : i32
      %dma_start3A_1824 = arith.constant 0 : i32
      %dma_start3A_1825 = arith.constant 0 : i32
      %dma_start3A_1826 = tpu.memref_slice %arg6[%dma_start3A_1822, %dma_start3A_1824, %dma_start3A_1825] : memref<10x64x128xf32, #tpu.memory_space<vmem>> -> memref<1x64x128xf32, #tpu.memory_space<vmem>>
      %dma_start3A_1827 = tpu.memref_squeeze %dma_start3A_1826 : memref<1x64x128xf32, #tpu.memory_space<vmem>> -> memref<64x128xf32, #tpu.memory_space<vmem>>
      %dma_start3A_1828 = arith.constant 0 : i32
      %dma_start3A_1829 = tpu.memref_slice %arg4[%add3A_1821, %dma_start3A_1828] : memref<204800x128xf32, #tpu.memory_space<hbm>> -> memref<64x128xf32, #tpu.memory_space<hbm>>
      %dma_start3A_1830 = tpu.memref_slice %arg8[%dma_start3A_1823] : memref<10x!tpu.dma_semaphore, #tpu.memory_space<semaphore_mem>> -> memref<1x!tpu.dma_semaphore, #tpu.memory_space<semaphore_mem>>
      %dma_start3A_1831 = tpu.memref_squeeze %dma_start3A_1830 : memref<1x!tpu.dma_semaphore, #tpu.memory_space<semaphore_mem>> -> memref<!tpu.dma_semaphore, #tpu.memory_space<semaphore_mem>>
      %dma_start3A_1832 = arith.constant 0 : i32
      %dma_start3A_1833 = tpu.memref_slice %arg4[%add3A_1821, %dma_start3A_1832] : memref<204800x128xf32, #tpu.memory_space<hbm>> -> memref<64x128xf32, #tpu.memory_space<hbm>>
      %dma_start3A_1834 = arith.constant 0 : i32
      %dma_start3A_1835 = arith.constant 0 : i32
      %dma_start3A_1836 = tpu.memref_slice %arg6[%dma_start3A_1822, %dma_start3A_1834, %dma_start3A_1835] : memref<10x64x128xf32, #tpu.memory_space<vmem>> -> memref<1x64x128xf32, #tpu.memory_space<vmem>>
      %dma_start3A_1837 = tpu.memref_squeeze %dma_start3A_1836 : memref<1x64x128xf32, #tpu.memory_space<vmem>> -> memref<64x128xf32, #tpu.memory_space<vmem>>
      tpu.enqueue_dma source(%dma_start3A_1837 : memref<64x128xf32, #tpu.memory_space<vmem>>) target(%dma_start3A_1833 : memref<64x128xf32, #tpu.memory_space<hbm>>) target_semaphore(%dma_start3A_1831 : memref<!tpu.dma_semaphore, #tpu.memory_space<semaphore_mem>>)
      %mul3A_1838 = arith.constant 10 : i32
      %mul3A_1839 = arith.muli %scan3A_1246, %mul3A_1838 : i32
      %add3A_1840 = arith.constant 8 : i32
      %add3A_1841 = arith.addi %mul3A_1839, %add3A_1840 : i32
      %add3A_1842 = arith.constant 8 : i32
      %add3A_1843 = arith.addi %add3A_1841, %add3A_1842 : i32
      %sub3A_1844 = arith.constant 10 : i32
      %sub3A_1845 = arith.subi %add3A_1843, %sub3A_1844 : i32
      %mul3A_1846 = arith.constant 64 : i32
      %mul3A_1847 = arith.muli %sub3A_1845, %mul3A_1846 : i32
      %add3A_1848 = arith.addi %mul3A_2, %mul3A_1847 : i32
      %dma_wait3A_1849 = arith.constant 6 : i32
      %dma_wait3A_1850 = arith.constant 6 : i32
      %dma_wait3A_1851 = arith.constant 0 : i32
      %dma_wait3A_1852 = arith.constant 0 : i32
      %dma_wait3A_1853 = tpu.memref_slice %arg6[%dma_wait3A_1849, %dma_wait3A_1851, %dma_wait3A_1852] : memref<10x64x128xf32, #tpu.memory_space<vmem>> -> memref<1x64x128xf32, #tpu.memory_space<vmem>>
      %dma_wait3A_1854 = tpu.memref_squeeze %dma_wait3A_1853 : memref<1x64x128xf32, #tpu.memory_space<vmem>> -> memref<64x128xf32, #tpu.memory_space<vmem>>
      %dma_wait3A_1855 = arith.constant 0 : i32
      %dma_wait3A_1856 = tpu.memref_slice %arg4[%add3A_1848, %dma_wait3A_1855] : memref<204800x128xf32, #tpu.memory_space<hbm>> -> memref<64x128xf32, #tpu.memory_space<hbm>>
      %dma_wait3A_1857 = tpu.memref_slice %arg8[%dma_wait3A_1850] : memref<10x!tpu.dma_semaphore, #tpu.memory_space<semaphore_mem>> -> memref<1x!tpu.dma_semaphore, #tpu.memory_space<semaphore_mem>>
      %dma_wait3A_1858 = tpu.memref_squeeze %dma_wait3A_1857 : memref<1x!tpu.dma_semaphore, #tpu.memory_space<semaphore_mem>> -> memref<!tpu.dma_semaphore, #tpu.memory_space<semaphore_mem>>
      %dma_wait3A_1859 = arith.constant 0 : i32
      %dma_wait3A_1860 = tpu.memref_slice %arg4[%add3A_1848, %dma_wait3A_1859] : memref<204800x128xf32, #tpu.memory_space<hbm>> -> memref<64x128xf32, #tpu.memory_space<hbm>>
      %dma_wait3A_1861 = arith.constant 0 : i32
      %dma_wait3A_1862 = arith.constant 0 : i32
      %dma_wait3A_1863 = tpu.memref_slice %arg6[%dma_wait3A_1849, %dma_wait3A_1861, %dma_wait3A_1862] : memref<10x64x128xf32, #tpu.memory_space<vmem>> -> memref<1x64x128xf32, #tpu.memory_space<vmem>>
      %dma_wait3A_1864 = tpu.memref_squeeze %dma_wait3A_1863 : memref<1x64x128xf32, #tpu.memory_space<vmem>> -> memref<64x128xf32, #tpu.memory_space<vmem>>
      tpu.wait_dma2 semaphore(%dma_wait3A_1858 : memref<!tpu.dma_semaphore, #tpu.memory_space<semaphore_mem>>) src(%dma_wait3A_1864 : memref<64x128xf32, #tpu.memory_space<vmem>>) dst(%dma_wait3A_1860 : memref<64x128xf32, #tpu.memory_space<hbm>>)
      %mul3A_1865 = arith.constant 64 : i32
      %mul3A_1866 = arith.muli %add3A_1843, %mul3A_1865 : i32
      %dma_start3A_1867 = arith.constant 6 : i32
      %dma_start3A_1868 = arith.constant 6 : i32
      %dma_start3A_1869 = arith.constant 0 : i32
      %dma_start3A_1870 = arith.constant 0 : i32
      %dma_start3A_1871 = tpu.memref_slice %arg6[%dma_start3A_1867, %dma_start3A_1869, %dma_start3A_1870] : memref<10x64x128xf32, #tpu.memory_space<vmem>> -> memref<1x64x128xf32, #tpu.memory_space<vmem>>
      %dma_start3A_1872 = tpu.memref_squeeze %dma_start3A_1871 : memref<1x64x128xf32, #tpu.memory_space<vmem>> -> memref<64x128xf32, #tpu.memory_space<vmem>>
      %dma_start3A_1873 = tpu.memref_slice %arg5[%mul3A_1866] : memref<6400xi32, #tpu.memory_space<vmem>> -> memref<64xi32, #tpu.memory_space<vmem>>
      %dma_start3A_1874 = arith.constant 0 : i32
      %dma_start3A_1875 = arith.constant 0 : i32
      %dma_start3A_1876 = tpu.memref_slice %arg2[%dma_start3A_1874, %dma_start3A_1875] : memref<100000x128xf32, #tpu.memory_space<hbm>> -> memref<100000x128xf32, #tpu.memory_space<hbm>>
      %dma_start3A_1877 = tpu.memref_slice %arg7[%dma_start3A_1868] : memref<10x!tpu.dma_semaphore, #tpu.memory_space<semaphore_mem>> -> memref<1x!tpu.dma_semaphore, #tpu.memory_space<semaphore_mem>>
      %dma_start3A_1878 = tpu.memref_squeeze %dma_start3A_1877 : memref<1x!tpu.dma_semaphore, #tpu.memory_space<semaphore_mem>> -> memref<!tpu.dma_semaphore, #tpu.memory_space<semaphore_mem>>
      tpu.enqueue_indirect_dma source(%dma_start3A_1876 : memref<100000x128xf32, #tpu.memory_space<hbm>>) target(%dma_start3A_1872 : memref<64x128xf32, #tpu.memory_space<vmem>>) offsets(%dma_start3A_1873 : memref<64xi32, #tpu.memory_space<vmem>>) semaphore(%dma_start3A_1878 : memref<!tpu.dma_semaphore, #tpu.memory_space<semaphore_mem>>)
      %mul3A_1879 = arith.constant 64 : i32
      %mul3A_1880 = arith.muli %add3A_1841, %mul3A_1879 : i32
      %dma_wait3A_1881 = arith.constant 8 : i32
      %dma_wait3A_1882 = arith.constant 8 : i32
      %dma_wait3A_1883 = arith.constant 0 : i32
      %dma_wait3A_1884 = arith.constant 0 : i32
      %dma_wait3A_1885 = tpu.memref_slice %arg6[%dma_wait3A_1881, %dma_wait3A_1883, %dma_wait3A_1884] : memref<10x64x128xf32, #tpu.memory_space<vmem>> -> memref<1x64x128xf32, #tpu.memory_space<vmem>>
      %dma_wait3A_1886 = tpu.memref_squeeze %dma_wait3A_1885 : memref<1x64x128xf32, #tpu.memory_space<vmem>> -> memref<64x128xf32, #tpu.memory_space<vmem>>
      %dma_wait3A_1887 = tpu.memref_slice %arg5[%mul3A_1880] : memref<6400xi32, #tpu.memory_space<vmem>> -> memref<64xi32, #tpu.memory_space<vmem>>
      %dma_wait3A_1888 = arith.constant 0 : i32
      %dma_wait3A_1889 = arith.constant 0 : i32
      %dma_wait3A_1890 = tpu.memref_slice %arg2[%dma_wait3A_1888, %dma_wait3A_1889] : memref<100000x128xf32, #tpu.memory_space<hbm>> -> memref<100000x128xf32, #tpu.memory_space<hbm>>
      %dma_wait3A_1891 = tpu.memref_slice %arg7[%dma_wait3A_1882] : memref<10x!tpu.dma_semaphore, #tpu.memory_space<semaphore_mem>> -> memref<1x!tpu.dma_semaphore, #tpu.memory_space<semaphore_mem>>
      %dma_wait3A_1892 = tpu.memref_squeeze %dma_wait3A_1891 : memref<1x!tpu.dma_semaphore, #tpu.memory_space<semaphore_mem>> -> memref<!tpu.dma_semaphore, #tpu.memory_space<semaphore_mem>>
      tpu.wait_indirect_dma semaphore(%dma_wait3A_1892 : memref<!tpu.dma_semaphore, #tpu.memory_space<semaphore_mem>>) src(%dma_wait3A_1890 : memref<100000x128xf32, #tpu.memory_space<hbm>>) dst(%dma_wait3A_1886 : memref<64x128xf32, #tpu.memory_space<vmem>>)
      %mul3A_1893 = arith.constant 64 : i32
      %mul3A_1894 = arith.muli %add3A_1841, %mul3A_1893 : i32
      %add3A_1895 = arith.addi %mul3A_2, %mul3A_1894 : i32
      %dma_start3A_1896 = arith.constant 8 : i32
      %dma_start3A_1897 = arith.constant 8 : i32
      %dma_start3A_1898 = arith.constant 0 : i32
      %dma_start3A_1899 = arith.constant 0 : i32
      %dma_start3A_1900 = tpu.memref_slice %arg6[%dma_start3A_1896, %dma_start3A_1898, %dma_start3A_1899] : memref<10x64x128xf32, #tpu.memory_space<vmem>> -> memref<1x64x128xf32, #tpu.memory_space<vmem>>
      %dma_start3A_1901 = tpu.memref_squeeze %dma_start3A_1900 : memref<1x64x128xf32, #tpu.memory_space<vmem>> -> memref<64x128xf32, #tpu.memory_space<vmem>>
      %dma_start3A_1902 = arith.constant 0 : i32
      %dma_start3A_1903 = tpu.memref_slice %arg4[%add3A_1895, %dma_start3A_1902] : memref<204800x128xf32, #tpu.memory_space<hbm>> -> memref<64x128xf32, #tpu.memory_space<hbm>>
      %dma_start3A_1904 = tpu.memref_slice %arg8[%dma_start3A_1897] : memref<10x!tpu.dma_semaphore, #tpu.memory_space<semaphore_mem>> -> memref<1x!tpu.dma_semaphore, #tpu.memory_space<semaphore_mem>>
      %dma_start3A_1905 = tpu.memref_squeeze %dma_start3A_1904 : memref<1x!tpu.dma_semaphore, #tpu.memory_space<semaphore_mem>> -> memref<!tpu.dma_semaphore, #tpu.memory_space<semaphore_mem>>
      %dma_start3A_1906 = arith.constant 0 : i32
      %dma_start3A_1907 = tpu.memref_slice %arg4[%add3A_1895, %dma_start3A_1906] : memref<204800x128xf32, #tpu.memory_space<hbm>> -> memref<64x128xf32, #tpu.memory_space<hbm>>
      %dma_start3A_1908 = arith.constant 0 : i32
      %dma_start3A_1909 = arith.constant 0 : i32
      %dma_start3A_1910 = tpu.memref_slice %arg6[%dma_start3A_1896, %dma_start3A_1908, %dma_start3A_1909] : memref<10x64x128xf32, #tpu.memory_space<vmem>> -> memref<1x64x128xf32, #tpu.memory_space<vmem>>
      %dma_start3A_1911 = tpu.memref_squeeze %dma_start3A_1910 : memref<1x64x128xf32, #tpu.memory_space<vmem>> -> memref<64x128xf32, #tpu.memory_space<vmem>>
      tpu.enqueue_dma source(%dma_start3A_1911 : memref<64x128xf32, #tpu.memory_space<vmem>>) target(%dma_start3A_1907 : memref<64x128xf32, #tpu.memory_space<hbm>>) target_semaphore(%dma_start3A_1905 : memref<!tpu.dma_semaphore, #tpu.memory_space<semaphore_mem>>)
      %mul3A_1912 = arith.constant 10 : i32
      %mul3A_1913 = arith.muli %scan3A_1246, %mul3A_1912 : i32
      %add3A_1914 = arith.constant 9 : i32
      %add3A_1915 = arith.addi %mul3A_1913, %add3A_1914 : i32
      %add3A_1916 = arith.constant 8 : i32
      %add3A_1917 = arith.addi %add3A_1915, %add3A_1916 : i32
      %sub3A_1918 = arith.constant 10 : i32
      %sub3A_1919 = arith.subi %add3A_1917, %sub3A_1918 : i32
      %mul3A_1920 = arith.constant 64 : i32
      %mul3A_1921 = arith.muli %sub3A_1919, %mul3A_1920 : i32
      %add3A_1922 = arith.addi %mul3A_2, %mul3A_1921 : i32
      %dma_wait3A_1923 = arith.constant 7 : i32
      %dma_wait3A_1924 = arith.constant 7 : i32
      %dma_wait3A_1925 = arith.constant 0 : i32
      %dma_wait3A_1926 = arith.constant 0 : i32
      %dma_wait3A_1927 = tpu.memref_slice %arg6[%dma_wait3A_1923, %dma_wait3A_1925, %dma_wait3A_1926] : memref<10x64x128xf32, #tpu.memory_space<vmem>> -> memref<1x64x128xf32, #tpu.memory_space<vmem>>
      %dma_wait3A_1928 = tpu.memref_squeeze %dma_wait3A_1927 : memref<1x64x128xf32, #tpu.memory_space<vmem>> -> memref<64x128xf32, #tpu.memory_space<vmem>>
      %dma_wait3A_1929 = arith.constant 0 : i32
      %dma_wait3A_1930 = tpu.memref_slice %arg4[%add3A_1922, %dma_wait3A_1929] : memref<204800x128xf32, #tpu.memory_space<hbm>> -> memref<64x128xf32, #tpu.memory_space<hbm>>
      %dma_wait3A_1931 = tpu.memref_slice %arg8[%dma_wait3A_1924] : memref<10x!tpu.dma_semaphore, #tpu.memory_space<semaphore_mem>> -> memref<1x!tpu.dma_semaphore, #tpu.memory_space<semaphore_mem>>
      %dma_wait3A_1932 = tpu.memref_squeeze %dma_wait3A_1931 : memref<1x!tpu.dma_semaphore, #tpu.memory_space<semaphore_mem>> -> memref<!tpu.dma_semaphore, #tpu.memory_space<semaphore_mem>>
      %dma_wait3A_1933 = arith.constant 0 : i32
      %dma_wait3A_1934 = tpu.memref_slice %arg4[%add3A_1922, %dma_wait3A_1933] : memref<204800x128xf32, #tpu.memory_space<hbm>> -> memref<64x128xf32, #tpu.memory_space<hbm>>
      %dma_wait3A_1935 = arith.constant 0 : i32
      %dma_wait3A_1936 = arith.constant 0 : i32
      %dma_wait3A_1937 = tpu.memref_slice %arg6[%dma_wait3A_1923, %dma_wait3A_1935, %dma_wait3A_1936] : memref<10x64x128xf32, #tpu.memory_space<vmem>> -> memref<1x64x128xf32, #tpu.memory_space<vmem>>
      %dma_wait3A_1938 = tpu.memref_squeeze %dma_wait3A_1937 : memref<1x64x128xf32, #tpu.memory_space<vmem>> -> memref<64x128xf32, #tpu.memory_space<vmem>>
      tpu.wait_dma2 semaphore(%dma_wait3A_1932 : memref<!tpu.dma_semaphore, #tpu.memory_space<semaphore_mem>>) src(%dma_wait3A_1938 : memref<64x128xf32, #tpu.memory_space<vmem>>) dst(%dma_wait3A_1934 : memref<64x128xf32, #tpu.memory_space<hbm>>)
      %mul3A_1939 = arith.constant 64 : i32
      %mul3A_1940 = arith.muli %add3A_1917, %mul3A_1939 : i32
      %dma_start3A_1941 = arith.constant 7 : i32
      %dma_start3A_1942 = arith.constant 7 : i32
      %dma_start3A_1943 = arith.constant 0 : i32
      %dma_start3A_1944 = arith.constant 0 : i32
      %dma_start3A_1945 = tpu.memref_slice %arg6[%dma_start3A_1941, %dma_start3A_1943, %dma_start3A_1944] : memref<10x64x128xf32, #tpu.memory_space<vmem>> -> memref<1x64x128xf32, #tpu.memory_space<vmem>>
      %dma_start3A_1946 = tpu.memref_squeeze %dma_start3A_1945 : memref<1x64x128xf32, #tpu.memory_space<vmem>> -> memref<64x128xf32, #tpu.memory_space<vmem>>
      %dma_start3A_1947 = tpu.memref_slice %arg5[%mul3A_1940] : memref<6400xi32, #tpu.memory_space<vmem>> -> memref<64xi32, #tpu.memory_space<vmem>>
      %dma_start3A_1948 = arith.constant 0 : i32
      %dma_start3A_1949 = arith.constant 0 : i32
      %dma_start3A_1950 = tpu.memref_slice %arg2[%dma_start3A_1948, %dma_start3A_1949] : memref<100000x128xf32, #tpu.memory_space<hbm>> -> memref<100000x128xf32, #tpu.memory_space<hbm>>
      %dma_start3A_1951 = tpu.memref_slice %arg7[%dma_start3A_1942] : memref<10x!tpu.dma_semaphore, #tpu.memory_space<semaphore_mem>> -> memref<1x!tpu.dma_semaphore, #tpu.memory_space<semaphore_mem>>
      %dma_start3A_1952 = tpu.memref_squeeze %dma_start3A_1951 : memref<1x!tpu.dma_semaphore, #tpu.memory_space<semaphore_mem>> -> memref<!tpu.dma_semaphore, #tpu.memory_space<semaphore_mem>>
      tpu.enqueue_indirect_dma source(%dma_start3A_1950 : memref<100000x128xf32, #tpu.memory_space<hbm>>) target(%dma_start3A_1946 : memref<64x128xf32, #tpu.memory_space<vmem>>) offsets(%dma_start3A_1947 : memref<64xi32, #tpu.memory_space<vmem>>) semaphore(%dma_start3A_1952 : memref<!tpu.dma_semaphore, #tpu.memory_space<semaphore_mem>>)
      %mul3A_1953 = arith.constant 64 : i32
      %mul3A_1954 = arith.muli %add3A_1915, %mul3A_1953 : i32
      %dma_wait3A_1955 = arith.constant 9 : i32
      %dma_wait3A_1956 = arith.constant 9 : i32
      %dma_wait3A_1957 = arith.constant 0 : i32
      %dma_wait3A_1958 = arith.constant 0 : i32
      %dma_wait3A_1959 = tpu.memref_slice %arg6[%dma_wait3A_1955, %dma_wait3A_1957, %dma_wait3A_1958] : memref<10x64x128xf32, #tpu.memory_space<vmem>> -> memref<1x64x128xf32, #tpu.memory_space<vmem>>
      %dma_wait3A_1960 = tpu.memref_squeeze %dma_wait3A_1959 : memref<1x64x128xf32, #tpu.memory_space<vmem>> -> memref<64x128xf32, #tpu.memory_space<vmem>>
      %dma_wait3A_1961 = tpu.memref_slice %arg5[%mul3A_1954] : memref<6400xi32, #tpu.memory_space<vmem>> -> memref<64xi32, #tpu.memory_space<vmem>>
      %dma_wait3A_1962 = arith.constant 0 : i32
      %dma_wait3A_1963 = arith.constant 0 : i32
      %dma_wait3A_1964 = tpu.memref_slice %arg2[%dma_wait3A_1962, %dma_wait3A_1963] : memref<100000x128xf32, #tpu.memory_space<hbm>> -> memref<100000x128xf32, #tpu.memory_space<hbm>>
      %dma_wait3A_1965 = tpu.memref_slice %arg7[%dma_wait3A_1956] : memref<10x!tpu.dma_semaphore, #tpu.memory_space<semaphore_mem>> -> memref<1x!tpu.dma_semaphore, #tpu.memory_space<semaphore_mem>>
      %dma_wait3A_1966 = tpu.memref_squeeze %dma_wait3A_1965 : memref<1x!tpu.dma_semaphore, #tpu.memory_space<semaphore_mem>> -> memref<!tpu.dma_semaphore, #tpu.memory_space<semaphore_mem>>
      tpu.wait_indirect_dma semaphore(%dma_wait3A_1966 : memref<!tpu.dma_semaphore, #tpu.memory_space<semaphore_mem>>) src(%dma_wait3A_1964 : memref<100000x128xf32, #tpu.memory_space<hbm>>) dst(%dma_wait3A_1960 : memref<64x128xf32, #tpu.memory_space<vmem>>)
      %mul3A_1967 = arith.constant 64 : i32
      %mul3A_1968 = arith.muli %add3A_1915, %mul3A_1967 : i32
      %add3A_1969 = arith.addi %mul3A_2, %mul3A_1968 : i32
      %dma_start3A_1970 = arith.constant 9 : i32
      %dma_start3A_1971 = arith.constant 9 : i32
      %dma_start3A_1972 = arith.constant 0 : i32
      %dma_start3A_1973 = arith.constant 0 : i32
      %dma_start3A_1974 = tpu.memref_slice %arg6[%dma_start3A_1970, %dma_start3A_1972, %dma_start3A_1973] : memref<10x64x128xf32, #tpu.memory_space<vmem>> -> memref<1x64x128xf32, #tpu.memory_space<vmem>>
      %dma_start3A_1975 = tpu.memref_squeeze %dma_start3A_1974 : memref<1x64x128xf32, #tpu.memory_space<vmem>> -> memref<64x128xf32, #tpu.memory_space<vmem>>
      %dma_start3A_1976 = arith.constant 0 : i32
      %dma_start3A_1977 = tpu.memref_slice %arg4[%add3A_1969, %dma_start3A_1976] : memref<204800x128xf32, #tpu.memory_space<hbm>> -> memref<64x128xf32, #tpu.memory_space<hbm>>
      %dma_start3A_1978 = tpu.memref_slice %arg8[%dma_start3A_1971] : memref<10x!tpu.dma_semaphore, #tpu.memory_space<semaphore_mem>> -> memref<1x!tpu.dma_semaphore, #tpu.memory_space<semaphore_mem>>
      %dma_start3A_1979 = tpu.memref_squeeze %dma_start3A_1978 : memref<1x!tpu.dma_semaphore, #tpu.memory_space<semaphore_mem>> -> memref<!tpu.dma_semaphore, #tpu.memory_space<semaphore_mem>>
      %dma_start3A_1980 = arith.constant 0 : i32
      %dma_start3A_1981 = tpu.memref_slice %arg4[%add3A_1969, %dma_start3A_1980] : memref<204800x128xf32, #tpu.memory_space<hbm>> -> memref<64x128xf32, #tpu.memory_space<hbm>>
      %dma_start3A_1982 = arith.constant 0 : i32
      %dma_start3A_1983 = arith.constant 0 : i32
      %dma_start3A_1984 = tpu.memref_slice %arg6[%dma_start3A_1970, %dma_start3A_1982, %dma_start3A_1983] : memref<10x64x128xf32, #tpu.memory_space<vmem>> -> memref<1x64x128xf32, #tpu.memory_space<vmem>>
      %dma_start3A_1985 = tpu.memref_squeeze %dma_start3A_1984 : memref<1x64x128xf32, #tpu.memory_space<vmem>> -> memref<64x128xf32, #tpu.memory_space<vmem>>
      tpu.enqueue_dma source(%dma_start3A_1985 : memref<64x128xf32, #tpu.memory_space<vmem>>) target(%dma_start3A_1981 : memref<64x128xf32, #tpu.memory_space<hbm>>) target_semaphore(%dma_start3A_1979 : memref<!tpu.dma_semaphore, #tpu.memory_space<semaphore_mem>>)
    }
    %scan3A_693 = arith.constant 8 : i32
    %add3A_694 = arith.constant 5632 : i32
    %add3A_695 = arith.addi %mul3A_2, %add3A_694 : i32
    %dma_wait3A_696 = arith.constant 8 : i32
    %dma_wait3A_697 = arith.constant 8 : i32
    %dma_wait3A_698 = arith.constant 0 : i32
    %dma_wait3A_699 = arith.constant 0 : i32
    %dma_wait3A_700 = tpu.memref_slice %arg6[%dma_wait3A_696, %dma_wait3A_698, %dma_wait3A_699] : memref<10x64x128xf32, #tpu.memory_space<vmem>> -> memref<1x64x128xf32, #tpu.memory_space<vmem>>
    %dma_wait3A_701 = tpu.memref_squeeze %dma_wait3A_700 : memref<1x64x128xf32, #tpu.memory_space<vmem>> -> memref<64x128xf32, #tpu.memory_space<vmem>>
    %dma_wait3A_702 = arith.constant 0 : i32
    %dma_wait3A_703 = tpu.memref_slice %arg4[%add3A_695, %dma_wait3A_702] : memref<204800x128xf32, #tpu.memory_space<hbm>> -> memref<64x128xf32, #tpu.memory_space<hbm>>
    %dma_wait3A_704 = tpu.memref_slice %arg8[%dma_wait3A_697] : memref<10x!tpu.dma_semaphore, #tpu.memory_space<semaphore_mem>> -> memref<1x!tpu.dma_semaphore, #tpu.memory_space<semaphore_mem>>
    %dma_wait3A_705 = tpu.memref_squeeze %dma_wait3A_704 : memref<1x!tpu.dma_semaphore, #tpu.memory_space<semaphore_mem>> -> memref<!tpu.dma_semaphore, #tpu.memory_space<semaphore_mem>>
    %dma_wait3A_706 = arith.constant 0 : i32
    %dma_wait3A_707 = tpu.memref_slice %arg4[%add3A_695, %dma_wait3A_706] : memref<204800x128xf32, #tpu.memory_space<hbm>> -> memref<64x128xf32, #tpu.memory_space<hbm>>
    %dma_wait3A_708 = arith.constant 0 : i32
    %dma_wait3A_709 = arith.constant 0 : i32
    %dma_wait3A_710 = tpu.memref_slice %arg6[%dma_wait3A_696, %dma_wait3A_708, %dma_wait3A_709] : memref<10x64x128xf32, #tpu.memory_space<vmem>> -> memref<1x64x128xf32, #tpu.memory_space<vmem>>
    %dma_wait3A_711 = tpu.memref_squeeze %dma_wait3A_710 : memref<1x64x128xf32, #tpu.memory_space<vmem>> -> memref<64x128xf32, #tpu.memory_space<vmem>>
    tpu.wait_dma2 semaphore(%dma_wait3A_705 : memref<!tpu.dma_semaphore, #tpu.memory_space<semaphore_mem>>) src(%dma_wait3A_711 : memref<64x128xf32, #tpu.memory_space<vmem>>) dst(%dma_wait3A_707 : memref<64x128xf32, #tpu.memory_space<hbm>>)
    %dma_start3A_712 = arith.constant 8 : i32
    %dma_start3A_713 = arith.constant 8 : i32
    %dma_start3A_714 = arith.constant 0 : i32
    %dma_start3A_715 = arith.constant 0 : i32
    %dma_start3A_716 = tpu.memref_slice %arg6[%dma_start3A_712, %dma_start3A_714, %dma_start3A_715] : memref<10x64x128xf32, #tpu.memory_space<vmem>> -> memref<1x64x128xf32, #tpu.memory_space<vmem>>
    %dma_start3A_717 = tpu.memref_squeeze %dma_start3A_716 : memref<1x64x128xf32, #tpu.memory_space<vmem>> -> memref<64x128xf32, #tpu.memory_space<vmem>>
    %dma_start3A_718 = arith.constant 6272 : i32
    %dma_start3A_719 = tpu.memref_slice %arg5[%dma_start3A_718] : memref<6400xi32, #tpu.memory_space<vmem>> -> memref<64xi32, #tpu.memory_space<vmem>>
    %dma_start3A_720 = arith.constant 0 : i32
    %dma_start3A_721 = arith.constant 0 : i32
    %dma_start3A_722 = tpu.memref_slice %arg2[%dma_start3A_720, %dma_start3A_721] : memref<100000x128xf32, #tpu.memory_space<hbm>> -> memref<100000x128xf32, #tpu.memory_space<hbm>>
    %dma_start3A_723 = tpu.memref_slice %arg7[%dma_start3A_713] : memref<10x!tpu.dma_semaphore, #tpu.memory_space<semaphore_mem>> -> memref<1x!tpu.dma_semaphore, #tpu.memory_space<semaphore_mem>>
    %dma_start3A_724 = tpu.memref_squeeze %dma_start3A_723 : memref<1x!tpu.dma_semaphore, #tpu.memory_space<semaphore_mem>> -> memref<!tpu.dma_semaphore, #tpu.memory_space<semaphore_mem>>
    tpu.enqueue_indirect_dma source(%dma_start3A_722 : memref<100000x128xf32, #tpu.memory_space<hbm>>) target(%dma_start3A_717 : memref<64x128xf32, #tpu.memory_space<vmem>>) offsets(%dma_start3A_719 : memref<64xi32, #tpu.memory_space<vmem>>) semaphore(%dma_start3A_724 : memref<!tpu.dma_semaphore, #tpu.memory_space<semaphore_mem>>)
    %dma_wait3A_725 = arith.constant 0 : i32
    %dma_wait3A_726 = arith.constant 0 : i32
    %dma_wait3A_727 = arith.constant 0 : i32
    %dma_wait3A_728 = arith.constant 0 : i32
    %dma_wait3A_729 = tpu.memref_slice %arg6[%dma_wait3A_725, %dma_wait3A_727, %dma_wait3A_728] : memref<10x64x128xf32, #tpu.memory_space<vmem>> -> memref<1x64x128xf32, #tpu.memory_space<vmem>>
    %dma_wait3A_730 = tpu.memref_squeeze %dma_wait3A_729 : memref<1x64x128xf32, #tpu.memory_space<vmem>> -> memref<64x128xf32, #tpu.memory_space<vmem>>
    %dma_wait3A_731 = arith.constant 5760 : i32
    %dma_wait3A_732 = tpu.memref_slice %arg5[%dma_wait3A_731] : memref<6400xi32, #tpu.memory_space<vmem>> -> memref<64xi32, #tpu.memory_space<vmem>>
    %dma_wait3A_733 = arith.constant 0 : i32
    %dma_wait3A_734 = arith.constant 0 : i32
    %dma_wait3A_735 = tpu.memref_slice %arg2[%dma_wait3A_733, %dma_wait3A_734] : memref<100000x128xf32, #tpu.memory_space<hbm>> -> memref<100000x128xf32, #tpu.memory_space<hbm>>
    %dma_wait3A_736 = tpu.memref_slice %arg7[%dma_wait3A_726] : memref<10x!tpu.dma_semaphore, #tpu.memory_space<semaphore_mem>> -> memref<1x!tpu.dma_semaphore, #tpu.memory_space<semaphore_mem>>
    %dma_wait3A_737 = tpu.memref_squeeze %dma_wait3A_736 : memref<1x!tpu.dma_semaphore, #tpu.memory_space<semaphore_mem>> -> memref<!tpu.dma_semaphore, #tpu.memory_space<semaphore_mem>>
    tpu.wait_indirect_dma semaphore(%dma_wait3A_737 : memref<!tpu.dma_semaphore, #tpu.memory_space<semaphore_mem>>) src(%dma_wait3A_735 : memref<100000x128xf32, #tpu.memory_space<hbm>>) dst(%dma_wait3A_730 : memref<64x128xf32, #tpu.memory_space<vmem>>)
    %add3A_738 = arith.constant 5760 : i32
    %add3A_739 = arith.addi %mul3A_2, %add3A_738 : i32
    %dma_start3A_740 = arith.constant 0 : i32
    %dma_start3A_741 = arith.constant 0 : i32
    %dma_start3A_742 = arith.constant 0 : i32
    %dma_start3A_743 = arith.constant 0 : i32
    %dma_start3A_744 = tpu.memref_slice %arg6[%dma_start3A_740, %dma_start3A_742, %dma_start3A_743] : memref<10x64x128xf32, #tpu.memory_space<vmem>> -> memref<1x64x128xf32, #tpu.memory_space<vmem>>
    %dma_start3A_745 = tpu.memref_squeeze %dma_start3A_744 : memref<1x64x128xf32, #tpu.memory_space<vmem>> -> memref<64x128xf32, #tpu.memory_space<vmem>>
    %dma_start3A_746 = arith.constant 0 : i32
    %dma_start3A_747 = tpu.memref_slice %arg4[%add3A_739, %dma_start3A_746] : memref<204800x128xf32, #tpu.memory_space<hbm>> -> memref<64x128xf32, #tpu.memory_space<hbm>>
    %dma_start3A_748 = tpu.memref_slice %arg8[%dma_start3A_741] : memref<10x!tpu.dma_semaphore, #tpu.memory_space<semaphore_mem>> -> memref<1x!tpu.dma_semaphore, #tpu.memory_space<semaphore_mem>>
    %dma_start3A_749 = tpu.memref_squeeze %dma_start3A_748 : memref<1x!tpu.dma_semaphore, #tpu.memory_space<semaphore_mem>> -> memref<!tpu.dma_semaphore, #tpu.memory_space<semaphore_mem>>
    %dma_start3A_750 = arith.constant 0 : i32
    %dma_start3A_751 = tpu.memref_slice %arg4[%add3A_739, %dma_start3A_750] : memref<204800x128xf32, #tpu.memory_space<hbm>> -> memref<64x128xf32, #tpu.memory_space<hbm>>
    %dma_start3A_752 = arith.constant 0 : i32
    %dma_start3A_753 = arith.constant 0 : i32
    %dma_start3A_754 = tpu.memref_slice %arg6[%dma_start3A_740, %dma_start3A_752, %dma_start3A_753] : memref<10x64x128xf32, #tpu.memory_space<vmem>> -> memref<1x64x128xf32, #tpu.memory_space<vmem>>
    %dma_start3A_755 = tpu.memref_squeeze %dma_start3A_754 : memref<1x64x128xf32, #tpu.memory_space<vmem>> -> memref<64x128xf32, #tpu.memory_space<vmem>>
    tpu.enqueue_dma source(%dma_start3A_755 : memref<64x128xf32, #tpu.memory_space<vmem>>) target(%dma_start3A_751 : memref<64x128xf32, #tpu.memory_space<hbm>>) target_semaphore(%dma_start3A_749 : memref<!tpu.dma_semaphore, #tpu.memory_space<semaphore_mem>>)
    %add3A_756 = arith.constant 5696 : i32
    %add3A_757 = arith.addi %mul3A_2, %add3A_756 : i32
    %dma_wait3A_758 = arith.constant 9 : i32
    %dma_wait3A_759 = arith.constant 9 : i32
    %dma_wait3A_760 = arith.constant 0 : i32
    %dma_wait3A_761 = arith.constant 0 : i32
    %dma_wait3A_762 = tpu.memref_slice %arg6[%dma_wait3A_758, %dma_wait3A_760, %dma_wait3A_761] : memref<10x64x128xf32, #tpu.memory_space<vmem>> -> memref<1x64x128xf32, #tpu.memory_space<vmem>>
    %dma_wait3A_763 = tpu.memref_squeeze %dma_wait3A_762 : memref<1x64x128xf32, #tpu.memory_space<vmem>> -> memref<64x128xf32, #tpu.memory_space<vmem>>
    %dma_wait3A_764 = arith.constant 0 : i32
    %dma_wait3A_765 = tpu.memref_slice %arg4[%add3A_757, %dma_wait3A_764] : memref<204800x128xf32, #tpu.memory_space<hbm>> -> memref<64x128xf32, #tpu.memory_space<hbm>>
    %dma_wait3A_766 = tpu.memref_slice %arg8[%dma_wait3A_759] : memref<10x!tpu.dma_semaphore, #tpu.memory_space<semaphore_mem>> -> memref<1x!tpu.dma_semaphore, #tpu.memory_space<semaphore_mem>>
    %dma_wait3A_767 = tpu.memref_squeeze %dma_wait3A_766 : memref<1x!tpu.dma_semaphore, #tpu.memory_space<semaphore_mem>> -> memref<!tpu.dma_semaphore, #tpu.memory_space<semaphore_mem>>
    %dma_wait3A_768 = arith.constant 0 : i32
    %dma_wait3A_769 = tpu.memref_slice %arg4[%add3A_757, %dma_wait3A_768] : memref<204800x128xf32, #tpu.memory_space<hbm>> -> memref<64x128xf32, #tpu.memory_space<hbm>>
    %dma_wait3A_770 = arith.constant 0 : i32
    %dma_wait3A_771 = arith.constant 0 : i32
    %dma_wait3A_772 = tpu.memref_slice %arg6[%dma_wait3A_758, %dma_wait3A_770, %dma_wait3A_771] : memref<10x64x128xf32, #tpu.memory_space<vmem>> -> memref<1x64x128xf32, #tpu.memory_space<vmem>>
    %dma_wait3A_773 = tpu.memref_squeeze %dma_wait3A_772 : memref<1x64x128xf32, #tpu.memory_space<vmem>> -> memref<64x128xf32, #tpu.memory_space<vmem>>
    tpu.wait_dma2 semaphore(%dma_wait3A_767 : memref<!tpu.dma_semaphore, #tpu.memory_space<semaphore_mem>>) src(%dma_wait3A_773 : memref<64x128xf32, #tpu.memory_space<vmem>>) dst(%dma_wait3A_769 : memref<64x128xf32, #tpu.memory_space<hbm>>)
    %dma_start3A_774 = arith.constant 9 : i32
    %dma_start3A_775 = arith.constant 9 : i32
    %dma_start3A_776 = arith.constant 0 : i32
    %dma_start3A_777 = arith.constant 0 : i32
    %dma_start3A_778 = tpu.memref_slice %arg6[%dma_start3A_774, %dma_start3A_776, %dma_start3A_777] : memref<10x64x128xf32, #tpu.memory_space<vmem>> -> memref<1x64x128xf32, #tpu.memory_space<vmem>>
    %dma_start3A_779 = tpu.memref_squeeze %dma_start3A_778 : memref<1x64x128xf32, #tpu.memory_space<vmem>> -> memref<64x128xf32, #tpu.memory_space<vmem>>
    %dma_start3A_780 = arith.constant 6336 : i32
    %dma_start3A_781 = tpu.memref_slice %arg5[%dma_start3A_780] : memref<6400xi32, #tpu.memory_space<vmem>> -> memref<64xi32, #tpu.memory_space<vmem>>
    %dma_start3A_782 = arith.constant 0 : i32
    %dma_start3A_783 = arith.constant 0 : i32
    %dma_start3A_784 = tpu.memref_slice %arg2[%dma_start3A_782, %dma_start3A_783] : memref<100000x128xf32, #tpu.memory_space<hbm>> -> memref<100000x128xf32, #tpu.memory_space<hbm>>
    %dma_start3A_785 = tpu.memref_slice %arg7[%dma_start3A_775] : memref<10x!tpu.dma_semaphore, #tpu.memory_space<semaphore_mem>> -> memref<1x!tpu.dma_semaphore, #tpu.memory_space<semaphore_mem>>
    %dma_start3A_786 = tpu.memref_squeeze %dma_start3A_785 : memref<1x!tpu.dma_semaphore, #tpu.memory_space<semaphore_mem>> -> memref<!tpu.dma_semaphore, #tpu.memory_space<semaphore_mem>>
    tpu.enqueue_indirect_dma source(%dma_start3A_784 : memref<100000x128xf32, #tpu.memory_space<hbm>>) target(%dma_start3A_779 : memref<64x128xf32, #tpu.memory_space<vmem>>) offsets(%dma_start3A_781 : memref<64xi32, #tpu.memory_space<vmem>>) semaphore(%dma_start3A_786 : memref<!tpu.dma_semaphore, #tpu.memory_space<semaphore_mem>>)
    %dma_wait3A_787 = arith.constant 1 : i32
    %dma_wait3A_788 = arith.constant 1 : i32
    %dma_wait3A_789 = arith.constant 0 : i32
    %dma_wait3A_790 = arith.constant 0 : i32
    %dma_wait3A_791 = tpu.memref_slice %arg6[%dma_wait3A_787, %dma_wait3A_789, %dma_wait3A_790] : memref<10x64x128xf32, #tpu.memory_space<vmem>> -> memref<1x64x128xf32, #tpu.memory_space<vmem>>
    %dma_wait3A_792 = tpu.memref_squeeze %dma_wait3A_791 : memref<1x64x128xf32, #tpu.memory_space<vmem>> -> memref<64x128xf32, #tpu.memory_space<vmem>>
    %dma_wait3A_793 = arith.constant 5824 : i32
    %dma_wait3A_794 = tpu.memref_slice %arg5[%dma_wait3A_793] : memref<6400xi32, #tpu.memory_space<vmem>> -> memref<64xi32, #tpu.memory_space<vmem>>
    %dma_wait3A_795 = arith.constant 0 : i32
    %dma_wait3A_796 = arith.constant 0 : i32
    %dma_wait3A_797 = tpu.memref_slice %arg2[%dma_wait3A_795, %dma_wait3A_796] : memref<100000x128xf32, #tpu.memory_space<hbm>> -> memref<100000x128xf32, #tpu.memory_space<hbm>>
    %dma_wait3A_798 = tpu.memref_slice %arg7[%dma_wait3A_788] : memref<10x!tpu.dma_semaphore, #tpu.memory_space<semaphore_mem>> -> memref<1x!tpu.dma_semaphore, #tpu.memory_space<semaphore_mem>>
    %dma_wait3A_799 = tpu.memref_squeeze %dma_wait3A_798 : memref<1x!tpu.dma_semaphore, #tpu.memory_space<semaphore_mem>> -> memref<!tpu.dma_semaphore, #tpu.memory_space<semaphore_mem>>
    tpu.wait_indirect_dma semaphore(%dma_wait3A_799 : memref<!tpu.dma_semaphore, #tpu.memory_space<semaphore_mem>>) src(%dma_wait3A_797 : memref<100000x128xf32, #tpu.memory_space<hbm>>) dst(%dma_wait3A_792 : memref<64x128xf32, #tpu.memory_space<vmem>>)
    %add3A_800 = arith.constant 5824 : i32
    %add3A_801 = arith.addi %mul3A_2, %add3A_800 : i32
    %dma_start3A_802 = arith.constant 1 : i32
    %dma_start3A_803 = arith.constant 1 : i32
    %dma_start3A_804 = arith.constant 0 : i32
    %dma_start3A_805 = arith.constant 0 : i32
    %dma_start3A_806 = tpu.memref_slice %arg6[%dma_start3A_802, %dma_start3A_804, %dma_start3A_805] : memref<10x64x128xf32, #tpu.memory_space<vmem>> -> memref<1x64x128xf32, #tpu.memory_space<vmem>>
    %dma_start3A_807 = tpu.memref_squeeze %dma_start3A_806 : memref<1x64x128xf32, #tpu.memory_space<vmem>> -> memref<64x128xf32, #tpu.memory_space<vmem>>
    %dma_start3A_808 = arith.constant 0 : i32
    %dma_start3A_809 = tpu.memref_slice %arg4[%add3A_801, %dma_start3A_808] : memref<204800x128xf32, #tpu.memory_space<hbm>> -> memref<64x128xf32, #tpu.memory_space<hbm>>
    %dma_start3A_810 = tpu.memref_slice %arg8[%dma_start3A_803] : memref<10x!tpu.dma_semaphore, #tpu.memory_space<semaphore_mem>> -> memref<1x!tpu.dma_semaphore, #tpu.memory_space<semaphore_mem>>
    %dma_start3A_811 = tpu.memref_squeeze %dma_start3A_810 : memref<1x!tpu.dma_semaphore, #tpu.memory_space<semaphore_mem>> -> memref<!tpu.dma_semaphore, #tpu.memory_space<semaphore_mem>>
    %dma_start3A_812 = arith.constant 0 : i32
    %dma_start3A_813 = tpu.memref_slice %arg4[%add3A_801, %dma_start3A_812] : memref<204800x128xf32, #tpu.memory_space<hbm>> -> memref<64x128xf32, #tpu.memory_space<hbm>>
    %dma_start3A_814 = arith.constant 0 : i32
    %dma_start3A_815 = arith.constant 0 : i32
    %dma_start3A_816 = tpu.memref_slice %arg6[%dma_start3A_802, %dma_start3A_814, %dma_start3A_815] : memref<10x64x128xf32, #tpu.memory_space<vmem>> -> memref<1x64x128xf32, #tpu.memory_space<vmem>>
    %dma_start3A_817 = tpu.memref_squeeze %dma_start3A_816 : memref<1x64x128xf32, #tpu.memory_space<vmem>> -> memref<64x128xf32, #tpu.memory_space<vmem>>
    tpu.enqueue_dma source(%dma_start3A_817 : memref<64x128xf32, #tpu.memory_space<vmem>>) target(%dma_start3A_813 : memref<64x128xf32, #tpu.memory_space<hbm>>) target_semaphore(%dma_start3A_811 : memref<!tpu.dma_semaphore, #tpu.memory_space<semaphore_mem>>)
    %dma_wait3A_818 = arith.constant 2 : i32
    %dma_wait3A_819 = arith.constant 2 : i32
    %dma_wait3A_820 = arith.constant 0 : i32
    %dma_wait3A_821 = arith.constant 0 : i32
    %dma_wait3A_822 = tpu.memref_slice %arg6[%dma_wait3A_818, %dma_wait3A_820, %dma_wait3A_821] : memref<10x64x128xf32, #tpu.memory_space<vmem>> -> memref<1x64x128xf32, #tpu.memory_space<vmem>>
    %dma_wait3A_823 = tpu.memref_squeeze %dma_wait3A_822 : memref<1x64x128xf32, #tpu.memory_space<vmem>> -> memref<64x128xf32, #tpu.memory_space<vmem>>
    %dma_wait3A_824 = arith.constant 5888 : i32
    %dma_wait3A_825 = tpu.memref_slice %arg5[%dma_wait3A_824] : memref<6400xi32, #tpu.memory_space<vmem>> -> memref<64xi32, #tpu.memory_space<vmem>>
    %dma_wait3A_826 = arith.constant 0 : i32
    %dma_wait3A_827 = arith.constant 0 : i32
    %dma_wait3A_828 = tpu.memref_slice %arg2[%dma_wait3A_826, %dma_wait3A_827] : memref<100000x128xf32, #tpu.memory_space<hbm>> -> memref<100000x128xf32, #tpu.memory_space<hbm>>
    %dma_wait3A_829 = tpu.memref_slice %arg7[%dma_wait3A_819] : memref<10x!tpu.dma_semaphore, #tpu.memory_space<semaphore_mem>> -> memref<1x!tpu.dma_semaphore, #tpu.memory_space<semaphore_mem>>
    %dma_wait3A_830 = tpu.memref_squeeze %dma_wait3A_829 : memref<1x!tpu.dma_semaphore, #tpu.memory_space<semaphore_mem>> -> memref<!tpu.dma_semaphore, #tpu.memory_space<semaphore_mem>>
    tpu.wait_indirect_dma semaphore(%dma_wait3A_830 : memref<!tpu.dma_semaphore, #tpu.memory_space<semaphore_mem>>) src(%dma_wait3A_828 : memref<100000x128xf32, #tpu.memory_space<hbm>>) dst(%dma_wait3A_823 : memref<64x128xf32, #tpu.memory_space<vmem>>)
    %add3A_831 = arith.constant 5888 : i32
    %add3A_832 = arith.addi %mul3A_2, %add3A_831 : i32
    %dma_start3A_833 = arith.constant 2 : i32
    %dma_start3A_834 = arith.constant 2 : i32
    %dma_start3A_835 = arith.constant 0 : i32
    %dma_start3A_836 = arith.constant 0 : i32
    %dma_start3A_837 = tpu.memref_slice %arg6[%dma_start3A_833, %dma_start3A_835, %dma_start3A_836] : memref<10x64x128xf32, #tpu.memory_space<vmem>> -> memref<1x64x128xf32, #tpu.memory_space<vmem>>
    %dma_start3A_838 = tpu.memref_squeeze %dma_start3A_837 : memref<1x64x128xf32, #tpu.memory_space<vmem>> -> memref<64x128xf32, #tpu.memory_space<vmem>>
    %dma_start3A_839 = arith.constant 0 : i32
    %dma_start3A_840 = tpu.memref_slice %arg4[%add3A_832, %dma_start3A_839] : memref<204800x128xf32, #tpu.memory_space<hbm>> -> memref<64x128xf32, #tpu.memory_space<hbm>>
    %dma_start3A_841 = tpu.memref_slice %arg8[%dma_start3A_834] : memref<10x!tpu.dma_semaphore, #tpu.memory_space<semaphore_mem>> -> memref<1x!tpu.dma_semaphore, #tpu.memory_space<semaphore_mem>>
    %dma_start3A_842 = tpu.memref_squeeze %dma_start3A_841 : memref<1x!tpu.dma_semaphore, #tpu.memory_space<semaphore_mem>> -> memref<!tpu.dma_semaphore, #tpu.memory_space<semaphore_mem>>
    %dma_start3A_843 = arith.constant 0 : i32
    %dma_start3A_844 = tpu.memref_slice %arg4[%add3A_832, %dma_start3A_843] : memref<204800x128xf32, #tpu.memory_space<hbm>> -> memref<64x128xf32, #tpu.memory_space<hbm>>
    %dma_start3A_845 = arith.constant 0 : i32
    %dma_start3A_846 = arith.constant 0 : i32
    %dma_start3A_847 = tpu.memref_slice %arg6[%dma_start3A_833, %dma_start3A_845, %dma_start3A_846] : memref<10x64x128xf32, #tpu.memory_space<vmem>> -> memref<1x64x128xf32, #tpu.memory_space<vmem>>
    %dma_start3A_848 = tpu.memref_squeeze %dma_start3A_847 : memref<1x64x128xf32, #tpu.memory_space<vmem>> -> memref<64x128xf32, #tpu.memory_space<vmem>>
    tpu.enqueue_dma source(%dma_start3A_848 : memref<64x128xf32, #tpu.memory_space<vmem>>) target(%dma_start3A_844 : memref<64x128xf32, #tpu.memory_space<hbm>>) target_semaphore(%dma_start3A_842 : memref<!tpu.dma_semaphore, #tpu.memory_space<semaphore_mem>>)
    %dma_wait3A_849 = arith.constant 3 : i32
    %dma_wait3A_850 = arith.constant 3 : i32
    %dma_wait3A_851 = arith.constant 0 : i32
    %dma_wait3A_852 = arith.constant 0 : i32
    %dma_wait3A_853 = tpu.memref_slice %arg6[%dma_wait3A_849, %dma_wait3A_851, %dma_wait3A_852] : memref<10x64x128xf32, #tpu.memory_space<vmem>> -> memref<1x64x128xf32, #tpu.memory_space<vmem>>
    %dma_wait3A_854 = tpu.memref_squeeze %dma_wait3A_853 : memref<1x64x128xf32, #tpu.memory_space<vmem>> -> memref<64x128xf32, #tpu.memory_space<vmem>>
    %dma_wait3A_855 = arith.constant 5952 : i32
    %dma_wait3A_856 = tpu.memref_slice %arg5[%dma_wait3A_855] : memref<6400xi32, #tpu.memory_space<vmem>> -> memref<64xi32, #tpu.memory_space<vmem>>
    %dma_wait3A_857 = arith.constant 0 : i32
    %dma_wait3A_858 = arith.constant 0 : i32
    %dma_wait3A_859 = tpu.memref_slice %arg2[%dma_wait3A_857, %dma_wait3A_858] : memref<100000x128xf32, #tpu.memory_space<hbm>> -> memref<100000x128xf32, #tpu.memory_space<hbm>>
    %dma_wait3A_860 = tpu.memref_slice %arg7[%dma_wait3A_850] : memref<10x!tpu.dma_semaphore, #tpu.memory_space<semaphore_mem>> -> memref<1x!tpu.dma_semaphore, #tpu.memory_space<semaphore_mem>>
    %dma_wait3A_861 = tpu.memref_squeeze %dma_wait3A_860 : memref<1x!tpu.dma_semaphore, #tpu.memory_space<semaphore_mem>> -> memref<!tpu.dma_semaphore, #tpu.memory_space<semaphore_mem>>
    tpu.wait_indirect_dma semaphore(%dma_wait3A_861 : memref<!tpu.dma_semaphore, #tpu.memory_space<semaphore_mem>>) src(%dma_wait3A_859 : memref<100000x128xf32, #tpu.memory_space<hbm>>) dst(%dma_wait3A_854 : memref<64x128xf32, #tpu.memory_space<vmem>>)
    %add3A_862 = arith.constant 5952 : i32
    %add3A_863 = arith.addi %mul3A_2, %add3A_862 : i32
    %dma_start3A_864 = arith.constant 3 : i32
    %dma_start3A_865 = arith.constant 3 : i32
    %dma_start3A_866 = arith.constant 0 : i32
    %dma_start3A_867 = arith.constant 0 : i32
    %dma_start3A_868 = tpu.memref_slice %arg6[%dma_start3A_864, %dma_start3A_866, %dma_start3A_867] : memref<10x64x128xf32, #tpu.memory_space<vmem>> -> memref<1x64x128xf32, #tpu.memory_space<vmem>>
    %dma_start3A_869 = tpu.memref_squeeze %dma_start3A_868 : memref<1x64x128xf32, #tpu.memory_space<vmem>> -> memref<64x128xf32, #tpu.memory_space<vmem>>
    %dma_start3A_870 = arith.constant 0 : i32
    %dma_start3A_871 = tpu.memref_slice %arg4[%add3A_863, %dma_start3A_870] : memref<204800x128xf32, #tpu.memory_space<hbm>> -> memref<64x128xf32, #tpu.memory_space<hbm>>
    %dma_start3A_872 = tpu.memref_slice %arg8[%dma_start3A_865] : memref<10x!tpu.dma_semaphore, #tpu.memory_space<semaphore_mem>> -> memref<1x!tpu.dma_semaphore, #tpu.memory_space<semaphore_mem>>
    %dma_start3A_873 = tpu.memref_squeeze %dma_start3A_872 : memref<1x!tpu.dma_semaphore, #tpu.memory_space<semaphore_mem>> -> memref<!tpu.dma_semaphore, #tpu.memory_space<semaphore_mem>>
    %dma_start3A_874 = arith.constant 0 : i32
    %dma_start3A_875 = tpu.memref_slice %arg4[%add3A_863, %dma_start3A_874] : memref<204800x128xf32, #tpu.memory_space<hbm>> -> memref<64x128xf32, #tpu.memory_space<hbm>>
    %dma_start3A_876 = arith.constant 0 : i32
    %dma_start3A_877 = arith.constant 0 : i32
    %dma_start3A_878 = tpu.memref_slice %arg6[%dma_start3A_864, %dma_start3A_876, %dma_start3A_877] : memref<10x64x128xf32, #tpu.memory_space<vmem>> -> memref<1x64x128xf32, #tpu.memory_space<vmem>>
    %dma_start3A_879 = tpu.memref_squeeze %dma_start3A_878 : memref<1x64x128xf32, #tpu.memory_space<vmem>> -> memref<64x128xf32, #tpu.memory_space<vmem>>
    tpu.enqueue_dma source(%dma_start3A_879 : memref<64x128xf32, #tpu.memory_space<vmem>>) target(%dma_start3A_875 : memref<64x128xf32, #tpu.memory_space<hbm>>) target_semaphore(%dma_start3A_873 : memref<!tpu.dma_semaphore, #tpu.memory_space<semaphore_mem>>)
    %dma_wait3A_880 = arith.constant 4 : i32
    %dma_wait3A_881 = arith.constant 4 : i32
    %dma_wait3A_882 = arith.constant 0 : i32
    %dma_wait3A_883 = arith.constant 0 : i32
    %dma_wait3A_884 = tpu.memref_slice %arg6[%dma_wait3A_880, %dma_wait3A_882, %dma_wait3A_883] : memref<10x64x128xf32, #tpu.memory_space<vmem>> -> memref<1x64x128xf32, #tpu.memory_space<vmem>>
    %dma_wait3A_885 = tpu.memref_squeeze %dma_wait3A_884 : memref<1x64x128xf32, #tpu.memory_space<vmem>> -> memref<64x128xf32, #tpu.memory_space<vmem>>
    %dma_wait3A_886 = arith.constant 6016 : i32
    %dma_wait3A_887 = tpu.memref_slice %arg5[%dma_wait3A_886] : memref<6400xi32, #tpu.memory_space<vmem>> -> memref<64xi32, #tpu.memory_space<vmem>>
    %dma_wait3A_888 = arith.constant 0 : i32
    %dma_wait3A_889 = arith.constant 0 : i32
    %dma_wait3A_890 = tpu.memref_slice %arg2[%dma_wait3A_888, %dma_wait3A_889] : memref<100000x128xf32, #tpu.memory_space<hbm>> -> memref<100000x128xf32, #tpu.memory_space<hbm>>
    %dma_wait3A_891 = tpu.memref_slice %arg7[%dma_wait3A_881] : memref<10x!tpu.dma_semaphore, #tpu.memory_space<semaphore_mem>> -> memref<1x!tpu.dma_semaphore, #tpu.memory_space<semaphore_mem>>
    %dma_wait3A_892 = tpu.memref_squeeze %dma_wait3A_891 : memref<1x!tpu.dma_semaphore, #tpu.memory_space<semaphore_mem>> -> memref<!tpu.dma_semaphore, #tpu.memory_space<semaphore_mem>>
    tpu.wait_indirect_dma semaphore(%dma_wait3A_892 : memref<!tpu.dma_semaphore, #tpu.memory_space<semaphore_mem>>) src(%dma_wait3A_890 : memref<100000x128xf32, #tpu.memory_space<hbm>>) dst(%dma_wait3A_885 : memref<64x128xf32, #tpu.memory_space<vmem>>)
    %add3A_893 = arith.constant 6016 : i32
    %add3A_894 = arith.addi %mul3A_2, %add3A_893 : i32
    %dma_start3A_895 = arith.constant 4 : i32
    %dma_start3A_896 = arith.constant 4 : i32
    %dma_start3A_897 = arith.constant 0 : i32
    %dma_start3A_898 = arith.constant 0 : i32
    %dma_start3A_899 = tpu.memref_slice %arg6[%dma_start3A_895, %dma_start3A_897, %dma_start3A_898] : memref<10x64x128xf32, #tpu.memory_space<vmem>> -> memref<1x64x128xf32, #tpu.memory_space<vmem>>
    %dma_start3A_900 = tpu.memref_squeeze %dma_start3A_899 : memref<1x64x128xf32, #tpu.memory_space<vmem>> -> memref<64x128xf32, #tpu.memory_space<vmem>>
    %dma_start3A_901 = arith.constant 0 : i32
    %dma_start3A_902 = tpu.memref_slice %arg4[%add3A_894, %dma_start3A_901] : memref<204800x128xf32, #tpu.memory_space<hbm>> -> memref<64x128xf32, #tpu.memory_space<hbm>>
    %dma_start3A_903 = tpu.memref_slice %arg8[%dma_start3A_896] : memref<10x!tpu.dma_semaphore, #tpu.memory_space<semaphore_mem>> -> memref<1x!tpu.dma_semaphore, #tpu.memory_space<semaphore_mem>>
    %dma_start3A_904 = tpu.memref_squeeze %dma_start3A_903 : memref<1x!tpu.dma_semaphore, #tpu.memory_space<semaphore_mem>> -> memref<!tpu.dma_semaphore, #tpu.memory_space<semaphore_mem>>
    %dma_start3A_905 = arith.constant 0 : i32
    %dma_start3A_906 = tpu.memref_slice %arg4[%add3A_894, %dma_start3A_905] : memref<204800x128xf32, #tpu.memory_space<hbm>> -> memref<64x128xf32, #tpu.memory_space<hbm>>
    %dma_start3A_907 = arith.constant 0 : i32
    %dma_start3A_908 = arith.constant 0 : i32
    %dma_start3A_909 = tpu.memref_slice %arg6[%dma_start3A_895, %dma_start3A_907, %dma_start3A_908] : memref<10x64x128xf32, #tpu.memory_space<vmem>> -> memref<1x64x128xf32, #tpu.memory_space<vmem>>
    %dma_start3A_910 = tpu.memref_squeeze %dma_start3A_909 : memref<1x64x128xf32, #tpu.memory_space<vmem>> -> memref<64x128xf32, #tpu.memory_space<vmem>>
    tpu.enqueue_dma source(%dma_start3A_910 : memref<64x128xf32, #tpu.memory_space<vmem>>) target(%dma_start3A_906 : memref<64x128xf32, #tpu.memory_space<hbm>>) target_semaphore(%dma_start3A_904 : memref<!tpu.dma_semaphore, #tpu.memory_space<semaphore_mem>>)
    %dma_wait3A_911 = arith.constant 5 : i32
    %dma_wait3A_912 = arith.constant 5 : i32
    %dma_wait3A_913 = arith.constant 0 : i32
    %dma_wait3A_914 = arith.constant 0 : i32
    %dma_wait3A_915 = tpu.memref_slice %arg6[%dma_wait3A_911, %dma_wait3A_913, %dma_wait3A_914] : memref<10x64x128xf32, #tpu.memory_space<vmem>> -> memref<1x64x128xf32, #tpu.memory_space<vmem>>
    %dma_wait3A_916 = tpu.memref_squeeze %dma_wait3A_915 : memref<1x64x128xf32, #tpu.memory_space<vmem>> -> memref<64x128xf32, #tpu.memory_space<vmem>>
    %dma_wait3A_917 = arith.constant 6080 : i32
    %dma_wait3A_918 = tpu.memref_slice %arg5[%dma_wait3A_917] : memref<6400xi32, #tpu.memory_space<vmem>> -> memref<64xi32, #tpu.memory_space<vmem>>
    %dma_wait3A_919 = arith.constant 0 : i32
    %dma_wait3A_920 = arith.constant 0 : i32
    %dma_wait3A_921 = tpu.memref_slice %arg2[%dma_wait3A_919, %dma_wait3A_920] : memref<100000x128xf32, #tpu.memory_space<hbm>> -> memref<100000x128xf32, #tpu.memory_space<hbm>>
    %dma_wait3A_922 = tpu.memref_slice %arg7[%dma_wait3A_912] : memref<10x!tpu.dma_semaphore, #tpu.memory_space<semaphore_mem>> -> memref<1x!tpu.dma_semaphore, #tpu.memory_space<semaphore_mem>>
    %dma_wait3A_923 = tpu.memref_squeeze %dma_wait3A_922 : memref<1x!tpu.dma_semaphore, #tpu.memory_space<semaphore_mem>> -> memref<!tpu.dma_semaphore, #tpu.memory_space<semaphore_mem>>
    tpu.wait_indirect_dma semaphore(%dma_wait3A_923 : memref<!tpu.dma_semaphore, #tpu.memory_space<semaphore_mem>>) src(%dma_wait3A_921 : memref<100000x128xf32, #tpu.memory_space<hbm>>) dst(%dma_wait3A_916 : memref<64x128xf32, #tpu.memory_space<vmem>>)
    %add3A_924 = arith.constant 6080 : i32
    %add3A_925 = arith.addi %mul3A_2, %add3A_924 : i32
    %dma_start3A_926 = arith.constant 5 : i32
    %dma_start3A_927 = arith.constant 5 : i32
    %dma_start3A_928 = arith.constant 0 : i32
    %dma_start3A_929 = arith.constant 0 : i32
    %dma_start3A_930 = tpu.memref_slice %arg6[%dma_start3A_926, %dma_start3A_928, %dma_start3A_929] : memref<10x64x128xf32, #tpu.memory_space<vmem>> -> memref<1x64x128xf32, #tpu.memory_space<vmem>>
    %dma_start3A_931 = tpu.memref_squeeze %dma_start3A_930 : memref<1x64x128xf32, #tpu.memory_space<vmem>> -> memref<64x128xf32, #tpu.memory_space<vmem>>
    %dma_start3A_932 = arith.constant 0 : i32
    %dma_start3A_933 = tpu.memref_slice %arg4[%add3A_925, %dma_start3A_932] : memref<204800x128xf32, #tpu.memory_space<hbm>> -> memref<64x128xf32, #tpu.memory_space<hbm>>
    %dma_start3A_934 = tpu.memref_slice %arg8[%dma_start3A_927] : memref<10x!tpu.dma_semaphore, #tpu.memory_space<semaphore_mem>> -> memref<1x!tpu.dma_semaphore, #tpu.memory_space<semaphore_mem>>
    %dma_start3A_935 = tpu.memref_squeeze %dma_start3A_934 : memref<1x!tpu.dma_semaphore, #tpu.memory_space<semaphore_mem>> -> memref<!tpu.dma_semaphore, #tpu.memory_space<semaphore_mem>>
    %dma_start3A_936 = arith.constant 0 : i32
    %dma_start3A_937 = tpu.memref_slice %arg4[%add3A_925, %dma_start3A_936] : memref<204800x128xf32, #tpu.memory_space<hbm>> -> memref<64x128xf32, #tpu.memory_space<hbm>>
    %dma_start3A_938 = arith.constant 0 : i32
    %dma_start3A_939 = arith.constant 0 : i32
    %dma_start3A_940 = tpu.memref_slice %arg6[%dma_start3A_926, %dma_start3A_938, %dma_start3A_939] : memref<10x64x128xf32, #tpu.memory_space<vmem>> -> memref<1x64x128xf32, #tpu.memory_space<vmem>>
    %dma_start3A_941 = tpu.memref_squeeze %dma_start3A_940 : memref<1x64x128xf32, #tpu.memory_space<vmem>> -> memref<64x128xf32, #tpu.memory_space<vmem>>
    tpu.enqueue_dma source(%dma_start3A_941 : memref<64x128xf32, #tpu.memory_space<vmem>>) target(%dma_start3A_937 : memref<64x128xf32, #tpu.memory_space<hbm>>) target_semaphore(%dma_start3A_935 : memref<!tpu.dma_semaphore, #tpu.memory_space<semaphore_mem>>)
    %dma_wait3A_942 = arith.constant 6 : i32
    %dma_wait3A_943 = arith.constant 6 : i32
    %dma_wait3A_944 = arith.constant 0 : i32
    %dma_wait3A_945 = arith.constant 0 : i32
    %dma_wait3A_946 = tpu.memref_slice %arg6[%dma_wait3A_942, %dma_wait3A_944, %dma_wait3A_945] : memref<10x64x128xf32, #tpu.memory_space<vmem>> -> memref<1x64x128xf32, #tpu.memory_space<vmem>>
    %dma_wait3A_947 = tpu.memref_squeeze %dma_wait3A_946 : memref<1x64x128xf32, #tpu.memory_space<vmem>> -> memref<64x128xf32, #tpu.memory_space<vmem>>
    %dma_wait3A_948 = arith.constant 6144 : i32
    %dma_wait3A_949 = tpu.memref_slice %arg5[%dma_wait3A_948] : memref<6400xi32, #tpu.memory_space<vmem>> -> memref<64xi32, #tpu.memory_space<vmem>>
    %dma_wait3A_950 = arith.constant 0 : i32
    %dma_wait3A_951 = arith.constant 0 : i32
    %dma_wait3A_952 = tpu.memref_slice %arg2[%dma_wait3A_950, %dma_wait3A_951] : memref<100000x128xf32, #tpu.memory_space<hbm>> -> memref<100000x128xf32, #tpu.memory_space<hbm>>
    %dma_wait3A_953 = tpu.memref_slice %arg7[%dma_wait3A_943] : memref<10x!tpu.dma_semaphore, #tpu.memory_space<semaphore_mem>> -> memref<1x!tpu.dma_semaphore, #tpu.memory_space<semaphore_mem>>
    %dma_wait3A_954 = tpu.memref_squeeze %dma_wait3A_953 : memref<1x!tpu.dma_semaphore, #tpu.memory_space<semaphore_mem>> -> memref<!tpu.dma_semaphore, #tpu.memory_space<semaphore_mem>>
    tpu.wait_indirect_dma semaphore(%dma_wait3A_954 : memref<!tpu.dma_semaphore, #tpu.memory_space<semaphore_mem>>) src(%dma_wait3A_952 : memref<100000x128xf32, #tpu.memory_space<hbm>>) dst(%dma_wait3A_947 : memref<64x128xf32, #tpu.memory_space<vmem>>)
    %add3A_955 = arith.constant 6144 : i32
    %add3A_956 = arith.addi %mul3A_2, %add3A_955 : i32
    %dma_start3A_957 = arith.constant 6 : i32
    %dma_start3A_958 = arith.constant 6 : i32
    %dma_start3A_959 = arith.constant 0 : i32
    %dma_start3A_960 = arith.constant 0 : i32
    %dma_start3A_961 = tpu.memref_slice %arg6[%dma_start3A_957, %dma_start3A_959, %dma_start3A_960] : memref<10x64x128xf32, #tpu.memory_space<vmem>> -> memref<1x64x128xf32, #tpu.memory_space<vmem>>
    %dma_start3A_962 = tpu.memref_squeeze %dma_start3A_961 : memref<1x64x128xf32, #tpu.memory_space<vmem>> -> memref<64x128xf32, #tpu.memory_space<vmem>>
    %dma_start3A_963 = arith.constant 0 : i32
    %dma_start3A_964 = tpu.memref_slice %arg4[%add3A_956, %dma_start3A_963] : memref<204800x128xf32, #tpu.memory_space<hbm>> -> memref<64x128xf32, #tpu.memory_space<hbm>>
    %dma_start3A_965 = tpu.memref_slice %arg8[%dma_start3A_958] : memref<10x!tpu.dma_semaphore, #tpu.memory_space<semaphore_mem>> -> memref<1x!tpu.dma_semaphore, #tpu.memory_space<semaphore_mem>>
    %dma_start3A_966 = tpu.memref_squeeze %dma_start3A_965 : memref<1x!tpu.dma_semaphore, #tpu.memory_space<semaphore_mem>> -> memref<!tpu.dma_semaphore, #tpu.memory_space<semaphore_mem>>
    %dma_start3A_967 = arith.constant 0 : i32
    %dma_start3A_968 = tpu.memref_slice %arg4[%add3A_956, %dma_start3A_967] : memref<204800x128xf32, #tpu.memory_space<hbm>> -> memref<64x128xf32, #tpu.memory_space<hbm>>
    %dma_start3A_969 = arith.constant 0 : i32
    %dma_start3A_970 = arith.constant 0 : i32
    %dma_start3A_971 = tpu.memref_slice %arg6[%dma_start3A_957, %dma_start3A_969, %dma_start3A_970] : memref<10x64x128xf32, #tpu.memory_space<vmem>> -> memref<1x64x128xf32, #tpu.memory_space<vmem>>
    %dma_start3A_972 = tpu.memref_squeeze %dma_start3A_971 : memref<1x64x128xf32, #tpu.memory_space<vmem>> -> memref<64x128xf32, #tpu.memory_space<vmem>>
    tpu.enqueue_dma source(%dma_start3A_972 : memref<64x128xf32, #tpu.memory_space<vmem>>) target(%dma_start3A_968 : memref<64x128xf32, #tpu.memory_space<hbm>>) target_semaphore(%dma_start3A_966 : memref<!tpu.dma_semaphore, #tpu.memory_space<semaphore_mem>>)
    %dma_wait3A_973 = arith.constant 7 : i32
    %dma_wait3A_974 = arith.constant 7 : i32
    %dma_wait3A_975 = arith.constant 0 : i32
    %dma_wait3A_976 = arith.constant 0 : i32
    %dma_wait3A_977 = tpu.memref_slice %arg6[%dma_wait3A_973, %dma_wait3A_975, %dma_wait3A_976] : memref<10x64x128xf32, #tpu.memory_space<vmem>> -> memref<1x64x128xf32, #tpu.memory_space<vmem>>
    %dma_wait3A_978 = tpu.memref_squeeze %dma_wait3A_977 : memref<1x64x128xf32, #tpu.memory_space<vmem>> -> memref<64x128xf32, #tpu.memory_space<vmem>>
    %dma_wait3A_979 = arith.constant 6208 : i32
    %dma_wait3A_980 = tpu.memref_slice %arg5[%dma_wait3A_979] : memref<6400xi32, #tpu.memory_space<vmem>> -> memref<64xi32, #tpu.memory_space<vmem>>
    %dma_wait3A_981 = arith.constant 0 : i32
    %dma_wait3A_982 = arith.constant 0 : i32
    %dma_wait3A_983 = tpu.memref_slice %arg2[%dma_wait3A_981, %dma_wait3A_982] : memref<100000x128xf32, #tpu.memory_space<hbm>> -> memref<100000x128xf32, #tpu.memory_space<hbm>>
    %dma_wait3A_984 = tpu.memref_slice %arg7[%dma_wait3A_974] : memref<10x!tpu.dma_semaphore, #tpu.memory_space<semaphore_mem>> -> memref<1x!tpu.dma_semaphore, #tpu.memory_space<semaphore_mem>>
    %dma_wait3A_985 = tpu.memref_squeeze %dma_wait3A_984 : memref<1x!tpu.dma_semaphore, #tpu.memory_space<semaphore_mem>> -> memref<!tpu.dma_semaphore, #tpu.memory_space<semaphore_mem>>
    tpu.wait_indirect_dma semaphore(%dma_wait3A_985 : memref<!tpu.dma_semaphore, #tpu.memory_space<semaphore_mem>>) src(%dma_wait3A_983 : memref<100000x128xf32, #tpu.memory_space<hbm>>) dst(%dma_wait3A_978 : memref<64x128xf32, #tpu.memory_space<vmem>>)
    %add3A_986 = arith.constant 6208 : i32
    %add3A_987 = arith.addi %mul3A_2, %add3A_986 : i32
    %dma_start3A_988 = arith.constant 7 : i32
    %dma_start3A_989 = arith.constant 7 : i32
    %dma_start3A_990 = arith.constant 0 : i32
    %dma_start3A_991 = arith.constant 0 : i32
    %dma_start3A_992 = tpu.memref_slice %arg6[%dma_start3A_988, %dma_start3A_990, %dma_start3A_991] : memref<10x64x128xf32, #tpu.memory_space<vmem>> -> memref<1x64x128xf32, #tpu.memory_space<vmem>>
    %dma_start3A_993 = tpu.memref_squeeze %dma_start3A_992 : memref<1x64x128xf32, #tpu.memory_space<vmem>> -> memref<64x128xf32, #tpu.memory_space<vmem>>
    %dma_start3A_994 = arith.constant 0 : i32
    %dma_start3A_995 = tpu.memref_slice %arg4[%add3A_987, %dma_start3A_994] : memref<204800x128xf32, #tpu.memory_space<hbm>> -> memref<64x128xf32, #tpu.memory_space<hbm>>
    %dma_start3A_996 = tpu.memref_slice %arg8[%dma_start3A_989] : memref<10x!tpu.dma_semaphore, #tpu.memory_space<semaphore_mem>> -> memref<1x!tpu.dma_semaphore, #tpu.memory_space<semaphore_mem>>
    %dma_start3A_997 = tpu.memref_squeeze %dma_start3A_996 : memref<1x!tpu.dma_semaphore, #tpu.memory_space<semaphore_mem>> -> memref<!tpu.dma_semaphore, #tpu.memory_space<semaphore_mem>>
    %dma_start3A_998 = arith.constant 0 : i32
    %dma_start3A_999 = tpu.memref_slice %arg4[%add3A_987, %dma_start3A_998] : memref<204800x128xf32, #tpu.memory_space<hbm>> -> memref<64x128xf32, #tpu.memory_space<hbm>>
    %dma_start3A_1000 = arith.constant 0 : i32
    %dma_start3A_1001 = arith.constant 0 : i32
    %dma_start3A_1002 = tpu.memref_slice %arg6[%dma_start3A_988, %dma_start3A_1000, %dma_start3A_1001] : memref<10x64x128xf32, #tpu.memory_space<vmem>> -> memref<1x64x128xf32, #tpu.memory_space<vmem>>
    %dma_start3A_1003 = tpu.memref_squeeze %dma_start3A_1002 : memref<1x64x128xf32, #tpu.memory_space<vmem>> -> memref<64x128xf32, #tpu.memory_space<vmem>>
    tpu.enqueue_dma source(%dma_start3A_1003 : memref<64x128xf32, #tpu.memory_space<vmem>>) target(%dma_start3A_999 : memref<64x128xf32, #tpu.memory_space<hbm>>) target_semaphore(%dma_start3A_997 : memref<!tpu.dma_semaphore, #tpu.memory_space<semaphore_mem>>)
    %dma_wait3A_1004 = arith.constant 8 : i32
    %dma_wait3A_1005 = arith.constant 8 : i32
    %dma_wait3A_1006 = arith.constant 0 : i32
    %dma_wait3A_1007 = arith.constant 0 : i32
    %dma_wait3A_1008 = tpu.memref_slice %arg6[%dma_wait3A_1004, %dma_wait3A_1006, %dma_wait3A_1007] : memref<10x64x128xf32, #tpu.memory_space<vmem>> -> memref<1x64x128xf32, #tpu.memory_space<vmem>>
    %dma_wait3A_1009 = tpu.memref_squeeze %dma_wait3A_1008 : memref<1x64x128xf32, #tpu.memory_space<vmem>> -> memref<64x128xf32, #tpu.memory_space<vmem>>
    %dma_wait3A_1010 = arith.constant 6272 : i32
    %dma_wait3A_1011 = tpu.memref_slice %arg5[%dma_wait3A_1010] : memref<6400xi32, #tpu.memory_space<vmem>> -> memref<64xi32, #tpu.memory_space<vmem>>
    %dma_wait3A_1012 = arith.constant 0 : i32
    %dma_wait3A_1013 = arith.constant 0 : i32
    %dma_wait3A_1014 = tpu.memref_slice %arg2[%dma_wait3A_1012, %dma_wait3A_1013] : memref<100000x128xf32, #tpu.memory_space<hbm>> -> memref<100000x128xf32, #tpu.memory_space<hbm>>
    %dma_wait3A_1015 = tpu.memref_slice %arg7[%dma_wait3A_1005] : memref<10x!tpu.dma_semaphore, #tpu.memory_space<semaphore_mem>> -> memref<1x!tpu.dma_semaphore, #tpu.memory_space<semaphore_mem>>
    %dma_wait3A_1016 = tpu.memref_squeeze %dma_wait3A_1015 : memref<1x!tpu.dma_semaphore, #tpu.memory_space<semaphore_mem>> -> memref<!tpu.dma_semaphore, #tpu.memory_space<semaphore_mem>>
    tpu.wait_indirect_dma semaphore(%dma_wait3A_1016 : memref<!tpu.dma_semaphore, #tpu.memory_space<semaphore_mem>>) src(%dma_wait3A_1014 : memref<100000x128xf32, #tpu.memory_space<hbm>>) dst(%dma_wait3A_1009 : memref<64x128xf32, #tpu.memory_space<vmem>>)
    %add3A_1017 = arith.constant 6272 : i32
    %add3A_1018 = arith.addi %mul3A_2, %add3A_1017 : i32
    %dma_start3A_1019 = arith.constant 8 : i32
    %dma_start3A_1020 = arith.constant 8 : i32
    %dma_start3A_1021 = arith.constant 0 : i32
    %dma_start3A_1022 = arith.constant 0 : i32
    %dma_start3A_1023 = tpu.memref_slice %arg6[%dma_start3A_1019, %dma_start3A_1021, %dma_start3A_1022] : memref<10x64x128xf32, #tpu.memory_space<vmem>> -> memref<1x64x128xf32, #tpu.memory_space<vmem>>
    %dma_start3A_1024 = tpu.memref_squeeze %dma_start3A_1023 : memref<1x64x128xf32, #tpu.memory_space<vmem>> -> memref<64x128xf32, #tpu.memory_space<vmem>>
    %dma_start3A_1025 = arith.constant 0 : i32
    %dma_start3A_1026 = tpu.memref_slice %arg4[%add3A_1018, %dma_start3A_1025] : memref<204800x128xf32, #tpu.memory_space<hbm>> -> memref<64x128xf32, #tpu.memory_space<hbm>>
    %dma_start3A_1027 = tpu.memref_slice %arg8[%dma_start3A_1020] : memref<10x!tpu.dma_semaphore, #tpu.memory_space<semaphore_mem>> -> memref<1x!tpu.dma_semaphore, #tpu.memory_space<semaphore_mem>>
    %dma_start3A_1028 = tpu.memref_squeeze %dma_start3A_1027 : memref<1x!tpu.dma_semaphore, #tpu.memory_space<semaphore_mem>> -> memref<!tpu.dma_semaphore, #tpu.memory_space<semaphore_mem>>
    %dma_start3A_1029 = arith.constant 0 : i32
    %dma_start3A_1030 = tpu.memref_slice %arg4[%add3A_1018, %dma_start3A_1029] : memref<204800x128xf32, #tpu.memory_space<hbm>> -> memref<64x128xf32, #tpu.memory_space<hbm>>
    %dma_start3A_1031 = arith.constant 0 : i32
    %dma_start3A_1032 = arith.constant 0 : i32
    %dma_start3A_1033 = tpu.memref_slice %arg6[%dma_start3A_1019, %dma_start3A_1031, %dma_start3A_1032] : memref<10x64x128xf32, #tpu.memory_space<vmem>> -> memref<1x64x128xf32, #tpu.memory_space<vmem>>
    %dma_start3A_1034 = tpu.memref_squeeze %dma_start3A_1033 : memref<1x64x128xf32, #tpu.memory_space<vmem>> -> memref<64x128xf32, #tpu.memory_space<vmem>>
    tpu.enqueue_dma source(%dma_start3A_1034 : memref<64x128xf32, #tpu.memory_space<vmem>>) target(%dma_start3A_1030 : memref<64x128xf32, #tpu.memory_space<hbm>>) target_semaphore(%dma_start3A_1028 : memref<!tpu.dma_semaphore, #tpu.memory_space<semaphore_mem>>)
    %dma_wait3A_1035 = arith.constant 9 : i32
    %dma_wait3A_1036 = arith.constant 9 : i32
    %dma_wait3A_1037 = arith.constant 0 : i32
    %dma_wait3A_1038 = arith.constant 0 : i32
    %dma_wait3A_1039 = tpu.memref_slice %arg6[%dma_wait3A_1035, %dma_wait3A_1037, %dma_wait3A_1038] : memref<10x64x128xf32, #tpu.memory_space<vmem>> -> memref<1x64x128xf32, #tpu.memory_space<vmem>>
    %dma_wait3A_1040 = tpu.memref_squeeze %dma_wait3A_1039 : memref<1x64x128xf32, #tpu.memory_space<vmem>> -> memref<64x128xf32, #tpu.memory_space<vmem>>
    %dma_wait3A_1041 = arith.constant 6336 : i32
    %dma_wait3A_1042 = tpu.memref_slice %arg5[%dma_wait3A_1041] : memref<6400xi32, #tpu.memory_space<vmem>> -> memref<64xi32, #tpu.memory_space<vmem>>
    %dma_wait3A_1043 = arith.constant 0 : i32
    %dma_wait3A_1044 = arith.constant 0 : i32
    %dma_wait3A_1045 = tpu.memref_slice %arg2[%dma_wait3A_1043, %dma_wait3A_1044] : memref<100000x128xf32, #tpu.memory_space<hbm>> -> memref<100000x128xf32, #tpu.memory_space<hbm>>
    %dma_wait3A_1046 = tpu.memref_slice %arg7[%dma_wait3A_1036] : memref<10x!tpu.dma_semaphore, #tpu.memory_space<semaphore_mem>> -> memref<1x!tpu.dma_semaphore, #tpu.memory_space<semaphore_mem>>
    %dma_wait3A_1047 = tpu.memref_squeeze %dma_wait3A_1046 : memref<1x!tpu.dma_semaphore, #tpu.memory_space<semaphore_mem>> -> memref<!tpu.dma_semaphore, #tpu.memory_space<semaphore_mem>>
    tpu.wait_indirect_dma semaphore(%dma_wait3A_1047 : memref<!tpu.dma_semaphore, #tpu.memory_space<semaphore_mem>>) src(%dma_wait3A_1045 : memref<100000x128xf32, #tpu.memory_space<hbm>>) dst(%dma_wait3A_1040 : memref<64x128xf32, #tpu.memory_space<vmem>>)
    %add3A_1048 = arith.constant 6336 : i32
    %add3A_1049 = arith.addi %mul3A_2, %add3A_1048 : i32
    %dma_start3A_1050 = arith.constant 9 : i32
    %dma_start3A_1051 = arith.constant 9 : i32
    %dma_start3A_1052 = arith.constant 0 : i32
    %dma_start3A_1053 = arith.constant 0 : i32
    %dma_start3A_1054 = tpu.memref_slice %arg6[%dma_start3A_1050, %dma_start3A_1052, %dma_start3A_1053] : memref<10x64x128xf32, #tpu.memory_space<vmem>> -> memref<1x64x128xf32, #tpu.memory_space<vmem>>
    %dma_start3A_1055 = tpu.memref_squeeze %dma_start3A_1054 : memref<1x64x128xf32, #tpu.memory_space<vmem>> -> memref<64x128xf32, #tpu.memory_space<vmem>>
    %dma_start3A_1056 = arith.constant 0 : i32
    %dma_start3A_1057 = tpu.memref_slice %arg4[%add3A_1049, %dma_start3A_1056] : memref<204800x128xf32, #tpu.memory_space<hbm>> -> memref<64x128xf32, #tpu.memory_space<hbm>>
    %dma_start3A_1058 = tpu.memref_slice %arg8[%dma_start3A_1051] : memref<10x!tpu.dma_semaphore, #tpu.memory_space<semaphore_mem>> -> memref<1x!tpu.dma_semaphore, #tpu.memory_space<semaphore_mem>>
    %dma_start3A_1059 = tpu.memref_squeeze %dma_start3A_1058 : memref<1x!tpu.dma_semaphore, #tpu.memory_space<semaphore_mem>> -> memref<!tpu.dma_semaphore, #tpu.memory_space<semaphore_mem>>
    %dma_start3A_1060 = arith.constant 0 : i32
    %dma_start3A_1061 = tpu.memref_slice %arg4[%add3A_1049, %dma_start3A_1060] : memref<204800x128xf32, #tpu.memory_space<hbm>> -> memref<64x128xf32, #tpu.memory_space<hbm>>
    %dma_start3A_1062 = arith.constant 0 : i32
    %dma_start3A_1063 = arith.constant 0 : i32
    %dma_start3A_1064 = tpu.memref_slice %arg6[%dma_start3A_1050, %dma_start3A_1062, %dma_start3A_1063] : memref<10x64x128xf32, #tpu.memory_space<vmem>> -> memref<1x64x128xf32, #tpu.memory_space<vmem>>
    %dma_start3A_1065 = tpu.memref_squeeze %dma_start3A_1064 : memref<1x64x128xf32, #tpu.memory_space<vmem>> -> memref<64x128xf32, #tpu.memory_space<vmem>>
    tpu.enqueue_dma source(%dma_start3A_1065 : memref<64x128xf32, #tpu.memory_space<vmem>>) target(%dma_start3A_1061 : memref<64x128xf32, #tpu.memory_space<hbm>>) target_semaphore(%dma_start3A_1059 : memref<!tpu.dma_semaphore, #tpu.memory_space<semaphore_mem>>)
    %add3A_1066 = arith.constant 5760 : i32
    %add3A_1067 = arith.addi %mul3A_2, %add3A_1066 : i32
    %dma_wait3A_1068 = arith.constant 0 : i32
    %dma_wait3A_1069 = arith.constant 0 : i32
    %dma_wait3A_1070 = arith.constant 0 : i32
    %dma_wait3A_1071 = arith.constant 0 : i32
    %dma_wait3A_1072 = tpu.memref_slice %arg6[%dma_wait3A_1068, %dma_wait3A_1070, %dma_wait3A_1071] : memref<10x64x128xf32, #tpu.memory_space<vmem>> -> memref<1x64x128xf32, #tpu.memory_space<vmem>>
    %dma_wait3A_1073 = tpu.memref_squeeze %dma_wait3A_1072 : memref<1x64x128xf32, #tpu.memory_space<vmem>> -> memref<64x128xf32, #tpu.memory_space<vmem>>
    %dma_wait3A_1074 = arith.constant 0 : i32
    %dma_wait3A_1075 = tpu.memref_slice %arg4[%add3A_1067, %dma_wait3A_1074] : memref<204800x128xf32, #tpu.memory_space<hbm>> -> memref<64x128xf32, #tpu.memory_space<hbm>>
    %dma_wait3A_1076 = tpu.memref_slice %arg8[%dma_wait3A_1069] : memref<10x!tpu.dma_semaphore, #tpu.memory_space<semaphore_mem>> -> memref<1x!tpu.dma_semaphore, #tpu.memory_space<semaphore_mem>>
    %dma_wait3A_1077 = tpu.memref_squeeze %dma_wait3A_1076 : memref<1x!tpu.dma_semaphore, #tpu.memory_space<semaphore_mem>> -> memref<!tpu.dma_semaphore, #tpu.memory_space<semaphore_mem>>
    %dma_wait3A_1078 = arith.constant 0 : i32
    %dma_wait3A_1079 = tpu.memref_slice %arg4[%add3A_1067, %dma_wait3A_1078] : memref<204800x128xf32, #tpu.memory_space<hbm>> -> memref<64x128xf32, #tpu.memory_space<hbm>>
    %dma_wait3A_1080 = arith.constant 0 : i32
    %dma_wait3A_1081 = arith.constant 0 : i32
    %dma_wait3A_1082 = tpu.memref_slice %arg6[%dma_wait3A_1068, %dma_wait3A_1080, %dma_wait3A_1081] : memref<10x64x128xf32, #tpu.memory_space<vmem>> -> memref<1x64x128xf32, #tpu.memory_space<vmem>>
    %dma_wait3A_1083 = tpu.memref_squeeze %dma_wait3A_1082 : memref<1x64x128xf32, #tpu.memory_space<vmem>> -> memref<64x128xf32, #tpu.memory_space<vmem>>
    tpu.wait_dma2 semaphore(%dma_wait3A_1077 : memref<!tpu.dma_semaphore, #tpu.memory_space<semaphore_mem>>) src(%dma_wait3A_1083 : memref<64x128xf32, #tpu.memory_space<vmem>>) dst(%dma_wait3A_1079 : memref<64x128xf32, #tpu.memory_space<hbm>>)
    %add3A_1084 = arith.constant 5824 : i32
    %add3A_1085 = arith.addi %mul3A_2, %add3A_1084 : i32
    %dma_wait3A_1086 = arith.constant 1 : i32
    %dma_wait3A_1087 = arith.constant 1 : i32
    %dma_wait3A_1088 = arith.constant 0 : i32
    %dma_wait3A_1089 = arith.constant 0 : i32
    %dma_wait3A_1090 = tpu.memref_slice %arg6[%dma_wait3A_1086, %dma_wait3A_1088, %dma_wait3A_1089] : memref<10x64x128xf32, #tpu.memory_space<vmem>> -> memref<1x64x128xf32, #tpu.memory_space<vmem>>
    %dma_wait3A_1091 = tpu.memref_squeeze %dma_wait3A_1090 : memref<1x64x128xf32, #tpu.memory_space<vmem>> -> memref<64x128xf32, #tpu.memory_space<vmem>>
    %dma_wait3A_1092 = arith.constant 0 : i32
    %dma_wait3A_1093 = tpu.memref_slice %arg4[%add3A_1085, %dma_wait3A_1092] : memref<204800x128xf32, #tpu.memory_space<hbm>> -> memref<64x128xf32, #tpu.memory_space<hbm>>
    %dma_wait3A_1094 = tpu.memref_slice %arg8[%dma_wait3A_1087] : memref<10x!tpu.dma_semaphore, #tpu.memory_space<semaphore_mem>> -> memref<1x!tpu.dma_semaphore, #tpu.memory_space<semaphore_mem>>
    %dma_wait3A_1095 = tpu.memref_squeeze %dma_wait3A_1094 : memref<1x!tpu.dma_semaphore, #tpu.memory_space<semaphore_mem>> -> memref<!tpu.dma_semaphore, #tpu.memory_space<semaphore_mem>>
    %dma_wait3A_1096 = arith.constant 0 : i32
    %dma_wait3A_1097 = tpu.memref_slice %arg4[%add3A_1085, %dma_wait3A_1096] : memref<204800x128xf32, #tpu.memory_space<hbm>> -> memref<64x128xf32, #tpu.memory_space<hbm>>
    %dma_wait3A_1098 = arith.constant 0 : i32
    %dma_wait3A_1099 = arith.constant 0 : i32
    %dma_wait3A_1100 = tpu.memref_slice %arg6[%dma_wait3A_1086, %dma_wait3A_1098, %dma_wait3A_1099] : memref<10x64x128xf32, #tpu.memory_space<vmem>> -> memref<1x64x128xf32, #tpu.memory_space<vmem>>
    %dma_wait3A_1101 = tpu.memref_squeeze %dma_wait3A_1100 : memref<1x64x128xf32, #tpu.memory_space<vmem>> -> memref<64x128xf32, #tpu.memory_space<vmem>>
    tpu.wait_dma2 semaphore(%dma_wait3A_1095 : memref<!tpu.dma_semaphore, #tpu.memory_space<semaphore_mem>>) src(%dma_wait3A_1101 : memref<64x128xf32, #tpu.memory_space<vmem>>) dst(%dma_wait3A_1097 : memref<64x128xf32, #tpu.memory_space<hbm>>)
    %add3A_1102 = arith.constant 5888 : i32
    %add3A_1103 = arith.addi %mul3A_2, %add3A_1102 : i32
    %dma_wait3A_1104 = arith.constant 2 : i32
    %dma_wait3A_1105 = arith.constant 2 : i32
    %dma_wait3A_1106 = arith.constant 0 : i32
    %dma_wait3A_1107 = arith.constant 0 : i32
    %dma_wait3A_1108 = tpu.memref_slice %arg6[%dma_wait3A_1104, %dma_wait3A_1106, %dma_wait3A_1107] : memref<10x64x128xf32, #tpu.memory_space<vmem>> -> memref<1x64x128xf32, #tpu.memory_space<vmem>>
    %dma_wait3A_1109 = tpu.memref_squeeze %dma_wait3A_1108 : memref<1x64x128xf32, #tpu.memory_space<vmem>> -> memref<64x128xf32, #tpu.memory_space<vmem>>
    %dma_wait3A_1110 = arith.constant 0 : i32
    %dma_wait3A_1111 = tpu.memref_slice %arg4[%add3A_1103, %dma_wait3A_1110] : memref<204800x128xf32, #tpu.memory_space<hbm>> -> memref<64x128xf32, #tpu.memory_space<hbm>>
    %dma_wait3A_1112 = tpu.memref_slice %arg8[%dma_wait3A_1105] : memref<10x!tpu.dma_semaphore, #tpu.memory_space<semaphore_mem>> -> memref<1x!tpu.dma_semaphore, #tpu.memory_space<semaphore_mem>>
    %dma_wait3A_1113 = tpu.memref_squeeze %dma_wait3A_1112 : memref<1x!tpu.dma_semaphore, #tpu.memory_space<semaphore_mem>> -> memref<!tpu.dma_semaphore, #tpu.memory_space<semaphore_mem>>
    %dma_wait3A_1114 = arith.constant 0 : i32
    %dma_wait3A_1115 = tpu.memref_slice %arg4[%add3A_1103, %dma_wait3A_1114] : memref<204800x128xf32, #tpu.memory_space<hbm>> -> memref<64x128xf32, #tpu.memory_space<hbm>>
    %dma_wait3A_1116 = arith.constant 0 : i32
    %dma_wait3A_1117 = arith.constant 0 : i32
    %dma_wait3A_1118 = tpu.memref_slice %arg6[%dma_wait3A_1104, %dma_wait3A_1116, %dma_wait3A_1117] : memref<10x64x128xf32, #tpu.memory_space<vmem>> -> memref<1x64x128xf32, #tpu.memory_space<vmem>>
    %dma_wait3A_1119 = tpu.memref_squeeze %dma_wait3A_1118 : memref<1x64x128xf32, #tpu.memory_space<vmem>> -> memref<64x128xf32, #tpu.memory_space<vmem>>
    tpu.wait_dma2 semaphore(%dma_wait3A_1113 : memref<!tpu.dma_semaphore, #tpu.memory_space<semaphore_mem>>) src(%dma_wait3A_1119 : memref<64x128xf32, #tpu.memory_space<vmem>>) dst(%dma_wait3A_1115 : memref<64x128xf32, #tpu.memory_space<hbm>>)
    %add3A_1120 = arith.constant 5952 : i32
    %add3A_1121 = arith.addi %mul3A_2, %add3A_1120 : i32
    %dma_wait3A_1122 = arith.constant 3 : i32
    %dma_wait3A_1123 = arith.constant 3 : i32
    %dma_wait3A_1124 = arith.constant 0 : i32
    %dma_wait3A_1125 = arith.constant 0 : i32
    %dma_wait3A_1126 = tpu.memref_slice %arg6[%dma_wait3A_1122, %dma_wait3A_1124, %dma_wait3A_1125] : memref<10x64x128xf32, #tpu.memory_space<vmem>> -> memref<1x64x128xf32, #tpu.memory_space<vmem>>
    %dma_wait3A_1127 = tpu.memref_squeeze %dma_wait3A_1126 : memref<1x64x128xf32, #tpu.memory_space<vmem>> -> memref<64x128xf32, #tpu.memory_space<vmem>>
    %dma_wait3A_1128 = arith.constant 0 : i32
    %dma_wait3A_1129 = tpu.memref_slice %arg4[%add3A_1121, %dma_wait3A_1128] : memref<204800x128xf32, #tpu.memory_space<hbm>> -> memref<64x128xf32, #tpu.memory_space<hbm>>
    %dma_wait3A_1130 = tpu.memref_slice %arg8[%dma_wait3A_1123] : memref<10x!tpu.dma_semaphore, #tpu.memory_space<semaphore_mem>> -> memref<1x!tpu.dma_semaphore, #tpu.memory_space<semaphore_mem>>
    %dma_wait3A_1131 = tpu.memref_squeeze %dma_wait3A_1130 : memref<1x!tpu.dma_semaphore, #tpu.memory_space<semaphore_mem>> -> memref<!tpu.dma_semaphore, #tpu.memory_space<semaphore_mem>>
    %dma_wait3A_1132 = arith.constant 0 : i32
    %dma_wait3A_1133 = tpu.memref_slice %arg4[%add3A_1121, %dma_wait3A_1132] : memref<204800x128xf32, #tpu.memory_space<hbm>> -> memref<64x128xf32, #tpu.memory_space<hbm>>
    %dma_wait3A_1134 = arith.constant 0 : i32
    %dma_wait3A_1135 = arith.constant 0 : i32
    %dma_wait3A_1136 = tpu.memref_slice %arg6[%dma_wait3A_1122, %dma_wait3A_1134, %dma_wait3A_1135] : memref<10x64x128xf32, #tpu.memory_space<vmem>> -> memref<1x64x128xf32, #tpu.memory_space<vmem>>
    %dma_wait3A_1137 = tpu.memref_squeeze %dma_wait3A_1136 : memref<1x64x128xf32, #tpu.memory_space<vmem>> -> memref<64x128xf32, #tpu.memory_space<vmem>>
    tpu.wait_dma2 semaphore(%dma_wait3A_1131 : memref<!tpu.dma_semaphore, #tpu.memory_space<semaphore_mem>>) src(%dma_wait3A_1137 : memref<64x128xf32, #tpu.memory_space<vmem>>) dst(%dma_wait3A_1133 : memref<64x128xf32, #tpu.memory_space<hbm>>)
    %add3A_1138 = arith.constant 6016 : i32
    %add3A_1139 = arith.addi %mul3A_2, %add3A_1138 : i32
    %dma_wait3A_1140 = arith.constant 4 : i32
    %dma_wait3A_1141 = arith.constant 4 : i32
    %dma_wait3A_1142 = arith.constant 0 : i32
    %dma_wait3A_1143 = arith.constant 0 : i32
    %dma_wait3A_1144 = tpu.memref_slice %arg6[%dma_wait3A_1140, %dma_wait3A_1142, %dma_wait3A_1143] : memref<10x64x128xf32, #tpu.memory_space<vmem>> -> memref<1x64x128xf32, #tpu.memory_space<vmem>>
    %dma_wait3A_1145 = tpu.memref_squeeze %dma_wait3A_1144 : memref<1x64x128xf32, #tpu.memory_space<vmem>> -> memref<64x128xf32, #tpu.memory_space<vmem>>
    %dma_wait3A_1146 = arith.constant 0 : i32
    %dma_wait3A_1147 = tpu.memref_slice %arg4[%add3A_1139, %dma_wait3A_1146] : memref<204800x128xf32, #tpu.memory_space<hbm>> -> memref<64x128xf32, #tpu.memory_space<hbm>>
    %dma_wait3A_1148 = tpu.memref_slice %arg8[%dma_wait3A_1141] : memref<10x!tpu.dma_semaphore, #tpu.memory_space<semaphore_mem>> -> memref<1x!tpu.dma_semaphore, #tpu.memory_space<semaphore_mem>>
    %dma_wait3A_1149 = tpu.memref_squeeze %dma_wait3A_1148 : memref<1x!tpu.dma_semaphore, #tpu.memory_space<semaphore_mem>> -> memref<!tpu.dma_semaphore, #tpu.memory_space<semaphore_mem>>
    %dma_wait3A_1150 = arith.constant 0 : i32
    %dma_wait3A_1151 = tpu.memref_slice %arg4[%add3A_1139, %dma_wait3A_1150] : memref<204800x128xf32, #tpu.memory_space<hbm>> -> memref<64x128xf32, #tpu.memory_space<hbm>>
    %dma_wait3A_1152 = arith.constant 0 : i32
    %dma_wait3A_1153 = arith.constant 0 : i32
    %dma_wait3A_1154 = tpu.memref_slice %arg6[%dma_wait3A_1140, %dma_wait3A_1152, %dma_wait3A_1153] : memref<10x64x128xf32, #tpu.memory_space<vmem>> -> memref<1x64x128xf32, #tpu.memory_space<vmem>>
    %dma_wait3A_1155 = tpu.memref_squeeze %dma_wait3A_1154 : memref<1x64x128xf32, #tpu.memory_space<vmem>> -> memref<64x128xf32, #tpu.memory_space<vmem>>
    tpu.wait_dma2 semaphore(%dma_wait3A_1149 : memref<!tpu.dma_semaphore, #tpu.memory_space<semaphore_mem>>) src(%dma_wait3A_1155 : memref<64x128xf32, #tpu.memory_space<vmem>>) dst(%dma_wait3A_1151 : memref<64x128xf32, #tpu.memory_space<hbm>>)
    %add3A_1156 = arith.constant 6080 : i32
    %add3A_1157 = arith.addi %mul3A_2, %add3A_1156 : i32
    %dma_wait3A_1158 = arith.constant 5 : i32
    %dma_wait3A_1159 = arith.constant 5 : i32
    %dma_wait3A_1160 = arith.constant 0 : i32
    %dma_wait3A_1161 = arith.constant 0 : i32
    %dma_wait3A_1162 = tpu.memref_slice %arg6[%dma_wait3A_1158, %dma_wait3A_1160, %dma_wait3A_1161] : memref<10x64x128xf32, #tpu.memory_space<vmem>> -> memref<1x64x128xf32, #tpu.memory_space<vmem>>
    %dma_wait3A_1163 = tpu.memref_squeeze %dma_wait3A_1162 : memref<1x64x128xf32, #tpu.memory_space<vmem>> -> memref<64x128xf32, #tpu.memory_space<vmem>>
    %dma_wait3A_1164 = arith.constant 0 : i32
    %dma_wait3A_1165 = tpu.memref_slice %arg4[%add3A_1157, %dma_wait3A_1164] : memref<204800x128xf32, #tpu.memory_space<hbm>> -> memref<64x128xf32, #tpu.memory_space<hbm>>
    %dma_wait3A_1166 = tpu.memref_slice %arg8[%dma_wait3A_1159] : memref<10x!tpu.dma_semaphore, #tpu.memory_space<semaphore_mem>> -> memref<1x!tpu.dma_semaphore, #tpu.memory_space<semaphore_mem>>
    %dma_wait3A_1167 = tpu.memref_squeeze %dma_wait3A_1166 : memref<1x!tpu.dma_semaphore, #tpu.memory_space<semaphore_mem>> -> memref<!tpu.dma_semaphore, #tpu.memory_space<semaphore_mem>>
    %dma_wait3A_1168 = arith.constant 0 : i32
    %dma_wait3A_1169 = tpu.memref_slice %arg4[%add3A_1157, %dma_wait3A_1168] : memref<204800x128xf32, #tpu.memory_space<hbm>> -> memref<64x128xf32, #tpu.memory_space<hbm>>
    %dma_wait3A_1170 = arith.constant 0 : i32
    %dma_wait3A_1171 = arith.constant 0 : i32
    %dma_wait3A_1172 = tpu.memref_slice %arg6[%dma_wait3A_1158, %dma_wait3A_1170, %dma_wait3A_1171] : memref<10x64x128xf32, #tpu.memory_space<vmem>> -> memref<1x64x128xf32, #tpu.memory_space<vmem>>
    %dma_wait3A_1173 = tpu.memref_squeeze %dma_wait3A_1172 : memref<1x64x128xf32, #tpu.memory_space<vmem>> -> memref<64x128xf32, #tpu.memory_space<vmem>>
    tpu.wait_dma2 semaphore(%dma_wait3A_1167 : memref<!tpu.dma_semaphore, #tpu.memory_space<semaphore_mem>>) src(%dma_wait3A_1173 : memref<64x128xf32, #tpu.memory_space<vmem>>) dst(%dma_wait3A_1169 : memref<64x128xf32, #tpu.memory_space<hbm>>)
    %add3A_1174 = arith.constant 6144 : i32
    %add3A_1175 = arith.addi %mul3A_2, %add3A_1174 : i32
    %dma_wait3A_1176 = arith.constant 6 : i32
    %dma_wait3A_1177 = arith.constant 6 : i32
    %dma_wait3A_1178 = arith.constant 0 : i32
    %dma_wait3A_1179 = arith.constant 0 : i32
    %dma_wait3A_1180 = tpu.memref_slice %arg6[%dma_wait3A_1176, %dma_wait3A_1178, %dma_wait3A_1179] : memref<10x64x128xf32, #tpu.memory_space<vmem>> -> memref<1x64x128xf32, #tpu.memory_space<vmem>>
    %dma_wait3A_1181 = tpu.memref_squeeze %dma_wait3A_1180 : memref<1x64x128xf32, #tpu.memory_space<vmem>> -> memref<64x128xf32, #tpu.memory_space<vmem>>
    %dma_wait3A_1182 = arith.constant 0 : i32
    %dma_wait3A_1183 = tpu.memref_slice %arg4[%add3A_1175, %dma_wait3A_1182] : memref<204800x128xf32, #tpu.memory_space<hbm>> -> memref<64x128xf32, #tpu.memory_space<hbm>>
    %dma_wait3A_1184 = tpu.memref_slice %arg8[%dma_wait3A_1177] : memref<10x!tpu.dma_semaphore, #tpu.memory_space<semaphore_mem>> -> memref<1x!tpu.dma_semaphore, #tpu.memory_space<semaphore_mem>>
    %dma_wait3A_1185 = tpu.memref_squeeze %dma_wait3A_1184 : memref<1x!tpu.dma_semaphore, #tpu.memory_space<semaphore_mem>> -> memref<!tpu.dma_semaphore, #tpu.memory_space<semaphore_mem>>
    %dma_wait3A_1186 = arith.constant 0 : i32
    %dma_wait3A_1187 = tpu.memref_slice %arg4[%add3A_1175, %dma_wait3A_1186] : memref<204800x128xf32, #tpu.memory_space<hbm>> -> memref<64x128xf32, #tpu.memory_space<hbm>>
    %dma_wait3A_1188 = arith.constant 0 : i32
    %dma_wait3A_1189 = arith.constant 0 : i32
    %dma_wait3A_1190 = tpu.memref_slice %arg6[%dma_wait3A_1176, %dma_wait3A_1188, %dma_wait3A_1189] : memref<10x64x128xf32, #tpu.memory_space<vmem>> -> memref<1x64x128xf32, #tpu.memory_space<vmem>>
    %dma_wait3A_1191 = tpu.memref_squeeze %dma_wait3A_1190 : memref<1x64x128xf32, #tpu.memory_space<vmem>> -> memref<64x128xf32, #tpu.memory_space<vmem>>
    tpu.wait_dma2 semaphore(%dma_wait3A_1185 : memref<!tpu.dma_semaphore, #tpu.memory_space<semaphore_mem>>) src(%dma_wait3A_1191 : memref<64x128xf32, #tpu.memory_space<vmem>>) dst(%dma_wait3A_1187 : memref<64x128xf32, #tpu.memory_space<hbm>>)
    %add3A_1192 = arith.constant 6208 : i32
    %add3A_1193 = arith.addi %mul3A_2, %add3A_1192 : i32
    %dma_wait3A_1194 = arith.constant 7 : i32
    %dma_wait3A_1195 = arith.constant 7 : i32
    %dma_wait3A_1196 = arith.constant 0 : i32
    %dma_wait3A_1197 = arith.constant 0 : i32
    %dma_wait3A_1198 = tpu.memref_slice %arg6[%dma_wait3A_1194, %dma_wait3A_1196, %dma_wait3A_1197] : memref<10x64x128xf32, #tpu.memory_space<vmem>> -> memref<1x64x128xf32, #tpu.memory_space<vmem>>
    %dma_wait3A_1199 = tpu.memref_squeeze %dma_wait3A_1198 : memref<1x64x128xf32, #tpu.memory_space<vmem>> -> memref<64x128xf32, #tpu.memory_space<vmem>>
    %dma_wait3A_1200 = arith.constant 0 : i32
    %dma_wait3A_1201 = tpu.memref_slice %arg4[%add3A_1193, %dma_wait3A_1200] : memref<204800x128xf32, #tpu.memory_space<hbm>> -> memref<64x128xf32, #tpu.memory_space<hbm>>
    %dma_wait3A_1202 = tpu.memref_slice %arg8[%dma_wait3A_1195] : memref<10x!tpu.dma_semaphore, #tpu.memory_space<semaphore_mem>> -> memref<1x!tpu.dma_semaphore, #tpu.memory_space<semaphore_mem>>
    %dma_wait3A_1203 = tpu.memref_squeeze %dma_wait3A_1202 : memref<1x!tpu.dma_semaphore, #tpu.memory_space<semaphore_mem>> -> memref<!tpu.dma_semaphore, #tpu.memory_space<semaphore_mem>>
    %dma_wait3A_1204 = arith.constant 0 : i32
    %dma_wait3A_1205 = tpu.memref_slice %arg4[%add3A_1193, %dma_wait3A_1204] : memref<204800x128xf32, #tpu.memory_space<hbm>> -> memref<64x128xf32, #tpu.memory_space<hbm>>
    %dma_wait3A_1206 = arith.constant 0 : i32
    %dma_wait3A_1207 = arith.constant 0 : i32
    %dma_wait3A_1208 = tpu.memref_slice %arg6[%dma_wait3A_1194, %dma_wait3A_1206, %dma_wait3A_1207] : memref<10x64x128xf32, #tpu.memory_space<vmem>> -> memref<1x64x128xf32, #tpu.memory_space<vmem>>
    %dma_wait3A_1209 = tpu.memref_squeeze %dma_wait3A_1208 : memref<1x64x128xf32, #tpu.memory_space<vmem>> -> memref<64x128xf32, #tpu.memory_space<vmem>>
    tpu.wait_dma2 semaphore(%dma_wait3A_1203 : memref<!tpu.dma_semaphore, #tpu.memory_space<semaphore_mem>>) src(%dma_wait3A_1209 : memref<64x128xf32, #tpu.memory_space<vmem>>) dst(%dma_wait3A_1205 : memref<64x128xf32, #tpu.memory_space<hbm>>)
    %add3A_1210 = arith.constant 6272 : i32
    %add3A_1211 = arith.addi %mul3A_2, %add3A_1210 : i32
    %dma_wait3A_1212 = arith.constant 8 : i32
    %dma_wait3A_1213 = arith.constant 8 : i32
    %dma_wait3A_1214 = arith.constant 0 : i32
    %dma_wait3A_1215 = arith.constant 0 : i32
    %dma_wait3A_1216 = tpu.memref_slice %arg6[%dma_wait3A_1212, %dma_wait3A_1214, %dma_wait3A_1215] : memref<10x64x128xf32, #tpu.memory_space<vmem>> -> memref<1x64x128xf32, #tpu.memory_space<vmem>>
    %dma_wait3A_1217 = tpu.memref_squeeze %dma_wait3A_1216 : memref<1x64x128xf32, #tpu.memory_space<vmem>> -> memref<64x128xf32, #tpu.memory_space<vmem>>
    %dma_wait3A_1218 = arith.constant 0 : i32
    %dma_wait3A_1219 = tpu.memref_slice %arg4[%add3A_1211, %dma_wait3A_1218] : memref<204800x128xf32, #tpu.memory_space<hbm>> -> memref<64x128xf32, #tpu.memory_space<hbm>>
    %dma_wait3A_1220 = tpu.memref_slice %arg8[%dma_wait3A_1213] : memref<10x!tpu.dma_semaphore, #tpu.memory_space<semaphore_mem>> -> memref<1x!tpu.dma_semaphore, #tpu.memory_space<semaphore_mem>>
    %dma_wait3A_1221 = tpu.memref_squeeze %dma_wait3A_1220 : memref<1x!tpu.dma_semaphore, #tpu.memory_space<semaphore_mem>> -> memref<!tpu.dma_semaphore, #tpu.memory_space<semaphore_mem>>
    %dma_wait3A_1222 = arith.constant 0 : i32
    %dma_wait3A_1223 = tpu.memref_slice %arg4[%add3A_1211, %dma_wait3A_1222] : memref<204800x128xf32, #tpu.memory_space<hbm>> -> memref<64x128xf32, #tpu.memory_space<hbm>>
    %dma_wait3A_1224 = arith.constant 0 : i32
    %dma_wait3A_1225 = arith.constant 0 : i32
    %dma_wait3A_1226 = tpu.memref_slice %arg6[%dma_wait3A_1212, %dma_wait3A_1224, %dma_wait3A_1225] : memref<10x64x128xf32, #tpu.memory_space<vmem>> -> memref<1x64x128xf32, #tpu.memory_space<vmem>>
    %dma_wait3A_1227 = tpu.memref_squeeze %dma_wait3A_1226 : memref<1x64x128xf32, #tpu.memory_space<vmem>> -> memref<64x128xf32, #tpu.memory_space<vmem>>
    tpu.wait_dma2 semaphore(%dma_wait3A_1221 : memref<!tpu.dma_semaphore, #tpu.memory_space<semaphore_mem>>) src(%dma_wait3A_1227 : memref<64x128xf32, #tpu.memory_space<vmem>>) dst(%dma_wait3A_1223 : memref<64x128xf32, #tpu.memory_space<hbm>>)
    %add3A_1228 = arith.constant 6336 : i32
    %add3A_1229 = arith.addi %mul3A_2, %add3A_1228 : i32
    %dma_wait3A_1230 = arith.constant 9 : i32
    %dma_wait3A_1231 = arith.constant 9 : i32
    %dma_wait3A_1232 = arith.constant 0 : i32
    %dma_wait3A_1233 = arith.constant 0 : i32
    %dma_wait3A_1234 = tpu.memref_slice %arg6[%dma_wait3A_1230, %dma_wait3A_1232, %dma_wait3A_1233] : memref<10x64x128xf32, #tpu.memory_space<vmem>> -> memref<1x64x128xf32, #tpu.memory_space<vmem>>
    %dma_wait3A_1235 = tpu.memref_squeeze %dma_wait3A_1234 : memref<1x64x128xf32, #tpu.memory_space<vmem>> -> memref<64x128xf32, #tpu.memory_space<vmem>>
    %dma_wait3A_1236 = arith.constant 0 : i32
    %dma_wait3A_1237 = tpu.memref_slice %arg4[%add3A_1229, %dma_wait3A_1236] : memref<204800x128xf32, #tpu.memory_space<hbm>> -> memref<64x128xf32, #tpu.memory_space<hbm>>
    %dma_wait3A_1238 = tpu.memref_slice %arg8[%dma_wait3A_1231] : memref<10x!tpu.dma_semaphore, #tpu.memory_space<semaphore_mem>> -> memref<1x!tpu.dma_semaphore, #tpu.memory_space<semaphore_mem>>
    %dma_wait3A_1239 = tpu.memref_squeeze %dma_wait3A_1238 : memref<1x!tpu.dma_semaphore, #tpu.memory_space<semaphore_mem>> -> memref<!tpu.dma_semaphore, #tpu.memory_space<semaphore_mem>>
    %dma_wait3A_1240 = arith.constant 0 : i32
    %dma_wait3A_1241 = tpu.memref_slice %arg4[%add3A_1229, %dma_wait3A_1240] : memref<204800x128xf32, #tpu.memory_space<hbm>> -> memref<64x128xf32, #tpu.memory_space<hbm>>
    %dma_wait3A_1242 = arith.constant 0 : i32
    %dma_wait3A_1243 = arith.constant 0 : i32
    %dma_wait3A_1244 = tpu.memref_slice %arg6[%dma_wait3A_1230, %dma_wait3A_1242, %dma_wait3A_1243] : memref<10x64x128xf32, #tpu.memory_space<vmem>> -> memref<1x64x128xf32, #tpu.memory_space<vmem>>
    %dma_wait3A_1245 = tpu.memref_squeeze %dma_wait3A_1244 : memref<1x64x128xf32, #tpu.memory_space<vmem>> -> memref<64x128xf32, #tpu.memory_space<vmem>>
    tpu.wait_dma2 semaphore(%dma_wait3A_1239 : memref<!tpu.dma_semaphore, #tpu.memory_space<semaphore_mem>>) src(%dma_wait3A_1245 : memref<64x128xf32, #tpu.memory_space<vmem>>) dst(%dma_wait3A_1241 : memref<64x128xf32, #tpu.memory_space<hbm>>)
    return
  }
}

module attributes {stable_mosaic.version = 14 : i64} {
  func.func @_relayout_body(%arg0: i32, %arg1: memref<6400x128xf32, #tpu.memory_space<vmem>>, %arg2: memref<128x50x128xf32, #tpu.memory_space<vmem>>) attributes {dimension_semantics = [#tpu.dimension_semantics<arbitrary>], iteration_bounds = array<i64: 32>, scalar_prefetch = 0 : i64, scratch_operands = 0 : i64, tpu.core_type = #tpu.core_type<tc>, window_params = [{transform_indices = @transform_0, window_bounds = array<i64: 6400, 128>}, {transform_indices = @transform_1, window_bounds = array<i64: 128, 50, 128>}]} {
    %get3A = arith.constant 0 : index
    %get3A_0 = arith.constant 0 : index
    %get3A_1 = vector.load %arg1[%get3A, %get3A_0] : memref<6400x128xf32, #tpu.memory_space<vmem>>, vector<50x128xf32>
    %swap3A = arith.constant 0 : index
    %swap3A_2 = arith.constant 0 : index
    %swap3A_3 = arith.constant 0 : index
    %swap3A_4 = vector.load %arg2[%swap3A, %swap3A_2, %swap3A_3] : memref<128x50x128xf32, #tpu.memory_space<vmem>>, vector<1x50x128xf32>
    %swap3A_5 = vector.shape_cast %swap3A_4 : vector<1x50x128xf32> to vector<50x128xf32>
    %swap3A_6 = vector.shape_cast %get3A_1 : vector<50x128xf32> to vector<1x50x128xf32>
    tpu.vector_store %arg2[%swap3A, %swap3A_2, %swap3A_3], %swap3A_6 {strides = array<i32>} : memref<128x50x128xf32, #tpu.memory_space<vmem>>, vector<1x50x128xf32>,
    %get3A_7 = arith.constant 50 : index
    %get3A_8 = arith.constant 0 : index
    %get3A_9 = vector.load %arg1[%get3A_7, %get3A_8] : memref<6400x128xf32, #tpu.memory_space<vmem>>, vector<50x128xf32>
    %swap3A_10 = arith.constant 1 : index
    %swap3A_11 = arith.constant 0 : index
    %swap3A_12 = arith.constant 0 : index
    %swap3A_13 = vector.load %arg2[%swap3A_10, %swap3A_11, %swap3A_12] : memref<128x50x128xf32, #tpu.memory_space<vmem>>, vector<1x50x128xf32>
    %swap3A_14 = vector.shape_cast %swap3A_13 : vector<1x50x128xf32> to vector<50x128xf32>
    %swap3A_15 = vector.shape_cast %get3A_9 : vector<50x128xf32> to vector<1x50x128xf32>
    tpu.vector_store %arg2[%swap3A_10, %swap3A_11, %swap3A_12], %swap3A_15 {strides = array<i32>} : memref<128x50x128xf32, #tpu.memory_space<vmem>>, vector<1x50x128xf32>,
    %get3A_16 = arith.constant 100 : index
    %get3A_17 = arith.constant 0 : index
    %get3A_18 = vector.load %arg1[%get3A_16, %get3A_17] : memref<6400x128xf32, #tpu.memory_space<vmem>>, vector<50x128xf32>
    %swap3A_19 = arith.constant 2 : index
    %swap3A_20 = arith.constant 0 : index
    %swap3A_21 = arith.constant 0 : index
    %swap3A_22 = vector.load %arg2[%swap3A_19, %swap3A_20, %swap3A_21] : memref<128x50x128xf32, #tpu.memory_space<vmem>>, vector<1x50x128xf32>
    %swap3A_23 = vector.shape_cast %swap3A_22 : vector<1x50x128xf32> to vector<50x128xf32>
    %swap3A_24 = vector.shape_cast %get3A_18 : vector<50x128xf32> to vector<1x50x128xf32>
    tpu.vector_store %arg2[%swap3A_19, %swap3A_20, %swap3A_21], %swap3A_24 {strides = array<i32>} : memref<128x50x128xf32, #tpu.memory_space<vmem>>, vector<1x50x128xf32>,
    %get3A_25 = arith.constant 150 : index
    %get3A_26 = arith.constant 0 : index
    %get3A_27 = vector.load %arg1[%get3A_25, %get3A_26] : memref<6400x128xf32, #tpu.memory_space<vmem>>, vector<50x128xf32>
    %swap3A_28 = arith.constant 3 : index
    %swap3A_29 = arith.constant 0 : index
    %swap3A_30 = arith.constant 0 : index
    %swap3A_31 = vector.load %arg2[%swap3A_28, %swap3A_29, %swap3A_30] : memref<128x50x128xf32, #tpu.memory_space<vmem>>, vector<1x50x128xf32>
    %swap3A_32 = vector.shape_cast %swap3A_31 : vector<1x50x128xf32> to vector<50x128xf32>
    %swap3A_33 = vector.shape_cast %get3A_27 : vector<50x128xf32> to vector<1x50x128xf32>
    tpu.vector_store %arg2[%swap3A_28, %swap3A_29, %swap3A_30], %swap3A_33 {strides = array<i32>} : memref<128x50x128xf32, #tpu.memory_space<vmem>>, vector<1x50x128xf32>,
    %get3A_34 = arith.constant 200 : index
    %get3A_35 = arith.constant 0 : index
    %get3A_36 = vector.load %arg1[%get3A_34, %get3A_35] : memref<6400x128xf32, #tpu.memory_space<vmem>>, vector<50x128xf32>
    %swap3A_37 = arith.constant 4 : index
    %swap3A_38 = arith.constant 0 : index
    %swap3A_39 = arith.constant 0 : index
    %swap3A_40 = vector.load %arg2[%swap3A_37, %swap3A_38, %swap3A_39] : memref<128x50x128xf32, #tpu.memory_space<vmem>>, vector<1x50x128xf32>
    %swap3A_41 = vector.shape_cast %swap3A_40 : vector<1x50x128xf32> to vector<50x128xf32>
    %swap3A_42 = vector.shape_cast %get3A_36 : vector<50x128xf32> to vector<1x50x128xf32>
    tpu.vector_store %arg2[%swap3A_37, %swap3A_38, %swap3A_39], %swap3A_42 {strides = array<i32>} : memref<128x50x128xf32, #tpu.memory_space<vmem>>, vector<1x50x128xf32>,
    %get3A_43 = arith.constant 250 : index
    %get3A_44 = arith.constant 0 : index
    %get3A_45 = vector.load %arg1[%get3A_43, %get3A_44] : memref<6400x128xf32, #tpu.memory_space<vmem>>, vector<50x128xf32>
    %swap3A_46 = arith.constant 5 : index
    %swap3A_47 = arith.constant 0 : index
    %swap3A_48 = arith.constant 0 : index
    %swap3A_49 = vector.load %arg2[%swap3A_46, %swap3A_47, %swap3A_48] : memref<128x50x128xf32, #tpu.memory_space<vmem>>, vector<1x50x128xf32>
    %swap3A_50 = vector.shape_cast %swap3A_49 : vector<1x50x128xf32> to vector<50x128xf32>
    %swap3A_51 = vector.shape_cast %get3A_45 : vector<50x128xf32> to vector<1x50x128xf32>
    tpu.vector_store %arg2[%swap3A_46, %swap3A_47, %swap3A_48], %swap3A_51 {strides = array<i32>} : memref<128x50x128xf32, #tpu.memory_space<vmem>>, vector<1x50x128xf32>,
    %get3A_52 = arith.constant 300 : index
    %get3A_53 = arith.constant 0 : index
    %get3A_54 = vector.load %arg1[%get3A_52, %get3A_53] : memref<6400x128xf32, #tpu.memory_space<vmem>>, vector<50x128xf32>
    %swap3A_55 = arith.constant 6 : index
    %swap3A_56 = arith.constant 0 : index
    %swap3A_57 = arith.constant 0 : index
    %swap3A_58 = vector.load %arg2[%swap3A_55, %swap3A_56, %swap3A_57] : memref<128x50x128xf32, #tpu.memory_space<vmem>>, vector<1x50x128xf32>
    %swap3A_59 = vector.shape_cast %swap3A_58 : vector<1x50x128xf32> to vector<50x128xf32>
    %swap3A_60 = vector.shape_cast %get3A_54 : vector<50x128xf32> to vector<1x50x128xf32>
    tpu.vector_store %arg2[%swap3A_55, %swap3A_56, %swap3A_57], %swap3A_60 {strides = array<i32>} : memref<128x50x128xf32, #tpu.memory_space<vmem>>, vector<1x50x128xf32>,
    %get3A_61 = arith.constant 350 : index
    %get3A_62 = arith.constant 0 : index
    %get3A_63 = vector.load %arg1[%get3A_61, %get3A_62] : memref<6400x128xf32, #tpu.memory_space<vmem>>, vector<50x128xf32>
    %swap3A_64 = arith.constant 7 : index
    %swap3A_65 = arith.constant 0 : index
    %swap3A_66 = arith.constant 0 : index
    %swap3A_67 = vector.load %arg2[%swap3A_64, %swap3A_65, %swap3A_66] : memref<128x50x128xf32, #tpu.memory_space<vmem>>, vector<1x50x128xf32>
    %swap3A_68 = vector.shape_cast %swap3A_67 : vector<1x50x128xf32> to vector<50x128xf32>
    %swap3A_69 = vector.shape_cast %get3A_63 : vector<50x128xf32> to vector<1x50x128xf32>
    tpu.vector_store %arg2[%swap3A_64, %swap3A_65, %swap3A_66], %swap3A_69 {strides = array<i32>} : memref<128x50x128xf32, #tpu.memory_space<vmem>>, vector<1x50x128xf32>,
    %get3A_70 = arith.constant 400 : index
    %get3A_71 = arith.constant 0 : index
    %get3A_72 = vector.load %arg1[%get3A_70, %get3A_71] : memref<6400x128xf32, #tpu.memory_space<vmem>>, vector<50x128xf32>
    %swap3A_73 = arith.constant 8 : index
    %swap3A_74 = arith.constant 0 : index
    %swap3A_75 = arith.constant 0 : index
    %swap3A_76 = vector.load %arg2[%swap3A_73, %swap3A_74, %swap3A_75] : memref<128x50x128xf32, #tpu.memory_space<vmem>>, vector<1x50x128xf32>
    %swap3A_77 = vector.shape_cast %swap3A_76 : vector<1x50x128xf32> to vector<50x128xf32>
    %swap3A_78 = vector.shape_cast %get3A_72 : vector<50x128xf32> to vector<1x50x128xf32>
    tpu.vector_store %arg2[%swap3A_73, %swap3A_74, %swap3A_75], %swap3A_78 {strides = array<i32>} : memref<128x50x128xf32, #tpu.memory_space<vmem>>, vector<1x50x128xf32>,
    %get3A_79 = arith.constant 450 : index
    %get3A_80 = arith.constant 0 : index
    %get3A_81 = vector.load %arg1[%get3A_79, %get3A_80] : memref<6400x128xf32, #tpu.memory_space<vmem>>, vector<50x128xf32>
    %swap3A_82 = arith.constant 9 : index
    %swap3A_83 = arith.constant 0 : index
    %swap3A_84 = arith.constant 0 : index
    %swap3A_85 = vector.load %arg2[%swap3A_82, %swap3A_83, %swap3A_84] : memref<128x50x128xf32, #tpu.memory_space<vmem>>, vector<1x50x128xf32>
    %swap3A_86 = vector.shape_cast %swap3A_85 : vector<1x50x128xf32> to vector<50x128xf32>
    %swap3A_87 = vector.shape_cast %get3A_81 : vector<50x128xf32> to vector<1x50x128xf32>
    tpu.vector_store %arg2[%swap3A_82, %swap3A_83, %swap3A_84], %swap3A_87 {strides = array<i32>} : memref<128x50x128xf32, #tpu.memory_space<vmem>>, vector<1x50x128xf32>,
    %get3A_88 = arith.constant 500 : index
    %get3A_89 = arith.constant 0 : index
    %get3A_90 = vector.load %arg1[%get3A_88, %get3A_89] : memref<6400x128xf32, #tpu.memory_space<vmem>>, vector<50x128xf32>
    %swap3A_91 = arith.constant 10 : index
    %swap3A_92 = arith.constant 0 : index
    %swap3A_93 = arith.constant 0 : index
    %swap3A_94 = vector.load %arg2[%swap3A_91, %swap3A_92, %swap3A_93] : memref<128x50x128xf32, #tpu.memory_space<vmem>>, vector<1x50x128xf32>
    %swap3A_95 = vector.shape_cast %swap3A_94 : vector<1x50x128xf32> to vector<50x128xf32>
    %swap3A_96 = vector.shape_cast %get3A_90 : vector<50x128xf32> to vector<1x50x128xf32>
    tpu.vector_store %arg2[%swap3A_91, %swap3A_92, %swap3A_93], %swap3A_96 {strides = array<i32>} : memref<128x50x128xf32, #tpu.memory_space<vmem>>, vector<1x50x128xf32>,
    %get3A_97 = arith.constant 550 : index
    %get3A_98 = arith.constant 0 : index
    %get3A_99 = vector.load %arg1[%get3A_97, %get3A_98] : memref<6400x128xf32, #tpu.memory_space<vmem>>, vector<50x128xf32>
    %swap3A_100 = arith.constant 11 : index
    %swap3A_101 = arith.constant 0 : index
    %swap3A_102 = arith.constant 0 : index
    %swap3A_103 = vector.load %arg2[%swap3A_100, %swap3A_101, %swap3A_102] : memref<128x50x128xf32, #tpu.memory_space<vmem>>, vector<1x50x128xf32>
    %swap3A_104 = vector.shape_cast %swap3A_103 : vector<1x50x128xf32> to vector<50x128xf32>
    %swap3A_105 = vector.shape_cast %get3A_99 : vector<50x128xf32> to vector<1x50x128xf32>
    tpu.vector_store %arg2[%swap3A_100, %swap3A_101, %swap3A_102], %swap3A_105 {strides = array<i32>} : memref<128x50x128xf32, #tpu.memory_space<vmem>>, vector<1x50x128xf32>,
    %get3A_106 = arith.constant 600 : index
    %get3A_107 = arith.constant 0 : index
    %get3A_108 = vector.load %arg1[%get3A_106, %get3A_107] : memref<6400x128xf32, #tpu.memory_space<vmem>>, vector<50x128xf32>
    %swap3A_109 = arith.constant 12 : index
    %swap3A_110 = arith.constant 0 : index
    %swap3A_111 = arith.constant 0 : index
    %swap3A_112 = vector.load %arg2[%swap3A_109, %swap3A_110, %swap3A_111] : memref<128x50x128xf32, #tpu.memory_space<vmem>>, vector<1x50x128xf32>
    %swap3A_113 = vector.shape_cast %swap3A_112 : vector<1x50x128xf32> to vector<50x128xf32>
    %swap3A_114 = vector.shape_cast %get3A_108 : vector<50x128xf32> to vector<1x50x128xf32>
    tpu.vector_store %arg2[%swap3A_109, %swap3A_110, %swap3A_111], %swap3A_114 {strides = array<i32>} : memref<128x50x128xf32, #tpu.memory_space<vmem>>, vector<1x50x128xf32>,
    %get3A_115 = arith.constant 650 : index
    %get3A_116 = arith.constant 0 : index
    %get3A_117 = vector.load %arg1[%get3A_115, %get3A_116] : memref<6400x128xf32, #tpu.memory_space<vmem>>, vector<50x128xf32>
    %swap3A_118 = arith.constant 13 : index
    %swap3A_119 = arith.constant 0 : index
    %swap3A_120 = arith.constant 0 : index
    %swap3A_121 = vector.load %arg2[%swap3A_118, %swap3A_119, %swap3A_120] : memref<128x50x128xf32, #tpu.memory_space<vmem>>, vector<1x50x128xf32>
    %swap3A_122 = vector.shape_cast %swap3A_121 : vector<1x50x128xf32> to vector<50x128xf32>
    %swap3A_123 = vector.shape_cast %get3A_117 : vector<50x128xf32> to vector<1x50x128xf32>
    tpu.vector_store %arg2[%swap3A_118, %swap3A_119, %swap3A_120], %swap3A_123 {strides = array<i32>} : memref<128x50x128xf32, #tpu.memory_space<vmem>>, vector<1x50x128xf32>,
    %get3A_124 = arith.constant 700 : index
    %get3A_125 = arith.constant 0 : index
    %get3A_126 = vector.load %arg1[%get3A_124, %get3A_125] : memref<6400x128xf32, #tpu.memory_space<vmem>>, vector<50x128xf32>
    %swap3A_127 = arith.constant 14 : index
    %swap3A_128 = arith.constant 0 : index
    %swap3A_129 = arith.constant 0 : index
    %swap3A_130 = vector.load %arg2[%swap3A_127, %swap3A_128, %swap3A_129] : memref<128x50x128xf32, #tpu.memory_space<vmem>>, vector<1x50x128xf32>
    %swap3A_131 = vector.shape_cast %swap3A_130 : vector<1x50x128xf32> to vector<50x128xf32>
    %swap3A_132 = vector.shape_cast %get3A_126 : vector<50x128xf32> to vector<1x50x128xf32>
    tpu.vector_store %arg2[%swap3A_127, %swap3A_128, %swap3A_129], %swap3A_132 {strides = array<i32>} : memref<128x50x128xf32, #tpu.memory_space<vmem>>, vector<1x50x128xf32>,
    %get3A_133 = arith.constant 750 : index
    %get3A_134 = arith.constant 0 : index
    %get3A_135 = vector.load %arg1[%get3A_133, %get3A_134] : memref<6400x128xf32, #tpu.memory_space<vmem>>, vector<50x128xf32>
    %swap3A_136 = arith.constant 15 : index
    %swap3A_137 = arith.constant 0 : index
    %swap3A_138 = arith.constant 0 : index
    %swap3A_139 = vector.load %arg2[%swap3A_136, %swap3A_137, %swap3A_138] : memref<128x50x128xf32, #tpu.memory_space<vmem>>, vector<1x50x128xf32>
    %swap3A_140 = vector.shape_cast %swap3A_139 : vector<1x50x128xf32> to vector<50x128xf32>
    %swap3A_141 = vector.shape_cast %get3A_135 : vector<50x128xf32> to vector<1x50x128xf32>
    tpu.vector_store %arg2[%swap3A_136, %swap3A_137, %swap3A_138], %swap3A_141 {strides = array<i32>} : memref<128x50x128xf32, #tpu.memory_space<vmem>>, vector<1x50x128xf32>,
    %get3A_142 = arith.constant 800 : index
    %get3A_143 = arith.constant 0 : index
    %get3A_144 = vector.load %arg1[%get3A_142, %get3A_143] : memref<6400x128xf32, #tpu.memory_space<vmem>>, vector<50x128xf32>
    %swap3A_145 = arith.constant 16 : index
    %swap3A_146 = arith.constant 0 : index
    %swap3A_147 = arith.constant 0 : index
    %swap3A_148 = vector.load %arg2[%swap3A_145, %swap3A_146, %swap3A_147] : memref<128x50x128xf32, #tpu.memory_space<vmem>>, vector<1x50x128xf32>
    %swap3A_149 = vector.shape_cast %swap3A_148 : vector<1x50x128xf32> to vector<50x128xf32>
    %swap3A_150 = vector.shape_cast %get3A_144 : vector<50x128xf32> to vector<1x50x128xf32>
    tpu.vector_store %arg2[%swap3A_145, %swap3A_146, %swap3A_147], %swap3A_150 {strides = array<i32>} : memref<128x50x128xf32, #tpu.memory_space<vmem>>, vector<1x50x128xf32>,
    %get3A_151 = arith.constant 850 : index
    %get3A_152 = arith.constant 0 : index
    %get3A_153 = vector.load %arg1[%get3A_151, %get3A_152] : memref<6400x128xf32, #tpu.memory_space<vmem>>, vector<50x128xf32>
    %swap3A_154 = arith.constant 17 : index
    %swap3A_155 = arith.constant 0 : index
    %swap3A_156 = arith.constant 0 : index
    %swap3A_157 = vector.load %arg2[%swap3A_154, %swap3A_155, %swap3A_156] : memref<128x50x128xf32, #tpu.memory_space<vmem>>, vector<1x50x128xf32>
    %swap3A_158 = vector.shape_cast %swap3A_157 : vector<1x50x128xf32> to vector<50x128xf32>
    %swap3A_159 = vector.shape_cast %get3A_153 : vector<50x128xf32> to vector<1x50x128xf32>
    tpu.vector_store %arg2[%swap3A_154, %swap3A_155, %swap3A_156], %swap3A_159 {strides = array<i32>} : memref<128x50x128xf32, #tpu.memory_space<vmem>>, vector<1x50x128xf32>,
    %get3A_160 = arith.constant 900 : index
    %get3A_161 = arith.constant 0 : index
    %get3A_162 = vector.load %arg1[%get3A_160, %get3A_161] : memref<6400x128xf32, #tpu.memory_space<vmem>>, vector<50x128xf32>
    %swap3A_163 = arith.constant 18 : index
    %swap3A_164 = arith.constant 0 : index
    %swap3A_165 = arith.constant 0 : index
    %swap3A_166 = vector.load %arg2[%swap3A_163, %swap3A_164, %swap3A_165] : memref<128x50x128xf32, #tpu.memory_space<vmem>>, vector<1x50x128xf32>
    %swap3A_167 = vector.shape_cast %swap3A_166 : vector<1x50x128xf32> to vector<50x128xf32>
    %swap3A_168 = vector.shape_cast %get3A_162 : vector<50x128xf32> to vector<1x50x128xf32>
    tpu.vector_store %arg2[%swap3A_163, %swap3A_164, %swap3A_165], %swap3A_168 {strides = array<i32>} : memref<128x50x128xf32, #tpu.memory_space<vmem>>, vector<1x50x128xf32>,
    %get3A_169 = arith.constant 950 : index
    %get3A_170 = arith.constant 0 : index
    %get3A_171 = vector.load %arg1[%get3A_169, %get3A_170] : memref<6400x128xf32, #tpu.memory_space<vmem>>, vector<50x128xf32>
    %swap3A_172 = arith.constant 19 : index
    %swap3A_173 = arith.constant 0 : index
    %swap3A_174 = arith.constant 0 : index
    %swap3A_175 = vector.load %arg2[%swap3A_172, %swap3A_173, %swap3A_174] : memref<128x50x128xf32, #tpu.memory_space<vmem>>, vector<1x50x128xf32>
    %swap3A_176 = vector.shape_cast %swap3A_175 : vector<1x50x128xf32> to vector<50x128xf32>
    %swap3A_177 = vector.shape_cast %get3A_171 : vector<50x128xf32> to vector<1x50x128xf32>
    tpu.vector_store %arg2[%swap3A_172, %swap3A_173, %swap3A_174], %swap3A_177 {strides = array<i32>} : memref<128x50x128xf32, #tpu.memory_space<vmem>>, vector<1x50x128xf32>,
    %get3A_178 = arith.constant 1000 : index
    %get3A_179 = arith.constant 0 : index
    %get3A_180 = vector.load %arg1[%get3A_178, %get3A_179] : memref<6400x128xf32, #tpu.memory_space<vmem>>, vector<50x128xf32>
    %swap3A_181 = arith.constant 20 : index
    %swap3A_182 = arith.constant 0 : index
    %swap3A_183 = arith.constant 0 : index
    %swap3A_184 = vector.load %arg2[%swap3A_181, %swap3A_182, %swap3A_183] : memref<128x50x128xf32, #tpu.memory_space<vmem>>, vector<1x50x128xf32>
    %swap3A_185 = vector.shape_cast %swap3A_184 : vector<1x50x128xf32> to vector<50x128xf32>
    %swap3A_186 = vector.shape_cast %get3A_180 : vector<50x128xf32> to vector<1x50x128xf32>
    tpu.vector_store %arg2[%swap3A_181, %swap3A_182, %swap3A_183], %swap3A_186 {strides = array<i32>} : memref<128x50x128xf32, #tpu.memory_space<vmem>>, vector<1x50x128xf32>,
    %get3A_187 = arith.constant 1050 : index
    %get3A_188 = arith.constant 0 : index
    %get3A_189 = vector.load %arg1[%get3A_187, %get3A_188] : memref<6400x128xf32, #tpu.memory_space<vmem>>, vector<50x128xf32>
    %swap3A_190 = arith.constant 21 : index
    %swap3A_191 = arith.constant 0 : index
    %swap3A_192 = arith.constant 0 : index
    %swap3A_193 = vector.load %arg2[%swap3A_190, %swap3A_191, %swap3A_192] : memref<128x50x128xf32, #tpu.memory_space<vmem>>, vector<1x50x128xf32>
    %swap3A_194 = vector.shape_cast %swap3A_193 : vector<1x50x128xf32> to vector<50x128xf32>
    %swap3A_195 = vector.shape_cast %get3A_189 : vector<50x128xf32> to vector<1x50x128xf32>
    tpu.vector_store %arg2[%swap3A_190, %swap3A_191, %swap3A_192], %swap3A_195 {strides = array<i32>} : memref<128x50x128xf32, #tpu.memory_space<vmem>>, vector<1x50x128xf32>,
    %get3A_196 = arith.constant 1100 : index
    %get3A_197 = arith.constant 0 : index
    %get3A_198 = vector.load %arg1[%get3A_196, %get3A_197] : memref<6400x128xf32, #tpu.memory_space<vmem>>, vector<50x128xf32>
    %swap3A_199 = arith.constant 22 : index
    %swap3A_200 = arith.constant 0 : index
    %swap3A_201 = arith.constant 0 : index
    %swap3A_202 = vector.load %arg2[%swap3A_199, %swap3A_200, %swap3A_201] : memref<128x50x128xf32, #tpu.memory_space<vmem>>, vector<1x50x128xf32>
    %swap3A_203 = vector.shape_cast %swap3A_202 : vector<1x50x128xf32> to vector<50x128xf32>
    %swap3A_204 = vector.shape_cast %get3A_198 : vector<50x128xf32> to vector<1x50x128xf32>
    tpu.vector_store %arg2[%swap3A_199, %swap3A_200, %swap3A_201], %swap3A_204 {strides = array<i32>} : memref<128x50x128xf32, #tpu.memory_space<vmem>>, vector<1x50x128xf32>,
    %get3A_205 = arith.constant 1150 : index
    %get3A_206 = arith.constant 0 : index
    %get3A_207 = vector.load %arg1[%get3A_205, %get3A_206] : memref<6400x128xf32, #tpu.memory_space<vmem>>, vector<50x128xf32>
    %swap3A_208 = arith.constant 23 : index
    %swap3A_209 = arith.constant 0 : index
    %swap3A_210 = arith.constant 0 : index
    %swap3A_211 = vector.load %arg2[%swap3A_208, %swap3A_209, %swap3A_210] : memref<128x50x128xf32, #tpu.memory_space<vmem>>, vector<1x50x128xf32>
    %swap3A_212 = vector.shape_cast %swap3A_211 : vector<1x50x128xf32> to vector<50x128xf32>
    %swap3A_213 = vector.shape_cast %get3A_207 : vector<50x128xf32> to vector<1x50x128xf32>
    tpu.vector_store %arg2[%swap3A_208, %swap3A_209, %swap3A_210], %swap3A_213 {strides = array<i32>} : memref<128x50x128xf32, #tpu.memory_space<vmem>>, vector<1x50x128xf32>,
    %get3A_214 = arith.constant 1200 : index
    %get3A_215 = arith.constant 0 : index
    %get3A_216 = vector.load %arg1[%get3A_214, %get3A_215] : memref<6400x128xf32, #tpu.memory_space<vmem>>, vector<50x128xf32>
    %swap3A_217 = arith.constant 24 : index
    %swap3A_218 = arith.constant 0 : index
    %swap3A_219 = arith.constant 0 : index
    %swap3A_220 = vector.load %arg2[%swap3A_217, %swap3A_218, %swap3A_219] : memref<128x50x128xf32, #tpu.memory_space<vmem>>, vector<1x50x128xf32>
    %swap3A_221 = vector.shape_cast %swap3A_220 : vector<1x50x128xf32> to vector<50x128xf32>
    %swap3A_222 = vector.shape_cast %get3A_216 : vector<50x128xf32> to vector<1x50x128xf32>
    tpu.vector_store %arg2[%swap3A_217, %swap3A_218, %swap3A_219], %swap3A_222 {strides = array<i32>} : memref<128x50x128xf32, #tpu.memory_space<vmem>>, vector<1x50x128xf32>,
    %get3A_223 = arith.constant 1250 : index
    %get3A_224 = arith.constant 0 : index
    %get3A_225 = vector.load %arg1[%get3A_223, %get3A_224] : memref<6400x128xf32, #tpu.memory_space<vmem>>, vector<50x128xf32>
    %swap3A_226 = arith.constant 25 : index
    %swap3A_227 = arith.constant 0 : index
    %swap3A_228 = arith.constant 0 : index
    %swap3A_229 = vector.load %arg2[%swap3A_226, %swap3A_227, %swap3A_228] : memref<128x50x128xf32, #tpu.memory_space<vmem>>, vector<1x50x128xf32>
    %swap3A_230 = vector.shape_cast %swap3A_229 : vector<1x50x128xf32> to vector<50x128xf32>
    %swap3A_231 = vector.shape_cast %get3A_225 : vector<50x128xf32> to vector<1x50x128xf32>
    tpu.vector_store %arg2[%swap3A_226, %swap3A_227, %swap3A_228], %swap3A_231 {strides = array<i32>} : memref<128x50x128xf32, #tpu.memory_space<vmem>>, vector<1x50x128xf32>,
    %get3A_232 = arith.constant 1300 : index
    %get3A_233 = arith.constant 0 : index
    %get3A_234 = vector.load %arg1[%get3A_232, %get3A_233] : memref<6400x128xf32, #tpu.memory_space<vmem>>, vector<50x128xf32>
    %swap3A_235 = arith.constant 26 : index
    %swap3A_236 = arith.constant 0 : index
    %swap3A_237 = arith.constant 0 : index
    %swap3A_238 = vector.load %arg2[%swap3A_235, %swap3A_236, %swap3A_237] : memref<128x50x128xf32, #tpu.memory_space<vmem>>, vector<1x50x128xf32>
    %swap3A_239 = vector.shape_cast %swap3A_238 : vector<1x50x128xf32> to vector<50x128xf32>
    %swap3A_240 = vector.shape_cast %get3A_234 : vector<50x128xf32> to vector<1x50x128xf32>
    tpu.vector_store %arg2[%swap3A_235, %swap3A_236, %swap3A_237], %swap3A_240 {strides = array<i32>} : memref<128x50x128xf32, #tpu.memory_space<vmem>>, vector<1x50x128xf32>,
    %get3A_241 = arith.constant 1350 : index
    %get3A_242 = arith.constant 0 : index
    %get3A_243 = vector.load %arg1[%get3A_241, %get3A_242] : memref<6400x128xf32, #tpu.memory_space<vmem>>, vector<50x128xf32>
    %swap3A_244 = arith.constant 27 : index
    %swap3A_245 = arith.constant 0 : index
    %swap3A_246 = arith.constant 0 : index
    %swap3A_247 = vector.load %arg2[%swap3A_244, %swap3A_245, %swap3A_246] : memref<128x50x128xf32, #tpu.memory_space<vmem>>, vector<1x50x128xf32>
    %swap3A_248 = vector.shape_cast %swap3A_247 : vector<1x50x128xf32> to vector<50x128xf32>
    %swap3A_249 = vector.shape_cast %get3A_243 : vector<50x128xf32> to vector<1x50x128xf32>
    tpu.vector_store %arg2[%swap3A_244, %swap3A_245, %swap3A_246], %swap3A_249 {strides = array<i32>} : memref<128x50x128xf32, #tpu.memory_space<vmem>>, vector<1x50x128xf32>,
    %get3A_250 = arith.constant 1400 : index
    %get3A_251 = arith.constant 0 : index
    %get3A_252 = vector.load %arg1[%get3A_250, %get3A_251] : memref<6400x128xf32, #tpu.memory_space<vmem>>, vector<50x128xf32>
    %swap3A_253 = arith.constant 28 : index
    %swap3A_254 = arith.constant 0 : index
    %swap3A_255 = arith.constant 0 : index
    %swap3A_256 = vector.load %arg2[%swap3A_253, %swap3A_254, %swap3A_255] : memref<128x50x128xf32, #tpu.memory_space<vmem>>, vector<1x50x128xf32>
    %swap3A_257 = vector.shape_cast %swap3A_256 : vector<1x50x128xf32> to vector<50x128xf32>
    %swap3A_258 = vector.shape_cast %get3A_252 : vector<50x128xf32> to vector<1x50x128xf32>
    tpu.vector_store %arg2[%swap3A_253, %swap3A_254, %swap3A_255], %swap3A_258 {strides = array<i32>} : memref<128x50x128xf32, #tpu.memory_space<vmem>>, vector<1x50x128xf32>,
    %get3A_259 = arith.constant 1450 : index
    %get3A_260 = arith.constant 0 : index
    %get3A_261 = vector.load %arg1[%get3A_259, %get3A_260] : memref<6400x128xf32, #tpu.memory_space<vmem>>, vector<50x128xf32>
    %swap3A_262 = arith.constant 29 : index
    %swap3A_263 = arith.constant 0 : index
    %swap3A_264 = arith.constant 0 : index
    %swap3A_265 = vector.load %arg2[%swap3A_262, %swap3A_263, %swap3A_264] : memref<128x50x128xf32, #tpu.memory_space<vmem>>, vector<1x50x128xf32>
    %swap3A_266 = vector.shape_cast %swap3A_265 : vector<1x50x128xf32> to vector<50x128xf32>
    %swap3A_267 = vector.shape_cast %get3A_261 : vector<50x128xf32> to vector<1x50x128xf32>
    tpu.vector_store %arg2[%swap3A_262, %swap3A_263, %swap3A_264], %swap3A_267 {strides = array<i32>} : memref<128x50x128xf32, #tpu.memory_space<vmem>>, vector<1x50x128xf32>,
    %get3A_268 = arith.constant 1500 : index
    %get3A_269 = arith.constant 0 : index
    %get3A_270 = vector.load %arg1[%get3A_268, %get3A_269] : memref<6400x128xf32, #tpu.memory_space<vmem>>, vector<50x128xf32>
    %swap3A_271 = arith.constant 30 : index
    %swap3A_272 = arith.constant 0 : index
    %swap3A_273 = arith.constant 0 : index
    %swap3A_274 = vector.load %arg2[%swap3A_271, %swap3A_272, %swap3A_273] : memref<128x50x128xf32, #tpu.memory_space<vmem>>, vector<1x50x128xf32>
    %swap3A_275 = vector.shape_cast %swap3A_274 : vector<1x50x128xf32> to vector<50x128xf32>
    %swap3A_276 = vector.shape_cast %get3A_270 : vector<50x128xf32> to vector<1x50x128xf32>
    tpu.vector_store %arg2[%swap3A_271, %swap3A_272, %swap3A_273], %swap3A_276 {strides = array<i32>} : memref<128x50x128xf32, #tpu.memory_space<vmem>>, vector<1x50x128xf32>,
    %get3A_277 = arith.constant 1550 : index
    %get3A_278 = arith.constant 0 : index
    %get3A_279 = vector.load %arg1[%get3A_277, %get3A_278] : memref<6400x128xf32, #tpu.memory_space<vmem>>, vector<50x128xf32>
    %swap3A_280 = arith.constant 31 : index
    %swap3A_281 = arith.constant 0 : index
    %swap3A_282 = arith.constant 0 : index
    %swap3A_283 = vector.load %arg2[%swap3A_280, %swap3A_281, %swap3A_282] : memref<128x50x128xf32, #tpu.memory_space<vmem>>, vector<1x50x128xf32>
    %swap3A_284 = vector.shape_cast %swap3A_283 : vector<1x50x128xf32> to vector<50x128xf32>
    %swap3A_285 = vector.shape_cast %get3A_279 : vector<50x128xf32> to vector<1x50x128xf32>
    tpu.vector_store %arg2[%swap3A_280, %swap3A_281, %swap3A_282], %swap3A_285 {strides = array<i32>} : memref<128x50x128xf32, #tpu.memory_space<vmem>>, vector<1x50x128xf32>,
    %get3A_286 = arith.constant 1600 : index
    %get3A_287 = arith.constant 0 : index
    %get3A_288 = vector.load %arg1[%get3A_286, %get3A_287] : memref<6400x128xf32, #tpu.memory_space<vmem>>, vector<50x128xf32>
    %swap3A_289 = arith.constant 32 : index
    %swap3A_290 = arith.constant 0 : index
    %swap3A_291 = arith.constant 0 : index
    %swap3A_292 = vector.load %arg2[%swap3A_289, %swap3A_290, %swap3A_291] : memref<128x50x128xf32, #tpu.memory_space<vmem>>, vector<1x50x128xf32>
    %swap3A_293 = vector.shape_cast %swap3A_292 : vector<1x50x128xf32> to vector<50x128xf32>
    %swap3A_294 = vector.shape_cast %get3A_288 : vector<50x128xf32> to vector<1x50x128xf32>
    tpu.vector_store %arg2[%swap3A_289, %swap3A_290, %swap3A_291], %swap3A_294 {strides = array<i32>} : memref<128x50x128xf32, #tpu.memory_space<vmem>>, vector<1x50x128xf32>,
    %get3A_295 = arith.constant 1650 : index
    %get3A_296 = arith.constant 0 : index
    %get3A_297 = vector.load %arg1[%get3A_295, %get3A_296] : memref<6400x128xf32, #tpu.memory_space<vmem>>, vector<50x128xf32>
    %swap3A_298 = arith.constant 33 : index
    %swap3A_299 = arith.constant 0 : index
    %swap3A_300 = arith.constant 0 : index
    %swap3A_301 = vector.load %arg2[%swap3A_298, %swap3A_299, %swap3A_300] : memref<128x50x128xf32, #tpu.memory_space<vmem>>, vector<1x50x128xf32>
    %swap3A_302 = vector.shape_cast %swap3A_301 : vector<1x50x128xf32> to vector<50x128xf32>
    %swap3A_303 = vector.shape_cast %get3A_297 : vector<50x128xf32> to vector<1x50x128xf32>
    tpu.vector_store %arg2[%swap3A_298, %swap3A_299, %swap3A_300], %swap3A_303 {strides = array<i32>} : memref<128x50x128xf32, #tpu.memory_space<vmem>>, vector<1x50x128xf32>,
    %get3A_304 = arith.constant 1700 : index
    %get3A_305 = arith.constant 0 : index
    %get3A_306 = vector.load %arg1[%get3A_304, %get3A_305] : memref<6400x128xf32, #tpu.memory_space<vmem>>, vector<50x128xf32>
    %swap3A_307 = arith.constant 34 : index
    %swap3A_308 = arith.constant 0 : index
    %swap3A_309 = arith.constant 0 : index
    %swap3A_310 = vector.load %arg2[%swap3A_307, %swap3A_308, %swap3A_309] : memref<128x50x128xf32, #tpu.memory_space<vmem>>, vector<1x50x128xf32>
    %swap3A_311 = vector.shape_cast %swap3A_310 : vector<1x50x128xf32> to vector<50x128xf32>
    %swap3A_312 = vector.shape_cast %get3A_306 : vector<50x128xf32> to vector<1x50x128xf32>
    tpu.vector_store %arg2[%swap3A_307, %swap3A_308, %swap3A_309], %swap3A_312 {strides = array<i32>} : memref<128x50x128xf32, #tpu.memory_space<vmem>>, vector<1x50x128xf32>,
    %get3A_313 = arith.constant 1750 : index
    %get3A_314 = arith.constant 0 : index
    %get3A_315 = vector.load %arg1[%get3A_313, %get3A_314] : memref<6400x128xf32, #tpu.memory_space<vmem>>, vector<50x128xf32>
    %swap3A_316 = arith.constant 35 : index
    %swap3A_317 = arith.constant 0 : index
    %swap3A_318 = arith.constant 0 : index
    %swap3A_319 = vector.load %arg2[%swap3A_316, %swap3A_317, %swap3A_318] : memref<128x50x128xf32, #tpu.memory_space<vmem>>, vector<1x50x128xf32>
    %swap3A_320 = vector.shape_cast %swap3A_319 : vector<1x50x128xf32> to vector<50x128xf32>
    %swap3A_321 = vector.shape_cast %get3A_315 : vector<50x128xf32> to vector<1x50x128xf32>
    tpu.vector_store %arg2[%swap3A_316, %swap3A_317, %swap3A_318], %swap3A_321 {strides = array<i32>} : memref<128x50x128xf32, #tpu.memory_space<vmem>>, vector<1x50x128xf32>,
    %get3A_322 = arith.constant 1800 : index
    %get3A_323 = arith.constant 0 : index
    %get3A_324 = vector.load %arg1[%get3A_322, %get3A_323] : memref<6400x128xf32, #tpu.memory_space<vmem>>, vector<50x128xf32>
    %swap3A_325 = arith.constant 36 : index
    %swap3A_326 = arith.constant 0 : index
    %swap3A_327 = arith.constant 0 : index
    %swap3A_328 = vector.load %arg2[%swap3A_325, %swap3A_326, %swap3A_327] : memref<128x50x128xf32, #tpu.memory_space<vmem>>, vector<1x50x128xf32>
    %swap3A_329 = vector.shape_cast %swap3A_328 : vector<1x50x128xf32> to vector<50x128xf32>
    %swap3A_330 = vector.shape_cast %get3A_324 : vector<50x128xf32> to vector<1x50x128xf32>
    tpu.vector_store %arg2[%swap3A_325, %swap3A_326, %swap3A_327], %swap3A_330 {strides = array<i32>} : memref<128x50x128xf32, #tpu.memory_space<vmem>>, vector<1x50x128xf32>,
    %get3A_331 = arith.constant 1850 : index
    %get3A_332 = arith.constant 0 : index
    %get3A_333 = vector.load %arg1[%get3A_331, %get3A_332] : memref<6400x128xf32, #tpu.memory_space<vmem>>, vector<50x128xf32>
    %swap3A_334 = arith.constant 37 : index
    %swap3A_335 = arith.constant 0 : index
    %swap3A_336 = arith.constant 0 : index
    %swap3A_337 = vector.load %arg2[%swap3A_334, %swap3A_335, %swap3A_336] : memref<128x50x128xf32, #tpu.memory_space<vmem>>, vector<1x50x128xf32>
    %swap3A_338 = vector.shape_cast %swap3A_337 : vector<1x50x128xf32> to vector<50x128xf32>
    %swap3A_339 = vector.shape_cast %get3A_333 : vector<50x128xf32> to vector<1x50x128xf32>
    tpu.vector_store %arg2[%swap3A_334, %swap3A_335, %swap3A_336], %swap3A_339 {strides = array<i32>} : memref<128x50x128xf32, #tpu.memory_space<vmem>>, vector<1x50x128xf32>,
    %get3A_340 = arith.constant 1900 : index
    %get3A_341 = arith.constant 0 : index
    %get3A_342 = vector.load %arg1[%get3A_340, %get3A_341] : memref<6400x128xf32, #tpu.memory_space<vmem>>, vector<50x128xf32>
    %swap3A_343 = arith.constant 38 : index
    %swap3A_344 = arith.constant 0 : index
    %swap3A_345 = arith.constant 0 : index
    %swap3A_346 = vector.load %arg2[%swap3A_343, %swap3A_344, %swap3A_345] : memref<128x50x128xf32, #tpu.memory_space<vmem>>, vector<1x50x128xf32>
    %swap3A_347 = vector.shape_cast %swap3A_346 : vector<1x50x128xf32> to vector<50x128xf32>
    %swap3A_348 = vector.shape_cast %get3A_342 : vector<50x128xf32> to vector<1x50x128xf32>
    tpu.vector_store %arg2[%swap3A_343, %swap3A_344, %swap3A_345], %swap3A_348 {strides = array<i32>} : memref<128x50x128xf32, #tpu.memory_space<vmem>>, vector<1x50x128xf32>,
    %get3A_349 = arith.constant 1950 : index
    %get3A_350 = arith.constant 0 : index
    %get3A_351 = vector.load %arg1[%get3A_349, %get3A_350] : memref<6400x128xf32, #tpu.memory_space<vmem>>, vector<50x128xf32>
    %swap3A_352 = arith.constant 39 : index
    %swap3A_353 = arith.constant 0 : index
    %swap3A_354 = arith.constant 0 : index
    %swap3A_355 = vector.load %arg2[%swap3A_352, %swap3A_353, %swap3A_354] : memref<128x50x128xf32, #tpu.memory_space<vmem>>, vector<1x50x128xf32>
    %swap3A_356 = vector.shape_cast %swap3A_355 : vector<1x50x128xf32> to vector<50x128xf32>
    %swap3A_357 = vector.shape_cast %get3A_351 : vector<50x128xf32> to vector<1x50x128xf32>
    tpu.vector_store %arg2[%swap3A_352, %swap3A_353, %swap3A_354], %swap3A_357 {strides = array<i32>} : memref<128x50x128xf32, #tpu.memory_space<vmem>>, vector<1x50x128xf32>,
    %get3A_358 = arith.constant 2000 : index
    %get3A_359 = arith.constant 0 : index
    %get3A_360 = vector.load %arg1[%get3A_358, %get3A_359] : memref<6400x128xf32, #tpu.memory_space<vmem>>, vector<50x128xf32>
    %swap3A_361 = arith.constant 40 : index
    %swap3A_362 = arith.constant 0 : index
    %swap3A_363 = arith.constant 0 : index
    %swap3A_364 = vector.load %arg2[%swap3A_361, %swap3A_362, %swap3A_363] : memref<128x50x128xf32, #tpu.memory_space<vmem>>, vector<1x50x128xf32>
    %swap3A_365 = vector.shape_cast %swap3A_364 : vector<1x50x128xf32> to vector<50x128xf32>
    %swap3A_366 = vector.shape_cast %get3A_360 : vector<50x128xf32> to vector<1x50x128xf32>
    tpu.vector_store %arg2[%swap3A_361, %swap3A_362, %swap3A_363], %swap3A_366 {strides = array<i32>} : memref<128x50x128xf32, #tpu.memory_space<vmem>>, vector<1x50x128xf32>,
    %get3A_367 = arith.constant 2050 : index
    %get3A_368 = arith.constant 0 : index
    %get3A_369 = vector.load %arg1[%get3A_367, %get3A_368] : memref<6400x128xf32, #tpu.memory_space<vmem>>, vector<50x128xf32>
    %swap3A_370 = arith.constant 41 : index
    %swap3A_371 = arith.constant 0 : index
    %swap3A_372 = arith.constant 0 : index
    %swap3A_373 = vector.load %arg2[%swap3A_370, %swap3A_371, %swap3A_372] : memref<128x50x128xf32, #tpu.memory_space<vmem>>, vector<1x50x128xf32>
    %swap3A_374 = vector.shape_cast %swap3A_373 : vector<1x50x128xf32> to vector<50x128xf32>
    %swap3A_375 = vector.shape_cast %get3A_369 : vector<50x128xf32> to vector<1x50x128xf32>
    tpu.vector_store %arg2[%swap3A_370, %swap3A_371, %swap3A_372], %swap3A_375 {strides = array<i32>} : memref<128x50x128xf32, #tpu.memory_space<vmem>>, vector<1x50x128xf32>,
    %get3A_376 = arith.constant 2100 : index
    %get3A_377 = arith.constant 0 : index
    %get3A_378 = vector.load %arg1[%get3A_376, %get3A_377] : memref<6400x128xf32, #tpu.memory_space<vmem>>, vector<50x128xf32>
    %swap3A_379 = arith.constant 42 : index
    %swap3A_380 = arith.constant 0 : index
    %swap3A_381 = arith.constant 0 : index
    %swap3A_382 = vector.load %arg2[%swap3A_379, %swap3A_380, %swap3A_381] : memref<128x50x128xf32, #tpu.memory_space<vmem>>, vector<1x50x128xf32>
    %swap3A_383 = vector.shape_cast %swap3A_382 : vector<1x50x128xf32> to vector<50x128xf32>
    %swap3A_384 = vector.shape_cast %get3A_378 : vector<50x128xf32> to vector<1x50x128xf32>
    tpu.vector_store %arg2[%swap3A_379, %swap3A_380, %swap3A_381], %swap3A_384 {strides = array<i32>} : memref<128x50x128xf32, #tpu.memory_space<vmem>>, vector<1x50x128xf32>,
    %get3A_385 = arith.constant 2150 : index
    %get3A_386 = arith.constant 0 : index
    %get3A_387 = vector.load %arg1[%get3A_385, %get3A_386] : memref<6400x128xf32, #tpu.memory_space<vmem>>, vector<50x128xf32>
    %swap3A_388 = arith.constant 43 : index
    %swap3A_389 = arith.constant 0 : index
    %swap3A_390 = arith.constant 0 : index
    %swap3A_391 = vector.load %arg2[%swap3A_388, %swap3A_389, %swap3A_390] : memref<128x50x128xf32, #tpu.memory_space<vmem>>, vector<1x50x128xf32>
    %swap3A_392 = vector.shape_cast %swap3A_391 : vector<1x50x128xf32> to vector<50x128xf32>
    %swap3A_393 = vector.shape_cast %get3A_387 : vector<50x128xf32> to vector<1x50x128xf32>
    tpu.vector_store %arg2[%swap3A_388, %swap3A_389, %swap3A_390], %swap3A_393 {strides = array<i32>} : memref<128x50x128xf32, #tpu.memory_space<vmem>>, vector<1x50x128xf32>,
    %get3A_394 = arith.constant 2200 : index
    %get3A_395 = arith.constant 0 : index
    %get3A_396 = vector.load %arg1[%get3A_394, %get3A_395] : memref<6400x128xf32, #tpu.memory_space<vmem>>, vector<50x128xf32>
    %swap3A_397 = arith.constant 44 : index
    %swap3A_398 = arith.constant 0 : index
    %swap3A_399 = arith.constant 0 : index
    %swap3A_400 = vector.load %arg2[%swap3A_397, %swap3A_398, %swap3A_399] : memref<128x50x128xf32, #tpu.memory_space<vmem>>, vector<1x50x128xf32>
    %swap3A_401 = vector.shape_cast %swap3A_400 : vector<1x50x128xf32> to vector<50x128xf32>
    %swap3A_402 = vector.shape_cast %get3A_396 : vector<50x128xf32> to vector<1x50x128xf32>
    tpu.vector_store %arg2[%swap3A_397, %swap3A_398, %swap3A_399], %swap3A_402 {strides = array<i32>} : memref<128x50x128xf32, #tpu.memory_space<vmem>>, vector<1x50x128xf32>,
    %get3A_403 = arith.constant 2250 : index
    %get3A_404 = arith.constant 0 : index
    %get3A_405 = vector.load %arg1[%get3A_403, %get3A_404] : memref<6400x128xf32, #tpu.memory_space<vmem>>, vector<50x128xf32>
    %swap3A_406 = arith.constant 45 : index
    %swap3A_407 = arith.constant 0 : index
    %swap3A_408 = arith.constant 0 : index
    %swap3A_409 = vector.load %arg2[%swap3A_406, %swap3A_407, %swap3A_408] : memref<128x50x128xf32, #tpu.memory_space<vmem>>, vector<1x50x128xf32>
    %swap3A_410 = vector.shape_cast %swap3A_409 : vector<1x50x128xf32> to vector<50x128xf32>
    %swap3A_411 = vector.shape_cast %get3A_405 : vector<50x128xf32> to vector<1x50x128xf32>
    tpu.vector_store %arg2[%swap3A_406, %swap3A_407, %swap3A_408], %swap3A_411 {strides = array<i32>} : memref<128x50x128xf32, #tpu.memory_space<vmem>>, vector<1x50x128xf32>,
    %get3A_412 = arith.constant 2300 : index
    %get3A_413 = arith.constant 0 : index
    %get3A_414 = vector.load %arg1[%get3A_412, %get3A_413] : memref<6400x128xf32, #tpu.memory_space<vmem>>, vector<50x128xf32>
    %swap3A_415 = arith.constant 46 : index
    %swap3A_416 = arith.constant 0 : index
    %swap3A_417 = arith.constant 0 : index
    %swap3A_418 = vector.load %arg2[%swap3A_415, %swap3A_416, %swap3A_417] : memref<128x50x128xf32, #tpu.memory_space<vmem>>, vector<1x50x128xf32>
    %swap3A_419 = vector.shape_cast %swap3A_418 : vector<1x50x128xf32> to vector<50x128xf32>
    %swap3A_420 = vector.shape_cast %get3A_414 : vector<50x128xf32> to vector<1x50x128xf32>
    tpu.vector_store %arg2[%swap3A_415, %swap3A_416, %swap3A_417], %swap3A_420 {strides = array<i32>} : memref<128x50x128xf32, #tpu.memory_space<vmem>>, vector<1x50x128xf32>,
    %get3A_421 = arith.constant 2350 : index
    %get3A_422 = arith.constant 0 : index
    %get3A_423 = vector.load %arg1[%get3A_421, %get3A_422] : memref<6400x128xf32, #tpu.memory_space<vmem>>, vector<50x128xf32>
    %swap3A_424 = arith.constant 47 : index
    %swap3A_425 = arith.constant 0 : index
    %swap3A_426 = arith.constant 0 : index
    %swap3A_427 = vector.load %arg2[%swap3A_424, %swap3A_425, %swap3A_426] : memref<128x50x128xf32, #tpu.memory_space<vmem>>, vector<1x50x128xf32>
    %swap3A_428 = vector.shape_cast %swap3A_427 : vector<1x50x128xf32> to vector<50x128xf32>
    %swap3A_429 = vector.shape_cast %get3A_423 : vector<50x128xf32> to vector<1x50x128xf32>
    tpu.vector_store %arg2[%swap3A_424, %swap3A_425, %swap3A_426], %swap3A_429 {strides = array<i32>} : memref<128x50x128xf32, #tpu.memory_space<vmem>>, vector<1x50x128xf32>,
    %get3A_430 = arith.constant 2400 : index
    %get3A_431 = arith.constant 0 : index
    %get3A_432 = vector.load %arg1[%get3A_430, %get3A_431] : memref<6400x128xf32, #tpu.memory_space<vmem>>, vector<50x128xf32>
    %swap3A_433 = arith.constant 48 : index
    %swap3A_434 = arith.constant 0 : index
    %swap3A_435 = arith.constant 0 : index
    %swap3A_436 = vector.load %arg2[%swap3A_433, %swap3A_434, %swap3A_435] : memref<128x50x128xf32, #tpu.memory_space<vmem>>, vector<1x50x128xf32>
    %swap3A_437 = vector.shape_cast %swap3A_436 : vector<1x50x128xf32> to vector<50x128xf32>
    %swap3A_438 = vector.shape_cast %get3A_432 : vector<50x128xf32> to vector<1x50x128xf32>
    tpu.vector_store %arg2[%swap3A_433, %swap3A_434, %swap3A_435], %swap3A_438 {strides = array<i32>} : memref<128x50x128xf32, #tpu.memory_space<vmem>>, vector<1x50x128xf32>,
    %get3A_439 = arith.constant 2450 : index
    %get3A_440 = arith.constant 0 : index
    %get3A_441 = vector.load %arg1[%get3A_439, %get3A_440] : memref<6400x128xf32, #tpu.memory_space<vmem>>, vector<50x128xf32>
    %swap3A_442 = arith.constant 49 : index
    %swap3A_443 = arith.constant 0 : index
    %swap3A_444 = arith.constant 0 : index
    %swap3A_445 = vector.load %arg2[%swap3A_442, %swap3A_443, %swap3A_444] : memref<128x50x128xf32, #tpu.memory_space<vmem>>, vector<1x50x128xf32>
    %swap3A_446 = vector.shape_cast %swap3A_445 : vector<1x50x128xf32> to vector<50x128xf32>
    %swap3A_447 = vector.shape_cast %get3A_441 : vector<50x128xf32> to vector<1x50x128xf32>
    tpu.vector_store %arg2[%swap3A_442, %swap3A_443, %swap3A_444], %swap3A_447 {strides = array<i32>} : memref<128x50x128xf32, #tpu.memory_space<vmem>>, vector<1x50x128xf32>,
    %get3A_448 = arith.constant 2500 : index
    %get3A_449 = arith.constant 0 : index
    %get3A_450 = vector.load %arg1[%get3A_448, %get3A_449] : memref<6400x128xf32, #tpu.memory_space<vmem>>, vector<50x128xf32>
    %swap3A_451 = arith.constant 50 : index
    %swap3A_452 = arith.constant 0 : index
    %swap3A_453 = arith.constant 0 : index
    %swap3A_454 = vector.load %arg2[%swap3A_451, %swap3A_452, %swap3A_453] : memref<128x50x128xf32, #tpu.memory_space<vmem>>, vector<1x50x128xf32>
    %swap3A_455 = vector.shape_cast %swap3A_454 : vector<1x50x128xf32> to vector<50x128xf32>
    %swap3A_456 = vector.shape_cast %get3A_450 : vector<50x128xf32> to vector<1x50x128xf32>
    tpu.vector_store %arg2[%swap3A_451, %swap3A_452, %swap3A_453], %swap3A_456 {strides = array<i32>} : memref<128x50x128xf32, #tpu.memory_space<vmem>>, vector<1x50x128xf32>,
    %get3A_457 = arith.constant 2550 : index
    %get3A_458 = arith.constant 0 : index
    %get3A_459 = vector.load %arg1[%get3A_457, %get3A_458] : memref<6400x128xf32, #tpu.memory_space<vmem>>, vector<50x128xf32>
    %swap3A_460 = arith.constant 51 : index
    %swap3A_461 = arith.constant 0 : index
    %swap3A_462 = arith.constant 0 : index
    %swap3A_463 = vector.load %arg2[%swap3A_460, %swap3A_461, %swap3A_462] : memref<128x50x128xf32, #tpu.memory_space<vmem>>, vector<1x50x128xf32>
    %swap3A_464 = vector.shape_cast %swap3A_463 : vector<1x50x128xf32> to vector<50x128xf32>
    %swap3A_465 = vector.shape_cast %get3A_459 : vector<50x128xf32> to vector<1x50x128xf32>
    tpu.vector_store %arg2[%swap3A_460, %swap3A_461, %swap3A_462], %swap3A_465 {strides = array<i32>} : memref<128x50x128xf32, #tpu.memory_space<vmem>>, vector<1x50x128xf32>,
    %get3A_466 = arith.constant 2600 : index
    %get3A_467 = arith.constant 0 : index
    %get3A_468 = vector.load %arg1[%get3A_466, %get3A_467] : memref<6400x128xf32, #tpu.memory_space<vmem>>, vector<50x128xf32>
    %swap3A_469 = arith.constant 52 : index
    %swap3A_470 = arith.constant 0 : index
    %swap3A_471 = arith.constant 0 : index
    %swap3A_472 = vector.load %arg2[%swap3A_469, %swap3A_470, %swap3A_471] : memref<128x50x128xf32, #tpu.memory_space<vmem>>, vector<1x50x128xf32>
    %swap3A_473 = vector.shape_cast %swap3A_472 : vector<1x50x128xf32> to vector<50x128xf32>
    %swap3A_474 = vector.shape_cast %get3A_468 : vector<50x128xf32> to vector<1x50x128xf32>
    tpu.vector_store %arg2[%swap3A_469, %swap3A_470, %swap3A_471], %swap3A_474 {strides = array<i32>} : memref<128x50x128xf32, #tpu.memory_space<vmem>>, vector<1x50x128xf32>,
    %get3A_475 = arith.constant 2650 : index
    %get3A_476 = arith.constant 0 : index
    %get3A_477 = vector.load %arg1[%get3A_475, %get3A_476] : memref<6400x128xf32, #tpu.memory_space<vmem>>, vector<50x128xf32>
    %swap3A_478 = arith.constant 53 : index
    %swap3A_479 = arith.constant 0 : index
    %swap3A_480 = arith.constant 0 : index
    %swap3A_481 = vector.load %arg2[%swap3A_478, %swap3A_479, %swap3A_480] : memref<128x50x128xf32, #tpu.memory_space<vmem>>, vector<1x50x128xf32>
    %swap3A_482 = vector.shape_cast %swap3A_481 : vector<1x50x128xf32> to vector<50x128xf32>
    %swap3A_483 = vector.shape_cast %get3A_477 : vector<50x128xf32> to vector<1x50x128xf32>
    tpu.vector_store %arg2[%swap3A_478, %swap3A_479, %swap3A_480], %swap3A_483 {strides = array<i32>} : memref<128x50x128xf32, #tpu.memory_space<vmem>>, vector<1x50x128xf32>,
    %get3A_484 = arith.constant 2700 : index
    %get3A_485 = arith.constant 0 : index
    %get3A_486 = vector.load %arg1[%get3A_484, %get3A_485] : memref<6400x128xf32, #tpu.memory_space<vmem>>, vector<50x128xf32>
    %swap3A_487 = arith.constant 54 : index
    %swap3A_488 = arith.constant 0 : index
    %swap3A_489 = arith.constant 0 : index
    %swap3A_490 = vector.load %arg2[%swap3A_487, %swap3A_488, %swap3A_489] : memref<128x50x128xf32, #tpu.memory_space<vmem>>, vector<1x50x128xf32>
    %swap3A_491 = vector.shape_cast %swap3A_490 : vector<1x50x128xf32> to vector<50x128xf32>
    %swap3A_492 = vector.shape_cast %get3A_486 : vector<50x128xf32> to vector<1x50x128xf32>
    tpu.vector_store %arg2[%swap3A_487, %swap3A_488, %swap3A_489], %swap3A_492 {strides = array<i32>} : memref<128x50x128xf32, #tpu.memory_space<vmem>>, vector<1x50x128xf32>,
    %get3A_493 = arith.constant 2750 : index
    %get3A_494 = arith.constant 0 : index
    %get3A_495 = vector.load %arg1[%get3A_493, %get3A_494] : memref<6400x128xf32, #tpu.memory_space<vmem>>, vector<50x128xf32>
    %swap3A_496 = arith.constant 55 : index
    %swap3A_497 = arith.constant 0 : index
    %swap3A_498 = arith.constant 0 : index
    %swap3A_499 = vector.load %arg2[%swap3A_496, %swap3A_497, %swap3A_498] : memref<128x50x128xf32, #tpu.memory_space<vmem>>, vector<1x50x128xf32>
    %swap3A_500 = vector.shape_cast %swap3A_499 : vector<1x50x128xf32> to vector<50x128xf32>
    %swap3A_501 = vector.shape_cast %get3A_495 : vector<50x128xf32> to vector<1x50x128xf32>
    tpu.vector_store %arg2[%swap3A_496, %swap3A_497, %swap3A_498], %swap3A_501 {strides = array<i32>} : memref<128x50x128xf32, #tpu.memory_space<vmem>>, vector<1x50x128xf32>,
    %get3A_502 = arith.constant 2800 : index
    %get3A_503 = arith.constant 0 : index
    %get3A_504 = vector.load %arg1[%get3A_502, %get3A_503] : memref<6400x128xf32, #tpu.memory_space<vmem>>, vector<50x128xf32>
    %swap3A_505 = arith.constant 56 : index
    %swap3A_506 = arith.constant 0 : index
    %swap3A_507 = arith.constant 0 : index
    %swap3A_508 = vector.load %arg2[%swap3A_505, %swap3A_506, %swap3A_507] : memref<128x50x128xf32, #tpu.memory_space<vmem>>, vector<1x50x128xf32>
    %swap3A_509 = vector.shape_cast %swap3A_508 : vector<1x50x128xf32> to vector<50x128xf32>
    %swap3A_510 = vector.shape_cast %get3A_504 : vector<50x128xf32> to vector<1x50x128xf32>
    tpu.vector_store %arg2[%swap3A_505, %swap3A_506, %swap3A_507], %swap3A_510 {strides = array<i32>} : memref<128x50x128xf32, #tpu.memory_space<vmem>>, vector<1x50x128xf32>,
    %get3A_511 = arith.constant 2850 : index
    %get3A_512 = arith.constant 0 : index
    %get3A_513 = vector.load %arg1[%get3A_511, %get3A_512] : memref<6400x128xf32, #tpu.memory_space<vmem>>, vector<50x128xf32>
    %swap3A_514 = arith.constant 57 : index
    %swap3A_515 = arith.constant 0 : index
    %swap3A_516 = arith.constant 0 : index
    %swap3A_517 = vector.load %arg2[%swap3A_514, %swap3A_515, %swap3A_516] : memref<128x50x128xf32, #tpu.memory_space<vmem>>, vector<1x50x128xf32>
    %swap3A_518 = vector.shape_cast %swap3A_517 : vector<1x50x128xf32> to vector<50x128xf32>
    %swap3A_519 = vector.shape_cast %get3A_513 : vector<50x128xf32> to vector<1x50x128xf32>
    tpu.vector_store %arg2[%swap3A_514, %swap3A_515, %swap3A_516], %swap3A_519 {strides = array<i32>} : memref<128x50x128xf32, #tpu.memory_space<vmem>>, vector<1x50x128xf32>,
    %get3A_520 = arith.constant 2900 : index
    %get3A_521 = arith.constant 0 : index
    %get3A_522 = vector.load %arg1[%get3A_520, %get3A_521] : memref<6400x128xf32, #tpu.memory_space<vmem>>, vector<50x128xf32>
    %swap3A_523 = arith.constant 58 : index
    %swap3A_524 = arith.constant 0 : index
    %swap3A_525 = arith.constant 0 : index
    %swap3A_526 = vector.load %arg2[%swap3A_523, %swap3A_524, %swap3A_525] : memref<128x50x128xf32, #tpu.memory_space<vmem>>, vector<1x50x128xf32>
    %swap3A_527 = vector.shape_cast %swap3A_526 : vector<1x50x128xf32> to vector<50x128xf32>
    %swap3A_528 = vector.shape_cast %get3A_522 : vector<50x128xf32> to vector<1x50x128xf32>
    tpu.vector_store %arg2[%swap3A_523, %swap3A_524, %swap3A_525], %swap3A_528 {strides = array<i32>} : memref<128x50x128xf32, #tpu.memory_space<vmem>>, vector<1x50x128xf32>,
    %get3A_529 = arith.constant 2950 : index
    %get3A_530 = arith.constant 0 : index
    %get3A_531 = vector.load %arg1[%get3A_529, %get3A_530] : memref<6400x128xf32, #tpu.memory_space<vmem>>, vector<50x128xf32>
    %swap3A_532 = arith.constant 59 : index
    %swap3A_533 = arith.constant 0 : index
    %swap3A_534 = arith.constant 0 : index
    %swap3A_535 = vector.load %arg2[%swap3A_532, %swap3A_533, %swap3A_534] : memref<128x50x128xf32, #tpu.memory_space<vmem>>, vector<1x50x128xf32>
    %swap3A_536 = vector.shape_cast %swap3A_535 : vector<1x50x128xf32> to vector<50x128xf32>
    %swap3A_537 = vector.shape_cast %get3A_531 : vector<50x128xf32> to vector<1x50x128xf32>
    tpu.vector_store %arg2[%swap3A_532, %swap3A_533, %swap3A_534], %swap3A_537 {strides = array<i32>} : memref<128x50x128xf32, #tpu.memory_space<vmem>>, vector<1x50x128xf32>,
    %get3A_538 = arith.constant 3000 : index
    %get3A_539 = arith.constant 0 : index
    %get3A_540 = vector.load %arg1[%get3A_538, %get3A_539] : memref<6400x128xf32, #tpu.memory_space<vmem>>, vector<50x128xf32>
    %swap3A_541 = arith.constant 60 : index
    %swap3A_542 = arith.constant 0 : index
    %swap3A_543 = arith.constant 0 : index
    %swap3A_544 = vector.load %arg2[%swap3A_541, %swap3A_542, %swap3A_543] : memref<128x50x128xf32, #tpu.memory_space<vmem>>, vector<1x50x128xf32>
    %swap3A_545 = vector.shape_cast %swap3A_544 : vector<1x50x128xf32> to vector<50x128xf32>
    %swap3A_546 = vector.shape_cast %get3A_540 : vector<50x128xf32> to vector<1x50x128xf32>
    tpu.vector_store %arg2[%swap3A_541, %swap3A_542, %swap3A_543], %swap3A_546 {strides = array<i32>} : memref<128x50x128xf32, #tpu.memory_space<vmem>>, vector<1x50x128xf32>,
    %get3A_547 = arith.constant 3050 : index
    %get3A_548 = arith.constant 0 : index
    %get3A_549 = vector.load %arg1[%get3A_547, %get3A_548] : memref<6400x128xf32, #tpu.memory_space<vmem>>, vector<50x128xf32>
    %swap3A_550 = arith.constant 61 : index
    %swap3A_551 = arith.constant 0 : index
    %swap3A_552 = arith.constant 0 : index
    %swap3A_553 = vector.load %arg2[%swap3A_550, %swap3A_551, %swap3A_552] : memref<128x50x128xf32, #tpu.memory_space<vmem>>, vector<1x50x128xf32>
    %swap3A_554 = vector.shape_cast %swap3A_553 : vector<1x50x128xf32> to vector<50x128xf32>
    %swap3A_555 = vector.shape_cast %get3A_549 : vector<50x128xf32> to vector<1x50x128xf32>
    tpu.vector_store %arg2[%swap3A_550, %swap3A_551, %swap3A_552], %swap3A_555 {strides = array<i32>} : memref<128x50x128xf32, #tpu.memory_space<vmem>>, vector<1x50x128xf32>,
    %get3A_556 = arith.constant 3100 : index
    %get3A_557 = arith.constant 0 : index
    %get3A_558 = vector.load %arg1[%get3A_556, %get3A_557] : memref<6400x128xf32, #tpu.memory_space<vmem>>, vector<50x128xf32>
    %swap3A_559 = arith.constant 62 : index
    %swap3A_560 = arith.constant 0 : index
    %swap3A_561 = arith.constant 0 : index
    %swap3A_562 = vector.load %arg2[%swap3A_559, %swap3A_560, %swap3A_561] : memref<128x50x128xf32, #tpu.memory_space<vmem>>, vector<1x50x128xf32>
    %swap3A_563 = vector.shape_cast %swap3A_562 : vector<1x50x128xf32> to vector<50x128xf32>
    %swap3A_564 = vector.shape_cast %get3A_558 : vector<50x128xf32> to vector<1x50x128xf32>
    tpu.vector_store %arg2[%swap3A_559, %swap3A_560, %swap3A_561], %swap3A_564 {strides = array<i32>} : memref<128x50x128xf32, #tpu.memory_space<vmem>>, vector<1x50x128xf32>,
    %get3A_565 = arith.constant 3150 : index
    %get3A_566 = arith.constant 0 : index
    %get3A_567 = vector.load %arg1[%get3A_565, %get3A_566] : memref<6400x128xf32, #tpu.memory_space<vmem>>, vector<50x128xf32>
    %swap3A_568 = arith.constant 63 : index
    %swap3A_569 = arith.constant 0 : index
    %swap3A_570 = arith.constant 0 : index
    %swap3A_571 = vector.load %arg2[%swap3A_568, %swap3A_569, %swap3A_570] : memref<128x50x128xf32, #tpu.memory_space<vmem>>, vector<1x50x128xf32>
    %swap3A_572 = vector.shape_cast %swap3A_571 : vector<1x50x128xf32> to vector<50x128xf32>
    %swap3A_573 = vector.shape_cast %get3A_567 : vector<50x128xf32> to vector<1x50x128xf32>
    tpu.vector_store %arg2[%swap3A_568, %swap3A_569, %swap3A_570], %swap3A_573 {strides = array<i32>} : memref<128x50x128xf32, #tpu.memory_space<vmem>>, vector<1x50x128xf32>,
    %get3A_574 = arith.constant 3200 : index
    %get3A_575 = arith.constant 0 : index
    %get3A_576 = vector.load %arg1[%get3A_574, %get3A_575] : memref<6400x128xf32, #tpu.memory_space<vmem>>, vector<50x128xf32>
    %swap3A_577 = arith.constant 64 : index
    %swap3A_578 = arith.constant 0 : index
    %swap3A_579 = arith.constant 0 : index
    %swap3A_580 = vector.load %arg2[%swap3A_577, %swap3A_578, %swap3A_579] : memref<128x50x128xf32, #tpu.memory_space<vmem>>, vector<1x50x128xf32>
    %swap3A_581 = vector.shape_cast %swap3A_580 : vector<1x50x128xf32> to vector<50x128xf32>
    %swap3A_582 = vector.shape_cast %get3A_576 : vector<50x128xf32> to vector<1x50x128xf32>
    tpu.vector_store %arg2[%swap3A_577, %swap3A_578, %swap3A_579], %swap3A_582 {strides = array<i32>} : memref<128x50x128xf32, #tpu.memory_space<vmem>>, vector<1x50x128xf32>,
    %get3A_583 = arith.constant 3250 : index
    %get3A_584 = arith.constant 0 : index
    %get3A_585 = vector.load %arg1[%get3A_583, %get3A_584] : memref<6400x128xf32, #tpu.memory_space<vmem>>, vector<50x128xf32>
    %swap3A_586 = arith.constant 65 : index
    %swap3A_587 = arith.constant 0 : index
    %swap3A_588 = arith.constant 0 : index
    %swap3A_589 = vector.load %arg2[%swap3A_586, %swap3A_587, %swap3A_588] : memref<128x50x128xf32, #tpu.memory_space<vmem>>, vector<1x50x128xf32>
    %swap3A_590 = vector.shape_cast %swap3A_589 : vector<1x50x128xf32> to vector<50x128xf32>
    %swap3A_591 = vector.shape_cast %get3A_585 : vector<50x128xf32> to vector<1x50x128xf32>
    tpu.vector_store %arg2[%swap3A_586, %swap3A_587, %swap3A_588], %swap3A_591 {strides = array<i32>} : memref<128x50x128xf32, #tpu.memory_space<vmem>>, vector<1x50x128xf32>,
    %get3A_592 = arith.constant 3300 : index
    %get3A_593 = arith.constant 0 : index
    %get3A_594 = vector.load %arg1[%get3A_592, %get3A_593] : memref<6400x128xf32, #tpu.memory_space<vmem>>, vector<50x128xf32>
    %swap3A_595 = arith.constant 66 : index
    %swap3A_596 = arith.constant 0 : index
    %swap3A_597 = arith.constant 0 : index
    %swap3A_598 = vector.load %arg2[%swap3A_595, %swap3A_596, %swap3A_597] : memref<128x50x128xf32, #tpu.memory_space<vmem>>, vector<1x50x128xf32>
    %swap3A_599 = vector.shape_cast %swap3A_598 : vector<1x50x128xf32> to vector<50x128xf32>
    %swap3A_600 = vector.shape_cast %get3A_594 : vector<50x128xf32> to vector<1x50x128xf32>
    tpu.vector_store %arg2[%swap3A_595, %swap3A_596, %swap3A_597], %swap3A_600 {strides = array<i32>} : memref<128x50x128xf32, #tpu.memory_space<vmem>>, vector<1x50x128xf32>,
    %get3A_601 = arith.constant 3350 : index
    %get3A_602 = arith.constant 0 : index
    %get3A_603 = vector.load %arg1[%get3A_601, %get3A_602] : memref<6400x128xf32, #tpu.memory_space<vmem>>, vector<50x128xf32>
    %swap3A_604 = arith.constant 67 : index
    %swap3A_605 = arith.constant 0 : index
    %swap3A_606 = arith.constant 0 : index
    %swap3A_607 = vector.load %arg2[%swap3A_604, %swap3A_605, %swap3A_606] : memref<128x50x128xf32, #tpu.memory_space<vmem>>, vector<1x50x128xf32>
    %swap3A_608 = vector.shape_cast %swap3A_607 : vector<1x50x128xf32> to vector<50x128xf32>
    %swap3A_609 = vector.shape_cast %get3A_603 : vector<50x128xf32> to vector<1x50x128xf32>
    tpu.vector_store %arg2[%swap3A_604, %swap3A_605, %swap3A_606], %swap3A_609 {strides = array<i32>} : memref<128x50x128xf32, #tpu.memory_space<vmem>>, vector<1x50x128xf32>,
    %get3A_610 = arith.constant 3400 : index
    %get3A_611 = arith.constant 0 : index
    %get3A_612 = vector.load %arg1[%get3A_610, %get3A_611] : memref<6400x128xf32, #tpu.memory_space<vmem>>, vector<50x128xf32>
    %swap3A_613 = arith.constant 68 : index
    %swap3A_614 = arith.constant 0 : index
    %swap3A_615 = arith.constant 0 : index
    %swap3A_616 = vector.load %arg2[%swap3A_613, %swap3A_614, %swap3A_615] : memref<128x50x128xf32, #tpu.memory_space<vmem>>, vector<1x50x128xf32>
    %swap3A_617 = vector.shape_cast %swap3A_616 : vector<1x50x128xf32> to vector<50x128xf32>
    %swap3A_618 = vector.shape_cast %get3A_612 : vector<50x128xf32> to vector<1x50x128xf32>
    tpu.vector_store %arg2[%swap3A_613, %swap3A_614, %swap3A_615], %swap3A_618 {strides = array<i32>} : memref<128x50x128xf32, #tpu.memory_space<vmem>>, vector<1x50x128xf32>,
    %get3A_619 = arith.constant 3450 : index
    %get3A_620 = arith.constant 0 : index
    %get3A_621 = vector.load %arg1[%get3A_619, %get3A_620] : memref<6400x128xf32, #tpu.memory_space<vmem>>, vector<50x128xf32>
    %swap3A_622 = arith.constant 69 : index
    %swap3A_623 = arith.constant 0 : index
    %swap3A_624 = arith.constant 0 : index
    %swap3A_625 = vector.load %arg2[%swap3A_622, %swap3A_623, %swap3A_624] : memref<128x50x128xf32, #tpu.memory_space<vmem>>, vector<1x50x128xf32>
    %swap3A_626 = vector.shape_cast %swap3A_625 : vector<1x50x128xf32> to vector<50x128xf32>
    %swap3A_627 = vector.shape_cast %get3A_621 : vector<50x128xf32> to vector<1x50x128xf32>
    tpu.vector_store %arg2[%swap3A_622, %swap3A_623, %swap3A_624], %swap3A_627 {strides = array<i32>} : memref<128x50x128xf32, #tpu.memory_space<vmem>>, vector<1x50x128xf32>,
    %get3A_628 = arith.constant 3500 : index
    %get3A_629 = arith.constant 0 : index
    %get3A_630 = vector.load %arg1[%get3A_628, %get3A_629] : memref<6400x128xf32, #tpu.memory_space<vmem>>, vector<50x128xf32>
    %swap3A_631 = arith.constant 70 : index
    %swap3A_632 = arith.constant 0 : index
    %swap3A_633 = arith.constant 0 : index
    %swap3A_634 = vector.load %arg2[%swap3A_631, %swap3A_632, %swap3A_633] : memref<128x50x128xf32, #tpu.memory_space<vmem>>, vector<1x50x128xf32>
    %swap3A_635 = vector.shape_cast %swap3A_634 : vector<1x50x128xf32> to vector<50x128xf32>
    %swap3A_636 = vector.shape_cast %get3A_630 : vector<50x128xf32> to vector<1x50x128xf32>
    tpu.vector_store %arg2[%swap3A_631, %swap3A_632, %swap3A_633], %swap3A_636 {strides = array<i32>} : memref<128x50x128xf32, #tpu.memory_space<vmem>>, vector<1x50x128xf32>,
    %get3A_637 = arith.constant 3550 : index
    %get3A_638 = arith.constant 0 : index
    %get3A_639 = vector.load %arg1[%get3A_637, %get3A_638] : memref<6400x128xf32, #tpu.memory_space<vmem>>, vector<50x128xf32>
    %swap3A_640 = arith.constant 71 : index
    %swap3A_641 = arith.constant 0 : index
    %swap3A_642 = arith.constant 0 : index
    %swap3A_643 = vector.load %arg2[%swap3A_640, %swap3A_641, %swap3A_642] : memref<128x50x128xf32, #tpu.memory_space<vmem>>, vector<1x50x128xf32>
    %swap3A_644 = vector.shape_cast %swap3A_643 : vector<1x50x128xf32> to vector<50x128xf32>
    %swap3A_645 = vector.shape_cast %get3A_639 : vector<50x128xf32> to vector<1x50x128xf32>
    tpu.vector_store %arg2[%swap3A_640, %swap3A_641, %swap3A_642], %swap3A_645 {strides = array<i32>} : memref<128x50x128xf32, #tpu.memory_space<vmem>>, vector<1x50x128xf32>,
    %get3A_646 = arith.constant 3600 : index
    %get3A_647 = arith.constant 0 : index
    %get3A_648 = vector.load %arg1[%get3A_646, %get3A_647] : memref<6400x128xf32, #tpu.memory_space<vmem>>, vector<50x128xf32>
    %swap3A_649 = arith.constant 72 : index
    %swap3A_650 = arith.constant 0 : index
    %swap3A_651 = arith.constant 0 : index
    %swap3A_652 = vector.load %arg2[%swap3A_649, %swap3A_650, %swap3A_651] : memref<128x50x128xf32, #tpu.memory_space<vmem>>, vector<1x50x128xf32>
    %swap3A_653 = vector.shape_cast %swap3A_652 : vector<1x50x128xf32> to vector<50x128xf32>
    %swap3A_654 = vector.shape_cast %get3A_648 : vector<50x128xf32> to vector<1x50x128xf32>
    tpu.vector_store %arg2[%swap3A_649, %swap3A_650, %swap3A_651], %swap3A_654 {strides = array<i32>} : memref<128x50x128xf32, #tpu.memory_space<vmem>>, vector<1x50x128xf32>,
    %get3A_655 = arith.constant 3650 : index
    %get3A_656 = arith.constant 0 : index
    %get3A_657 = vector.load %arg1[%get3A_655, %get3A_656] : memref<6400x128xf32, #tpu.memory_space<vmem>>, vector<50x128xf32>
    %swap3A_658 = arith.constant 73 : index
    %swap3A_659 = arith.constant 0 : index
    %swap3A_660 = arith.constant 0 : index
    %swap3A_661 = vector.load %arg2[%swap3A_658, %swap3A_659, %swap3A_660] : memref<128x50x128xf32, #tpu.memory_space<vmem>>, vector<1x50x128xf32>
    %swap3A_662 = vector.shape_cast %swap3A_661 : vector<1x50x128xf32> to vector<50x128xf32>
    %swap3A_663 = vector.shape_cast %get3A_657 : vector<50x128xf32> to vector<1x50x128xf32>
    tpu.vector_store %arg2[%swap3A_658, %swap3A_659, %swap3A_660], %swap3A_663 {strides = array<i32>} : memref<128x50x128xf32, #tpu.memory_space<vmem>>, vector<1x50x128xf32>,
    %get3A_664 = arith.constant 3700 : index
    %get3A_665 = arith.constant 0 : index
    %get3A_666 = vector.load %arg1[%get3A_664, %get3A_665] : memref<6400x128xf32, #tpu.memory_space<vmem>>, vector<50x128xf32>
    %swap3A_667 = arith.constant 74 : index
    %swap3A_668 = arith.constant 0 : index
    %swap3A_669 = arith.constant 0 : index
    %swap3A_670 = vector.load %arg2[%swap3A_667, %swap3A_668, %swap3A_669] : memref<128x50x128xf32, #tpu.memory_space<vmem>>, vector<1x50x128xf32>
    %swap3A_671 = vector.shape_cast %swap3A_670 : vector<1x50x128xf32> to vector<50x128xf32>
    %swap3A_672 = vector.shape_cast %get3A_666 : vector<50x128xf32> to vector<1x50x128xf32>
    tpu.vector_store %arg2[%swap3A_667, %swap3A_668, %swap3A_669], %swap3A_672 {strides = array<i32>} : memref<128x50x128xf32, #tpu.memory_space<vmem>>, vector<1x50x128xf32>,
    %get3A_673 = arith.constant 3750 : index
    %get3A_674 = arith.constant 0 : index
    %get3A_675 = vector.load %arg1[%get3A_673, %get3A_674] : memref<6400x128xf32, #tpu.memory_space<vmem>>, vector<50x128xf32>
    %swap3A_676 = arith.constant 75 : index
    %swap3A_677 = arith.constant 0 : index
    %swap3A_678 = arith.constant 0 : index
    %swap3A_679 = vector.load %arg2[%swap3A_676, %swap3A_677, %swap3A_678] : memref<128x50x128xf32, #tpu.memory_space<vmem>>, vector<1x50x128xf32>
    %swap3A_680 = vector.shape_cast %swap3A_679 : vector<1x50x128xf32> to vector<50x128xf32>
    %swap3A_681 = vector.shape_cast %get3A_675 : vector<50x128xf32> to vector<1x50x128xf32>
    tpu.vector_store %arg2[%swap3A_676, %swap3A_677, %swap3A_678], %swap3A_681 {strides = array<i32>} : memref<128x50x128xf32, #tpu.memory_space<vmem>>, vector<1x50x128xf32>,
    %get3A_682 = arith.constant 3800 : index
    %get3A_683 = arith.constant 0 : index
    %get3A_684 = vector.load %arg1[%get3A_682, %get3A_683] : memref<6400x128xf32, #tpu.memory_space<vmem>>, vector<50x128xf32>
    %swap3A_685 = arith.constant 76 : index
    %swap3A_686 = arith.constant 0 : index
    %swap3A_687 = arith.constant 0 : index
    %swap3A_688 = vector.load %arg2[%swap3A_685, %swap3A_686, %swap3A_687] : memref<128x50x128xf32, #tpu.memory_space<vmem>>, vector<1x50x128xf32>
    %swap3A_689 = vector.shape_cast %swap3A_688 : vector<1x50x128xf32> to vector<50x128xf32>
    %swap3A_690 = vector.shape_cast %get3A_684 : vector<50x128xf32> to vector<1x50x128xf32>
    tpu.vector_store %arg2[%swap3A_685, %swap3A_686, %swap3A_687], %swap3A_690 {strides = array<i32>} : memref<128x50x128xf32, #tpu.memory_space<vmem>>, vector<1x50x128xf32>,
    %get3A_691 = arith.constant 3850 : index
    %get3A_692 = arith.constant 0 : index
    %get3A_693 = vector.load %arg1[%get3A_691, %get3A_692] : memref<6400x128xf32, #tpu.memory_space<vmem>>, vector<50x128xf32>
    %swap3A_694 = arith.constant 77 : index
    %swap3A_695 = arith.constant 0 : index
    %swap3A_696 = arith.constant 0 : index
    %swap3A_697 = vector.load %arg2[%swap3A_694, %swap3A_695, %swap3A_696] : memref<128x50x128xf32, #tpu.memory_space<vmem>>, vector<1x50x128xf32>
    %swap3A_698 = vector.shape_cast %swap3A_697 : vector<1x50x128xf32> to vector<50x128xf32>
    %swap3A_699 = vector.shape_cast %get3A_693 : vector<50x128xf32> to vector<1x50x128xf32>
    tpu.vector_store %arg2[%swap3A_694, %swap3A_695, %swap3A_696], %swap3A_699 {strides = array<i32>} : memref<128x50x128xf32, #tpu.memory_space<vmem>>, vector<1x50x128xf32>,
    %get3A_700 = arith.constant 3900 : index
    %get3A_701 = arith.constant 0 : index
    %get3A_702 = vector.load %arg1[%get3A_700, %get3A_701] : memref<6400x128xf32, #tpu.memory_space<vmem>>, vector<50x128xf32>
    %swap3A_703 = arith.constant 78 : index
    %swap3A_704 = arith.constant 0 : index
    %swap3A_705 = arith.constant 0 : index
    %swap3A_706 = vector.load %arg2[%swap3A_703, %swap3A_704, %swap3A_705] : memref<128x50x128xf32, #tpu.memory_space<vmem>>, vector<1x50x128xf32>
    %swap3A_707 = vector.shape_cast %swap3A_706 : vector<1x50x128xf32> to vector<50x128xf32>
    %swap3A_708 = vector.shape_cast %get3A_702 : vector<50x128xf32> to vector<1x50x128xf32>
    tpu.vector_store %arg2[%swap3A_703, %swap3A_704, %swap3A_705], %swap3A_708 {strides = array<i32>} : memref<128x50x128xf32, #tpu.memory_space<vmem>>, vector<1x50x128xf32>,
    %get3A_709 = arith.constant 3950 : index
    %get3A_710 = arith.constant 0 : index
    %get3A_711 = vector.load %arg1[%get3A_709, %get3A_710] : memref<6400x128xf32, #tpu.memory_space<vmem>>, vector<50x128xf32>
    %swap3A_712 = arith.constant 79 : index
    %swap3A_713 = arith.constant 0 : index
    %swap3A_714 = arith.constant 0 : index
    %swap3A_715 = vector.load %arg2[%swap3A_712, %swap3A_713, %swap3A_714] : memref<128x50x128xf32, #tpu.memory_space<vmem>>, vector<1x50x128xf32>
    %swap3A_716 = vector.shape_cast %swap3A_715 : vector<1x50x128xf32> to vector<50x128xf32>
    %swap3A_717 = vector.shape_cast %get3A_711 : vector<50x128xf32> to vector<1x50x128xf32>
    tpu.vector_store %arg2[%swap3A_712, %swap3A_713, %swap3A_714], %swap3A_717 {strides = array<i32>} : memref<128x50x128xf32, #tpu.memory_space<vmem>>, vector<1x50x128xf32>,
    %get3A_718 = arith.constant 4000 : index
    %get3A_719 = arith.constant 0 : index
    %get3A_720 = vector.load %arg1[%get3A_718, %get3A_719] : memref<6400x128xf32, #tpu.memory_space<vmem>>, vector<50x128xf32>
    %swap3A_721 = arith.constant 80 : index
    %swap3A_722 = arith.constant 0 : index
    %swap3A_723 = arith.constant 0 : index
    %swap3A_724 = vector.load %arg2[%swap3A_721, %swap3A_722, %swap3A_723] : memref<128x50x128xf32, #tpu.memory_space<vmem>>, vector<1x50x128xf32>
    %swap3A_725 = vector.shape_cast %swap3A_724 : vector<1x50x128xf32> to vector<50x128xf32>
    %swap3A_726 = vector.shape_cast %get3A_720 : vector<50x128xf32> to vector<1x50x128xf32>
    tpu.vector_store %arg2[%swap3A_721, %swap3A_722, %swap3A_723], %swap3A_726 {strides = array<i32>} : memref<128x50x128xf32, #tpu.memory_space<vmem>>, vector<1x50x128xf32>,
    %get3A_727 = arith.constant 4050 : index
    %get3A_728 = arith.constant 0 : index
    %get3A_729 = vector.load %arg1[%get3A_727, %get3A_728] : memref<6400x128xf32, #tpu.memory_space<vmem>>, vector<50x128xf32>
    %swap3A_730 = arith.constant 81 : index
    %swap3A_731 = arith.constant 0 : index
    %swap3A_732 = arith.constant 0 : index
    %swap3A_733 = vector.load %arg2[%swap3A_730, %swap3A_731, %swap3A_732] : memref<128x50x128xf32, #tpu.memory_space<vmem>>, vector<1x50x128xf32>
    %swap3A_734 = vector.shape_cast %swap3A_733 : vector<1x50x128xf32> to vector<50x128xf32>
    %swap3A_735 = vector.shape_cast %get3A_729 : vector<50x128xf32> to vector<1x50x128xf32>
    tpu.vector_store %arg2[%swap3A_730, %swap3A_731, %swap3A_732], %swap3A_735 {strides = array<i32>} : memref<128x50x128xf32, #tpu.memory_space<vmem>>, vector<1x50x128xf32>,
    %get3A_736 = arith.constant 4100 : index
    %get3A_737 = arith.constant 0 : index
    %get3A_738 = vector.load %arg1[%get3A_736, %get3A_737] : memref<6400x128xf32, #tpu.memory_space<vmem>>, vector<50x128xf32>
    %swap3A_739 = arith.constant 82 : index
    %swap3A_740 = arith.constant 0 : index
    %swap3A_741 = arith.constant 0 : index
    %swap3A_742 = vector.load %arg2[%swap3A_739, %swap3A_740, %swap3A_741] : memref<128x50x128xf32, #tpu.memory_space<vmem>>, vector<1x50x128xf32>
    %swap3A_743 = vector.shape_cast %swap3A_742 : vector<1x50x128xf32> to vector<50x128xf32>
    %swap3A_744 = vector.shape_cast %get3A_738 : vector<50x128xf32> to vector<1x50x128xf32>
    tpu.vector_store %arg2[%swap3A_739, %swap3A_740, %swap3A_741], %swap3A_744 {strides = array<i32>} : memref<128x50x128xf32, #tpu.memory_space<vmem>>, vector<1x50x128xf32>,
    %get3A_745 = arith.constant 4150 : index
    %get3A_746 = arith.constant 0 : index
    %get3A_747 = vector.load %arg1[%get3A_745, %get3A_746] : memref<6400x128xf32, #tpu.memory_space<vmem>>, vector<50x128xf32>
    %swap3A_748 = arith.constant 83 : index
    %swap3A_749 = arith.constant 0 : index
    %swap3A_750 = arith.constant 0 : index
    %swap3A_751 = vector.load %arg2[%swap3A_748, %swap3A_749, %swap3A_750] : memref<128x50x128xf32, #tpu.memory_space<vmem>>, vector<1x50x128xf32>
    %swap3A_752 = vector.shape_cast %swap3A_751 : vector<1x50x128xf32> to vector<50x128xf32>
    %swap3A_753 = vector.shape_cast %get3A_747 : vector<50x128xf32> to vector<1x50x128xf32>
    tpu.vector_store %arg2[%swap3A_748, %swap3A_749, %swap3A_750], %swap3A_753 {strides = array<i32>} : memref<128x50x128xf32, #tpu.memory_space<vmem>>, vector<1x50x128xf32>,
    %get3A_754 = arith.constant 4200 : index
    %get3A_755 = arith.constant 0 : index
    %get3A_756 = vector.load %arg1[%get3A_754, %get3A_755] : memref<6400x128xf32, #tpu.memory_space<vmem>>, vector<50x128xf32>
    %swap3A_757 = arith.constant 84 : index
    %swap3A_758 = arith.constant 0 : index
    %swap3A_759 = arith.constant 0 : index
    %swap3A_760 = vector.load %arg2[%swap3A_757, %swap3A_758, %swap3A_759] : memref<128x50x128xf32, #tpu.memory_space<vmem>>, vector<1x50x128xf32>
    %swap3A_761 = vector.shape_cast %swap3A_760 : vector<1x50x128xf32> to vector<50x128xf32>
    %swap3A_762 = vector.shape_cast %get3A_756 : vector<50x128xf32> to vector<1x50x128xf32>
    tpu.vector_store %arg2[%swap3A_757, %swap3A_758, %swap3A_759], %swap3A_762 {strides = array<i32>} : memref<128x50x128xf32, #tpu.memory_space<vmem>>, vector<1x50x128xf32>,
    %get3A_763 = arith.constant 4250 : index
    %get3A_764 = arith.constant 0 : index
    %get3A_765 = vector.load %arg1[%get3A_763, %get3A_764] : memref<6400x128xf32, #tpu.memory_space<vmem>>, vector<50x128xf32>
    %swap3A_766 = arith.constant 85 : index
    %swap3A_767 = arith.constant 0 : index
    %swap3A_768 = arith.constant 0 : index
    %swap3A_769 = vector.load %arg2[%swap3A_766, %swap3A_767, %swap3A_768] : memref<128x50x128xf32, #tpu.memory_space<vmem>>, vector<1x50x128xf32>
    %swap3A_770 = vector.shape_cast %swap3A_769 : vector<1x50x128xf32> to vector<50x128xf32>
    %swap3A_771 = vector.shape_cast %get3A_765 : vector<50x128xf32> to vector<1x50x128xf32>
    tpu.vector_store %arg2[%swap3A_766, %swap3A_767, %swap3A_768], %swap3A_771 {strides = array<i32>} : memref<128x50x128xf32, #tpu.memory_space<vmem>>, vector<1x50x128xf32>,
    %get3A_772 = arith.constant 4300 : index
    %get3A_773 = arith.constant 0 : index
    %get3A_774 = vector.load %arg1[%get3A_772, %get3A_773] : memref<6400x128xf32, #tpu.memory_space<vmem>>, vector<50x128xf32>
    %swap3A_775 = arith.constant 86 : index
    %swap3A_776 = arith.constant 0 : index
    %swap3A_777 = arith.constant 0 : index
    %swap3A_778 = vector.load %arg2[%swap3A_775, %swap3A_776, %swap3A_777] : memref<128x50x128xf32, #tpu.memory_space<vmem>>, vector<1x50x128xf32>
    %swap3A_779 = vector.shape_cast %swap3A_778 : vector<1x50x128xf32> to vector<50x128xf32>
    %swap3A_780 = vector.shape_cast %get3A_774 : vector<50x128xf32> to vector<1x50x128xf32>
    tpu.vector_store %arg2[%swap3A_775, %swap3A_776, %swap3A_777], %swap3A_780 {strides = array<i32>} : memref<128x50x128xf32, #tpu.memory_space<vmem>>, vector<1x50x128xf32>,
    %get3A_781 = arith.constant 4350 : index
    %get3A_782 = arith.constant 0 : index
    %get3A_783 = vector.load %arg1[%get3A_781, %get3A_782] : memref<6400x128xf32, #tpu.memory_space<vmem>>, vector<50x128xf32>
    %swap3A_784 = arith.constant 87 : index
    %swap3A_785 = arith.constant 0 : index
    %swap3A_786 = arith.constant 0 : index
    %swap3A_787 = vector.load %arg2[%swap3A_784, %swap3A_785, %swap3A_786] : memref<128x50x128xf32, #tpu.memory_space<vmem>>, vector<1x50x128xf32>
    %swap3A_788 = vector.shape_cast %swap3A_787 : vector<1x50x128xf32> to vector<50x128xf32>
    %swap3A_789 = vector.shape_cast %get3A_783 : vector<50x128xf32> to vector<1x50x128xf32>
    tpu.vector_store %arg2[%swap3A_784, %swap3A_785, %swap3A_786], %swap3A_789 {strides = array<i32>} : memref<128x50x128xf32, #tpu.memory_space<vmem>>, vector<1x50x128xf32>,
    %get3A_790 = arith.constant 4400 : index
    %get3A_791 = arith.constant 0 : index
    %get3A_792 = vector.load %arg1[%get3A_790, %get3A_791] : memref<6400x128xf32, #tpu.memory_space<vmem>>, vector<50x128xf32>
    %swap3A_793 = arith.constant 88 : index
    %swap3A_794 = arith.constant 0 : index
    %swap3A_795 = arith.constant 0 : index
    %swap3A_796 = vector.load %arg2[%swap3A_793, %swap3A_794, %swap3A_795] : memref<128x50x128xf32, #tpu.memory_space<vmem>>, vector<1x50x128xf32>
    %swap3A_797 = vector.shape_cast %swap3A_796 : vector<1x50x128xf32> to vector<50x128xf32>
    %swap3A_798 = vector.shape_cast %get3A_792 : vector<50x128xf32> to vector<1x50x128xf32>
    tpu.vector_store %arg2[%swap3A_793, %swap3A_794, %swap3A_795], %swap3A_798 {strides = array<i32>} : memref<128x50x128xf32, #tpu.memory_space<vmem>>, vector<1x50x128xf32>,
    %get3A_799 = arith.constant 4450 : index
    %get3A_800 = arith.constant 0 : index
    %get3A_801 = vector.load %arg1[%get3A_799, %get3A_800] : memref<6400x128xf32, #tpu.memory_space<vmem>>, vector<50x128xf32>
    %swap3A_802 = arith.constant 89 : index
    %swap3A_803 = arith.constant 0 : index
    %swap3A_804 = arith.constant 0 : index
    %swap3A_805 = vector.load %arg2[%swap3A_802, %swap3A_803, %swap3A_804] : memref<128x50x128xf32, #tpu.memory_space<vmem>>, vector<1x50x128xf32>
    %swap3A_806 = vector.shape_cast %swap3A_805 : vector<1x50x128xf32> to vector<50x128xf32>
    %swap3A_807 = vector.shape_cast %get3A_801 : vector<50x128xf32> to vector<1x50x128xf32>
    tpu.vector_store %arg2[%swap3A_802, %swap3A_803, %swap3A_804], %swap3A_807 {strides = array<i32>} : memref<128x50x128xf32, #tpu.memory_space<vmem>>, vector<1x50x128xf32>,
    %get3A_808 = arith.constant 4500 : index
    %get3A_809 = arith.constant 0 : index
    %get3A_810 = vector.load %arg1[%get3A_808, %get3A_809] : memref<6400x128xf32, #tpu.memory_space<vmem>>, vector<50x128xf32>
    %swap3A_811 = arith.constant 90 : index
    %swap3A_812 = arith.constant 0 : index
    %swap3A_813 = arith.constant 0 : index
    %swap3A_814 = vector.load %arg2[%swap3A_811, %swap3A_812, %swap3A_813] : memref<128x50x128xf32, #tpu.memory_space<vmem>>, vector<1x50x128xf32>
    %swap3A_815 = vector.shape_cast %swap3A_814 : vector<1x50x128xf32> to vector<50x128xf32>
    %swap3A_816 = vector.shape_cast %get3A_810 : vector<50x128xf32> to vector<1x50x128xf32>
    tpu.vector_store %arg2[%swap3A_811, %swap3A_812, %swap3A_813], %swap3A_816 {strides = array<i32>} : memref<128x50x128xf32, #tpu.memory_space<vmem>>, vector<1x50x128xf32>,
    %get3A_817 = arith.constant 4550 : index
    %get3A_818 = arith.constant 0 : index
    %get3A_819 = vector.load %arg1[%get3A_817, %get3A_818] : memref<6400x128xf32, #tpu.memory_space<vmem>>, vector<50x128xf32>
    %swap3A_820 = arith.constant 91 : index
    %swap3A_821 = arith.constant 0 : index
    %swap3A_822 = arith.constant 0 : index
    %swap3A_823 = vector.load %arg2[%swap3A_820, %swap3A_821, %swap3A_822] : memref<128x50x128xf32, #tpu.memory_space<vmem>>, vector<1x50x128xf32>
    %swap3A_824 = vector.shape_cast %swap3A_823 : vector<1x50x128xf32> to vector<50x128xf32>
    %swap3A_825 = vector.shape_cast %get3A_819 : vector<50x128xf32> to vector<1x50x128xf32>
    tpu.vector_store %arg2[%swap3A_820, %swap3A_821, %swap3A_822], %swap3A_825 {strides = array<i32>} : memref<128x50x128xf32, #tpu.memory_space<vmem>>, vector<1x50x128xf32>,
    %get3A_826 = arith.constant 4600 : index
    %get3A_827 = arith.constant 0 : index
    %get3A_828 = vector.load %arg1[%get3A_826, %get3A_827] : memref<6400x128xf32, #tpu.memory_space<vmem>>, vector<50x128xf32>
    %swap3A_829 = arith.constant 92 : index
    %swap3A_830 = arith.constant 0 : index
    %swap3A_831 = arith.constant 0 : index
    %swap3A_832 = vector.load %arg2[%swap3A_829, %swap3A_830, %swap3A_831] : memref<128x50x128xf32, #tpu.memory_space<vmem>>, vector<1x50x128xf32>
    %swap3A_833 = vector.shape_cast %swap3A_832 : vector<1x50x128xf32> to vector<50x128xf32>
    %swap3A_834 = vector.shape_cast %get3A_828 : vector<50x128xf32> to vector<1x50x128xf32>
    tpu.vector_store %arg2[%swap3A_829, %swap3A_830, %swap3A_831], %swap3A_834 {strides = array<i32>} : memref<128x50x128xf32, #tpu.memory_space<vmem>>, vector<1x50x128xf32>,
    %get3A_835 = arith.constant 4650 : index
    %get3A_836 = arith.constant 0 : index
    %get3A_837 = vector.load %arg1[%get3A_835, %get3A_836] : memref<6400x128xf32, #tpu.memory_space<vmem>>, vector<50x128xf32>
    %swap3A_838 = arith.constant 93 : index
    %swap3A_839 = arith.constant 0 : index
    %swap3A_840 = arith.constant 0 : index
    %swap3A_841 = vector.load %arg2[%swap3A_838, %swap3A_839, %swap3A_840] : memref<128x50x128xf32, #tpu.memory_space<vmem>>, vector<1x50x128xf32>
    %swap3A_842 = vector.shape_cast %swap3A_841 : vector<1x50x128xf32> to vector<50x128xf32>
    %swap3A_843 = vector.shape_cast %get3A_837 : vector<50x128xf32> to vector<1x50x128xf32>
    tpu.vector_store %arg2[%swap3A_838, %swap3A_839, %swap3A_840], %swap3A_843 {strides = array<i32>} : memref<128x50x128xf32, #tpu.memory_space<vmem>>, vector<1x50x128xf32>,
    %get3A_844 = arith.constant 4700 : index
    %get3A_845 = arith.constant 0 : index
    %get3A_846 = vector.load %arg1[%get3A_844, %get3A_845] : memref<6400x128xf32, #tpu.memory_space<vmem>>, vector<50x128xf32>
    %swap3A_847 = arith.constant 94 : index
    %swap3A_848 = arith.constant 0 : index
    %swap3A_849 = arith.constant 0 : index
    %swap3A_850 = vector.load %arg2[%swap3A_847, %swap3A_848, %swap3A_849] : memref<128x50x128xf32, #tpu.memory_space<vmem>>, vector<1x50x128xf32>
    %swap3A_851 = vector.shape_cast %swap3A_850 : vector<1x50x128xf32> to vector<50x128xf32>
    %swap3A_852 = vector.shape_cast %get3A_846 : vector<50x128xf32> to vector<1x50x128xf32>
    tpu.vector_store %arg2[%swap3A_847, %swap3A_848, %swap3A_849], %swap3A_852 {strides = array<i32>} : memref<128x50x128xf32, #tpu.memory_space<vmem>>, vector<1x50x128xf32>,
    %get3A_853 = arith.constant 4750 : index
    %get3A_854 = arith.constant 0 : index
    %get3A_855 = vector.load %arg1[%get3A_853, %get3A_854] : memref<6400x128xf32, #tpu.memory_space<vmem>>, vector<50x128xf32>
    %swap3A_856 = arith.constant 95 : index
    %swap3A_857 = arith.constant 0 : index
    %swap3A_858 = arith.constant 0 : index
    %swap3A_859 = vector.load %arg2[%swap3A_856, %swap3A_857, %swap3A_858] : memref<128x50x128xf32, #tpu.memory_space<vmem>>, vector<1x50x128xf32>
    %swap3A_860 = vector.shape_cast %swap3A_859 : vector<1x50x128xf32> to vector<50x128xf32>
    %swap3A_861 = vector.shape_cast %get3A_855 : vector<50x128xf32> to vector<1x50x128xf32>
    tpu.vector_store %arg2[%swap3A_856, %swap3A_857, %swap3A_858], %swap3A_861 {strides = array<i32>} : memref<128x50x128xf32, #tpu.memory_space<vmem>>, vector<1x50x128xf32>,
    %get3A_862 = arith.constant 4800 : index
    %get3A_863 = arith.constant 0 : index
    %get3A_864 = vector.load %arg1[%get3A_862, %get3A_863] : memref<6400x128xf32, #tpu.memory_space<vmem>>, vector<50x128xf32>
    %swap3A_865 = arith.constant 96 : index
    %swap3A_866 = arith.constant 0 : index
    %swap3A_867 = arith.constant 0 : index
    %swap3A_868 = vector.load %arg2[%swap3A_865, %swap3A_866, %swap3A_867] : memref<128x50x128xf32, #tpu.memory_space<vmem>>, vector<1x50x128xf32>
    %swap3A_869 = vector.shape_cast %swap3A_868 : vector<1x50x128xf32> to vector<50x128xf32>
    %swap3A_870 = vector.shape_cast %get3A_864 : vector<50x128xf32> to vector<1x50x128xf32>
    tpu.vector_store %arg2[%swap3A_865, %swap3A_866, %swap3A_867], %swap3A_870 {strides = array<i32>} : memref<128x50x128xf32, #tpu.memory_space<vmem>>, vector<1x50x128xf32>,
    %get3A_871 = arith.constant 4850 : index
    %get3A_872 = arith.constant 0 : index
    %get3A_873 = vector.load %arg1[%get3A_871, %get3A_872] : memref<6400x128xf32, #tpu.memory_space<vmem>>, vector<50x128xf32>
    %swap3A_874 = arith.constant 97 : index
    %swap3A_875 = arith.constant 0 : index
    %swap3A_876 = arith.constant 0 : index
    %swap3A_877 = vector.load %arg2[%swap3A_874, %swap3A_875, %swap3A_876] : memref<128x50x128xf32, #tpu.memory_space<vmem>>, vector<1x50x128xf32>
    %swap3A_878 = vector.shape_cast %swap3A_877 : vector<1x50x128xf32> to vector<50x128xf32>
    %swap3A_879 = vector.shape_cast %get3A_873 : vector<50x128xf32> to vector<1x50x128xf32>
    tpu.vector_store %arg2[%swap3A_874, %swap3A_875, %swap3A_876], %swap3A_879 {strides = array<i32>} : memref<128x50x128xf32, #tpu.memory_space<vmem>>, vector<1x50x128xf32>,
    %get3A_880 = arith.constant 4900 : index
    %get3A_881 = arith.constant 0 : index
    %get3A_882 = vector.load %arg1[%get3A_880, %get3A_881] : memref<6400x128xf32, #tpu.memory_space<vmem>>, vector<50x128xf32>
    %swap3A_883 = arith.constant 98 : index
    %swap3A_884 = arith.constant 0 : index
    %swap3A_885 = arith.constant 0 : index
    %swap3A_886 = vector.load %arg2[%swap3A_883, %swap3A_884, %swap3A_885] : memref<128x50x128xf32, #tpu.memory_space<vmem>>, vector<1x50x128xf32>
    %swap3A_887 = vector.shape_cast %swap3A_886 : vector<1x50x128xf32> to vector<50x128xf32>
    %swap3A_888 = vector.shape_cast %get3A_882 : vector<50x128xf32> to vector<1x50x128xf32>
    tpu.vector_store %arg2[%swap3A_883, %swap3A_884, %swap3A_885], %swap3A_888 {strides = array<i32>} : memref<128x50x128xf32, #tpu.memory_space<vmem>>, vector<1x50x128xf32>,
    %get3A_889 = arith.constant 4950 : index
    %get3A_890 = arith.constant 0 : index
    %get3A_891 = vector.load %arg1[%get3A_889, %get3A_890] : memref<6400x128xf32, #tpu.memory_space<vmem>>, vector<50x128xf32>
    %swap3A_892 = arith.constant 99 : index
    %swap3A_893 = arith.constant 0 : index
    %swap3A_894 = arith.constant 0 : index
    %swap3A_895 = vector.load %arg2[%swap3A_892, %swap3A_893, %swap3A_894] : memref<128x50x128xf32, #tpu.memory_space<vmem>>, vector<1x50x128xf32>
    %swap3A_896 = vector.shape_cast %swap3A_895 : vector<1x50x128xf32> to vector<50x128xf32>
    %swap3A_897 = vector.shape_cast %get3A_891 : vector<50x128xf32> to vector<1x50x128xf32>
    tpu.vector_store %arg2[%swap3A_892, %swap3A_893, %swap3A_894], %swap3A_897 {strides = array<i32>} : memref<128x50x128xf32, #tpu.memory_space<vmem>>, vector<1x50x128xf32>,
    %get3A_898 = arith.constant 5000 : index
    %get3A_899 = arith.constant 0 : index
    %get3A_900 = vector.load %arg1[%get3A_898, %get3A_899] : memref<6400x128xf32, #tpu.memory_space<vmem>>, vector<50x128xf32>
    %swap3A_901 = arith.constant 100 : index
    %swap3A_902 = arith.constant 0 : index
    %swap3A_903 = arith.constant 0 : index
    %swap3A_904 = vector.load %arg2[%swap3A_901, %swap3A_902, %swap3A_903] : memref<128x50x128xf32, #tpu.memory_space<vmem>>, vector<1x50x128xf32>
    %swap3A_905 = vector.shape_cast %swap3A_904 : vector<1x50x128xf32> to vector<50x128xf32>
    %swap3A_906 = vector.shape_cast %get3A_900 : vector<50x128xf32> to vector<1x50x128xf32>
    tpu.vector_store %arg2[%swap3A_901, %swap3A_902, %swap3A_903], %swap3A_906 {strides = array<i32>} : memref<128x50x128xf32, #tpu.memory_space<vmem>>, vector<1x50x128xf32>,
    %get3A_907 = arith.constant 5050 : index
    %get3A_908 = arith.constant 0 : index
    %get3A_909 = vector.load %arg1[%get3A_907, %get3A_908] : memref<6400x128xf32, #tpu.memory_space<vmem>>, vector<50x128xf32>
    %swap3A_910 = arith.constant 101 : index
    %swap3A_911 = arith.constant 0 : index
    %swap3A_912 = arith.constant 0 : index
    %swap3A_913 = vector.load %arg2[%swap3A_910, %swap3A_911, %swap3A_912] : memref<128x50x128xf32, #tpu.memory_space<vmem>>, vector<1x50x128xf32>
    %swap3A_914 = vector.shape_cast %swap3A_913 : vector<1x50x128xf32> to vector<50x128xf32>
    %swap3A_915 = vector.shape_cast %get3A_909 : vector<50x128xf32> to vector<1x50x128xf32>
    tpu.vector_store %arg2[%swap3A_910, %swap3A_911, %swap3A_912], %swap3A_915 {strides = array<i32>} : memref<128x50x128xf32, #tpu.memory_space<vmem>>, vector<1x50x128xf32>,
    %get3A_916 = arith.constant 5100 : index
    %get3A_917 = arith.constant 0 : index
    %get3A_918 = vector.load %arg1[%get3A_916, %get3A_917] : memref<6400x128xf32, #tpu.memory_space<vmem>>, vector<50x128xf32>
    %swap3A_919 = arith.constant 102 : index
    %swap3A_920 = arith.constant 0 : index
    %swap3A_921 = arith.constant 0 : index
    %swap3A_922 = vector.load %arg2[%swap3A_919, %swap3A_920, %swap3A_921] : memref<128x50x128xf32, #tpu.memory_space<vmem>>, vector<1x50x128xf32>
    %swap3A_923 = vector.shape_cast %swap3A_922 : vector<1x50x128xf32> to vector<50x128xf32>
    %swap3A_924 = vector.shape_cast %get3A_918 : vector<50x128xf32> to vector<1x50x128xf32>
    tpu.vector_store %arg2[%swap3A_919, %swap3A_920, %swap3A_921], %swap3A_924 {strides = array<i32>} : memref<128x50x128xf32, #tpu.memory_space<vmem>>, vector<1x50x128xf32>,
    %get3A_925 = arith.constant 5150 : index
    %get3A_926 = arith.constant 0 : index
    %get3A_927 = vector.load %arg1[%get3A_925, %get3A_926] : memref<6400x128xf32, #tpu.memory_space<vmem>>, vector<50x128xf32>
    %swap3A_928 = arith.constant 103 : index
    %swap3A_929 = arith.constant 0 : index
    %swap3A_930 = arith.constant 0 : index
    %swap3A_931 = vector.load %arg2[%swap3A_928, %swap3A_929, %swap3A_930] : memref<128x50x128xf32, #tpu.memory_space<vmem>>, vector<1x50x128xf32>
    %swap3A_932 = vector.shape_cast %swap3A_931 : vector<1x50x128xf32> to vector<50x128xf32>
    %swap3A_933 = vector.shape_cast %get3A_927 : vector<50x128xf32> to vector<1x50x128xf32>
    tpu.vector_store %arg2[%swap3A_928, %swap3A_929, %swap3A_930], %swap3A_933 {strides = array<i32>} : memref<128x50x128xf32, #tpu.memory_space<vmem>>, vector<1x50x128xf32>,
    %get3A_934 = arith.constant 5200 : index
    %get3A_935 = arith.constant 0 : index
    %get3A_936 = vector.load %arg1[%get3A_934, %get3A_935] : memref<6400x128xf32, #tpu.memory_space<vmem>>, vector<50x128xf32>
    %swap3A_937 = arith.constant 104 : index
    %swap3A_938 = arith.constant 0 : index
    %swap3A_939 = arith.constant 0 : index
    %swap3A_940 = vector.load %arg2[%swap3A_937, %swap3A_938, %swap3A_939] : memref<128x50x128xf32, #tpu.memory_space<vmem>>, vector<1x50x128xf32>
    %swap3A_941 = vector.shape_cast %swap3A_940 : vector<1x50x128xf32> to vector<50x128xf32>
    %swap3A_942 = vector.shape_cast %get3A_936 : vector<50x128xf32> to vector<1x50x128xf32>
    tpu.vector_store %arg2[%swap3A_937, %swap3A_938, %swap3A_939], %swap3A_942 {strides = array<i32>} : memref<128x50x128xf32, #tpu.memory_space<vmem>>, vector<1x50x128xf32>,
    %get3A_943 = arith.constant 5250 : index
    %get3A_944 = arith.constant 0 : index
    %get3A_945 = vector.load %arg1[%get3A_943, %get3A_944] : memref<6400x128xf32, #tpu.memory_space<vmem>>, vector<50x128xf32>
    %swap3A_946 = arith.constant 105 : index
    %swap3A_947 = arith.constant 0 : index
    %swap3A_948 = arith.constant 0 : index
    %swap3A_949 = vector.load %arg2[%swap3A_946, %swap3A_947, %swap3A_948] : memref<128x50x128xf32, #tpu.memory_space<vmem>>, vector<1x50x128xf32>
    %swap3A_950 = vector.shape_cast %swap3A_949 : vector<1x50x128xf32> to vector<50x128xf32>
    %swap3A_951 = vector.shape_cast %get3A_945 : vector<50x128xf32> to vector<1x50x128xf32>
    tpu.vector_store %arg2[%swap3A_946, %swap3A_947, %swap3A_948], %swap3A_951 {strides = array<i32>} : memref<128x50x128xf32, #tpu.memory_space<vmem>>, vector<1x50x128xf32>,
    %get3A_952 = arith.constant 5300 : index
    %get3A_953 = arith.constant 0 : index
    %get3A_954 = vector.load %arg1[%get3A_952, %get3A_953] : memref<6400x128xf32, #tpu.memory_space<vmem>>, vector<50x128xf32>
    %swap3A_955 = arith.constant 106 : index
    %swap3A_956 = arith.constant 0 : index
    %swap3A_957 = arith.constant 0 : index
    %swap3A_958 = vector.load %arg2[%swap3A_955, %swap3A_956, %swap3A_957] : memref<128x50x128xf32, #tpu.memory_space<vmem>>, vector<1x50x128xf32>
    %swap3A_959 = vector.shape_cast %swap3A_958 : vector<1x50x128xf32> to vector<50x128xf32>
    %swap3A_960 = vector.shape_cast %get3A_954 : vector<50x128xf32> to vector<1x50x128xf32>
    tpu.vector_store %arg2[%swap3A_955, %swap3A_956, %swap3A_957], %swap3A_960 {strides = array<i32>} : memref<128x50x128xf32, #tpu.memory_space<vmem>>, vector<1x50x128xf32>,
    %get3A_961 = arith.constant 5350 : index
    %get3A_962 = arith.constant 0 : index
    %get3A_963 = vector.load %arg1[%get3A_961, %get3A_962] : memref<6400x128xf32, #tpu.memory_space<vmem>>, vector<50x128xf32>
    %swap3A_964 = arith.constant 107 : index
    %swap3A_965 = arith.constant 0 : index
    %swap3A_966 = arith.constant 0 : index
    %swap3A_967 = vector.load %arg2[%swap3A_964, %swap3A_965, %swap3A_966] : memref<128x50x128xf32, #tpu.memory_space<vmem>>, vector<1x50x128xf32>
    %swap3A_968 = vector.shape_cast %swap3A_967 : vector<1x50x128xf32> to vector<50x128xf32>
    %swap3A_969 = vector.shape_cast %get3A_963 : vector<50x128xf32> to vector<1x50x128xf32>
    tpu.vector_store %arg2[%swap3A_964, %swap3A_965, %swap3A_966], %swap3A_969 {strides = array<i32>} : memref<128x50x128xf32, #tpu.memory_space<vmem>>, vector<1x50x128xf32>,
    %get3A_970 = arith.constant 5400 : index
    %get3A_971 = arith.constant 0 : index
    %get3A_972 = vector.load %arg1[%get3A_970, %get3A_971] : memref<6400x128xf32, #tpu.memory_space<vmem>>, vector<50x128xf32>
    %swap3A_973 = arith.constant 108 : index
    %swap3A_974 = arith.constant 0 : index
    %swap3A_975 = arith.constant 0 : index
    %swap3A_976 = vector.load %arg2[%swap3A_973, %swap3A_974, %swap3A_975] : memref<128x50x128xf32, #tpu.memory_space<vmem>>, vector<1x50x128xf32>
    %swap3A_977 = vector.shape_cast %swap3A_976 : vector<1x50x128xf32> to vector<50x128xf32>
    %swap3A_978 = vector.shape_cast %get3A_972 : vector<50x128xf32> to vector<1x50x128xf32>
    tpu.vector_store %arg2[%swap3A_973, %swap3A_974, %swap3A_975], %swap3A_978 {strides = array<i32>} : memref<128x50x128xf32, #tpu.memory_space<vmem>>, vector<1x50x128xf32>,
    %get3A_979 = arith.constant 5450 : index
    %get3A_980 = arith.constant 0 : index
    %get3A_981 = vector.load %arg1[%get3A_979, %get3A_980] : memref<6400x128xf32, #tpu.memory_space<vmem>>, vector<50x128xf32>
    %swap3A_982 = arith.constant 109 : index
    %swap3A_983 = arith.constant 0 : index
    %swap3A_984 = arith.constant 0 : index
    %swap3A_985 = vector.load %arg2[%swap3A_982, %swap3A_983, %swap3A_984] : memref<128x50x128xf32, #tpu.memory_space<vmem>>, vector<1x50x128xf32>
    %swap3A_986 = vector.shape_cast %swap3A_985 : vector<1x50x128xf32> to vector<50x128xf32>
    %swap3A_987 = vector.shape_cast %get3A_981 : vector<50x128xf32> to vector<1x50x128xf32>
    tpu.vector_store %arg2[%swap3A_982, %swap3A_983, %swap3A_984], %swap3A_987 {strides = array<i32>} : memref<128x50x128xf32, #tpu.memory_space<vmem>>, vector<1x50x128xf32>,
    %get3A_988 = arith.constant 5500 : index
    %get3A_989 = arith.constant 0 : index
    %get3A_990 = vector.load %arg1[%get3A_988, %get3A_989] : memref<6400x128xf32, #tpu.memory_space<vmem>>, vector<50x128xf32>
    %swap3A_991 = arith.constant 110 : index
    %swap3A_992 = arith.constant 0 : index
    %swap3A_993 = arith.constant 0 : index
    %swap3A_994 = vector.load %arg2[%swap3A_991, %swap3A_992, %swap3A_993] : memref<128x50x128xf32, #tpu.memory_space<vmem>>, vector<1x50x128xf32>
    %swap3A_995 = vector.shape_cast %swap3A_994 : vector<1x50x128xf32> to vector<50x128xf32>
    %swap3A_996 = vector.shape_cast %get3A_990 : vector<50x128xf32> to vector<1x50x128xf32>
    tpu.vector_store %arg2[%swap3A_991, %swap3A_992, %swap3A_993], %swap3A_996 {strides = array<i32>} : memref<128x50x128xf32, #tpu.memory_space<vmem>>, vector<1x50x128xf32>,
    %get3A_997 = arith.constant 5550 : index
    %get3A_998 = arith.constant 0 : index
    %get3A_999 = vector.load %arg1[%get3A_997, %get3A_998] : memref<6400x128xf32, #tpu.memory_space<vmem>>, vector<50x128xf32>
    %swap3A_1000 = arith.constant 111 : index
    %swap3A_1001 = arith.constant 0 : index
    %swap3A_1002 = arith.constant 0 : index
    %swap3A_1003 = vector.load %arg2[%swap3A_1000, %swap3A_1001, %swap3A_1002] : memref<128x50x128xf32, #tpu.memory_space<vmem>>, vector<1x50x128xf32>
    %swap3A_1004 = vector.shape_cast %swap3A_1003 : vector<1x50x128xf32> to vector<50x128xf32>
    %swap3A_1005 = vector.shape_cast %get3A_999 : vector<50x128xf32> to vector<1x50x128xf32>
    tpu.vector_store %arg2[%swap3A_1000, %swap3A_1001, %swap3A_1002], %swap3A_1005 {strides = array<i32>} : memref<128x50x128xf32, #tpu.memory_space<vmem>>, vector<1x50x128xf32>,
    %get3A_1006 = arith.constant 5600 : index
    %get3A_1007 = arith.constant 0 : index
    %get3A_1008 = vector.load %arg1[%get3A_1006, %get3A_1007] : memref<6400x128xf32, #tpu.memory_space<vmem>>, vector<50x128xf32>
    %swap3A_1009 = arith.constant 112 : index
    %swap3A_1010 = arith.constant 0 : index
    %swap3A_1011 = arith.constant 0 : index
    %swap3A_1012 = vector.load %arg2[%swap3A_1009, %swap3A_1010, %swap3A_1011] : memref<128x50x128xf32, #tpu.memory_space<vmem>>, vector<1x50x128xf32>
    %swap3A_1013 = vector.shape_cast %swap3A_1012 : vector<1x50x128xf32> to vector<50x128xf32>
    %swap3A_1014 = vector.shape_cast %get3A_1008 : vector<50x128xf32> to vector<1x50x128xf32>
    tpu.vector_store %arg2[%swap3A_1009, %swap3A_1010, %swap3A_1011], %swap3A_1014 {strides = array<i32>} : memref<128x50x128xf32, #tpu.memory_space<vmem>>, vector<1x50x128xf32>,
    %get3A_1015 = arith.constant 5650 : index
    %get3A_1016 = arith.constant 0 : index
    %get3A_1017 = vector.load %arg1[%get3A_1015, %get3A_1016] : memref<6400x128xf32, #tpu.memory_space<vmem>>, vector<50x128xf32>
    %swap3A_1018 = arith.constant 113 : index
    %swap3A_1019 = arith.constant 0 : index
    %swap3A_1020 = arith.constant 0 : index
    %swap3A_1021 = vector.load %arg2[%swap3A_1018, %swap3A_1019, %swap3A_1020] : memref<128x50x128xf32, #tpu.memory_space<vmem>>, vector<1x50x128xf32>
    %swap3A_1022 = vector.shape_cast %swap3A_1021 : vector<1x50x128xf32> to vector<50x128xf32>
    %swap3A_1023 = vector.shape_cast %get3A_1017 : vector<50x128xf32> to vector<1x50x128xf32>
    tpu.vector_store %arg2[%swap3A_1018, %swap3A_1019, %swap3A_1020], %swap3A_1023 {strides = array<i32>} : memref<128x50x128xf32, #tpu.memory_space<vmem>>, vector<1x50x128xf32>,
    %get3A_1024 = arith.constant 5700 : index
    %get3A_1025 = arith.constant 0 : index
    %get3A_1026 = vector.load %arg1[%get3A_1024, %get3A_1025] : memref<6400x128xf32, #tpu.memory_space<vmem>>, vector<50x128xf32>
    %swap3A_1027 = arith.constant 114 : index
    %swap3A_1028 = arith.constant 0 : index
    %swap3A_1029 = arith.constant 0 : index
    %swap3A_1030 = vector.load %arg2[%swap3A_1027, %swap3A_1028, %swap3A_1029] : memref<128x50x128xf32, #tpu.memory_space<vmem>>, vector<1x50x128xf32>
    %swap3A_1031 = vector.shape_cast %swap3A_1030 : vector<1x50x128xf32> to vector<50x128xf32>
    %swap3A_1032 = vector.shape_cast %get3A_1026 : vector<50x128xf32> to vector<1x50x128xf32>
    tpu.vector_store %arg2[%swap3A_1027, %swap3A_1028, %swap3A_1029], %swap3A_1032 {strides = array<i32>} : memref<128x50x128xf32, #tpu.memory_space<vmem>>, vector<1x50x128xf32>,
    %get3A_1033 = arith.constant 5750 : index
    %get3A_1034 = arith.constant 0 : index
    %get3A_1035 = vector.load %arg1[%get3A_1033, %get3A_1034] : memref<6400x128xf32, #tpu.memory_space<vmem>>, vector<50x128xf32>
    %swap3A_1036 = arith.constant 115 : index
    %swap3A_1037 = arith.constant 0 : index
    %swap3A_1038 = arith.constant 0 : index
    %swap3A_1039 = vector.load %arg2[%swap3A_1036, %swap3A_1037, %swap3A_1038] : memref<128x50x128xf32, #tpu.memory_space<vmem>>, vector<1x50x128xf32>
    %swap3A_1040 = vector.shape_cast %swap3A_1039 : vector<1x50x128xf32> to vector<50x128xf32>
    %swap3A_1041 = vector.shape_cast %get3A_1035 : vector<50x128xf32> to vector<1x50x128xf32>
    tpu.vector_store %arg2[%swap3A_1036, %swap3A_1037, %swap3A_1038], %swap3A_1041 {strides = array<i32>} : memref<128x50x128xf32, #tpu.memory_space<vmem>>, vector<1x50x128xf32>,
    %get3A_1042 = arith.constant 5800 : index
    %get3A_1043 = arith.constant 0 : index
    %get3A_1044 = vector.load %arg1[%get3A_1042, %get3A_1043] : memref<6400x128xf32, #tpu.memory_space<vmem>>, vector<50x128xf32>
    %swap3A_1045 = arith.constant 116 : index
    %swap3A_1046 = arith.constant 0 : index
    %swap3A_1047 = arith.constant 0 : index
    %swap3A_1048 = vector.load %arg2[%swap3A_1045, %swap3A_1046, %swap3A_1047] : memref<128x50x128xf32, #tpu.memory_space<vmem>>, vector<1x50x128xf32>
    %swap3A_1049 = vector.shape_cast %swap3A_1048 : vector<1x50x128xf32> to vector<50x128xf32>
    %swap3A_1050 = vector.shape_cast %get3A_1044 : vector<50x128xf32> to vector<1x50x128xf32>
    tpu.vector_store %arg2[%swap3A_1045, %swap3A_1046, %swap3A_1047], %swap3A_1050 {strides = array<i32>} : memref<128x50x128xf32, #tpu.memory_space<vmem>>, vector<1x50x128xf32>,
    %get3A_1051 = arith.constant 5850 : index
    %get3A_1052 = arith.constant 0 : index
    %get3A_1053 = vector.load %arg1[%get3A_1051, %get3A_1052] : memref<6400x128xf32, #tpu.memory_space<vmem>>, vector<50x128xf32>
    %swap3A_1054 = arith.constant 117 : index
    %swap3A_1055 = arith.constant 0 : index
    %swap3A_1056 = arith.constant 0 : index
    %swap3A_1057 = vector.load %arg2[%swap3A_1054, %swap3A_1055, %swap3A_1056] : memref<128x50x128xf32, #tpu.memory_space<vmem>>, vector<1x50x128xf32>
    %swap3A_1058 = vector.shape_cast %swap3A_1057 : vector<1x50x128xf32> to vector<50x128xf32>
    %swap3A_1059 = vector.shape_cast %get3A_1053 : vector<50x128xf32> to vector<1x50x128xf32>
    tpu.vector_store %arg2[%swap3A_1054, %swap3A_1055, %swap3A_1056], %swap3A_1059 {strides = array<i32>} : memref<128x50x128xf32, #tpu.memory_space<vmem>>, vector<1x50x128xf32>,
    %get3A_1060 = arith.constant 5900 : index
    %get3A_1061 = arith.constant 0 : index
    %get3A_1062 = vector.load %arg1[%get3A_1060, %get3A_1061] : memref<6400x128xf32, #tpu.memory_space<vmem>>, vector<50x128xf32>
    %swap3A_1063 = arith.constant 118 : index
    %swap3A_1064 = arith.constant 0 : index
    %swap3A_1065 = arith.constant 0 : index
    %swap3A_1066 = vector.load %arg2[%swap3A_1063, %swap3A_1064, %swap3A_1065] : memref<128x50x128xf32, #tpu.memory_space<vmem>>, vector<1x50x128xf32>
    %swap3A_1067 = vector.shape_cast %swap3A_1066 : vector<1x50x128xf32> to vector<50x128xf32>
    %swap3A_1068 = vector.shape_cast %get3A_1062 : vector<50x128xf32> to vector<1x50x128xf32>
    tpu.vector_store %arg2[%swap3A_1063, %swap3A_1064, %swap3A_1065], %swap3A_1068 {strides = array<i32>} : memref<128x50x128xf32, #tpu.memory_space<vmem>>, vector<1x50x128xf32>,
    %get3A_1069 = arith.constant 5950 : index
    %get3A_1070 = arith.constant 0 : index
    %get3A_1071 = vector.load %arg1[%get3A_1069, %get3A_1070] : memref<6400x128xf32, #tpu.memory_space<vmem>>, vector<50x128xf32>
    %swap3A_1072 = arith.constant 119 : index
    %swap3A_1073 = arith.constant 0 : index
    %swap3A_1074 = arith.constant 0 : index
    %swap3A_1075 = vector.load %arg2[%swap3A_1072, %swap3A_1073, %swap3A_1074] : memref<128x50x128xf32, #tpu.memory_space<vmem>>, vector<1x50x128xf32>
    %swap3A_1076 = vector.shape_cast %swap3A_1075 : vector<1x50x128xf32> to vector<50x128xf32>
    %swap3A_1077 = vector.shape_cast %get3A_1071 : vector<50x128xf32> to vector<1x50x128xf32>
    tpu.vector_store %arg2[%swap3A_1072, %swap3A_1073, %swap3A_1074], %swap3A_1077 {strides = array<i32>} : memref<128x50x128xf32, #tpu.memory_space<vmem>>, vector<1x50x128xf32>,
    %get3A_1078 = arith.constant 6000 : index
    %get3A_1079 = arith.constant 0 : index
    %get3A_1080 = vector.load %arg1[%get3A_1078, %get3A_1079] : memref<6400x128xf32, #tpu.memory_space<vmem>>, vector<50x128xf32>
    %swap3A_1081 = arith.constant 120 : index
    %swap3A_1082 = arith.constant 0 : index
    %swap3A_1083 = arith.constant 0 : index
    %swap3A_1084 = vector.load %arg2[%swap3A_1081, %swap3A_1082, %swap3A_1083] : memref<128x50x128xf32, #tpu.memory_space<vmem>>, vector<1x50x128xf32>
    %swap3A_1085 = vector.shape_cast %swap3A_1084 : vector<1x50x128xf32> to vector<50x128xf32>
    %swap3A_1086 = vector.shape_cast %get3A_1080 : vector<50x128xf32> to vector<1x50x128xf32>
    tpu.vector_store %arg2[%swap3A_1081, %swap3A_1082, %swap3A_1083], %swap3A_1086 {strides = array<i32>} : memref<128x50x128xf32, #tpu.memory_space<vmem>>, vector<1x50x128xf32>,
    %get3A_1087 = arith.constant 6050 : index
    %get3A_1088 = arith.constant 0 : index
    %get3A_1089 = vector.load %arg1[%get3A_1087, %get3A_1088] : memref<6400x128xf32, #tpu.memory_space<vmem>>, vector<50x128xf32>
    %swap3A_1090 = arith.constant 121 : index
    %swap3A_1091 = arith.constant 0 : index
    %swap3A_1092 = arith.constant 0 : index
    %swap3A_1093 = vector.load %arg2[%swap3A_1090, %swap3A_1091, %swap3A_1092] : memref<128x50x128xf32, #tpu.memory_space<vmem>>, vector<1x50x128xf32>
    %swap3A_1094 = vector.shape_cast %swap3A_1093 : vector<1x50x128xf32> to vector<50x128xf32>
    %swap3A_1095 = vector.shape_cast %get3A_1089 : vector<50x128xf32> to vector<1x50x128xf32>
    tpu.vector_store %arg2[%swap3A_1090, %swap3A_1091, %swap3A_1092], %swap3A_1095 {strides = array<i32>} : memref<128x50x128xf32, #tpu.memory_space<vmem>>, vector<1x50x128xf32>,
    %get3A_1096 = arith.constant 6100 : index
    %get3A_1097 = arith.constant 0 : index
    %get3A_1098 = vector.load %arg1[%get3A_1096, %get3A_1097] : memref<6400x128xf32, #tpu.memory_space<vmem>>, vector<50x128xf32>
    %swap3A_1099 = arith.constant 122 : index
    %swap3A_1100 = arith.constant 0 : index
    %swap3A_1101 = arith.constant 0 : index
    %swap3A_1102 = vector.load %arg2[%swap3A_1099, %swap3A_1100, %swap3A_1101] : memref<128x50x128xf32, #tpu.memory_space<vmem>>, vector<1x50x128xf32>
    %swap3A_1103 = vector.shape_cast %swap3A_1102 : vector<1x50x128xf32> to vector<50x128xf32>
    %swap3A_1104 = vector.shape_cast %get3A_1098 : vector<50x128xf32> to vector<1x50x128xf32>
    tpu.vector_store %arg2[%swap3A_1099, %swap3A_1100, %swap3A_1101], %swap3A_1104 {strides = array<i32>} : memref<128x50x128xf32, #tpu.memory_space<vmem>>, vector<1x50x128xf32>,
    %get3A_1105 = arith.constant 6150 : index
    %get3A_1106 = arith.constant 0 : index
    %get3A_1107 = vector.load %arg1[%get3A_1105, %get3A_1106] : memref<6400x128xf32, #tpu.memory_space<vmem>>, vector<50x128xf32>
    %swap3A_1108 = arith.constant 123 : index
    %swap3A_1109 = arith.constant 0 : index
    %swap3A_1110 = arith.constant 0 : index
    %swap3A_1111 = vector.load %arg2[%swap3A_1108, %swap3A_1109, %swap3A_1110] : memref<128x50x128xf32, #tpu.memory_space<vmem>>, vector<1x50x128xf32>
    %swap3A_1112 = vector.shape_cast %swap3A_1111 : vector<1x50x128xf32> to vector<50x128xf32>
    %swap3A_1113 = vector.shape_cast %get3A_1107 : vector<50x128xf32> to vector<1x50x128xf32>
    tpu.vector_store %arg2[%swap3A_1108, %swap3A_1109, %swap3A_1110], %swap3A_1113 {strides = array<i32>} : memref<128x50x128xf32, #tpu.memory_space<vmem>>, vector<1x50x128xf32>,
    %get3A_1114 = arith.constant 6200 : index
    %get3A_1115 = arith.constant 0 : index
    %get3A_1116 = vector.load %arg1[%get3A_1114, %get3A_1115] : memref<6400x128xf32, #tpu.memory_space<vmem>>, vector<50x128xf32>
    %swap3A_1117 = arith.constant 124 : index
    %swap3A_1118 = arith.constant 0 : index
    %swap3A_1119 = arith.constant 0 : index
    %swap3A_1120 = vector.load %arg2[%swap3A_1117, %swap3A_1118, %swap3A_1119] : memref<128x50x128xf32, #tpu.memory_space<vmem>>, vector<1x50x128xf32>
    %swap3A_1121 = vector.shape_cast %swap3A_1120 : vector<1x50x128xf32> to vector<50x128xf32>
    %swap3A_1122 = vector.shape_cast %get3A_1116 : vector<50x128xf32> to vector<1x50x128xf32>
    tpu.vector_store %arg2[%swap3A_1117, %swap3A_1118, %swap3A_1119], %swap3A_1122 {strides = array<i32>} : memref<128x50x128xf32, #tpu.memory_space<vmem>>, vector<1x50x128xf32>,
    %get3A_1123 = arith.constant 6250 : index
    %get3A_1124 = arith.constant 0 : index
    %get3A_1125 = vector.load %arg1[%get3A_1123, %get3A_1124] : memref<6400x128xf32, #tpu.memory_space<vmem>>, vector<50x128xf32>
    %swap3A_1126 = arith.constant 125 : index
    %swap3A_1127 = arith.constant 0 : index
    %swap3A_1128 = arith.constant 0 : index
    %swap3A_1129 = vector.load %arg2[%swap3A_1126, %swap3A_1127, %swap3A_1128] : memref<128x50x128xf32, #tpu.memory_space<vmem>>, vector<1x50x128xf32>
    %swap3A_1130 = vector.shape_cast %swap3A_1129 : vector<1x50x128xf32> to vector<50x128xf32>
    %swap3A_1131 = vector.shape_cast %get3A_1125 : vector<50x128xf32> to vector<1x50x128xf32>
    tpu.vector_store %arg2[%swap3A_1126, %swap3A_1127, %swap3A_1128], %swap3A_1131 {strides = array<i32>} : memref<128x50x128xf32, #tpu.memory_space<vmem>>, vector<1x50x128xf32>,
    %get3A_1132 = arith.constant 6300 : index
    %get3A_1133 = arith.constant 0 : index
    %get3A_1134 = vector.load %arg1[%get3A_1132, %get3A_1133] : memref<6400x128xf32, #tpu.memory_space<vmem>>, vector<50x128xf32>
    %swap3A_1135 = arith.constant 126 : index
    %swap3A_1136 = arith.constant 0 : index
    %swap3A_1137 = arith.constant 0 : index
    %swap3A_1138 = vector.load %arg2[%swap3A_1135, %swap3A_1136, %swap3A_1137] : memref<128x50x128xf32, #tpu.memory_space<vmem>>, vector<1x50x128xf32>
    %swap3A_1139 = vector.shape_cast %swap3A_1138 : vector<1x50x128xf32> to vector<50x128xf32>
    %swap3A_1140 = vector.shape_cast %get3A_1134 : vector<50x128xf32> to vector<1x50x128xf32>
    tpu.vector_store %arg2[%swap3A_1135, %swap3A_1136, %swap3A_1137], %swap3A_1140 {strides = array<i32>} : memref<128x50x128xf32, #tpu.memory_space<vmem>>, vector<1x50x128xf32>,
    %get3A_1141 = arith.constant 6350 : index
    %get3A_1142 = arith.constant 0 : index
    %get3A_1143 = vector.load %arg1[%get3A_1141, %get3A_1142] : memref<6400x128xf32, #tpu.memory_space<vmem>>, vector<50x128xf32>
    %swap3A_1144 = arith.constant 127 : index
    %swap3A_1145 = arith.constant 0 : index
    %swap3A_1146 = arith.constant 0 : index
    %swap3A_1147 = vector.load %arg2[%swap3A_1144, %swap3A_1145, %swap3A_1146] : memref<128x50x128xf32, #tpu.memory_space<vmem>>, vector<1x50x128xf32>
    %swap3A_1148 = vector.shape_cast %swap3A_1147 : vector<1x50x128xf32> to vector<50x128xf32>
    %swap3A_1149 = vector.shape_cast %get3A_1143 : vector<50x128xf32> to vector<1x50x128xf32>
    tpu.vector_store %arg2[%swap3A_1144, %swap3A_1145, %swap3A_1146], %swap3A_1149 {strides = array<i32>} : memref<128x50x128xf32, #tpu.memory_space<vmem>>, vector<1x50x128xf32>,
    return
  }
  func.func @transform_0(%arg0: i32) -> (i32, i32) {
    %c0_i32 = arith.constant 0 : i32
    %c0_i32_0 = arith.constant 0 : i32
    return %arg0, %c0_i32 : i32, i32
  }
  func.func @transform_1(%arg0: i32) -> (i32, i32, i32) {
    %c0_i32 = arith.constant 0 : i32
    %c0_i32_0 = arith.constant 0 : i32
    %c0_i32_1 = arith.constant 0 : i32
    return %arg0, %c0_i32, %c0_i32_0 : i32, i32, i32
  }
}

</mosaic_0001>

<sc_bundles>
// kernel: kernel.4.cloned.1.call-start
scs
__scs_entry_jumppad:
0x0: {  	(pc) =	sbr.rel $0x88, $3  }
0x1: {  	(tag) =	ssettag $0x0;
	lr =	simm.s32 $0x1  }
0x2: {  	[smem:$0x3F9F] =	sst lr;
	_ =	strace $0xD0000000  }
0x3: {  	_ = 	snop  }
0x4: {  	_ = 	snop  }
0x5: {  	_ = 	snop  }
0x6: {  	_ = 	snop  }
0x7: {  	_ = 	snop  }
__scs_overlays_trampoline_lowered:
0x8: {  	[smem:$0x3FAE] =	sst s0  }
0x9: {  	[smem:$0x3FAF] =	sst s1  }
0xa: {  	[smem:$0x3FB0] =	sst s2  }
0xb: {  	[smem:$0x3FB1] =	sst s3  }
0xc: {  	[smem:$0x3FB2] =	sst s4  }
0xd: {  	[smem:$0x3FB3] =	sst s5  }
0xe: {  	[smem:$0x3FB4] =	sst s6  }
0xf: {  	[smem:$0x3FB5] =	sst s7  }
0x10: {  	[smem:$0x3FB6] =	sst s8  }
0x11: {  	[smem:$0x3FB7] =	sst s9;
	s0 =	simm.s32 @!p0 $0x0  }
0x12: {  	s1 =	sld [smem:$0x3F9D];
	s0 =	simm.s32 @p0 $0x1  }
0x13: {  	[smem:$0x3FB8] =	sst s0;
	s0 =	simm.s32 @!p1 $0x0  }
0x14: {  	s2 =	sld [smem:$0x3F9C];
	s0 =	simm.s32 @p1 $0x1  }
0x15: {  	[smem:$0x3FB9] =	sst s0;
	s0 =	simm.s32 @!p2 $0x0  }
0x16: {  	s3 =	sld [smem:$0x3FDB];
	s0 =	simm.s32 @p2 $0x1  }
0x17: {  	s4 =	simm.s32 $0x1BF5;
	[smem:$0x3FBB] =	sst s0  }
0x18: {  	s0 =	sld [smem:$0x3F9E];
	_ =	swait.ge [sflag:s4], $0x0  }
0x19: {  	s7 =	sld [smem:$0x3F9F]  }
0x1a: {  	s8 =	sadd.s32 $0xFFFFE003, lr  }
0x1b: {  	s9 =	sadd.s32 $0xFFFFFEF7, lr;
	s5 =	simm.s32 $0xFFFFFFFF;
	p2 =	slt.u32 s8, $0xFFFFF086  }
0x1c: {  	p1 =	slt.u32 s9, $0xF7A;
	s5 =	simm.s32 @!p2 $0x0  }
0x1d: {  	s5 =	simm.s32 @p1 $0x1;
	p0 =	seq.s32 s7, s2  }
0x1e: {  	s7 =	smul.u32 @!p0 $0xF7A, s2;
	p2 =	seq.s32 @!p0 s5, $0x0  }
0x1f: {  	s9 =	smul.u32 $0xF7A, s1;
	s8 =	simm.s32 @!p0 $0x1BF5;
	p2 =	por !p2, p0  }
0x20: {  	[sflag:s8] =	ssyncset.s32 @!p0 $0xFFFFF086;
	s6 =	sadd.s32 @!p0 s3, s7;
	s7 =	simm.s32 @!p0 $0x108  }
0x21: {  	s3 =	sadd.s32 s3, s9;
	s6 =	sadd.s32 @!p0 $0x88, s6;
	s7 =	simm.s32 @p2 $0x1082  }
0x22: {  	[simem:s7], [sflag:s8] =	dma.local @!p0 [hbm:s6], $0xF7A  }
0x23: {  	s9 =	sor.u32 $0xD0000000, s2;
	s6 =	simm.s32 $0x108;
	_ =	swait.ge @!p0 [sflag:s8], $0x0  }
0x24: {  	s3 =	sadd.s32 $0x88, s3;
	s6 =	simm.s32 @!p1 $0x1082;
	[sflag:s4] =	ssyncset.s32 $0xFFFFF086  }
0x25: {  	[simem:s6], [sflag:s4] =	dma.local [hbm:s3], $0xF7A  }
0x26: {  	[smem:$0x3F9F] =	sst s1;
	(tag) =	ssettag s2;
	_ =	strace s9  }
0x27: {  	s1 =	sld [smem:$0x3FAF]  }
0x28: {  	s2 =	sld [smem:$0x3FB0]  }
0x29: {  	s4 =	sld [smem:$0x3FB2]  }
0x2a: {  	p0 =	seq.s32 s5, $0x0;
	s5 =	sld [smem:$0x3FB3]  }
0x2b: {  	s6 =	sld [smem:$0x3FB4]  }
0x2c: {  	s7 =	sld [smem:$0x3FB5]  }
0x2d: {  	s3 =	simm.s32 $0x108;
	s8 =	sld [smem:$0x3FB6]  }
0x2e: {  	s3 =	simm.s32 @!p0 $0x1082;
	s9 =	sld [smem:$0x3FB7]  }
0x2f: {  	lr =	sadd.s32 s0, s3;
	s0 =	sld [smem:$0x3FAE]  }
0x30: {  	s3 =	sld [smem:$0x3FB1]  }
0x31: {  	[smem:$0x3FBA] =	sst s10  }
0x32: {  	s10 =	sld [smem:$0x3FB8];
	_ =	sdelay $0x3  }
0x33: {  	p0 =	seq.s32 s10, $0x1;
	s10 =	sld [smem:$0x3FBA];
	_ =	sdelay $0x3  }
0x34: {  	[smem:$0x3FBA] =	sst s10  }
0x35: {  	s10 =	sld [smem:$0x3FB9];
	_ =	sdelay $0x3  }
0x36: {  	p1 =	seq.s32 s10, $0x1;
	s10 =	sld [smem:$0x3FBA];
	_ =	sdelay $0x3  }
0x37: {  	[smem:$0x3FBA] =	sst s10  }
0x38: {  	s10 =	sld [smem:$0x3FBB]  }
0x39: {  	_ = 	snop;
	(pc) =	sbr.ind lr, $3  }
0x3a: {  	_ = 	snop  }
0x3b: {  	_ = 	snop  }
0x3c: {  	p2 =	seq.s32 s10, $0x1;
	s10 =	sld [smem:$0x3FBA]  }
0x3d: {  	_ =	shalt  }
0x3e: {  	_ =	shalt  }
0x3f: {  	_ =	shalt  }
0x40: {  	_ =	shalt  }
0x41: {  	_ =	shalt  }
0x42: {  	_ =	shalt  }
0x43: {  	_ =	shalt  }
0x44: {  	_ =	shalt  }
0x45: {  	_ =	shalt  }
0x46: {  	_ =	shalt  }
0x47: {  	_ =	shalt  }
0x48: {  	_ =	shalt  }
0x49: {  	_ =	shalt  }
0x4a: {  	_ =	shalt  }
0x4b: {  	_ =	shalt  }
0x4c: {  	_ =	shalt  }
0x4d: {  	_ =	shalt  }
0x4e: {  	_ =	shalt  }
0x4f: {  	_ =	shalt  }
0x50: {  	_ =	shalt  }
0x51: {  	_ =	shalt  }
0x52: {  	_ =	shalt  }
0x53: {  	_ =	shalt  }
0x54: {  	_ =	shalt  }
0x55: {  	_ =	shalt  }
0x56: {  	_ =	shalt  }
0x57: {  	_ =	shalt  }
0x58: {  	_ =	shalt  }
0x59: {  	_ =	shalt  }
0x5a: {  	_ =	shalt  }
0x5b: {  	_ =	shalt  }
0x5c: {  	_ =	shalt  }
0x5d: {  	_ =	shalt  }
0x5e: {  	_ =	shalt  }
0x5f: {  	_ =	shalt  }
0x60: {  	_ =	shalt  }
0x61: {  	_ =	shalt  }
0x62: {  	_ =	shalt  }
0x63: {  	_ =	shalt  }
0x64: {  	_ =	shalt  }
0x65: {  	_ =	shalt  }
0x66: {  	_ =	shalt  }
0x67: {  	_ =	shalt  }
0x68: {  	_ =	shalt  }
0x69: {  	_ =	shalt  }
0x6a: {  	_ =	shalt  }
0x6b: {  	_ =	shalt  }
0x6c: {  	_ =	shalt  }
0x6d: {  	_ =	shalt  }
0x6e: {  	_ =	shalt  }
0x6f: {  	_ =	shalt  }
0x70: {  	_ =	shalt  }
0x71: {  	_ =	shalt  }
0x72: {  	_ =	shalt  }
0x73: {  	_ =	shalt  }
0x74: {  	_ =	shalt  }
0x75: {  	_ =	shalt  }
0x76: {  	_ =	shalt  }
0x77: {  	_ =	shalt  }
0x78: {  	_ =	shalt  }
0x79: {  	_ =	shalt  }
0x7a: {  	_ =	shalt  }
0x7b: {  	_ =	shalt  }
0x7c: {  	_ =	shalt  }
0x7d: {  	_ =	shalt  }
0x7e: {  	_ =	shalt  }
0x7f: {  	_ =	shalt  }
0x80: {  	_ =	shalt  }
0x81: {  	_ =	shalt  }
0x82: {  	_ =	shalt  }
0x83: {  	_ =	shalt  }
0x84: {  	_ =	shalt  }
0x85: {  	_ =	shalt  }
0x86: {  	_ =	shalt  }
0x87: {  	_ =	shalt  }
.Lfunc_end0:
.L_simem_size_0:
called_computation_lowered:
.L_overlay_start_0:
0x88: {  	s2 =	sld [smem:$0x3FD9]  }
0x89: {  	s3 =	sld [smem:$0x3FFE];
	_ =	sdelay $0x1  }
0x8a: {  	s1 =	srdreg.scid  }
0x8b: {  	s0 =	sand.u32 $0x1, s1  }
0x8c: {  	s17 =	sshll.u32 s0, $0xA;
	s2 =	sadd.s32 s3, s2  }
0x8d: {  	s2 =	sadd.s32 s2, s17  }
0x8e: {  	[smem:$0x3FC6] =	sst s2  }
0x8f: {  	_ = 	snop  }
0x90: {  	s2 =	sld [smem:$0x3FC9]  }
0x91: {  	s18 =	sld [smem:$0x3FD0];
	(tm) =	ssettm $0x1  }
0x92: {  	s4 =	sld [smem:$0x3FFB];
	_ =	sdelay $0x3  }
0x93: {  	_ =	strace s4  }
0x94: {  	s4 =	sld [smem:$0x3FFC];
	_ =	sdelay $0x3  }
0x95: {  	_ =	strace s4  }
0x96: {  	s4 =	sld [smem:$0x3FFD];
	_ =	sdelay $0x3  }
0x97: {  	_ =	strace s4  }
0x98: {  	_ =	strace $0x8FFFFFFF  }
0x99: {  	s19 =	sld [smem:$0x3FDB];
	_ =	sdelay $0x1  }
0x9a: {  	s5 =	simm.s32 $_scs_section_size  }
0x9b: {  	s6 =	simm.s32 $_size__tile_overlayer_lowered;
	s7 =	simm.s32 $_tile_overlayer_lowered  }
0x9c: {  	s22 =	simm.s32 $0x1BFF;
	s21 =	sshll.u32 s7, $0x1;
	s4 =	sadd.s32 s5, s19  }
0x9d: {  	s8 =	simm.s32 $0x0;
	s20 =	sshll.u32 s6, $0x1;
	s6 =	sadd.s32 s21, s4  }
0x9e: {  	[timem:s8], [sflag:s22] =	dma.local [hbm:s6], s20  }
0x9f: {  	_ =	swait.ge [sflag:s22], s20  }
0xa0: {  	s5 =	ssub.s32 $0x0, s20;
	[sflag:s22] =	ssyncset.done $0x0  }
0xa1: {  	[sflag:s22] =	ssyncadd.s32 s5;
	_ =	sdelay $0x1  }
0xa2: {  	s23 =	simm.s32 $0x1B8B  }
0xa3: {  	_ =	swait.ge [sflag:s23], $0x1  }
0xa4: {  	[sflag:s23] =	ssyncset.done $0x0  }
0xa5: {  	s25 =	simm.s32 $0x1B8E;
	s24 =	sld [smem:$0x3FFE];
	[sflag:s23] =	ssyncadd.s32 $0xFFFFFFFF  }
0xa6: {  	s26 =	simm.s32 $execute0_lowered;
	[smem:$0x3FD2] =	sst s25  }
0xa7: {  	s6 =	sshll.u32 s26, $0x1;
	_ =	strace $0x80000046;
	[dreg:$0x1] =	wrdreg $0xFFFFFFFF  }
0xa8: {  	s28 =	simm.s32 $_size_execute0_lowered;
	s4 =	sadd.s32 s4, s6;
	[dreg:$0x0] =	wrdreg $0x0  }
0xa9: {  	s6 =	sshll.u32 s28, $0x1;
	[dreg:$0x2] =	wrdreg s4  }
0xaa: {  	[dreg:$0x3] =	wrdreg s6  }
0xab: {  	[dreg:$0x4] =	wrdreg $0xC0  }
0xac: {  	_ =	task [dreg:s8], $0x5FFFF  }
0xad: {  	[dreg:$0x1] =	wrdreg $0xFFFFFFFF  }
0xae: {  	[dreg:$0x0] =	wrdreg $0x60  }
0xaf: {  	[dreg:$0x2] =	wrdreg s2  }
0xb0: {  	[dreg:$0x3] =	wrdreg s24  }
0xb1: {  	[dreg:$0x4] =	wrdreg s18  }
0xb2: {  	[dreg:$0x5] =	wrdreg $0x9  }
0xb3: {  	_ =	task.clear_ibuf [dreg:s8], $0x6FFFF;
	_ =	strace $0x90000046  }
0xb4: {  	s29 =	simm.s32 $0x9;
	_ =	strace $0x80000048  }
0xb5: {  	_ =	swait.ge [sflag:s29], $0x1  }
0xb6: {  	[sflag:s29] =	ssyncadd.s32 $0xFFFFFFFF  }
0xb7: {  	_ =	strace $0x90000048  }
0xb8: {  	_ =	sfence  }
0xb9: {  	s30 =	sld [smem:$0x0];
	_ =	sdelay $0x2  }
0xba: {  	s31 =	sshll.u32 s1, $0xD;
	s1 =	sshrl.u32 s1, $0x2  }
0xbb: {  	s3 =	sand.u32 $0x4000, s31;
	s1 =	sadd.s32 s1, s30  }
0xbc: {  	s0 =	sor.u32 s3, s0;
	s1 =	sshll.u32 s1, $0x11  }
0xbd: {  	s0 =	sor.u32 s1, s0  }
0xbe: {  	s0 =	sadd.s32 $0x8F2B, s0  }
0xbf: {  	[sflag:s0] =	ssyncadd.remote.s32 $0x1  }
0xc0: {  	_ =	sfence.sel $0xFFFF  }
0xc1: {  	[dreg:$0x0] =	wrdreg $0xFFFFFFFF;
	(pc) =	sbr.abs _section_cstart, $3  }
0xc2: {  	[dreg:$0x1] =	wrdreg $0xFFFFFFFF  }
0xc3: {  	_ =	task.clear_ibuf [dreg:s8], $0x2FFFF;
	_ =	strace $0x9FFFFFFF  }
0xc4: {  	(tm) =	ssettm $0x7FFFFFFF  }
0xc5: {  	_ =	shalt  }
tec
execute0_lowered:
.L_overlay_start_1:
0x0: {  	(tag) =	ssettag $0x1  }
0x1: {  	s0 =	srdreg.scid;
	s9 =	stileid.u32  }
0x2: {  	s1 =	rddreg [dreg:$0x0];
	s0 =	sand.u32 $0x1, s0;
	s3 =	sshll.u32 s9, $0x1  }
0x3: {  	s2 =	rddreg [dreg:$0x1];
	s5 =	sor.u32 s0, s3  }
0x4: {  	s4 =	rddreg [dreg:$0x2];
	s6 =	smul.u32 $0x1900, s5  }
0x5: {  	s3 =	simm.s32 $0x0;
	s8 =	ssub.s32 $0x2, s0;
	s7 =	smul.u32 $0x19000, s5  }
0x6: {  	[smem:$0x7FF] =	sst s3;
	s5 =	smul.u32 $0xC8000, s5;
	s23 =	sshrl.u32 s8, $0x1  }
0x7: {  	_ =	strace $0x80000047;
	s6 =	sshrl.u32 s6, $0x3;
	s7 =	sadd.s32 s4, s7  }
0x8: {  	s5 =	sshrl.u32 s5, $0x3;
	s24 =	sadd.s32 $0x400, s7;
	[dreg:$0x4] =	wrdreg s7  }
0x9: {  	s2 =	sadd.s32 s6, s2;
	s26 =	sadd.s32 $0x800, s7;
	[dreg:$0x6] =	wrdreg s24  }
0xa: {  	s25 =	sadd.s32 s4, s5;
	s2 =	sadd.s32 $0x400, s2;
	[dreg:$0x7] =	wrdreg s26  }
0xb: {  	s6 =	ssub.s32 s8, s23;
	s8 =	sadd.s32 $0x1000, s25;
	[dreg:$0x5] =	wrdreg s2  }
0xc: {  	s10 =	sadd.s32 $0x1400, s25;
	[dreg:$0x8] =	wrdreg s8  }
0xd: {  	s11 =	sadd.s32 $0x1800, s25;
	[dreg:$0x9] =	wrdreg s10  }
0xe: {  	s12 =	sadd.s32 $0x1C00, s25;
	[dreg:$0xa] =	wrdreg s11  }
0xf: {  	s13 =	sadd.s32 $0x2000, s25;
	[dreg:$0xb] =	wrdreg s12  }
0x10: {  	s29 =	simm.s32 $0x40;
	s14 =	sadd.s32 $0x2400, s25;
	[dreg:$0xc] =	wrdreg s13  }
0x11: {  	s28 =	simm.s32 $0x12;
	s15 =	sadd.s32 $0x16800, s25;
	[dreg:$0xd] =	wrdreg s14  }
0x12: {  	s30 =	simm.s32 $0x13;
	s16 =	sadd.s32 $0x16C00, s25;
	[dreg:$0xe] =	wrdreg s15  }
0x13: {  	s31 =	simm.s32 $0x14;
	s17 =	sadd.s32 $0x17000, s25;
	[dreg:$0xf] =	wrdreg s16  }
0x14: {  	s19 =	smul.u32 $0x32000, s9;
	s18 =	sadd.s32 $0x17400, s25;
	[dreg:$0x10] =	wrdreg s17  }
0x15: {  	s0 =	smul.u32 $0x19000, s0;
	s20 =	sadd.s32 $0x17800, s25;
	[dreg:$0x11] =	wrdreg s18  }
0x16: {  	s4 =	sadd.s32 s19, s4;
	s21 =	sadd.s32 $0x17C00, s25;
	[dreg:$0x12] =	wrdreg s20  }
0x17: {  	s19 =	simm.s32 $0xE;
	s22 =	sadd.s32 $0x18000, s25;
	[dreg:$0x13] =	wrdreg s21  }
0x18: {  	s23 =	sadd.s32 $0x18400, s25;
	s0 =	sadd.s32 s0, s4;
	[dreg:$0x14] =	wrdreg s22  }
0x19: {  	s24 =	sadd.s32 $0x18800, s25;
	s26 =	sadd.s32 $0xC00, s7;
	[dreg:$0x15] =	wrdreg s23  }
0x1a: {  	s4 =	simm.s32 $0x9;
	[dreg:$0x16] =	wrdreg s24;
	s2 =	sadd.s32 $0x18C00, s25  }
0x1b: {  	s25 =	smax.u32 s6, $0x1;
	s0 =	sadd.s32 $0x4C00, s0;
	[dreg:$0x1a] =	wrdreg s26  }
0x1c: {  	s18 =	simm.s32 $0x5;
	s20 =	simm.s32 $0x6;
	s21 =	simm.s32 $0xF  }
0x1d: {  	s22 =	simm.s32 $0x7;
	s23 =	simm.s32 $0x10;
	[dreg:$0x17] =	wrdreg s2  }
0x1e: {  	s24 =	simm.s32 $0x8;
	s26 =	simm.s32 $0x11;
	[dreg:$0x18] =	wrdreg s25  }
0x1f: {  	[dreg:$0x19] =	wrdreg s0;
	s25 =	simm.s32 $0xA;
	s2 =	simm.s32 $0x0  }
.LBB2_1:
0x20: {  	[dreg:$0x1b] =	wrdreg s2  }
0x21: {  	s0 =	rddreg [dreg:$0x5];
	s16 =	simm.s32 $0x15  }
0x22: {  	[tilespmem:s3], [sflag:$0x15] =	stream.linear.gather [hbm4b:s0+s3], $0x1900, $0x38;
	[tilespmem:$0x15900] =	vst v63  }
0x23: {  	_ =	swait.ge [sflag:s16], $0x1900  }
0x24: {  	[sflag:s16] =	ssyncset.done $0x0  }
0x25: {  	s8 =	simm.s32 $0x1900;
	[sflag:s16] =	ssyncadd.s32 $0xFFFFE700  }
0x26: {  	[tilespmem:s8], [sflag:$0x1] =	stream.indirect.gather [hbm4b:s1+s29], $0x80, s3, s29, $0xb8;
	[tilespmem:$0x15900] =	vst v63  }
0x27: {  	s9 =	simm.s32 $0x3900  }
0x28: {  	[tilespmem:s9], [sflag:$0x2] =	stream.indirect.gather [hbm4b:s1+s29], $0x80, s29, s29, $0xb8;
	[tilespmem:$0x15900] =	vst v63  }
0x29: {  	s17 =	simm.s32 $0x80;
	s11 =	simm.s32 $0x5900  }
0x2a: {  	[tilespmem:s11], [sflag:$0x3] =	stream.indirect.gather [hbm4b:s1+s29], $0x80, s17, s29, $0xb8;
	[tilespmem:$0x15900] =	vst v63  }
0x2b: {  	s2 =	simm.s32 $0xC0;
	s14 =	simm.s32 $0x7900  }
0x2c: {  	[tilespmem:s14], [sflag:$0x4] =	stream.indirect.gather [hbm4b:s1+s29], $0x80, s2, s29, $0xb8;
	[tilespmem:$0x15900] =	vst v63  }
0x2d: {  	s5 =	simm.s32 $0x100;
	s6 =	simm.s32 $0x9900  }
0x2e: {  	[tilespmem:s6], [sflag:$0x5] =	stream.indirect.gather [hbm4b:s1+s29], $0x80, s5, s29, $0xb8;
	[tilespmem:$0x15900] =	vst v63  }
0x2f: {  	s7 =	simm.s32 $0x140;
	s12 =	simm.s32 $0xB900  }
0x30: {  	[tilespmem:s12], [sflag:$0x6] =	stream.indirect.gather [hbm4b:s1+s29], $0x80, s7, s29, $0xb8;
	[tilespmem:$0x15900] =	vst v63  }
0x31: {  	s13 =	simm.s32 $0x180;
	s15 =	simm.s32 $0xD900  }
0x32: {  	[tilespmem:s15], [sflag:$0x7] =	stream.indirect.gather [hbm4b:s1+s29], $0x80, s13, s29, $0xb8;
	[tilespmem:$0x15900] =	vst v63  }
0x33: {  	s16 =	simm.s32 $0x1C0;
	s17 =	simm.s32 $0xF900  }
0x34: {  	[tilespmem:s17], [sflag:$0x8] =	stream.indirect.gather [hbm4b:s1+s29], $0x80, s16, s29, $0xb8;
	[tilespmem:$0x15900] =	vst v63  }
0x35: {  	s2 =	simm.s32 $0x200;
	s5 =	simm.s32 $0x11900  }
0x36: {  	[tilespmem:s5], [sflag:$0x9] =	stream.indirect.gather [hbm4b:s1+s29], $0x80, s2, s29, $0xb8;
	[tilespmem:$0x15900] =	vst v63  }
0x37: {  	s5 =	simm.s32 $0x1  }
0x38: {  	_ =	swait.ge [sflag:s5], $0x2000  }
0x39: {  	[sflag:s5] =	ssyncset.done $0x0  }
0x3a: {  	s6 =	rddreg [dreg:$0x4];
	[sflag:s5] =	ssyncadd.s32 $0xFFFFE000  }
0x3b: {  	[hbm4b:s6+s3] =	stream.linear.scatter [tilespmem:s8], [sflag:$0xB], $0x2000, $0x38;
	[tilespmem:$0x15900] =	vst v63  }
0x3c: {  	s7 =	simm.s32 $0x240;
	s15 =	simm.s32 $0x13900  }
0x3d: {  	[tilespmem:s15], [sflag:$0xA] =	stream.indirect.gather [hbm4b:s1+s29], $0x80, s7, s29, $0xb8;
	[tilespmem:$0x15900] =	vst v63  }
0x3e: {  	s15 =	simm.s32 $0x2  }
0x3f: {  	_ =	swait.ge [sflag:s15], $0x2000  }
0x40: {  	[sflag:s15] =	ssyncset.done $0x0  }
0x41: {  	s16 =	rddreg [dreg:$0x6];
	[sflag:s15] =	ssyncadd.s32 $0xFFFFE000  }
0x42: {  	[hbm4b:s16+s3] =	stream.linear.scatter [tilespmem:s9], [sflag:$0xC], $0x2000, $0x38;
	[tilespmem:$0x15900] =	vst v63  }
0x43: {  	s16 =	simm.s32 $0xB  }
0x44: {  	_ =	swait.ge [sflag:s16], $0x2000  }
0x45: {  	[sflag:s16] =	ssyncset.done $0x0  }
0x46: {  	s17 =	simm.s32 $0x280;
	[sflag:s16] =	ssyncadd.s32 $0xFFFFE000  }
0x47: {  	[tilespmem:s8], [sflag:$0x1] =	stream.indirect.gather [hbm4b:s1+s29], $0x80, s17, s29, $0xb8;
	[tilespmem:$0x15900] =	vst v63  }
0x48: {  	s17 =	simm.s32 $0x3  }
0x49: {  	_ =	swait.ge [sflag:s17], $0x2000  }
0x4a: {  	[sflag:s17] =	ssyncset.done $0x0  }
0x4b: {  	s2 =	rddreg [dreg:$0x7];
	[sflag:s17] =	ssyncadd.s32 $0xFFFFE000  }
0x4c: {  	[hbm4b:s2+s3] =	stream.linear.scatter [tilespmem:s11], [sflag:$0xD], $0x2000, $0x38;
	[tilespmem:$0x15900] =	vst v63  }
0x4d: {  	s2 =	simm.s32 $0xC  }
0x4e: {  	_ =	swait.ge [sflag:s2], $0x2000  }
0x4f: {  	[sflag:s2] =	ssyncset.done $0x0  }
0x50: {  	s6 =	simm.s32 $0x2C0;
	[sflag:s2] =	ssyncadd.s32 $0xFFFFE000  }
0x51: {  	[tilespmem:s9], [sflag:$0x2] =	stream.indirect.gather [hbm4b:s1+s29], $0x80, s6, s29, $0xb8;
	[tilespmem:$0x15900] =	vst v63  }
0x52: {  	s6 =	simm.s32 $0x4  }
0x53: {  	_ =	swait.ge [sflag:s6], $0x2000  }
0x54: {  	[sflag:s6] =	ssyncset.done $0x0  }
0x55: {  	s7 =	rddreg [dreg:$0x1a];
	[sflag:s6] =	ssyncadd.s32 $0xFFFFE000  }
0x56: {  	[hbm4b:s7+s3] =	stream.linear.scatter [tilespmem:s14], [sflag:$0xE], $0x2000, $0x38;
	[tilespmem:$0x15900] =	vst v63  }
0x57: {  	s7 =	simm.s32 $0xD  }
0x58: {  	_ =	swait.ge [sflag:s7], $0x2000  }
0x59: {  	[sflag:s7] =	ssyncset.done $0x0  }
0x5a: {  	s0 =	simm.s32 $0x300;
	[sflag:s7] =	ssyncadd.s32 $0xFFFFE000  }
0x5b: {  	[tilespmem:s11], [sflag:$0x3] =	stream.indirect.gather [hbm4b:s1+s29], $0x80, s0, s29, $0xb8;
	[tilespmem:$0x15900] =	vst v63  }
0x5c: {  	_ =	swait.ge [sflag:s18], $0x2000  }
0x5d: {  	[sflag:s18] =	ssyncset.done $0x0  }
0x5e: {  	s10 =	simm.s32 $0x9900;
	s0 =	rddreg [dreg:$0x8];
	[sflag:s18] =	ssyncadd.s32 $0xFFFFE000  }
0x5f: {  	[hbm4b:s0+s3] =	stream.linear.scatter [tilespmem:s10], [sflag:$0xF], $0x2000, $0x38;
	[tilespmem:$0x15900] =	vst v63  }
0x60: {  	_ =	swait.ge [sflag:s19], $0x2000  }
0x61: {  	[sflag:s19] =	ssyncset.done $0x0  }
0x62: {  	s0 =	simm.s32 $0x340;
	[sflag:s19] =	ssyncadd.s32 $0xFFFFE000  }
0x63: {  	[tilespmem:s14], [sflag:$0x4] =	stream.indirect.gather [hbm4b:s1+s29], $0x80, s0, s29, $0xb8;
	[tilespmem:$0x15900] =	vst v63  }
0x64: {  	_ =	swait.ge [sflag:s20], $0x2000  }
0x65: {  	[sflag:s20] =	ssyncset.done $0x0  }
0x66: {  	s12 =	simm.s32 $0xB900;
	s0 =	rddreg [dreg:$0x9];
	[sflag:s20] =	ssyncadd.s32 $0xFFFFE000  }
0x67: {  	[hbm4b:s0+s3] =	stream.linear.scatter [tilespmem:s12], [sflag:$0x10], $0x2000, $0x38;
	[tilespmem:$0x15900] =	vst v63  }
0x68: {  	_ =	swait.ge [sflag:s21], $0x2000  }
0x69: {  	[sflag:s21] =	ssyncset.done $0x0  }
0x6a: {  	s0 =	simm.s32 $0x380;
	[sflag:s21] =	ssyncadd.s32 $0xFFFFE000  }
0x6b: {  	[tilespmem:s10], [sflag:$0x5] =	stream.indirect.gather [hbm4b:s1+s29], $0x80, s0, s29, $0xb8;
	[tilespmem:$0x15900] =	vst v63  }
0x6c: {  	_ =	swait.ge [sflag:s22], $0x2000  }
0x6d: {  	[sflag:s22] =	ssyncset.done $0x0  }
0x6e: {  	s13 =	simm.s32 $0xD900;
	s10 =	rddreg [dreg:$0xa];
	[sflag:s22] =	ssyncadd.s32 $0xFFFFE000  }
0x6f: {  	[hbm4b:s10+s3] =	stream.linear.scatter [tilespmem:s13], [sflag:$0x11], $0x2000, $0x38;
	[tilespmem:$0x15900] =	vst v63  }
0x70: {  	_ =	swait.ge [sflag:s23], $0x2000  }
0x71: {  	[sflag:s23] =	ssyncset.done $0x0  }
0x72: {  	s10 =	simm.s32 $0x3C0;
	[sflag:s23] =	ssyncadd.s32 $0xFFFFE000  }
0x73: {  	[tilespmem:s12], [sflag:$0x6] =	stream.indirect.gather [hbm4b:s1+s29], $0x80, s10, s29, $0xb8;
	[tilespmem:$0x15900] =	vst v63  }
0x74: {  	_ =	swait.ge [sflag:s24], $0x2000  }
0x75: {  	[sflag:s24] =	ssyncset.done $0x0  }
0x76: {  	s10 =	simm.s32 $0xF900;
	s12 =	rddreg [dreg:$0xb];
	[sflag:s24] =	ssyncadd.s32 $0xFFFFE000  }
0x77: {  	[hbm4b:s12+s3] =	stream.linear.scatter [tilespmem:s10], [sflag:$0x12], $0x2000, $0x38;
	[tilespmem:$0x15900] =	vst v63  }
0x78: {  	_ =	swait.ge [sflag:s26], $0x2000  }
0x79: {  	[sflag:s26] =	ssyncset.done $0x0  }
0x7a: {  	s12 =	simm.s32 $0x400;
	[sflag:s26] =	ssyncadd.s32 $0xFFFFE000  }
0x7b: {  	[tilespmem:s13], [sflag:$0x7] =	stream.indirect.gather [hbm4b:s1+s29], $0x80, s12, s29, $0xb8;
	[tilespmem:$0x15900] =	vst v63  }
0x7c: {  	_ =	swait.ge [sflag:s4], $0x2000  }
0x7d: {  	[sflag:s4] =	ssyncset.done $0x0  }
0x7e: {  	s12 =	simm.s32 $0x11900;
	s13 =	rddreg [dreg:$0xc];
	[sflag:s4] =	ssyncadd.s32 $0xFFFFE000  }
0x7f: {  	[hbm4b:s13+s3] =	stream.linear.scatter [tilespmem:s12], [sflag:$0x13], $0x2000, $0x38;
	[tilespmem:$0x15900] =	vst v63  }
0x80: {  	_ =	swait.ge [sflag:s28], $0x2000  }
0x81: {  	[sflag:s28] =	ssyncset.done $0x0  }
0x82: {  	s13 =	simm.s32 $0x440;
	[sflag:s28] =	ssyncadd.s32 $0xFFFFE000  }
0x83: {  	[tilespmem:s10], [sflag:$0x8] =	stream.indirect.gather [hbm4b:s1+s29], $0x80, s13, s29, $0xb8;
	[tilespmem:$0x15900] =	vst v63  }
0x84: {  	_ =	swait.ge [sflag:s25], $0x2000  }
0x85: {  	[sflag:s25] =	ssyncset.done $0x0  }
0x86: {  	s13 =	simm.s32 $0x13900;
	s12 =	rddreg [dreg:$0xd];
	[sflag:s25] =	ssyncadd.s32 $0xFFFFE000  }
0x87: {  	[hbm4b:s12+s3] =	stream.linear.scatter [tilespmem:s13], [sflag:$0x14], $0x2000, $0x38;
	[tilespmem:$0x15900] =	vst v63  }
0x88: {  	_ =	swait.ge [sflag:s30], $0x2000  }
0x89: {  	[sflag:s30] =	ssyncset.done $0x0  }
0x8a: {  	s0 =	simm.s32 $0x480;
	s13 =	simm.s32 $0x11900;
	[sflag:s30] =	ssyncadd.s32 $0xFFFFE000  }
0x8b: {  	[tilespmem:s13], [sflag:$0x9] =	stream.indirect.gather [hbm4b:s1+s29], $0x80, s0, s29, $0xb8;
	[tilespmem:$0x15900] =	vst v63  }
0x8c: {  	_ =	swait.ge [sflag:s5], $0x2000  }
0x8d: {  	[sflag:s5] =	ssyncset.done $0x0  }
0x8e: {  	[sflag:s5] =	ssyncadd.s32 $0xFFFFE000;
	s5 =	rddreg [dreg:$0x19]  }
0x8f: {  	s0 =	sadd.s32 $0xFFFFDC00, s5  }
0x90: {  	[hbm4b:s0+s3] =	stream.linear.scatter [tilespmem:s8], [sflag:$0xB], $0x2000, $0x38;
	[tilespmem:$0x15900] =	vst v63  }
0x91: {  	_ =	swait.ge [sflag:s31], $0x2000  }
0x92: {  	[sflag:s31] =	ssyncset.done $0x0  }
0x93: {  	s12 =	simm.s32 $0x13900;
	s0 =	simm.s32 $0x4C0;
	[sflag:s31] =	ssyncadd.s32 $0xFFFFE000  }
0x94: {  	[tilespmem:s12], [sflag:$0xA] =	stream.indirect.gather [hbm4b:s1+s29], $0x80, s0, s29, $0xb8;
	[tilespmem:$0x15900] =	vst v63  }
0x95: {  	_ =	swait.ge [sflag:s15], $0x2000  }
0x96: {  	[sflag:s15] =	ssyncset.done $0x0  }
0x97: {  	[sflag:s15] =	ssyncadd.s32 $0xFFFFE000;
	s15 =	sadd.s32 $0xFFFFE000, s5  }
0x98: {  	[hbm4b:s15+s3] =	stream.linear.scatter [tilespmem:s9], [sflag:$0xC], $0x2000, $0x38;
	[tilespmem:$0x15900] =	vst v63  }
0x99: {  	_ =	swait.ge [sflag:s16], $0x2000  }
0x9a: {  	[sflag:s16] =	ssyncset.done $0x0  }
0x9b: {  	[sflag:s16] =	ssyncadd.s32 $0xFFFFE000;
	s16 =	simm.s32 $0x500  }
0x9c: {  	[tilespmem:s8], [sflag:$0x1] =	stream.indirect.gather [hbm4b:s1+s29], $0x80, s16, s29, $0xb8;
	[tilespmem:$0x15900] =	vst v63  }
0x9d: {  	_ =	swait.ge [sflag:s17], $0x2000  }
0x9e: {  	[sflag:s17] =	ssyncset.done $0x0  }
0x9f: {  	[sflag:s17] =	ssyncadd.s32 $0xFFFFE000;
	s17 =	sadd.s32 $0xFFFFE400, s5  }
0xa0: {  	[hbm4b:s17+s3] =	stream.linear.scatter [tilespmem:s11], [sflag:$0xD], $0x2000, $0x38;
	[tilespmem:$0x15900] =	vst v63  }
0xa1: {  	_ =	swait.ge [sflag:s2], $0x2000  }
0xa2: {  	[sflag:s2] =	ssyncset.done $0x0  }
0xa3: {  	s8 =	simm.s32 $0x540;
	[sflag:s2] =	ssyncadd.s32 $0xFFFFE000  }
0xa4: {  	[tilespmem:s9], [sflag:$0x2] =	stream.indirect.gather [hbm4b:s1+s29], $0x80, s8, s29, $0xb8;
	[tilespmem:$0x15900] =	vst v63  }
0xa5: {  	_ =	swait.ge [sflag:s6], $0x2000  }
0xa6: {  	[sflag:s6] =	ssyncset.done $0x0  }
0xa7: {  	s9 =	sadd.s32 $0xFFFFE800, s5;
	[sflag:s6] =	ssyncadd.s32 $0xFFFFE000  }
0xa8: {  	[hbm4b:s9+s3] =	stream.linear.scatter [tilespmem:s14], [sflag:$0xE], $0x2000, $0x38;
	[tilespmem:$0x15900] =	vst v63  }
0xa9: {  	_ =	swait.ge [sflag:s7], $0x2000  }
0xaa: {  	[sflag:s7] =	ssyncset.done $0x0  }
0xab: {  	s12 =	simm.s32 $0x580;
	[sflag:s7] =	ssyncadd.s32 $0xFFFFE000  }
0xac: {  	[tilespmem:s11], [sflag:$0x3] =	stream.indirect.gather [hbm4b:s1+s29], $0x80, s12, s29, $0xb8;
	[tilespmem:$0x15900] =	vst v63  }
0xad: {  	_ =	swait.ge [sflag:s18], $0x2000  }
0xae: {  	[sflag:s18] =	ssyncset.done $0x0  }
0xaf: {  	s15 =	sadd.s32 $0xFFFFEC00, s5;
	s16 =	simm.s32 $0x9900;
	[sflag:s18] =	ssyncadd.s32 $0xFFFFE000  }
0xb0: {  	[hbm4b:s15+s3] =	stream.linear.scatter [tilespmem:s16], [sflag:$0xF], $0x2000, $0x38;
	[tilespmem:$0x15900] =	vst v63  }
0xb1: {  	_ =	swait.ge [sflag:s19], $0x2000  }
0xb2: {  	[sflag:s19] =	ssyncset.done $0x0  }
0xb3: {  	s17 =	simm.s32 $0x5C0;
	[sflag:s19] =	ssyncadd.s32 $0xFFFFE000  }
0xb4: {  	[tilespmem:s14], [sflag:$0x4] =	stream.indirect.gather [hbm4b:s1+s29], $0x80, s17, s29, $0xb8;
	[tilespmem:$0x15900] =	vst v63  }
0xb5: {  	_ =	swait.ge [sflag:s20], $0x2000  }
0xb6: {  	[sflag:s20] =	ssyncset.done $0x0  }
0xb7: {  	s6 =	sadd.s32 $0xFFFFF000, s5;
	s7 =	simm.s32 $0xB900;
	[sflag:s20] =	ssyncadd.s32 $0xFFFFE000  }
0xb8: {  	[hbm4b:s6+s3] =	stream.linear.scatter [tilespmem:s7], [sflag:$0x10], $0x2000, $0x38;
	[tilespmem:$0x15900] =	vst v63  }
0xb9: {  	_ =	swait.ge [sflag:s21], $0x2000  }
0xba: {  	[sflag:s21] =	ssyncset.done $0x0  }
0xbb: {  	s8 =	simm.s32 $0x600;
	[sflag:s21] =	ssyncadd.s32 $0xFFFFE000  }
0xbc: {  	[tilespmem:s16], [sflag:$0x5] =	stream.indirect.gather [hbm4b:s1+s29], $0x80, s8, s29, $0xb8;
	[tilespmem:$0x15900] =	vst v63  }
0xbd: {  	_ =	swait.ge [sflag:s22], $0x2000  }
0xbe: {  	[sflag:s22] =	ssyncset.done $0x0  }
0xbf: {  	s9 =	sadd.s32 $0xFFFFF400, s5;
	s11 =	simm.s32 $0xD900;
	[sflag:s22] =	ssyncadd.s32 $0xFFFFE000  }
0xc0: {  	[hbm4b:s9+s3] =	stream.linear.scatter [tilespmem:s11], [sflag:$0x11], $0x2000, $0x38;
	[tilespmem:$0x15900] =	vst v63  }
0xc1: {  	_ =	swait.ge [sflag:s23], $0x2000  }
0xc2: {  	[sflag:s23] =	ssyncset.done $0x0  }
0xc3: {  	s12 =	simm.s32 $0x640;
	[sflag:s23] =	ssyncadd.s32 $0xFFFFE000  }
0xc4: {  	[tilespmem:s7], [sflag:$0x6] =	stream.indirect.gather [hbm4b:s1+s29], $0x80, s12, s29, $0xb8;
	[tilespmem:$0x15900] =	vst v63  }
0xc5: {  	_ =	swait.ge [sflag:s24], $0x2000  }
0xc6: {  	[sflag:s24] =	ssyncset.done $0x0  }
0xc7: {  	s10 =	simm.s32 $0xF900;
	s14 =	sadd.s32 $0xFFFFF800, s5;
	[sflag:s24] =	ssyncadd.s32 $0xFFFFE000  }
0xc8: {  	[hbm4b:s14+s3] =	stream.linear.scatter [tilespmem:s10], [sflag:$0x12], $0x2000, $0x38;
	[tilespmem:$0x15900] =	vst v63  }
0xc9: {  	_ =	swait.ge [sflag:s26], $0x2000  }
0xca: {  	[sflag:s26] =	ssyncset.done $0x0  }
0xcb: {  	s15 =	simm.s32 $0x680;
	[sflag:s26] =	ssyncadd.s32 $0xFFFFE000  }
0xcc: {  	[tilespmem:s11], [sflag:$0x7] =	stream.indirect.gather [hbm4b:s1+s29], $0x80, s15, s29, $0xb8;
	[tilespmem:$0x15900] =	vst v63  }
0xcd: {  	_ =	swait.ge [sflag:s4], $0x2000  }
0xce: {  	[sflag:s4] =	ssyncset.done $0x0  }
0xcf: {  	s13 =	simm.s32 $0x11900;
	s16 =	sadd.s32 $0xFFFFFC00, s5;
	[sflag:s4] =	ssyncadd.s32 $0xFFFFE000  }
0xd0: {  	[hbm4b:s16+s3] =	stream.linear.scatter [tilespmem:s13], [sflag:$0x13], $0x2000, $0x38;
	[tilespmem:$0x15900] =	vst v63  }
0xd1: {  	_ =	swait.ge [sflag:s28], $0x2000  }
0xd2: {  	[sflag:s28] =	ssyncset.done $0x0  }
0xd3: {  	s17 =	simm.s32 $0x6C0;
	[sflag:s28] =	ssyncadd.s32 $0xFFFFE000  }
0xd4: {  	[tilespmem:s10], [sflag:$0x8] =	stream.indirect.gather [hbm4b:s1+s29], $0x80, s17, s29, $0xb8;
	[tilespmem:$0x15900] =	vst v63  }
0xd5: {  	_ =	swait.ge [sflag:s25], $0x2000  }
0xd6: {  	[sflag:s25] =	ssyncset.done $0x0  }
0xd7: {  	s0 =	simm.s32 $0xA00;
	s2 =	sadd.s32 $0x2800, s5;
	[sflag:s25] =	ssyncadd.s32 $0xFFFFE000  }
.LBB2_2:
0xd8: {  	s8 =	simm.s32 $0x13900  }
0xd9: {  	[hbm4b:s5+s3] =	stream.linear.scatter [tilespmem:s8], [sflag:$0x14], $0x2000, $0x38;
	[tilespmem:$0x15900] =	vst v63  }
0xda: {  	s6 =	smov.u32 s0;
	s5 =	smov.u32 s2  }
0xdb: {  	p0 =	sne.s32 s0, $0x4600;
	s0 =	sadd.s32 $0xA00, s0;
	_ =	swait.ge [sflag:s30], $0x2000  }
0xdc: {  	s6 =	sshra.s32 s6, $0x2;
	[sflag:s30] =	ssyncset.done $0x0  }
0xdd: {  	s17 =	simm.s32 $0x11900;
	s7 =	sadd.s32 $0x480, s6;
	[sflag:s30] =	ssyncadd.s32 $0xFFFFE000  }
0xde: {  	[tilespmem:s17], [sflag:$0x9] =	stream.indirect.gather [hbm4b:s1+s29], $0x80, s7, s29, $0xb8;
	[tilespmem:$0x15900] =	vst v63  }
0xdf: {  	s7 =	simm.s32 $0x1  }
0xe0: {  	_ =	swait.ge [sflag:s7], $0x2000  }
0xe1: {  	[sflag:s7] =	ssyncset.done $0x0  }
0xe2: {  	s9 =	simm.s32 $0x1900;
	[sflag:s7] =	ssyncadd.s32 $0xFFFFE000;
	s7 =	sadd.s32 $0xFFFFDC00, s2  }
0xe3: {  	[hbm4b:s7+s3] =	stream.linear.scatter [tilespmem:s9], [sflag:$0xB], $0x2000, $0x38;
	[tilespmem:$0x15900] =	vst v63  }
0xe4: {  	_ =	swait.ge [sflag:s31], $0x2000  }
0xe5: {  	[sflag:s31] =	ssyncset.done $0x0  }
0xe6: {  	s7 =	sadd.s32 $0x4C0, s6;
	[sflag:s31] =	ssyncadd.s32 $0xFFFFE000  }
0xe7: {  	[tilespmem:s8], [sflag:$0xA] =	stream.indirect.gather [hbm4b:s1+s29], $0x80, s7, s29, $0xb8;
	[tilespmem:$0x15900] =	vst v63  }
0xe8: {  	s7 =	simm.s32 $0x2  }
0xe9: {  	_ =	swait.ge [sflag:s7], $0x2000  }
0xea: {  	[sflag:s7] =	ssyncset.done $0x0  }
0xeb: {  	s11 =	simm.s32 $0x3900;
	[sflag:s7] =	ssyncadd.s32 $0xFFFFE000;
	s7 =	sadd.s32 $0xFFFFE000, s2  }
0xec: {  	[hbm4b:s7+s3] =	stream.linear.scatter [tilespmem:s11], [sflag:$0xC], $0x2000, $0x38;
	[tilespmem:$0x15900] =	vst v63  }
0xed: {  	s7 =	simm.s32 $0xB  }
0xee: {  	_ =	swait.ge [sflag:s7], $0x2000  }
0xef: {  	[sflag:s7] =	ssyncset.done $0x0  }
0xf0: {  	[sflag:s7] =	ssyncadd.s32 $0xFFFFE000;
	s7 =	sadd.s32 $0x500, s6  }
0xf1: {  	[tilespmem:s9], [sflag:$0x1] =	stream.indirect.gather [hbm4b:s1+s29], $0x80, s7, s29, $0xb8;
	[tilespmem:$0x15900] =	vst v63  }
0xf2: {  	s8 =	simm.s32 $0x1900;
	s7 =	simm.s32 $0x3  }
0xf3: {  	_ =	swait.ge [sflag:s7], $0x2000  }
0xf4: {  	[sflag:s7] =	ssyncset.done $0x0  }
0xf5: {  	s10 =	simm.s32 $0x5900;
	[sflag:s7] =	ssyncadd.s32 $0xFFFFE000;
	s7 =	sadd.s32 $0xFFFFE400, s2  }
0xf6: {  	[hbm4b:s7+s3] =	stream.linear.scatter [tilespmem:s10], [sflag:$0xD], $0x2000, $0x38;
	[tilespmem:$0x15900] =	vst v63  }
0xf7: {  	s7 =	simm.s32 $0xC  }
0xf8: {  	_ =	swait.ge [sflag:s7], $0x2000  }
0xf9: {  	[sflag:s7] =	ssyncset.done $0x0  }
0xfa: {  	[sflag:s7] =	ssyncadd.s32 $0xFFFFE000;
	s7 =	sadd.s32 $0x540, s6  }
0xfb: {  	[tilespmem:s11], [sflag:$0x2] =	stream.indirect.gather [hbm4b:s1+s29], $0x80, s7, s29, $0xb8;
	[tilespmem:$0x15900] =	vst v63  }
0xfc: {  	s9 =	simm.s32 $0x3900;
	s7 =	simm.s32 $0x4  }
0xfd: {  	_ =	swait.ge [sflag:s7], $0x2000  }
0xfe: {  	[sflag:s7] =	ssyncset.done $0x0  }
0xff: {  	s12 =	simm.s32 $0x7900;
	[sflag:s7] =	ssyncadd.s32 $0xFFFFE000;
	s7 =	sadd.s32 $0xFFFFE800, s2  }
0x100: {  	[hbm4b:s7+s3] =	stream.linear.scatter [tilespmem:s12], [sflag:$0xE], $0x2000, $0x38;
	[tilespmem:$0x15900] =	vst v63  }
0x101: {  	s7 =	simm.s32 $0xD  }
0x102: {  	_ =	swait.ge [sflag:s7], $0x2000  }
0x103: {  	[sflag:s7] =	ssyncset.done $0x0  }
0x104: {  	s11 =	simm.s32 $0x5900;
	[sflag:s7] =	ssyncadd.s32 $0xFFFFE000;
	s7 =	sadd.s32 $0x580, s6  }
0x105: {  	[tilespmem:s10], [sflag:$0x3] =	stream.indirect.gather [hbm4b:s1+s29], $0x80, s7, s29, $0xb8;
	[tilespmem:$0x15900] =	vst v63  }
0x106: {  	_ =	swait.ge [sflag:s18], $0x2000  }
0x107: {  	[sflag:s18] =	ssyncset.done $0x0  }
0x108: {  	s13 =	simm.s32 $0x9900;
	s7 =	sadd.s32 $0xFFFFEC00, s2;
	[sflag:s18] =	ssyncadd.s32 $0xFFFFE000  }
0x109: {  	[hbm4b:s7+s3] =	stream.linear.scatter [tilespmem:s13], [sflag:$0xF], $0x2000, $0x38;
	[tilespmem:$0x15900] =	vst v63  }
0x10a: {  	_ =	swait.ge [sflag:s19], $0x2000  }
0x10b: {  	[sflag:s19] =	ssyncset.done $0x0  }
0x10c: {  	s10 =	simm.s32 $0x7900;
	s7 =	sadd.s32 $0x5C0, s6;
	[sflag:s19] =	ssyncadd.s32 $0xFFFFE000  }
0x10d: {  	[tilespmem:s12], [sflag:$0x4] =	stream.indirect.gather [hbm4b:s1+s29], $0x80, s7, s29, $0xb8;
	[tilespmem:$0x15900] =	vst v63  }
0x10e: {  	_ =	swait.ge [sflag:s20], $0x2000  }
0x10f: {  	[sflag:s20] =	ssyncset.done $0x0  }
0x110: {  	s14 =	simm.s32 $0xB900;
	s7 =	sadd.s32 $0xFFFFF000, s2;
	[sflag:s20] =	ssyncadd.s32 $0xFFFFE000  }
0x111: {  	[hbm4b:s7+s3] =	stream.linear.scatter [tilespmem:s14], [sflag:$0x10], $0x2000, $0x38;
	[tilespmem:$0x15900] =	vst v63  }
0x112: {  	_ =	swait.ge [sflag:s21], $0x2000  }
0x113: {  	[sflag:s21] =	ssyncset.done $0x0  }
0x114: {  	s12 =	simm.s32 $0x9900;
	s7 =	sadd.s32 $0x600, s6;
	[sflag:s21] =	ssyncadd.s32 $0xFFFFE000  }
0x115: {  	[tilespmem:s13], [sflag:$0x5] =	stream.indirect.gather [hbm4b:s1+s29], $0x80, s7, s29, $0xb8;
	[tilespmem:$0x15900] =	vst v63  }
0x116: {  	_ =	swait.ge [sflag:s22], $0x2000  }
0x117: {  	[sflag:s22] =	ssyncset.done $0x0  }
0x118: {  	s15 =	simm.s32 $0xD900;
	s7 =	sadd.s32 $0xFFFFF400, s2;
	[sflag:s22] =	ssyncadd.s32 $0xFFFFE000  }
0x119: {  	[hbm4b:s7+s3] =	stream.linear.scatter [tilespmem:s15], [sflag:$0x11], $0x2000, $0x38;
	[tilespmem:$0x15900] =	vst v63  }
0x11a: {  	_ =	swait.ge [sflag:s23], $0x2000  }
0x11b: {  	[sflag:s23] =	ssyncset.done $0x0  }
0x11c: {  	s13 =	simm.s32 $0xB900;
	s7 =	sadd.s32 $0x640, s6;
	[sflag:s23] =	ssyncadd.s32 $0xFFFFE000  }
0x11d: {  	[tilespmem:s14], [sflag:$0x6] =	stream.indirect.gather [hbm4b:s1+s29], $0x80, s7, s29, $0xb8;
	[tilespmem:$0x15900] =	vst v63  }
0x11e: {  	_ =	swait.ge [sflag:s24], $0x2000  }
0x11f: {  	[sflag:s24] =	ssyncset.done $0x0  }
0x120: {  	s16 =	simm.s32 $0xF900;
	s7 =	sadd.s32 $0xFFFFF800, s2;
	[sflag:s24] =	ssyncadd.s32 $0xFFFFE000  }
0x121: {  	[hbm4b:s7+s3] =	stream.linear.scatter [tilespmem:s16], [sflag:$0x12], $0x2000, $0x38;
	[tilespmem:$0x15900] =	vst v63  }
0x122: {  	_ =	swait.ge [sflag:s26], $0x2000  }
0x123: {  	[sflag:s26] =	ssyncset.done $0x0  }
0x124: {  	s14 =	simm.s32 $0xD900;
	s7 =	sadd.s32 $0x680, s6;
	[sflag:s26] =	ssyncadd.s32 $0xFFFFE000  }
0x125: {  	[tilespmem:s15], [sflag:$0x7] =	stream.indirect.gather [hbm4b:s1+s29], $0x80, s7, s29, $0xb8;
	[tilespmem:$0x15900] =	vst v63  }
0x126: {  	_ =	swait.ge [sflag:s4], $0x2000  }
0x127: {  	[sflag:s4] =	ssyncset.done $0x0  }
0x128: {  	s7 =	sadd.s32 $0xFFFFFC00, s2;
	[sflag:s4] =	ssyncadd.s32 $0xFFFFE000  }
0x129: {  	[hbm4b:s7+s3] =	stream.linear.scatter [tilespmem:s17], [sflag:$0x13], $0x2000, $0x38;
	[tilespmem:$0x15900] =	vst v63  }
0x12a: {  	_ =	swait.ge [sflag:s28], $0x2000  }
0x12b: {  	s6 =	sadd.s32 $0x6C0, s6;
	[sflag:s28] =	ssyncset.done $0x0  }
.Ltmp0:
0x12c: {  	s7 =	simm.s32 $0xF900;
	[sflag:s28] =	ssyncadd.s32 $0xFFFFE000;
	(pc) =	sbr.rel @p0 .LBB2_2-.Ltmp0, $4  }
0x12d: {  	[tilespmem:s16], [sflag:$0x8] =	stream.indirect.gather [hbm4b:s1+s29], $0x80, s6, s29, $0xb8;
	[tilespmem:$0x15900] =	vst v63  }
0x12e: {  	_ =	swait.ge [sflag:s25], $0x2000  }
0x12f: {  	[sflag:s25] =	ssyncset.done $0x0  }
0x130: {  	s2 =	sadd.s32 $0x2800, s2;
	[sflag:s25] =	ssyncadd.s32 $0xFFFFE000  }
0x131: {  	s6 =	simm.s32 $0x13900  }
0x132: {  	[hbm4b:s5+s3] =	stream.linear.scatter [tilespmem:s6], [sflag:$0x14], $0x2000, $0x38;
	[tilespmem:$0x15900] =	vst v63  }
0x133: {  	_ =	swait.ge [sflag:s30], $0x2000  }
0x134: {  	s2 =	simm.s32 $0x11900;
	[sflag:s30] =	ssyncset.done $0x0  }
0x135: {  	s0 =	simm.s32 $0x1880;
	s15 =	simm.s32 $0x1;
	[sflag:s30] =	ssyncadd.s32 $0xFFFFE000  }
0x136: {  	[tilespmem:s2], [sflag:$0x9] =	stream.indirect.gather [hbm4b:s1+s29], $0x80, s0, s29, $0xb8;
	[tilespmem:$0x15900] =	vst v63  }
0x137: {  	_ =	swait.ge [sflag:s15], $0x2000  }
0x138: {  	[sflag:s15] =	ssyncset.done $0x0  }
0x139: {  	s16 =	rddreg [dreg:$0xe];
	[sflag:s15] =	ssyncadd.s32 $0xFFFFE000  }
0x13a: {  	[hbm4b:s16+s3] =	stream.linear.scatter [tilespmem:s8], [sflag:$0xB], $0x2000, $0x38;
	[tilespmem:$0x15900] =	vst v63  }
0x13b: {  	_ =	swait.ge [sflag:s31], $0x2000  }
0x13c: {  	[sflag:s31] =	ssyncset.done $0x0  }
0x13d: {  	s17 =	simm.s32 $0x18C0;
	s5 =	simm.s32 $0x2;
	[sflag:s31] =	ssyncadd.s32 $0xFFFFE000  }
0x13e: {  	[tilespmem:s6], [sflag:$0xA] =	stream.indirect.gather [hbm4b:s1+s29], $0x80, s17, s29, $0xb8;
	[tilespmem:$0x15900] =	vst v63  }
0x13f: {  	_ =	swait.ge [sflag:s5], $0x2000  }
0x140: {  	[sflag:s5] =	ssyncset.done $0x0  }
0x141: {  	s8 =	rddreg [dreg:$0xf];
	[sflag:s5] =	ssyncadd.s32 $0xFFFFE000  }
0x142: {  	[hbm4b:s8+s3] =	stream.linear.scatter [tilespmem:s9], [sflag:$0xC], $0x2000, $0x38;
	[tilespmem:$0x15900] =	vst v63  }
0x143: {  	s9 =	simm.s32 $0x3  }
0x144: {  	_ =	swait.ge [sflag:s9], $0x2000  }
0x145: {  	[sflag:s9] =	ssyncset.done $0x0  }
0x146: {  	s16 =	simm.s32 $0x4;
	s15 =	rddreg [dreg:$0x10];
	[sflag:s9] =	ssyncadd.s32 $0xFFFFE000  }
0x147: {  	[hbm4b:s15+s3] =	stream.linear.scatter [tilespmem:s11], [sflag:$0xD], $0x2000, $0x38;
	[tilespmem:$0x15900] =	vst v63  }
0x148: {  	_ =	swait.ge [sflag:s16], $0x2000  }
0x149: {  	[sflag:s16] =	ssyncset.done $0x0  }
0x14a: {  	s17 =	rddreg [dreg:$0x11];
	[sflag:s16] =	ssyncadd.s32 $0xFFFFE000  }
0x14b: {  	[hbm4b:s17+s3] =	stream.linear.scatter [tilespmem:s10], [sflag:$0xE], $0x2000, $0x38;
	[tilespmem:$0x15900] =	vst v63  }
0x14c: {  	_ =	swait.ge [sflag:s18], $0x2000  }
0x14d: {  	[sflag:s18] =	ssyncset.done $0x0  }
0x14e: {  	s5 =	rddreg [dreg:$0x12];
	[sflag:s18] =	ssyncadd.s32 $0xFFFFE000  }
0x14f: {  	[hbm4b:s5+s3] =	stream.linear.scatter [tilespmem:s12], [sflag:$0xF], $0x2000, $0x38;
	[tilespmem:$0x15900] =	vst v63  }
0x150: {  	_ =	swait.ge [sflag:s20], $0x2000  }
0x151: {  	[sflag:s20] =	ssyncset.done $0x0  }
0x152: {  	s8 =	rddreg [dreg:$0x13];
	[sflag:s20] =	ssyncadd.s32 $0xFFFFE000  }
0x153: {  	[hbm4b:s8+s3] =	stream.linear.scatter [tilespmem:s13], [sflag:$0x10], $0x2000, $0x38;
	[tilespmem:$0x15900] =	vst v63  }
0x154: {  	_ =	swait.ge [sflag:s22], $0x2000  }
0x155: {  	[sflag:s22] =	ssyncset.done $0x0  }
0x156: {  	s9 =	rddreg [dreg:$0x14];
	[sflag:s22] =	ssyncadd.s32 $0xFFFFE000  }
0x157: {  	[hbm4b:s9+s3] =	stream.linear.scatter [tilespmem:s14], [sflag:$0x11], $0x2000, $0x38;
	[tilespmem:$0x15900] =	vst v63  }
0x158: {  	_ =	swait.ge [sflag:s24], $0x2000  }
0x159: {  	[sflag:s24] =	ssyncset.done $0x0  }
0x15a: {  	s10 =	rddreg [dreg:$0x15];
	[sflag:s24] =	ssyncadd.s32 $0xFFFFE000  }
0x15b: {  	[hbm4b:s10+s3] =	stream.linear.scatter [tilespmem:s7], [sflag:$0x12], $0x2000, $0x38;
	[tilespmem:$0x15900] =	vst v63  }
0x15c: {  	_ =	swait.ge [sflag:s4], $0x2000  }
0x15d: {  	[sflag:s4] =	ssyncset.done $0x0  }
0x15e: {  	s11 =	rddreg [dreg:$0x16];
	[sflag:s4] =	ssyncadd.s32 $0xFFFFE000  }
0x15f: {  	[hbm4b:s11+s3] =	stream.linear.scatter [tilespmem:s2], [sflag:$0x13], $0x2000, $0x38;
	[tilespmem:$0x15900] =	vst v63  }
0x160: {  	_ =	swait.ge [sflag:s25], $0x2000  }
0x161: {  	[sflag:s25] =	ssyncset.done $0x0  }
0x162: {  	s13 =	simm.s32 $0xB;
	s12 =	rddreg [dreg:$0x17];
	[sflag:s25] =	ssyncadd.s32 $0xFFFFE000  }
0x163: {  	[hbm4b:s12+s3] =	stream.linear.scatter [tilespmem:s6], [sflag:$0x14], $0x2000, $0x38;
	[tilespmem:$0x15900] =	vst v63  }
0x164: {  	_ =	swait.ge [sflag:s13], $0x2000  }
0x165: {  	[sflag:s13] =	ssyncset.done $0x0  }
0x166: {  	s14 =	simm.s32 $0xC;
	[sflag:s13] =	ssyncadd.s32 $0xFFFFE000  }
0x167: {  	_ =	swait.ge [sflag:s14], $0x2000  }
0x168: {  	[sflag:s14] =	ssyncset.done $0x0  }
0x169: {  	s15 =	simm.s32 $0xD;
	[sflag:s14] =	ssyncadd.s32 $0xFFFFE000  }
0x16a: {  	_ =	swait.ge [sflag:s15], $0x2000  }
0x16b: {  	[sflag:s15] =	ssyncset.done $0x0  }
0x16c: {  	[sflag:s15] =	ssyncadd.s32 $0xFFFFE000  }
0x16d: {  	_ =	swait.ge [sflag:s19], $0x2000  }
0x16e: {  	[sflag:s19] =	ssyncset.done $0x0  }
0x16f: {  	[sflag:s19] =	ssyncadd.s32 $0xFFFFE000  }
0x170: {  	_ =	swait.ge [sflag:s21], $0x2000  }
0x171: {  	[sflag:s21] =	ssyncset.done $0x0  }
0x172: {  	[sflag:s21] =	ssyncadd.s32 $0xFFFFE000  }
0x173: {  	_ =	swait.ge [sflag:s23], $0x2000  }
0x174: {  	[sflag:s23] =	ssyncset.done $0x0  }
0x175: {  	[sflag:s23] =	ssyncadd.s32 $0xFFFFE000  }
0x176: {  	_ =	swait.ge [sflag:s26], $0x2000  }
0x177: {  	[sflag:s26] =	ssyncset.done $0x0  }
0x178: {  	[sflag:s26] =	ssyncadd.s32 $0xFFFFE000  }
0x179: {  	_ =	swait.ge [sflag:s28], $0x2000  }
0x17a: {  	[sflag:s28] =	ssyncset.done $0x0  }
0x17b: {  	[sflag:s28] =	ssyncadd.s32 $0xFFFFE000  }
0x17c: {  	_ =	swait.ge [sflag:s30], $0x2000  }
0x17d: {  	[sflag:s30] =	ssyncset.done $0x0  }
0x17e: {  	[sflag:s30] =	ssyncadd.s32 $0xFFFFE000  }
0x17f: {  	_ =	swait.ge [sflag:s31], $0x2000  }
0x180: {  	s16 =	rddreg [dreg:$0x1b]  }
0x181: {  	s17 =	rddreg [dreg:$0x18];
	s2 =	sadd.s32 $0x1, s16  }
0x182: {  	p0 =	sne.s32 s2, s17  }
.Ltmp1:
0x183: {  	_ = 	snop;
	(pc) =	sbr.rel @p0 .LBB2_1-.Ltmp1, $3  }
0x184: {  	_ =	sdelay $0x1  }
0x185: {  	[sflag:s31] =	ssyncset.done $0x0  }
0x186: {  	[sflag:s31] =	ssyncadd.s32 $0xFFFFE000  }
0x187: {  	_ =	sfence.sel $0x180000  }
0x188: {  	[bflag:$0x0] =	sbarrier.arrive $0xFFFF  }
0x189: {  	_ =	strace $0x90000047  }
0x18a: {  	s0 =	stileid.u32;
	[bflag:$0x2] =	sbarrier.arrive $0xFFFF  }
0x18b: {  	p0 =	sne.s32 s0, $0x0;
	s0 =	rddreg [dreg:$0x3]  }
0x18c: {  	s0 =	sadd.s32 @!p0 $0x100000, s0  }
0x18d: {  	[sflag:s0] =	ssyncadd.tile.s32 @!p0 $0x1;
	_ =	shalt  }
.Lfunc_end2:
_tile_overlayer_lowered:
.L_overlay_start_2:
0x18e: {  	(tag) =	ssettag $0x2  }
0x18f: {  	s0 =	rddreg [dreg:$0x0];
	s2 =	stileid.u32  }
0x190: {  	s1 =	rddreg [dreg:$0x1];
	p0 =	sne.s32 s2, $0x0  }
0x191: {  	s3 =	rddreg [dreg:$0x2];
	[bflag:$0x3] =	sbarrier.arrive $0xFFFF;
	s2 =	simm.s32 @!p0 $0x1C15  }
0x192: {  	[timem:s3], [sflag:s2] =	dma.local @!p0 [hbm:s0], s1  }
0x193: {  	s0 =	simm.s32 @!p0 $0x15  }
0x194: {  	_ =	swait.ge @!p0 [sflag:s0], s1  }
0x195: {  	s1 =	ssub.s32 @!p0 $0x0, s1;
	[sflag:s0] =	ssyncset.done @!p0 $0x0  }
0x196: {  	[sflag:s0] =	ssyncadd.s32 @!p0 s1  }
0x197: {  	[bflag:$0x3] =	sbarrier.arrive $0xFFFF  }
0x198: {  	_ =	shalt  }

</sc_bundles>
